<compile_context>
chip_gen: v7x
topology: tpu7x:2x2x1
jax: 0.10.2.dev20260603
libtpu: 0.0.44.dev20260713+nightly
codegen_flags: <defaults>
</compile_context>

<pallas_src>
import functools

import jax
import jax.numpy as jnp
from jax import lax
from jax.experimental import pallas as pl
from jax.experimental.pallas import tpu as pltpu
from jax.experimental.pallas import tpu_sc as plsc

B, F = 128, 32768
K = F // 2
NC, NS, L = 2, 16, 16
NW = NC * NS
RPW = B // NW
H1BITS = 11
H1SHIFT = 31 - H1BITS
NB1 = 1 << H1BITS
VPASS = F // L


def _row_threshold(buf, cand_ref, hist_ref):
    iot = lax.iota(jnp.int32, L)
    UN = 16

    @plsc.parallel_loop(0, NB1 // L, 1, unroll=8)
    def zb(g):
        hist_ref[pl.ds(g * L, L)] = jnp.zeros((L,), jnp.int32)

    ones = jnp.ones((L,), jnp.int32)

    @plsc.parallel_loop(0, VPASS, 1, unroll=UN)
    def p1(i):
        v = buf[pl.ds(i * L, L)]
        b1 = (lax.bitcast_convert_type(v, jnp.int32)
              & jnp.int32(0x7FFFFFFF)) >> H1SHIFT
        plsc.addupdate_scatter(hist_ref, [b1], ones)

    def wcond(s):
        _, run, nxt = s
        return run + nxt <= K

    def wbody(s):
        g, run, nxt = s
        g = g + 1
        return g, run + nxt, jnp.sum(hist_ref[pl.ds(g * L, L)])

    g0 = jnp.int32(0)
    s = (g0, jnp.int32(0), jnp.sum(hist_ref[pl.ds(0, L)]))
    gs, base, _ = lax.while_loop(wcond, wbody, s)

    v = hist_ref[pl.ds(gs * L, L)]
    c = plsc.cumsum(v)
    cexcl = c - v
    first = ((base + c > K) & (base + cexcl <= K)).astype(jnp.int32)
    b1s = jnp.sum(first * (gs * L + iot))
    kp = jnp.sum(first * (K - base - cexcl))

    @plsc.parallel_loop(0, VPASS, 1, unroll=UN, carry=jnp.int32(0))
    def p2(i, off):
        w = buf[pl.ds(i * L, L)]
        bits = lax.bitcast_convert_type(w, jnp.int32) & jnp.int32(0x7FFFFFFF)
        sel = (bits >> H1SHIFT) == b1s
        plsc.store_compressed(cand_ref.at[pl.ds(off, L)], bits, mask=sel)
        return off + plsc.all_reduce_population_count(sel)[0]
    m = p2

    for u in range(2 * UN):
        cand_ref[pl.ds(m + u * L, L)] = jnp.full((L,), 0x7FFFFFFF, jnp.int32)
    nv8 = (m + UN * L - 1) // (UN * L)

    def bs(i, r):
        cbit = r | (jnp.int32(1) << (H1SHIFT - 1 - i))

        def cl(jj, accs):
            ws = [cand_ref[pl.ds((jj * UN + u) * L, L)] for u in range(UN)]
            lts = [(w < cbit).astype(jnp.int32) for w in ws]
            return tuple(a + x for a, x in zip(accs, lts))
        accs = lax.fori_loop(
            0, nv8, cl, tuple(jnp.zeros((L,), jnp.int32) for _ in range(UN)))
        cnt = jnp.sum(sum(accs))
        return jnp.where(cnt <= kp, cbit, r)
    return lax.fori_loop(0, H1SHIFT, bs, b1s << H1SHIFT)


def _sc_thresholds(x):
    mesh = plsc.VectorSubcoreMesh(core_axis_name="c", subcore_axis_name="s")

    @functools.partial(
        pl.kernel,
        out_type=jax.ShapeDtypeStruct((NW, L), jnp.float32),
        mesh=mesh,
        compiler_params=pltpu.CompilerParams(
            needs_layout_passes=False, use_tc_tiling_on_sc=True),
        scratch_types=[
            pltpu.VMEM((F,), jnp.float32),
            pltpu.VMEM((F,), jnp.float32),
            pltpu.VMEM((F + 16 * L,), jnp.int32),
            pltpu.VMEM((NB1,), jnp.int32),
            pltpu.VMEM((L,), jnp.float32),
            pltpu.SemaphoreType.DMA,
            pltpu.SemaphoreType.DMA,
        ],
    )
    def k(x_hbm, t_hbm, rowa, rowb, cand, hist, tv, sema, semb):
        wid = lax.axis_index("s") * NC + lax.axis_index("c")
        row0 = wid * RPW
        bufs, sems = (rowa, rowb), (sema, semb)
        pltpu.async_copy(x_hbm.at[row0], rowa, sema)
        tvec = jnp.zeros((L,), jnp.int32)
        for j in range(RPW):
            pltpu.make_async_copy(x_hbm.at[row0 + j], bufs[j % 2], sems[j % 2]).wait()
            if j + 1 < RPW:
                pltpu.async_copy(
                    x_hbm.at[row0 + j + 1], bufs[(j + 1) % 2], sems[(j + 1) % 2])
            tbits = _row_threshold(bufs[j % 2], cand, hist)
            tvec = jnp.where(lax.iota(jnp.int32, L) == j, tbits, tvec)
        tv[...] = lax.bitcast_convert_type(tvec, jnp.float32)
        pltpu.sync_copy(tv, t_hbm.at[wid])

    out = k(x)
    return out[:, :RPW].reshape(B, 1)


BB = 32


def _eval_body(x_ref, t_ref, o_ref):
    a = jnp.abs(x_ref[...])
    t = t_ref[...]
    m = jnp.where(a > t, a, 0.0)
    for u in range(BB):
        o_ref[u] = m[:, u * 256:(u + 1) * 256].T.reshape(F)


def _eval_out(x, t):
    return pl.pallas_call(
        _eval_body,
        grid=(B // BB,),
        in_specs=[
            pl.BlockSpec((B, BB * 256), lambda b: (0, b)),
            pl.BlockSpec((B, 1), lambda b: (0, 0)),
        ],
        out_specs=pl.BlockSpec((BB, F), lambda b: (b, 0)),
        out_shape=jax.ShapeDtypeStruct((B, F), jnp.float32),
    )(x, t)


def _train_body(x_ref, t_ref, m2_ref, o_ref):
    a = jnp.abs(x_ref[...])
    t = t_ref[...]
    drop = (a <= t) & (m2_ref[...] != 0)
    o_ref[...] = jnp.where(drop, 0.0, a)


def _train_out(x, t):
    u = jax.random.uniform(
        jax.random.fold_in(jax.random.key(0), 1), (F, B), dtype=jnp.float32)
    m2 = (u <= 0.5).T.astype(jnp.float32)
    return pl.pallas_call(
        _train_body,
        grid=(8,),
        in_specs=[
            pl.BlockSpec((B // 8, F), lambda i: (i, 0)),
            pl.BlockSpec((B // 8, 1), lambda i: (i, 0)),
            pl.BlockSpec((B // 8, F), lambda i: (i, 0)),
        ],
        out_specs=pl.BlockSpec((B // 8, F), lambda i: (i, 0)),
        out_shape=jax.ShapeDtypeStruct((B, F), jnp.float32),
    )(x, t, m2)


def kernel(input, is_training):
    x = input.reshape(B, F)
    t = _sc_thresholds(x)
    out = lax.cond(
        jnp.asarray(is_training) == 0,
        lambda x, t: _eval_out(x, t),
        lambda x, t: _train_out(x, t),
        x, t)
    return out.reshape(input.shape)

# --- scband reference (transcript-rebuilt; emitter-appended) ---
"""Pipeline reference for scband-targeted-weight-dropout-12017318494849 (READ-ONLY COPY).

The authoritative reference and input builder live on the scoring server;
editing this copy changes nothing except your own understanding.
"""

import jax, jax.numpy as jnp
import numpy as np

DROP_RATE = 0.5
TARGETED_PERCENTAGE = 0.5


def setup_inputs(seed: int = 0) -> dict:
    key = jax.random.key(seed)
    x = jax.random.normal(key, (128, 32768), dtype=jnp.float32)
    return {"input": x, "is_training": 0}


def reference(input, is_training):
    # Faithful translation of targeted_weight_dropout.forward
    if TARGETED_PERCENTAGE == 0:
        return input
    initial_shape = input.shape
    x = input.reshape(initial_shape[0], -1)
    x = jnp.abs(x)
    x = x.T  # (F, B)
    idx = int(TARGETED_PERCENTAGE * x.shape[0])
    sorted_x = jnp.sort(x, axis=0)
    thresholds = jnp.tile(sorted_x[idx][None, :], (x.shape[0], 1))
    mask = jnp.where(x > thresholds,
                     jnp.zeros(x.shape, dtype=jnp.float32),
                     jnp.ones(x.shape, dtype=jnp.float32))
    out_eval = (1.0 - mask) * x
    out_eval = out_eval.reshape(initial_shape)
    # training branch (stochastic dropout of below-threshold weights)
    u = jax.random.uniform(jax.random.fold_in(jax.random.key(0), 1), x.shape, dtype=jnp.float32)
    mask_2 = jnp.where(u > DROP_RATE,
                       jnp.zeros(x.shape, dtype=jnp.float32),
                       jnp.ones(x.shape, dtype=jnp.float32))
    final_mask = (1.0 - (mask.astype(jnp.uint8) & mask_2.astype(jnp.uint8)).astype(jnp.float32))
    out_w = x.astype(jnp.float32) * final_mask
    out_w = out_w.T
    out_w = out_w.reshape(initial_shape)
    return jnp.where(is_training == 0, out_eval, out_w)

if __name__ == "__main__":
    import jax
    _d = setup_inputs()
    print(jax.jit(kernel)(*tuple(_d.values())))

</pallas_src>

<mosaic_0001>
#map = affine_map<(d0, d1) -> (0, 0)>
module attributes {stable_mosaic.version = 14 : i64} {
  func.func @k(%arg0: i32, %arg1: i32, %arg2: memref<128x32768xf32, #tpu.memory_space<hbm>>, %arg3: memref<32x16xf32, #tpu.memory_space<hbm>>, %arg4: memref<32768xf32, #tpu.memory_space<vmem>>, %arg5: memref<32768xf32, #tpu.memory_space<vmem>>, %arg6: memref<33024xi32, #tpu.memory_space<vmem>>, %arg7: memref<2048xi32, #tpu.memory_space<vmem>>, %arg8: memref<16xf32, #tpu.memory_space<vmem>>, %arg9: memref<!tpu.dma_semaphore, #tpu.memory_space<semaphore_mem>>, %arg10: memref<!tpu.dma_semaphore, #tpu.memory_space<semaphore_mem>>) attributes {dimension_semantics = [#tpu.dimension_semantics<core_parallel>, #tpu.dimension_semantics<subcore_parallel>], iteration_bounds = array<i64: 2, 16>, scalar_prefetch = 0 : i64, scratch_operands = 7 : i64, tpu.core_type = #tpu.core_type<sc_vector_subcore>, window_params = [{transform_indices = #map}, {transform_indices = #map}]} {
    %mul3A = arith.constant 2 : i32
    %mul3A_0 = arith.muli %arg1, %mul3A : i32
    %add3A = arith.addi %mul3A_0, %arg0 : i32
    %mul3A_1 = arith.constant 4 : i32
    %mul3A_2 = arith.muli %add3A, %mul3A_1 : i32
    %dma_start3A = arith.constant 0 : i32
    %dma_start3A_3 = tpu.memref_slice %arg2[%mul3A_2, %dma_start3A] : memref<128x32768xf32, #tpu.memory_space<hbm>> -> memref<1x32768xf32, #tpu.memory_space<hbm>>
    %dma_start3A_4 = tpu.memref_squeeze %dma_start3A_3 : memref<1x32768xf32, #tpu.memory_space<hbm>> -> memref<32768xf32, #tpu.memory_space<hbm>>
    %dma_start3A_5 = arith.constant 0 : i32
    %dma_start3A_6 = tpu.memref_slice %arg2[%mul3A_2, %dma_start3A_5] : memref<128x32768xf32, #tpu.memory_space<hbm>> -> memref<1x32768xf32, #tpu.memory_space<hbm>>
    %dma_start3A_7 = tpu.memref_squeeze %dma_start3A_6 : memref<1x32768xf32, #tpu.memory_space<hbm>> -> memref<32768xf32, #tpu.memory_space<hbm>>
    tpu.enqueue_dma source(%dma_start3A_7 : memref<32768xf32, #tpu.memory_space<hbm>>) target(%arg4 : memref<32768xf32, #tpu.memory_space<vmem>>) target_semaphore(%arg9 : memref<!tpu.dma_semaphore, #tpu.memory_space<semaphore_mem>>)
    %broadcast_in_dim3A = arith.constant 0 : i32
    %broadcast_in_dim3A_8 = vector.broadcast %broadcast_in_dim3A : i32 to vector<16xi32>
    %add3A_9 = arith.constant 0 : i32
    %add3A_10 = arith.addi %mul3A_2, %add3A_9 : i32
    %dma_wait3A = arith.constant 0 : i32
    %dma_wait3A_11 = tpu.memref_slice %arg2[%add3A_10, %dma_wait3A] : memref<128x32768xf32, #tpu.memory_space<hbm>> -> memref<1x32768xf32, #tpu.memory_space<hbm>>
    %dma_wait3A_12 = tpu.memref_squeeze %dma_wait3A_11 : memref<1x32768xf32, #tpu.memory_space<hbm>> -> memref<32768xf32, #tpu.memory_space<hbm>>
    %dma_wait3A_13 = arith.constant 0 : i32
    %dma_wait3A_14 = tpu.memref_slice %arg2[%add3A_10, %dma_wait3A_13] : memref<128x32768xf32, #tpu.memory_space<hbm>> -> memref<1x32768xf32, #tpu.memory_space<hbm>>
    %dma_wait3A_15 = tpu.memref_squeeze %dma_wait3A_14 : memref<1x32768xf32, #tpu.memory_space<hbm>> -> memref<32768xf32, #tpu.memory_space<hbm>>
    tpu.wait_dma2 semaphore(%arg9 : memref<!tpu.dma_semaphore, #tpu.memory_space<semaphore_mem>>) src(%dma_wait3A_15 : memref<32768xf32, #tpu.memory_space<hbm>>) dst(%arg4 : memref<32768xf32, #tpu.memory_space<vmem>>)
    %add3A_16 = arith.constant 0 : i32
    %add3A_17 = arith.addi %mul3A_2, %add3A_16 : i32
    %add3A_18 = arith.constant 1 : i32
    %add3A_19 = arith.addi %add3A_17, %add3A_18 : i32
    %dma_start3A_20 = arith.constant 0 : i32
    %dma_start3A_21 = tpu.memref_slice %arg2[%add3A_19, %dma_start3A_20] : memref<128x32768xf32, #tpu.memory_space<hbm>> -> memref<1x32768xf32, #tpu.memory_space<hbm>>
    %dma_start3A_22 = tpu.memref_squeeze %dma_start3A_21 : memref<1x32768xf32, #tpu.memory_space<hbm>> -> memref<32768xf32, #tpu.memory_space<hbm>>
    %dma_start3A_23 = arith.constant 0 : i32
    %dma_start3A_24 = tpu.memref_slice %arg2[%add3A_19, %dma_start3A_23] : memref<128x32768xf32, #tpu.memory_space<hbm>> -> memref<1x32768xf32, #tpu.memory_space<hbm>>
    %dma_start3A_25 = tpu.memref_squeeze %dma_start3A_24 : memref<1x32768xf32, #tpu.memory_space<hbm>> -> memref<32768xf32, #tpu.memory_space<hbm>>
    tpu.enqueue_dma source(%dma_start3A_25 : memref<32768xf32, #tpu.memory_space<hbm>>) target(%arg5 : memref<32768xf32, #tpu.memory_space<vmem>>) target_semaphore(%arg10 : memref<!tpu.dma_semaphore, #tpu.memory_space<semaphore_mem>>)
    %iota3A = tpu.iota {dimensions = array<i32: 0>} : vector<16xi32>
    %parallel_loop3A = arith.constant 0 : i32
    %parallel_loop3A_26 = arith.constant 128 : i32
    %parallel_loop3A_27 = arith.constant 1 : i32
    scf.for %parallel_loop3A_1231 = %parallel_loop3A to %parallel_loop3A_26 step %parallel_loop3A_27  : i32 {
      %parallel_loop3A_1232 = arith.constant 0 : i32
      %parallel_loop3A_1233 = vector.broadcast %parallel_loop3A_1232 : i32 to vector<16xi32>
      %parallel_loop3A_1234 = arith.constant 16 : i32
      %parallel_loop3A_1235 = arith.muli %parallel_loop3A_1231, %parallel_loop3A_1234 : i32
      %parallel_loop3A_1236 = arith.index_cast %parallel_loop3A_1235 : i32 to index
      %parallel_loop3A_1237 = tpu.vector_load %arg7[%parallel_loop3A_1236] {strides = array<i32>} : memref<2048xi32, #tpu.memory_space<vmem>>, vector<16xi32>,
      tpu.vector_store %arg7[%parallel_loop3A_1236], %parallel_loop3A_1233 {strides = array<i32>} : memref<2048xi32, #tpu.memory_space<vmem>>, vector<16xi32>,
    } {sc.loop_unroll_factor = 8 : i64, sc.parallel_access}
    %broadcast_in_dim3A_28 = arith.constant 1 : i32
    %broadcast_in_dim3A_29 = vector.broadcast %broadcast_in_dim3A_28 : i32 to vector<16xi32>
    %parallel_loop3A_30 = arith.constant 0 : i32
    %parallel_loop3A_31 = arith.constant 2048 : i32
    %parallel_loop3A_32 = arith.constant 1 : i32
    scf.for %parallel_loop3A_1231 = %parallel_loop3A_30 to %parallel_loop3A_31 step %parallel_loop3A_32  : i32 {
      %parallel_loop3A_1232 = arith.constant 16 : i32
      %parallel_loop3A_1233 = arith.muli %parallel_loop3A_1231, %parallel_loop3A_1232 : i32
      %parallel_loop3A_1234 = arith.index_cast %parallel_loop3A_1233 : i32 to index
      %parallel_loop3A_1235 = tpu.vector_load %arg4[%parallel_loop3A_1234] {strides = array<i32>} : memref<32768xf32, #tpu.memory_space<vmem>>, vector<16xf32>,
      %parallel_loop3A_1236 = tpu.bitcast %parallel_loop3A_1235 : vector<16xf32> -> vector<16xi32>
      %parallel_loop3A_1237 = arith.constant 2147483647 : i32
      %parallel_loop3A_1238 = vector.broadcast %parallel_loop3A_1237 : i32 to vector<16xi32>
      %parallel_loop3A_1239 = arith.andi %parallel_loop3A_1236, %parallel_loop3A_1238 : vector<16xi32>
      %parallel_loop3A_1240 = arith.constant 20 : i32
      %parallel_loop3A_1241 = vector.broadcast %parallel_loop3A_1240 : i32 to vector<16xi32>
      %parallel_loop3A_1242 = arith.shrsi %parallel_loop3A_1239, %parallel_loop3A_1241 : vector<16xi32>
      tpu.vector_store_idx %arg7[%parallel_loop3A_1242], %broadcast_in_dim3A_29 {add = true} : memref<2048xi32, #tpu.memory_space<vmem>>[vector<16xi32>], vector<16xi32>,
    } {sc.loop_unroll_factor = 16 : i64, sc.parallel_access}
    %get3A = arith.constant 0 : index
    %get3A_33 = tpu.vector_load %arg7[%get3A] {strides = array<i32>} : memref<2048xi32, #tpu.memory_space<vmem>>, vector<16xi32>,
    %reduce_sum3A = arith.constant true
    %reduce_sum3A_34 = vector.broadcast %reduce_sum3A : i1 to vector<16xi1>
    %reduce_sum3A_35 = tpu.scan <sum>, %get3A_33 masked %reduce_sum3A_34 : vector<16xi32>, vector<16xi1> -> vector<16xi32>
    %reduce_sum3A_36 = vector.extract %reduce_sum3A_35[15] : i32 from vector<16xi32>
    %while3A = arith.constant 0 : i32
    %while3A_37 = arith.constant 0 : i32
    %while3A_38:3 = scf.while (%while3A_1231 = %while3A, %while3A_1232 = %while3A_37, %while3A_1233 = %reduce_sum3A_36) : (i32, i32, i32) -> (i32, i32, i32) {
      %add3A_1234 = arith.addi %while3A_1232, %while3A_1233 : i32
      %le3A_1235 = arith.constant 16384 : i32
      %le3A_1236 = arith.cmpi sle, %add3A_1234, %le3A_1235 : i32
      scf.condition(%le3A_1236) %while3A_1231, %while3A_1232, %while3A_1233 : i32, i32, i32
    } do {
    ^bb0(%while3A_1231: i32, %while3A_1232: i32, %while3A_1233: i32):
      %add3A_1234 = arith.constant 1 : i32
      %add3A_1235 = arith.addi %while3A_1231, %add3A_1234 : i32
      %add3A_1236 = arith.addi %while3A_1232, %while3A_1233 : i32
      %mul3A_1237 = arith.constant 16 : i32
      %mul3A_1238 = arith.muli %add3A_1235, %mul3A_1237 : i32
      %get3A_1239 = arith.index_cast %mul3A_1238 : i32 to index
      %get3A_1240 = tpu.vector_load %arg7[%get3A_1239] {strides = array<i32>} : memref<2048xi32, #tpu.memory_space<vmem>>, vector<16xi32>,
      %reduce_sum3A_1241 = arith.constant true
      %reduce_sum3A_1242 = vector.broadcast %reduce_sum3A_1241 : i1 to vector<16xi1>
      %reduce_sum3A_1243 = tpu.scan <sum>, %get3A_1240 masked %reduce_sum3A_1242 : vector<16xi32>, vector<16xi1> -> vector<16xi32>
      %reduce_sum3A_1244 = vector.extract %reduce_sum3A_1243[15] : i32 from vector<16xi32>
      scf.yield %add3A_1235, %add3A_1236, %reduce_sum3A_1244 : i32, i32, i32
    }
    %mul3A_39 = arith.constant 16 : i32
    %mul3A_40 = arith.muli %while3A_38#0, %mul3A_39 : i32
    %get3A_41 = arith.index_cast %mul3A_40 : i32 to index
    %get3A_42 = tpu.vector_load %arg7[%get3A_41] {strides = array<i32>} : memref<2048xi32, #tpu.memory_space<vmem>>, vector<16xi32>,
    %broadcast_in_dim3A_43 = arith.constant true
    %broadcast_in_dim3A_44 = vector.broadcast %broadcast_in_dim3A_43 : i1 to vector<16xi1>
    %masked_cumsum3A = tpu.scan <sum>, %get3A_42 masked %broadcast_in_dim3A_44 : vector<16xi32>, vector<16xi1> -> vector<16xi32>
    %sub3A = arith.subi %masked_cumsum3A, %get3A_42 : vector<16xi32>
    %add3A_45 = vector.broadcast %while3A_38#1 : i32 to vector<16xi32>
    %add3A_46 = arith.addi %add3A_45, %masked_cumsum3A : vector<16xi32>
    %gt3A = arith.constant 16384 : i32
    %gt3A_47 = vector.broadcast %gt3A : i32 to vector<16xi32>
    %gt3A_48 = arith.cmpi sgt, %add3A_46, %gt3A_47 : vector<16xi32>
    %add3A_49 = vector.broadcast %while3A_38#1 : i32 to vector<16xi32>
    %add3A_50 = arith.addi %add3A_49, %sub3A : vector<16xi32>
    %le3A = arith.constant 16384 : i32
    %le3A_51 = vector.broadcast %le3A : i32 to vector<16xi32>
    %le3A_52 = arith.cmpi sle, %add3A_50, %le3A_51 : vector<16xi32>
    %and3A = arith.andi %gt3A_48, %le3A_52 : vector<16xi1>
    %convert_element_type3A = arith.extui %and3A : vector<16xi1> to vector<16xi32>
    %mul3A_53 = arith.constant 16 : i32
    %mul3A_54 = arith.muli %while3A_38#0, %mul3A_53 : i32
    %add3A_55 = vector.broadcast %mul3A_54 : i32 to vector<16xi32>
    %add3A_56 = arith.addi %add3A_55, %iota3A : vector<16xi32>
    %mul3A_57 = arith.muli %convert_element_type3A, %add3A_56 : vector<16xi32>
    %reduce_sum3A_58 = arith.constant true
    %reduce_sum3A_59 = vector.broadcast %reduce_sum3A_58 : i1 to vector<16xi1>
    %reduce_sum3A_60 = tpu.scan <sum>, %mul3A_57 masked %reduce_sum3A_59 : vector<16xi32>, vector<16xi1> -> vector<16xi32>
    %reduce_sum3A_61 = vector.extract %reduce_sum3A_60[15] : i32 from vector<16xi32>
    %sub3A_62 = arith.constant 16384 : i32
    %sub3A_63 = arith.subi %sub3A_62, %while3A_38#1 : i32
    %sub3A_64 = vector.broadcast %sub3A_63 : i32 to vector<16xi32>
    %sub3A_65 = arith.subi %sub3A_64, %sub3A : vector<16xi32>
    %mul3A_66 = arith.muli %convert_element_type3A, %sub3A_65 : vector<16xi32>
    %reduce_sum3A_67 = arith.constant true
    %reduce_sum3A_68 = vector.broadcast %reduce_sum3A_67 : i1 to vector<16xi1>
    %reduce_sum3A_69 = tpu.scan <sum>, %mul3A_66 masked %reduce_sum3A_68 : vector<16xi32>, vector<16xi1> -> vector<16xi32>
    %reduce_sum3A_70 = vector.extract %reduce_sum3A_69[15] : i32 from vector<16xi32>
    %parallel_loop3A_71 = arith.constant 0 : i32
    %parallel_loop3A_72 = arith.constant 2048 : i32
    %parallel_loop3A_73 = arith.constant 1 : i32
    %parallel_loop3A_74 = arith.constant 0 : i32
    %parallel_loop3A_75 = scf.for %parallel_loop3A_1231 = %parallel_loop3A_71 to %parallel_loop3A_72 step %parallel_loop3A_73 iter_args(%parallel_loop3A_1232 = %parallel_loop3A_74) -> (i32)  : i32 {
      %parallel_loop3A_1233 = arith.constant 16 : i32
      %parallel_loop3A_1234 = arith.muli %parallel_loop3A_1231, %parallel_loop3A_1233 : i32
      %parallel_loop3A_1235 = arith.index_cast %parallel_loop3A_1234 : i32 to index
      %parallel_loop3A_1236 = tpu.vector_load %arg4[%parallel_loop3A_1235] {strides = array<i32>} : memref<32768xf32, #tpu.memory_space<vmem>>, vector<16xf32>,
      %parallel_loop3A_1237 = tpu.bitcast %parallel_loop3A_1236 : vector<16xf32> -> vector<16xi32>
      %parallel_loop3A_1238 = arith.constant 2147483647 : i32
      %parallel_loop3A_1239 = vector.broadcast %parallel_loop3A_1238 : i32 to vector<16xi32>
      %parallel_loop3A_1240 = arith.andi %parallel_loop3A_1237, %parallel_loop3A_1239 : vector<16xi32>
      %parallel_loop3A_1241 = arith.constant 20 : i32
      %parallel_loop3A_1242 = vector.broadcast %parallel_loop3A_1241 : i32 to vector<16xi32>
      %parallel_loop3A_1243 = arith.shrsi %parallel_loop3A_1240, %parallel_loop3A_1242 : vector<16xi32>
      %parallel_loop3A_1244 = vector.broadcast %reduce_sum3A_61 : i32 to vector<16xi32>
      %parallel_loop3A_1245 = arith.cmpi eq, %parallel_loop3A_1243, %parallel_loop3A_1244 : vector<16xi32>
      %parallel_loop3A_1246 = arith.index_cast %parallel_loop3A_1232 : i32 to index
      %parallel_loop3A_1247 = tpu.vector_load %arg6[%parallel_loop3A_1246] masked %parallel_loop3A_1245 {strides = array<i32>} : memref<33024xi32, #tpu.memory_space<vmem>>, vector<16xi32>, vector<16xi1>
      tpu.vector_store %arg6[%parallel_loop3A_1246], %parallel_loop3A_1240 masked %parallel_loop3A_1245 {strides = array<i32>} : memref<33024xi32, #tpu.memory_space<vmem>>, vector<16xi32>, vector<16xi1>
      %parallel_loop3A_1248 = tpu.all_reduce %parallel_loop3A_1245 {dim = 0 : i64, kind = #tpu.reduction_kind<sum>} : vector<16xi1> -> vector<16xi32>
      %parallel_loop3A_1249 = vector.extract_strided_slice %parallel_loop3A_1248 {offsets = [0], sizes = [1], strides = [1]} : vector<16xi32> to vector<1xi32>
      %parallel_loop3A_1250 = vector.extract %parallel_loop3A_1249[0] : i32 from vector<1xi32>
      %parallel_loop3A_1251 = arith.addi %parallel_loop3A_1232, %parallel_loop3A_1250 : i32
      scf.yield %parallel_loop3A_1251 : i32
    } {sc.loop_unroll_factor = 16 : i64, sc.parallel_access}
    %broadcast_in_dim3A_76 = arith.constant 2147483647 : i32
    %broadcast_in_dim3A_77 = vector.broadcast %broadcast_in_dim3A_76 : i32 to vector<16xi32>
    %add3A_78 = arith.constant 0 : i32
    %add3A_79 = arith.addi %parallel_loop3A_75, %add3A_78 : i32
    %swap3A = arith.index_cast %add3A_79 : i32 to index
    %swap3A_80 = tpu.vector_load %arg6[%swap3A] {strides = array<i32>} : memref<33024xi32, #tpu.memory_space<vmem>>, vector<16xi32>,
    tpu.vector_store %arg6[%swap3A], %broadcast_in_dim3A_77 {strides = array<i32>} : memref<33024xi32, #tpu.memory_space<vmem>>, vector<16xi32>,
    %broadcast_in_dim3A_81 = arith.constant 2147483647 : i32
    %broadcast_in_dim3A_82 = vector.broadcast %broadcast_in_dim3A_81 : i32 to vector<16xi32>
    %add3A_83 = arith.constant 16 : i32
    %add3A_84 = arith.addi %parallel_loop3A_75, %add3A_83 : i32
    %swap3A_85 = arith.index_cast %add3A_84 : i32 to index
    %swap3A_86 = tpu.vector_load %arg6[%swap3A_85] {strides = array<i32>} : memref<33024xi32, #tpu.memory_space<vmem>>, vector<16xi32>,
    tpu.vector_store %arg6[%swap3A_85], %broadcast_in_dim3A_82 {strides = array<i32>} : memref<33024xi32, #tpu.memory_space<vmem>>, vector<16xi32>,
    %broadcast_in_dim3A_87 = arith.constant 2147483647 : i32
    %broadcast_in_dim3A_88 = vector.broadcast %broadcast_in_dim3A_87 : i32 to vector<16xi32>
    %add3A_89 = arith.constant 32 : i32
    %add3A_90 = arith.addi %parallel_loop3A_75, %add3A_89 : i32
    %swap3A_91 = arith.index_cast %add3A_90 : i32 to index
    %swap3A_92 = tpu.vector_load %arg6[%swap3A_91] {strides = array<i32>} : memref<33024xi32, #tpu.memory_space<vmem>>, vector<16xi32>,
    tpu.vector_store %arg6[%swap3A_91], %broadcast_in_dim3A_88 {strides = array<i32>} : memref<33024xi32, #tpu.memory_space<vmem>>, vector<16xi32>,
    %broadcast_in_dim3A_93 = arith.constant 2147483647 : i32
    %broadcast_in_dim3A_94 = vector.broadcast %broadcast_in_dim3A_93 : i32 to vector<16xi32>
    %add3A_95 = arith.constant 48 : i32
    %add3A_96 = arith.addi %parallel_loop3A_75, %add3A_95 : i32
    %swap3A_97 = arith.index_cast %add3A_96 : i32 to index
    %swap3A_98 = tpu.vector_load %arg6[%swap3A_97] {strides = array<i32>} : memref<33024xi32, #tpu.memory_space<vmem>>, vector<16xi32>,
    tpu.vector_store %arg6[%swap3A_97], %broadcast_in_dim3A_94 {strides = array<i32>} : memref<33024xi32, #tpu.memory_space<vmem>>, vector<16xi32>,
    %broadcast_in_dim3A_99 = arith.constant 2147483647 : i32
    %broadcast_in_dim3A_100 = vector.broadcast %broadcast_in_dim3A_99 : i32 to vector<16xi32>
    %add3A_101 = arith.constant 64 : i32
    %add3A_102 = arith.addi %parallel_loop3A_75, %add3A_101 : i32
    %swap3A_103 = arith.index_cast %add3A_102 : i32 to index
    %swap3A_104 = tpu.vector_load %arg6[%swap3A_103] {strides = array<i32>} : memref<33024xi32, #tpu.memory_space<vmem>>, vector<16xi32>,
    tpu.vector_store %arg6[%swap3A_103], %broadcast_in_dim3A_100 {strides = array<i32>} : memref<33024xi32, #tpu.memory_space<vmem>>, vector<16xi32>,
    %broadcast_in_dim3A_105 = arith.constant 2147483647 : i32
    %broadcast_in_dim3A_106 = vector.broadcast %broadcast_in_dim3A_105 : i32 to vector<16xi32>
    %add3A_107 = arith.constant 80 : i32
    %add3A_108 = arith.addi %parallel_loop3A_75, %add3A_107 : i32
    %swap3A_109 = arith.index_cast %add3A_108 : i32 to index
    %swap3A_110 = tpu.vector_load %arg6[%swap3A_109] {strides = array<i32>} : memref<33024xi32, #tpu.memory_space<vmem>>, vector<16xi32>,
    tpu.vector_store %arg6[%swap3A_109], %broadcast_in_dim3A_106 {strides = array<i32>} : memref<33024xi32, #tpu.memory_space<vmem>>, vector<16xi32>,
    %broadcast_in_dim3A_111 = arith.constant 2147483647 : i32
    %broadcast_in_dim3A_112 = vector.broadcast %broadcast_in_dim3A_111 : i32 to vector<16xi32>
    %add3A_113 = arith.constant 96 : i32
    %add3A_114 = arith.addi %parallel_loop3A_75, %add3A_113 : i32
    %swap3A_115 = arith.index_cast %add3A_114 : i32 to index
    %swap3A_116 = tpu.vector_load %arg6[%swap3A_115] {strides = array<i32>} : memref<33024xi32, #tpu.memory_space<vmem>>, vector<16xi32>,
    tpu.vector_store %arg6[%swap3A_115], %broadcast_in_dim3A_112 {strides = array<i32>} : memref<33024xi32, #tpu.memory_space<vmem>>, vector<16xi32>,
    %broadcast_in_dim3A_117 = arith.constant 2147483647 : i32
    %broadcast_in_dim3A_118 = vector.broadcast %broadcast_in_dim3A_117 : i32 to vector<16xi32>
    %add3A_119 = arith.constant 112 : i32
    %add3A_120 = arith.addi %parallel_loop3A_75, %add3A_119 : i32
    %swap3A_121 = arith.index_cast %add3A_120 : i32 to index
    %swap3A_122 = tpu.vector_load %arg6[%swap3A_121] {strides = array<i32>} : memref<33024xi32, #tpu.memory_space<vmem>>, vector<16xi32>,
    tpu.vector_store %arg6[%swap3A_121], %broadcast_in_dim3A_118 {strides = array<i32>} : memref<33024xi32, #tpu.memory_space<vmem>>, vector<16xi32>,
    %broadcast_in_dim3A_123 = arith.constant 2147483647 : i32
    %broadcast_in_dim3A_124 = vector.broadcast %broadcast_in_dim3A_123 : i32 to vector<16xi32>
    %add3A_125 = arith.constant 128 : i32
    %add3A_126 = arith.addi %parallel_loop3A_75, %add3A_125 : i32
    %swap3A_127 = arith.index_cast %add3A_126 : i32 to index
    %swap3A_128 = tpu.vector_load %arg6[%swap3A_127] {strides = array<i32>} : memref<33024xi32, #tpu.memory_space<vmem>>, vector<16xi32>,
    tpu.vector_store %arg6[%swap3A_127], %broadcast_in_dim3A_124 {strides = array<i32>} : memref<33024xi32, #tpu.memory_space<vmem>>, vector<16xi32>,
    %broadcast_in_dim3A_129 = arith.constant 2147483647 : i32
    %broadcast_in_dim3A_130 = vector.broadcast %broadcast_in_dim3A_129 : i32 to vector<16xi32>
    %add3A_131 = arith.constant 144 : i32
    %add3A_132 = arith.addi %parallel_loop3A_75, %add3A_131 : i32
    %swap3A_133 = arith.index_cast %add3A_132 : i32 to index
    %swap3A_134 = tpu.vector_load %arg6[%swap3A_133] {strides = array<i32>} : memref<33024xi32, #tpu.memory_space<vmem>>, vector<16xi32>,
    tpu.vector_store %arg6[%swap3A_133], %broadcast_in_dim3A_130 {strides = array<i32>} : memref<33024xi32, #tpu.memory_space<vmem>>, vector<16xi32>,
    %broadcast_in_dim3A_135 = arith.constant 2147483647 : i32
    %broadcast_in_dim3A_136 = vector.broadcast %broadcast_in_dim3A_135 : i32 to vector<16xi32>
    %add3A_137 = arith.constant 160 : i32
    %add3A_138 = arith.addi %parallel_loop3A_75, %add3A_137 : i32
    %swap3A_139 = arith.index_cast %add3A_138 : i32 to index
    %swap3A_140 = tpu.vector_load %arg6[%swap3A_139] {strides = array<i32>} : memref<33024xi32, #tpu.memory_space<vmem>>, vector<16xi32>,
    tpu.vector_store %arg6[%swap3A_139], %broadcast_in_dim3A_136 {strides = array<i32>} : memref<33024xi32, #tpu.memory_space<vmem>>, vector<16xi32>,
    %broadcast_in_dim3A_141 = arith.constant 2147483647 : i32
    %broadcast_in_dim3A_142 = vector.broadcast %broadcast_in_dim3A_141 : i32 to vector<16xi32>
    %add3A_143 = arith.constant 176 : i32
    %add3A_144 = arith.addi %parallel_loop3A_75, %add3A_143 : i32
    %swap3A_145 = arith.index_cast %add3A_144 : i32 to index
    %swap3A_146 = tpu.vector_load %arg6[%swap3A_145] {strides = array<i32>} : memref<33024xi32, #tpu.memory_space<vmem>>, vector<16xi32>,
    tpu.vector_store %arg6[%swap3A_145], %broadcast_in_dim3A_142 {strides = array<i32>} : memref<33024xi32, #tpu.memory_space<vmem>>, vector<16xi32>,
    %broadcast_in_dim3A_147 = arith.constant 2147483647 : i32
    %broadcast_in_dim3A_148 = vector.broadcast %broadcast_in_dim3A_147 : i32 to vector<16xi32>
    %add3A_149 = arith.constant 192 : i32
    %add3A_150 = arith.addi %parallel_loop3A_75, %add3A_149 : i32
    %swap3A_151 = arith.index_cast %add3A_150 : i32 to index
    %swap3A_152 = tpu.vector_load %arg6[%swap3A_151] {strides = array<i32>} : memref<33024xi32, #tpu.memory_space<vmem>>, vector<16xi32>,
    tpu.vector_store %arg6[%swap3A_151], %broadcast_in_dim3A_148 {strides = array<i32>} : memref<33024xi32, #tpu.memory_space<vmem>>, vector<16xi32>,
    %broadcast_in_dim3A_153 = arith.constant 2147483647 : i32
    %broadcast_in_dim3A_154 = vector.broadcast %broadcast_in_dim3A_153 : i32 to vector<16xi32>
    %add3A_155 = arith.constant 208 : i32
    %add3A_156 = arith.addi %parallel_loop3A_75, %add3A_155 : i32
    %swap3A_157 = arith.index_cast %add3A_156 : i32 to index
    %swap3A_158 = tpu.vector_load %arg6[%swap3A_157] {strides = array<i32>} : memref<33024xi32, #tpu.memory_space<vmem>>, vector<16xi32>,
    tpu.vector_store %arg6[%swap3A_157], %broadcast_in_dim3A_154 {strides = array<i32>} : memref<33024xi32, #tpu.memory_space<vmem>>, vector<16xi32>,
    %broadcast_in_dim3A_159 = arith.constant 2147483647 : i32
    %broadcast_in_dim3A_160 = vector.broadcast %broadcast_in_dim3A_159 : i32 to vector<16xi32>
    %add3A_161 = arith.constant 224 : i32
    %add3A_162 = arith.addi %parallel_loop3A_75, %add3A_161 : i32
    %swap3A_163 = arith.index_cast %add3A_162 : i32 to index
    %swap3A_164 = tpu.vector_load %arg6[%swap3A_163] {strides = array<i32>} : memref<33024xi32, #tpu.memory_space<vmem>>, vector<16xi32>,
    tpu.vector_store %arg6[%swap3A_163], %broadcast_in_dim3A_160 {strides = array<i32>} : memref<33024xi32, #tpu.memory_space<vmem>>, vector<16xi32>,
    %broadcast_in_dim3A_165 = arith.constant 2147483647 : i32
    %broadcast_in_dim3A_166 = vector.broadcast %broadcast_in_dim3A_165 : i32 to vector<16xi32>
    %add3A_167 = arith.constant 240 : i32
    %add3A_168 = arith.addi %parallel_loop3A_75, %add3A_167 : i32
    %swap3A_169 = arith.index_cast %add3A_168 : i32 to index
    %swap3A_170 = tpu.vector_load %arg6[%swap3A_169] {strides = array<i32>} : memref<33024xi32, #tpu.memory_space<vmem>>, vector<16xi32>,
    tpu.vector_store %arg6[%swap3A_169], %broadcast_in_dim3A_166 {strides = array<i32>} : memref<33024xi32, #tpu.memory_space<vmem>>, vector<16xi32>,
    %broadcast_in_dim3A_171 = arith.constant 2147483647 : i32
    %broadcast_in_dim3A_172 = vector.broadcast %broadcast_in_dim3A_171 : i32 to vector<16xi32>
    %add3A_173 = arith.constant 256 : i32
    %add3A_174 = arith.addi %parallel_loop3A_75, %add3A_173 : i32
    %swap3A_175 = arith.index_cast %add3A_174 : i32 to index
    %swap3A_176 = tpu.vector_load %arg6[%swap3A_175] {strides = array<i32>} : memref<33024xi32, #tpu.memory_space<vmem>>, vector<16xi32>,
    tpu.vector_store %arg6[%swap3A_175], %broadcast_in_dim3A_172 {strides = array<i32>} : memref<33024xi32, #tpu.memory_space<vmem>>, vector<16xi32>,
    %broadcast_in_dim3A_177 = arith.constant 2147483647 : i32
    %broadcast_in_dim3A_178 = vector.broadcast %broadcast_in_dim3A_177 : i32 to vector<16xi32>
    %add3A_179 = arith.constant 272 : i32
    %add3A_180 = arith.addi %parallel_loop3A_75, %add3A_179 : i32
    %swap3A_181 = arith.index_cast %add3A_180 : i32 to index
    %swap3A_182 = tpu.vector_load %arg6[%swap3A_181] {strides = array<i32>} : memref<33024xi32, #tpu.memory_space<vmem>>, vector<16xi32>,
    tpu.vector_store %arg6[%swap3A_181], %broadcast_in_dim3A_178 {strides = array<i32>} : memref<33024xi32, #tpu.memory_space<vmem>>, vector<16xi32>,
    %broadcast_in_dim3A_183 = arith.constant 2147483647 : i32
    %broadcast_in_dim3A_184 = vector.broadcast %broadcast_in_dim3A_183 : i32 to vector<16xi32>
    %add3A_185 = arith.constant 288 : i32
    %add3A_186 = arith.addi %parallel_loop3A_75, %add3A_185 : i32
    %swap3A_187 = arith.index_cast %add3A_186 : i32 to index
    %swap3A_188 = tpu.vector_load %arg6[%swap3A_187] {strides = array<i32>} : memref<33024xi32, #tpu.memory_space<vmem>>, vector<16xi32>,
    tpu.vector_store %arg6[%swap3A_187], %broadcast_in_dim3A_184 {strides = array<i32>} : memref<33024xi32, #tpu.memory_space<vmem>>, vector<16xi32>,
    %broadcast_in_dim3A_189 = arith.constant 2147483647 : i32
    %broadcast_in_dim3A_190 = vector.broadcast %broadcast_in_dim3A_189 : i32 to vector<16xi32>
    %add3A_191 = arith.constant 304 : i32
    %add3A_192 = arith.addi %parallel_loop3A_75, %add3A_191 : i32
    %swap3A_193 = arith.index_cast %add3A_192 : i32 to index
    %swap3A_194 = tpu.vector_load %arg6[%swap3A_193] {strides = array<i32>} : memref<33024xi32, #tpu.memory_space<vmem>>, vector<16xi32>,
    tpu.vector_store %arg6[%swap3A_193], %broadcast_in_dim3A_190 {strides = array<i32>} : memref<33024xi32, #tpu.memory_space<vmem>>, vector<16xi32>,
    %broadcast_in_dim3A_195 = arith.constant 2147483647 : i32
    %broadcast_in_dim3A_196 = vector.broadcast %broadcast_in_dim3A_195 : i32 to vector<16xi32>
    %add3A_197 = arith.constant 320 : i32
    %add3A_198 = arith.addi %parallel_loop3A_75, %add3A_197 : i32
    %swap3A_199 = arith.index_cast %add3A_198 : i32 to index
    %swap3A_200 = tpu.vector_load %arg6[%swap3A_199] {strides = array<i32>} : memref<33024xi32, #tpu.memory_space<vmem>>, vector<16xi32>,
    tpu.vector_store %arg6[%swap3A_199], %broadcast_in_dim3A_196 {strides = array<i32>} : memref<33024xi32, #tpu.memory_space<vmem>>, vector<16xi32>,
    %broadcast_in_dim3A_201 = arith.constant 2147483647 : i32
    %broadcast_in_dim3A_202 = vector.broadcast %broadcast_in_dim3A_201 : i32 to vector<16xi32>
    %add3A_203 = arith.constant 336 : i32
    %add3A_204 = arith.addi %parallel_loop3A_75, %add3A_203 : i32
    %swap3A_205 = arith.index_cast %add3A_204 : i32 to index
    %swap3A_206 = tpu.vector_load %arg6[%swap3A_205] {strides = array<i32>} : memref<33024xi32, #tpu.memory_space<vmem>>, vector<16xi32>,
    tpu.vector_store %arg6[%swap3A_205], %broadcast_in_dim3A_202 {strides = array<i32>} : memref<33024xi32, #tpu.memory_space<vmem>>, vector<16xi32>,
    %broadcast_in_dim3A_207 = arith.constant 2147483647 : i32
    %broadcast_in_dim3A_208 = vector.broadcast %broadcast_in_dim3A_207 : i32 to vector<16xi32>
    %add3A_209 = arith.constant 352 : i32
    %add3A_210 = arith.addi %parallel_loop3A_75, %add3A_209 : i32
    %swap3A_211 = arith.index_cast %add3A_210 : i32 to index
    %swap3A_212 = tpu.vector_load %arg6[%swap3A_211] {strides = array<i32>} : memref<33024xi32, #tpu.memory_space<vmem>>, vector<16xi32>,
    tpu.vector_store %arg6[%swap3A_211], %broadcast_in_dim3A_208 {strides = array<i32>} : memref<33024xi32, #tpu.memory_space<vmem>>, vector<16xi32>,
    %broadcast_in_dim3A_213 = arith.constant 2147483647 : i32
    %broadcast_in_dim3A_214 = vector.broadcast %broadcast_in_dim3A_213 : i32 to vector<16xi32>
    %add3A_215 = arith.constant 368 : i32
    %add3A_216 = arith.addi %parallel_loop3A_75, %add3A_215 : i32
    %swap3A_217 = arith.index_cast %add3A_216 : i32 to index
    %swap3A_218 = tpu.vector_load %arg6[%swap3A_217] {strides = array<i32>} : memref<33024xi32, #tpu.memory_space<vmem>>, vector<16xi32>,
    tpu.vector_store %arg6[%swap3A_217], %broadcast_in_dim3A_214 {strides = array<i32>} : memref<33024xi32, #tpu.memory_space<vmem>>, vector<16xi32>,
    %broadcast_in_dim3A_219 = arith.constant 2147483647 : i32
    %broadcast_in_dim3A_220 = vector.broadcast %broadcast_in_dim3A_219 : i32 to vector<16xi32>
    %add3A_221 = arith.constant 384 : i32
    %add3A_222 = arith.addi %parallel_loop3A_75, %add3A_221 : i32
    %swap3A_223 = arith.index_cast %add3A_222 : i32 to index
    %swap3A_224 = tpu.vector_load %arg6[%swap3A_223] {strides = array<i32>} : memref<33024xi32, #tpu.memory_space<vmem>>, vector<16xi32>,
    tpu.vector_store %arg6[%swap3A_223], %broadcast_in_dim3A_220 {strides = array<i32>} : memref<33024xi32, #tpu.memory_space<vmem>>, vector<16xi32>,
    %broadcast_in_dim3A_225 = arith.constant 2147483647 : i32
    %broadcast_in_dim3A_226 = vector.broadcast %broadcast_in_dim3A_225 : i32 to vector<16xi32>
    %add3A_227 = arith.constant 400 : i32
    %add3A_228 = arith.addi %parallel_loop3A_75, %add3A_227 : i32
    %swap3A_229 = arith.index_cast %add3A_228 : i32 to index
    %swap3A_230 = tpu.vector_load %arg6[%swap3A_229] {strides = array<i32>} : memref<33024xi32, #tpu.memory_space<vmem>>, vector<16xi32>,
    tpu.vector_store %arg6[%swap3A_229], %broadcast_in_dim3A_226 {strides = array<i32>} : memref<33024xi32, #tpu.memory_space<vmem>>, vector<16xi32>,
    %broadcast_in_dim3A_231 = arith.constant 2147483647 : i32
    %broadcast_in_dim3A_232 = vector.broadcast %broadcast_in_dim3A_231 : i32 to vector<16xi32>
    %add3A_233 = arith.constant 416 : i32
    %add3A_234 = arith.addi %parallel_loop3A_75, %add3A_233 : i32
    %swap3A_235 = arith.index_cast %add3A_234 : i32 to index
    %swap3A_236 = tpu.vector_load %arg6[%swap3A_235] {strides = array<i32>} : memref<33024xi32, #tpu.memory_space<vmem>>, vector<16xi32>,
    tpu.vector_store %arg6[%swap3A_235], %broadcast_in_dim3A_232 {strides = array<i32>} : memref<33024xi32, #tpu.memory_space<vmem>>, vector<16xi32>,
    %broadcast_in_dim3A_237 = arith.constant 2147483647 : i32
    %broadcast_in_dim3A_238 = vector.broadcast %broadcast_in_dim3A_237 : i32 to vector<16xi32>
    %add3A_239 = arith.constant 432 : i32
    %add3A_240 = arith.addi %parallel_loop3A_75, %add3A_239 : i32
    %swap3A_241 = arith.index_cast %add3A_240 : i32 to index
    %swap3A_242 = tpu.vector_load %arg6[%swap3A_241] {strides = array<i32>} : memref<33024xi32, #tpu.memory_space<vmem>>, vector<16xi32>,
    tpu.vector_store %arg6[%swap3A_241], %broadcast_in_dim3A_238 {strides = array<i32>} : memref<33024xi32, #tpu.memory_space<vmem>>, vector<16xi32>,
    %broadcast_in_dim3A_243 = arith.constant 2147483647 : i32
    %broadcast_in_dim3A_244 = vector.broadcast %broadcast_in_dim3A_243 : i32 to vector<16xi32>
    %add3A_245 = arith.constant 448 : i32
    %add3A_246 = arith.addi %parallel_loop3A_75, %add3A_245 : i32
    %swap3A_247 = arith.index_cast %add3A_246 : i32 to index
    %swap3A_248 = tpu.vector_load %arg6[%swap3A_247] {strides = array<i32>} : memref<33024xi32, #tpu.memory_space<vmem>>, vector<16xi32>,
    tpu.vector_store %arg6[%swap3A_247], %broadcast_in_dim3A_244 {strides = array<i32>} : memref<33024xi32, #tpu.memory_space<vmem>>, vector<16xi32>,
    %broadcast_in_dim3A_249 = arith.constant 2147483647 : i32
    %broadcast_in_dim3A_250 = vector.broadcast %broadcast_in_dim3A_249 : i32 to vector<16xi32>
    %add3A_251 = arith.constant 464 : i32
    %add3A_252 = arith.addi %parallel_loop3A_75, %add3A_251 : i32
    %swap3A_253 = arith.index_cast %add3A_252 : i32 to index
    %swap3A_254 = tpu.vector_load %arg6[%swap3A_253] {strides = array<i32>} : memref<33024xi32, #tpu.memory_space<vmem>>, vector<16xi32>,
    tpu.vector_store %arg6[%swap3A_253], %broadcast_in_dim3A_250 {strides = array<i32>} : memref<33024xi32, #tpu.memory_space<vmem>>, vector<16xi32>,
    %broadcast_in_dim3A_255 = arith.constant 2147483647 : i32
    %broadcast_in_dim3A_256 = vector.broadcast %broadcast_in_dim3A_255 : i32 to vector<16xi32>
    %add3A_257 = arith.constant 480 : i32
    %add3A_258 = arith.addi %parallel_loop3A_75, %add3A_257 : i32
    %swap3A_259 = arith.index_cast %add3A_258 : i32 to index
    %swap3A_260 = tpu.vector_load %arg6[%swap3A_259] {strides = array<i32>} : memref<33024xi32, #tpu.memory_space<vmem>>, vector<16xi32>,
    tpu.vector_store %arg6[%swap3A_259], %broadcast_in_dim3A_256 {strides = array<i32>} : memref<33024xi32, #tpu.memory_space<vmem>>, vector<16xi32>,
    %broadcast_in_dim3A_261 = arith.constant 2147483647 : i32
    %broadcast_in_dim3A_262 = vector.broadcast %broadcast_in_dim3A_261 : i32 to vector<16xi32>
    %add3A_263 = arith.constant 496 : i32
    %add3A_264 = arith.addi %parallel_loop3A_75, %add3A_263 : i32
    %swap3A_265 = arith.index_cast %add3A_264 : i32 to index
    %swap3A_266 = tpu.vector_load %arg6[%swap3A_265] {strides = array<i32>} : memref<33024xi32, #tpu.memory_space<vmem>>, vector<16xi32>,
    tpu.vector_store %arg6[%swap3A_265], %broadcast_in_dim3A_262 {strides = array<i32>} : memref<33024xi32, #tpu.memory_space<vmem>>, vector<16xi32>,
    %add3A_267 = arith.constant 256 : i32
    %add3A_268 = arith.addi %parallel_loop3A_75, %add3A_267 : i32
    %sub3A_269 = arith.constant 1 : i32
    %sub3A_270 = arith.subi %add3A_268, %sub3A_269 : i32
    %jit3A = arith.constant 256 : i32
    %div3A = arith.divsi %sub3A_270, %jit3A : i32
    %sign3A = arith.constant 0 : i32
    %sign3A_271 = arith.cmpi sgt, %sub3A_270, %sign3A : i32
    %sign3A_272 = arith.extui %sign3A_271 : i1 to i32
    %sign3A_273 = arith.constant 0 : i32
    %sign3A_274 = arith.cmpi slt, %sub3A_270, %sign3A_273 : i32
    %sign3A_275 = arith.extui %sign3A_274 : i1 to i32
    %sign3A_276 = arith.subi %sign3A_272, %sign3A_275 : i32
    %sign3A_277 = arith.constant 0 : i32
    %sign3A_278 = arith.cmpi sgt, %jit3A, %sign3A_277 : i32
    %sign3A_279 = arith.extui %sign3A_278 : i1 to i32
    %sign3A_280 = arith.constant 0 : i32
    %sign3A_281 = arith.cmpi slt, %jit3A, %sign3A_280 : i32
    %sign3A_282 = arith.extui %sign3A_281 : i1 to i32
    %sign3A_283 = arith.subi %sign3A_279, %sign3A_282 : i32
    %ne3A = arith.cmpi ne, %sign3A_276, %sign3A_283 : i32
    %rem3A = arith.remsi %sub3A_270, %jit3A : i32
    %ne3A_284 = arith.constant 0 : i32
    %ne3A_285 = arith.cmpi ne, %rem3A, %ne3A_284 : i32
    %and3A_286 = arith.andi %ne3A, %ne3A_285 : i1
    %sub3A_287 = arith.constant 1 : i32
    %sub3A_288 = arith.subi %div3A, %sub3A_287 : i32
    %select_n3A = arith.select %and3A_286, %sub3A_288, %div3A : i32
    %shift_left3A = arith.constant 20 : i32
    %shift_left3A_289 = arith.shli %reduce_sum3A_61, %shift_left3A : i32
    %scan3A = arith.constant 0 : i32
    %scan3A_290 = arith.constant 20 : i32
    %scan3A_291 = arith.addi %scan3A, %scan3A_290 : i32
    %scan3A_292 = arith.constant 1 : i32
    %scan3A_293 = scf.for %scan3A_1231 = %scan3A to %scan3A_291 step %scan3A_292 iter_args(%scan3A_1232 = %shift_left3A_289) -> (i32)  : i32 {
      %sub3A_1233 = arith.constant 19 : i32
      %sub3A_1234 = arith.subi %sub3A_1233, %scan3A_1231 : i32
      %shift_left3A_1235 = arith.constant 1 : i32
      %shift_left3A_1236 = arith.shli %shift_left3A_1235, %sub3A_1234 : i32
      %or3A = arith.ori %scan3A_1232, %shift_left3A_1236 : i32
      %broadcast_in_dim3A_1237 = arith.constant 0 : i32
      %broadcast_in_dim3A_1238 = vector.broadcast %broadcast_in_dim3A_1237 : i32 to vector<16xi32>
      %broadcast_in_dim3A_1239 = arith.constant 0 : i32
      %broadcast_in_dim3A_1240 = vector.broadcast %broadcast_in_dim3A_1239 : i32 to vector<16xi32>
      %broadcast_in_dim3A_1241 = arith.constant 0 : i32
      %broadcast_in_dim3A_1242 = vector.broadcast %broadcast_in_dim3A_1241 : i32 to vector<16xi32>
      %broadcast_in_dim3A_1243 = arith.constant 0 : i32
      %broadcast_in_dim3A_1244 = vector.broadcast %broadcast_in_dim3A_1243 : i32 to vector<16xi32>
      %broadcast_in_dim3A_1245 = arith.constant 0 : i32
      %broadcast_in_dim3A_1246 = vector.broadcast %broadcast_in_dim3A_1245 : i32 to vector<16xi32>
      %broadcast_in_dim3A_1247 = arith.constant 0 : i32
      %broadcast_in_dim3A_1248 = vector.broadcast %broadcast_in_dim3A_1247 : i32 to vector<16xi32>
      %broadcast_in_dim3A_1249 = arith.constant 0 : i32
      %broadcast_in_dim3A_1250 = vector.broadcast %broadcast_in_dim3A_1249 : i32 to vector<16xi32>
      %broadcast_in_dim3A_1251 = arith.constant 0 : i32
      %broadcast_in_dim3A_1252 = vector.broadcast %broadcast_in_dim3A_1251 : i32 to vector<16xi32>
      %broadcast_in_dim3A_1253 = arith.constant 0 : i32
      %broadcast_in_dim3A_1254 = vector.broadcast %broadcast_in_dim3A_1253 : i32 to vector<16xi32>
      %broadcast_in_dim3A_1255 = arith.constant 0 : i32
      %broadcast_in_dim3A_1256 = vector.broadcast %broadcast_in_dim3A_1255 : i32 to vector<16xi32>
      %broadcast_in_dim3A_1257 = arith.constant 0 : i32
      %broadcast_in_dim3A_1258 = vector.broadcast %broadcast_in_dim3A_1257 : i32 to vector<16xi32>
      %broadcast_in_dim3A_1259 = arith.constant 0 : i32
      %broadcast_in_dim3A_1260 = vector.broadcast %broadcast_in_dim3A_1259 : i32 to vector<16xi32>
      %broadcast_in_dim3A_1261 = arith.constant 0 : i32
      %broadcast_in_dim3A_1262 = vector.broadcast %broadcast_in_dim3A_1261 : i32 to vector<16xi32>
      %broadcast_in_dim3A_1263 = arith.constant 0 : i32
      %broadcast_in_dim3A_1264 = vector.broadcast %broadcast_in_dim3A_1263 : i32 to vector<16xi32>
      %broadcast_in_dim3A_1265 = arith.constant 0 : i32
      %broadcast_in_dim3A_1266 = vector.broadcast %broadcast_in_dim3A_1265 : i32 to vector<16xi32>
      %broadcast_in_dim3A_1267 = arith.constant 0 : i32
      %broadcast_in_dim3A_1268 = vector.broadcast %broadcast_in_dim3A_1267 : i32 to vector<16xi32>
      %while3A_1269 = arith.constant 0 : i32
      %while3A_1270 = arith.subi %select_n3A, %while3A_1269 : i32
      %while3A_1271 = arith.addi %while3A_1269, %while3A_1270 : i32
      %while3A_1272 = arith.constant 1 : i32
      %while3A_1273 = arith.divsi %while3A_1270, %while3A_1272 : i32
      %while3A_1274 = arith.muli %while3A_1273, %while3A_1272 : i32
      %while3A_1275 = arith.addi %while3A_1269, %while3A_1274 : i32
      %while3A_1276 = arith.constant 1 : i32
      %while3A_1277:16 = scf.for %while3A_1304 = %while3A_1269 to %while3A_1275 step %while3A_1276 iter_args(%while3A_1305 = %broadcast_in_dim3A_1238, %while3A_1306 = %broadcast_in_dim3A_1240, %while3A_1307 = %broadcast_in_dim3A_1242, %while3A_1308 = %broadcast_in_dim3A_1244, %while3A_1309 = %broadcast_in_dim3A_1246, %while3A_1310 = %broadcast_in_dim3A_1248, %while3A_1311 = %broadcast_in_dim3A_1250, %while3A_1312 = %broadcast_in_dim3A_1252, %while3A_1313 = %broadcast_in_dim3A_1254, %while3A_1314 = %broadcast_in_dim3A_1256, %while3A_1315 = %broadcast_in_dim3A_1258, %while3A_1316 = %broadcast_in_dim3A_1260, %while3A_1317 = %broadcast_in_dim3A_1262, %while3A_1318 = %broadcast_in_dim3A_1264, %while3A_1319 = %broadcast_in_dim3A_1266, %while3A_1320 = %broadcast_in_dim3A_1268) -> (vector<16xi32>, vector<16xi32>, vector<16xi32>, vector<16xi32>, vector<16xi32>, vector<16xi32>, vector<16xi32>, vector<16xi32>, vector<16xi32>, vector<16xi32>, vector<16xi32>, vector<16xi32>, vector<16xi32>, vector<16xi32>, vector<16xi32>, vector<16xi32>)  : i32 {
        %mul3A_1321 = arith.constant 16 : i32
        %mul3A_1322 = arith.muli %while3A_1304, %mul3A_1321 : i32
        %add3A_1323 = arith.constant 0 : i32
        %add3A_1324 = arith.addi %mul3A_1322, %add3A_1323 : i32
        %mul3A_1325 = arith.constant 16 : i32
        %mul3A_1326 = arith.muli %add3A_1324, %mul3A_1325 : i32
        %get3A_1327 = arith.index_cast %mul3A_1326 : i32 to index
        %get3A_1328 = tpu.vector_load %arg6[%get3A_1327] {strides = array<i32>} : memref<33024xi32, #tpu.memory_space<vmem>>, vector<16xi32>,
        %mul3A_1329 = arith.constant 16 : i32
        %mul3A_1330 = arith.muli %while3A_1304, %mul3A_1329 : i32
        %add3A_1331 = arith.constant 1 : i32
        %add3A_1332 = arith.addi %mul3A_1330, %add3A_1331 : i32
        %mul3A_1333 = arith.constant 16 : i32
        %mul3A_1334 = arith.muli %add3A_1332, %mul3A_1333 : i32
        %get3A_1335 = arith.index_cast %mul3A_1334 : i32 to index
        %get3A_1336 = tpu.vector_load %arg6[%get3A_1335] {strides = array<i32>} : memref<33024xi32, #tpu.memory_space<vmem>>, vector<16xi32>,
        %mul3A_1337 = arith.constant 16 : i32
        %mul3A_1338 = arith.muli %while3A_1304, %mul3A_1337 : i32
        %add3A_1339 = arith.constant 2 : i32
        %add3A_1340 = arith.addi %mul3A_1338, %add3A_1339 : i32
        %mul3A_1341 = arith.constant 16 : i32
        %mul3A_1342 = arith.muli %add3A_1340, %mul3A_1341 : i32
        %get3A_1343 = arith.index_cast %mul3A_1342 : i32 to index
        %get3A_1344 = tpu.vector_load %arg6[%get3A_1343] {strides = array<i32>} : memref<33024xi32, #tpu.memory_space<vmem>>, vector<16xi32>,
        %mul3A_1345 = arith.constant 16 : i32
        %mul3A_1346 = arith.muli %while3A_1304, %mul3A_1345 : i32
        %add3A_1347 = arith.constant 3 : i32
        %add3A_1348 = arith.addi %mul3A_1346, %add3A_1347 : i32
        %mul3A_1349 = arith.constant 16 : i32
        %mul3A_1350 = arith.muli %add3A_1348, %mul3A_1349 : i32
        %get3A_1351 = arith.index_cast %mul3A_1350 : i32 to index
        %get3A_1352 = tpu.vector_load %arg6[%get3A_1351] {strides = array<i32>} : memref<33024xi32, #tpu.memory_space<vmem>>, vector<16xi32>,
        %mul3A_1353 = arith.constant 16 : i32
        %mul3A_1354 = arith.muli %while3A_1304, %mul3A_1353 : i32
        %add3A_1355 = arith.constant 4 : i32
        %add3A_1356 = arith.addi %mul3A_1354, %add3A_1355 : i32
        %mul3A_1357 = arith.constant 16 : i32
        %mul3A_1358 = arith.muli %add3A_1356, %mul3A_1357 : i32
        %get3A_1359 = arith.index_cast %mul3A_1358 : i32 to index
        %get3A_1360 = tpu.vector_load %arg6[%get3A_1359] {strides = array<i32>} : memref<33024xi32, #tpu.memory_space<vmem>>, vector<16xi32>,
        %mul3A_1361 = arith.constant 16 : i32
        %mul3A_1362 = arith.muli %while3A_1304, %mul3A_1361 : i32
        %add3A_1363 = arith.constant 5 : i32
        %add3A_1364 = arith.addi %mul3A_1362, %add3A_1363 : i32
        %mul3A_1365 = arith.constant 16 : i32
        %mul3A_1366 = arith.muli %add3A_1364, %mul3A_1365 : i32
        %get3A_1367 = arith.index_cast %mul3A_1366 : i32 to index
        %get3A_1368 = tpu.vector_load %arg6[%get3A_1367] {strides = array<i32>} : memref<33024xi32, #tpu.memory_space<vmem>>, vector<16xi32>,
        %mul3A_1369 = arith.constant 16 : i32
        %mul3A_1370 = arith.muli %while3A_1304, %mul3A_1369 : i32
        %add3A_1371 = arith.constant 6 : i32
        %add3A_1372 = arith.addi %mul3A_1370, %add3A_1371 : i32
        %mul3A_1373 = arith.constant 16 : i32
        %mul3A_1374 = arith.muli %add3A_1372, %mul3A_1373 : i32
        %get3A_1375 = arith.index_cast %mul3A_1374 : i32 to index
        %get3A_1376 = tpu.vector_load %arg6[%get3A_1375] {strides = array<i32>} : memref<33024xi32, #tpu.memory_space<vmem>>, vector<16xi32>,
        %mul3A_1377 = arith.constant 16 : i32
        %mul3A_1378 = arith.muli %while3A_1304, %mul3A_1377 : i32
        %add3A_1379 = arith.constant 7 : i32
        %add3A_1380 = arith.addi %mul3A_1378, %add3A_1379 : i32
        %mul3A_1381 = arith.constant 16 : i32
        %mul3A_1382 = arith.muli %add3A_1380, %mul3A_1381 : i32
        %get3A_1383 = arith.index_cast %mul3A_1382 : i32 to index
        %get3A_1384 = tpu.vector_load %arg6[%get3A_1383] {strides = array<i32>} : memref<33024xi32, #tpu.memory_space<vmem>>, vector<16xi32>,
        %mul3A_1385 = arith.constant 16 : i32
        %mul3A_1386 = arith.muli %while3A_1304, %mul3A_1385 : i32
        %add3A_1387 = arith.constant 8 : i32
        %add3A_1388 = arith.addi %mul3A_1386, %add3A_1387 : i32
        %mul3A_1389 = arith.constant 16 : i32
        %mul3A_1390 = arith.muli %add3A_1388, %mul3A_1389 : i32
        %get3A_1391 = arith.index_cast %mul3A_1390 : i32 to index
        %get3A_1392 = tpu.vector_load %arg6[%get3A_1391] {strides = array<i32>} : memref<33024xi32, #tpu.memory_space<vmem>>, vector<16xi32>,
        %mul3A_1393 = arith.constant 16 : i32
        %mul3A_1394 = arith.muli %while3A_1304, %mul3A_1393 : i32
        %add3A_1395 = arith.constant 9 : i32
        %add3A_1396 = arith.addi %mul3A_1394, %add3A_1395 : i32
        %mul3A_1397 = arith.constant 16 : i32
        %mul3A_1398 = arith.muli %add3A_1396, %mul3A_1397 : i32
        %get3A_1399 = arith.index_cast %mul3A_1398 : i32 to index
        %get3A_1400 = tpu.vector_load %arg6[%get3A_1399] {strides = array<i32>} : memref<33024xi32, #tpu.memory_space<vmem>>, vector<16xi32>,
        %mul3A_1401 = arith.constant 16 : i32
        %mul3A_1402 = arith.muli %while3A_1304, %mul3A_1401 : i32
        %add3A_1403 = arith.constant 10 : i32
        %add3A_1404 = arith.addi %mul3A_1402, %add3A_1403 : i32
        %mul3A_1405 = arith.constant 16 : i32
        %mul3A_1406 = arith.muli %add3A_1404, %mul3A_1405 : i32
        %get3A_1407 = arith.index_cast %mul3A_1406 : i32 to index
        %get3A_1408 = tpu.vector_load %arg6[%get3A_1407] {strides = array<i32>} : memref<33024xi32, #tpu.memory_space<vmem>>, vector<16xi32>,
        %mul3A_1409 = arith.constant 16 : i32
        %mul3A_1410 = arith.muli %while3A_1304, %mul3A_1409 : i32
        %add3A_1411 = arith.constant 11 : i32
        %add3A_1412 = arith.addi %mul3A_1410, %add3A_1411 : i32
        %mul3A_1413 = arith.constant 16 : i32
        %mul3A_1414 = arith.muli %add3A_1412, %mul3A_1413 : i32
        %get3A_1415 = arith.index_cast %mul3A_1414 : i32 to index
        %get3A_1416 = tpu.vector_load %arg6[%get3A_1415] {strides = array<i32>} : memref<33024xi32, #tpu.memory_space<vmem>>, vector<16xi32>,
        %mul3A_1417 = arith.constant 16 : i32
        %mul3A_1418 = arith.muli %while3A_1304, %mul3A_1417 : i32
        %add3A_1419 = arith.constant 12 : i32
        %add3A_1420 = arith.addi %mul3A_1418, %add3A_1419 : i32
        %mul3A_1421 = arith.constant 16 : i32
        %mul3A_1422 = arith.muli %add3A_1420, %mul3A_1421 : i32
        %get3A_1423 = arith.index_cast %mul3A_1422 : i32 to index
        %get3A_1424 = tpu.vector_load %arg6[%get3A_1423] {strides = array<i32>} : memref<33024xi32, #tpu.memory_space<vmem>>, vector<16xi32>,
        %mul3A_1425 = arith.constant 16 : i32
        %mul3A_1426 = arith.muli %while3A_1304, %mul3A_1425 : i32
        %add3A_1427 = arith.constant 13 : i32
        %add3A_1428 = arith.addi %mul3A_1426, %add3A_1427 : i32
        %mul3A_1429 = arith.constant 16 : i32
        %mul3A_1430 = arith.muli %add3A_1428, %mul3A_1429 : i32
        %get3A_1431 = arith.index_cast %mul3A_1430 : i32 to index
        %get3A_1432 = tpu.vector_load %arg6[%get3A_1431] {strides = array<i32>} : memref<33024xi32, #tpu.memory_space<vmem>>, vector<16xi32>,
        %mul3A_1433 = arith.constant 16 : i32
        %mul3A_1434 = arith.muli %while3A_1304, %mul3A_1433 : i32
        %add3A_1435 = arith.constant 14 : i32
        %add3A_1436 = arith.addi %mul3A_1434, %add3A_1435 : i32
        %mul3A_1437 = arith.constant 16 : i32
        %mul3A_1438 = arith.muli %add3A_1436, %mul3A_1437 : i32
        %get3A_1439 = arith.index_cast %mul3A_1438 : i32 to index
        %get3A_1440 = tpu.vector_load %arg6[%get3A_1439] {strides = array<i32>} : memref<33024xi32, #tpu.memory_space<vmem>>, vector<16xi32>,
        %mul3A_1441 = arith.constant 16 : i32
        %mul3A_1442 = arith.muli %while3A_1304, %mul3A_1441 : i32
        %add3A_1443 = arith.constant 15 : i32
        %add3A_1444 = arith.addi %mul3A_1442, %add3A_1443 : i32
        %mul3A_1445 = arith.constant 16 : i32
        %mul3A_1446 = arith.muli %add3A_1444, %mul3A_1445 : i32
        %get3A_1447 = arith.index_cast %mul3A_1446 : i32 to index
        %get3A_1448 = tpu.vector_load %arg6[%get3A_1447] {strides = array<i32>} : memref<33024xi32, #tpu.memory_space<vmem>>, vector<16xi32>,
        %lt3A = vector.broadcast %or3A : i32 to vector<16xi32>
        %lt3A_1449 = arith.cmpi slt, %get3A_1328, %lt3A : vector<16xi32>
        %convert_element_type3A_1450 = arith.extui %lt3A_1449 : vector<16xi1> to vector<16xi32>
        %lt3A_1451 = vector.broadcast %or3A : i32 to vector<16xi32>
        %lt3A_1452 = arith.cmpi slt, %get3A_1336, %lt3A_1451 : vector<16xi32>
        %convert_element_type3A_1453 = arith.extui %lt3A_1452 : vector<16xi1> to vector<16xi32>
        %lt3A_1454 = vector.broadcast %or3A : i32 to vector<16xi32>
        %lt3A_1455 = arith.cmpi slt, %get3A_1344, %lt3A_1454 : vector<16xi32>
        %convert_element_type3A_1456 = arith.extui %lt3A_1455 : vector<16xi1> to vector<16xi32>
        %lt3A_1457 = vector.broadcast %or3A : i32 to vector<16xi32>
        %lt3A_1458 = arith.cmpi slt, %get3A_1352, %lt3A_1457 : vector<16xi32>
        %convert_element_type3A_1459 = arith.extui %lt3A_1458 : vector<16xi1> to vector<16xi32>
        %lt3A_1460 = vector.broadcast %or3A : i32 to vector<16xi32>
        %lt3A_1461 = arith.cmpi slt, %get3A_1360, %lt3A_1460 : vector<16xi32>
        %convert_element_type3A_1462 = arith.extui %lt3A_1461 : vector<16xi1> to vector<16xi32>
        %lt3A_1463 = vector.broadcast %or3A : i32 to vector<16xi32>
        %lt3A_1464 = arith.cmpi slt, %get3A_1368, %lt3A_1463 : vector<16xi32>
        %convert_element_type3A_1465 = arith.extui %lt3A_1464 : vector<16xi1> to vector<16xi32>
        %lt3A_1466 = vector.broadcast %or3A : i32 to vector<16xi32>
        %lt3A_1467 = arith.cmpi slt, %get3A_1376, %lt3A_1466 : vector<16xi32>
        %convert_element_type3A_1468 = arith.extui %lt3A_1467 : vector<16xi1> to vector<16xi32>
        %lt3A_1469 = vector.broadcast %or3A : i32 to vector<16xi32>
        %lt3A_1470 = arith.cmpi slt, %get3A_1384, %lt3A_1469 : vector<16xi32>
        %convert_element_type3A_1471 = arith.extui %lt3A_1470 : vector<16xi1> to vector<16xi32>
        %lt3A_1472 = vector.broadcast %or3A : i32 to vector<16xi32>
        %lt3A_1473 = arith.cmpi slt, %get3A_1392, %lt3A_1472 : vector<16xi32>
        %convert_element_type3A_1474 = arith.extui %lt3A_1473 : vector<16xi1> to vector<16xi32>
        %lt3A_1475 = vector.broadcast %or3A : i32 to vector<16xi32>
        %lt3A_1476 = arith.cmpi slt, %get3A_1400, %lt3A_1475 : vector<16xi32>
        %convert_element_type3A_1477 = arith.extui %lt3A_1476 : vector<16xi1> to vector<16xi32>
        %lt3A_1478 = vector.broadcast %or3A : i32 to vector<16xi32>
        %lt3A_1479 = arith.cmpi slt, %get3A_1408, %lt3A_1478 : vector<16xi32>
        %convert_element_type3A_1480 = arith.extui %lt3A_1479 : vector<16xi1> to vector<16xi32>
        %lt3A_1481 = vector.broadcast %or3A : i32 to vector<16xi32>
        %lt3A_1482 = arith.cmpi slt, %get3A_1416, %lt3A_1481 : vector<16xi32>
        %convert_element_type3A_1483 = arith.extui %lt3A_1482 : vector<16xi1> to vector<16xi32>
        %lt3A_1484 = vector.broadcast %or3A : i32 to vector<16xi32>
        %lt3A_1485 = arith.cmpi slt, %get3A_1424, %lt3A_1484 : vector<16xi32>
        %convert_element_type3A_1486 = arith.extui %lt3A_1485 : vector<16xi1> to vector<16xi32>
        %lt3A_1487 = vector.broadcast %or3A : i32 to vector<16xi32>
        %lt3A_1488 = arith.cmpi slt, %get3A_1432, %lt3A_1487 : vector<16xi32>
        %convert_element_type3A_1489 = arith.extui %lt3A_1488 : vector<16xi1> to vector<16xi32>
        %lt3A_1490 = vector.broadcast %or3A : i32 to vector<16xi32>
        %lt3A_1491 = arith.cmpi slt, %get3A_1440, %lt3A_1490 : vector<16xi32>
        %convert_element_type3A_1492 = arith.extui %lt3A_1491 : vector<16xi1> to vector<16xi32>
        %lt3A_1493 = vector.broadcast %or3A : i32 to vector<16xi32>
        %lt3A_1494 = arith.cmpi slt, %get3A_1448, %lt3A_1493 : vector<16xi32>
        %convert_element_type3A_1495 = arith.extui %lt3A_1494 : vector<16xi1> to vector<16xi32>
        %add3A_1496 = arith.addi %while3A_1305, %convert_element_type3A_1450 : vector<16xi32>
        %add3A_1497 = arith.addi %while3A_1306, %convert_element_type3A_1453 : vector<16xi32>
        %add3A_1498 = arith.addi %while3A_1307, %convert_element_type3A_1456 : vector<16xi32>
        %add3A_1499 = arith.addi %while3A_1308, %convert_element_type3A_1459 : vector<16xi32>
        %add3A_1500 = arith.addi %while3A_1309, %convert_element_type3A_1462 : vector<16xi32>
        %add3A_1501 = arith.addi %while3A_1310, %convert_element_type3A_1465 : vector<16xi32>
        %add3A_1502 = arith.addi %while3A_1311, %convert_element_type3A_1468 : vector<16xi32>
        %add3A_1503 = arith.addi %while3A_1312, %convert_element_type3A_1471 : vector<16xi32>
        %add3A_1504 = arith.addi %while3A_1313, %convert_element_type3A_1474 : vector<16xi32>
        %add3A_1505 = arith.addi %while3A_1314, %convert_element_type3A_1477 : vector<16xi32>
        %add3A_1506 = arith.addi %while3A_1315, %convert_element_type3A_1480 : vector<16xi32>
        %add3A_1507 = arith.addi %while3A_1316, %convert_element_type3A_1483 : vector<16xi32>
        %add3A_1508 = arith.addi %while3A_1317, %convert_element_type3A_1486 : vector<16xi32>
        %add3A_1509 = arith.addi %while3A_1318, %convert_element_type3A_1489 : vector<16xi32>
        %add3A_1510 = arith.addi %while3A_1319, %convert_element_type3A_1492 : vector<16xi32>
        %add3A_1511 = arith.addi %while3A_1320, %convert_element_type3A_1495 : vector<16xi32>
        scf.yield %add3A_1496, %add3A_1497, %add3A_1498, %add3A_1499, %add3A_1500, %add3A_1501, %add3A_1502, %add3A_1503, %add3A_1504, %add3A_1505, %add3A_1506, %add3A_1507, %add3A_1508, %add3A_1509, %add3A_1510, %add3A_1511 : vector<16xi32>, vector<16xi32>, vector<16xi32>, vector<16xi32>, vector<16xi32>, vector<16xi32>, vector<16xi32>, vector<16xi32>, vector<16xi32>, vector<16xi32>, vector<16xi32>, vector<16xi32>, vector<16xi32>, vector<16xi32>, vector<16xi32>, vector<16xi32>
      }
      %while3A_1278 = arith.constant 1 : i32
      %while3A_1279:16 = scf.for %while3A_1304 = %while3A_1275 to %while3A_1271 step %while3A_1278 iter_args(%while3A_1305 = %while3A_1277#0, %while3A_1306 = %while3A_1277#1, %while3A_1307 = %while3A_1277#2, %while3A_1308 = %while3A_1277#3, %while3A_1309 = %while3A_1277#4, %while3A_1310 = %while3A_1277#5, %while3A_1311 = %while3A_1277#6, %while3A_1312 = %while3A_1277#7, %while3A_1313 = %while3A_1277#8, %while3A_1314 = %while3A_1277#9, %while3A_1315 = %while3A_1277#10, %while3A_1316 = %while3A_1277#11, %while3A_1317 = %while3A_1277#12, %while3A_1318 = %while3A_1277#13, %while3A_1319 = %while3A_1277#14, %while3A_1320 = %while3A_1277#15) -> (vector<16xi32>, vector<16xi32>, vector<16xi32>, vector<16xi32>, vector<16xi32>, vector<16xi32>, vector<16xi32>, vector<16xi32>, vector<16xi32>, vector<16xi32>, vector<16xi32>, vector<16xi32>, vector<16xi32>, vector<16xi32>, vector<16xi32>, vector<16xi32>)  : i32 {
        %mul3A_1321 = arith.constant 16 : i32
        %mul3A_1322 = arith.muli %while3A_1304, %mul3A_1321 : i32
        %add3A_1323 = arith.constant 0 : i32
        %add3A_1324 = arith.addi %mul3A_1322, %add3A_1323 : i32
        %mul3A_1325 = arith.constant 16 : i32
        %mul3A_1326 = arith.muli %add3A_1324, %mul3A_1325 : i32
        %get3A_1327 = arith.index_cast %mul3A_1326 : i32 to index
        %get3A_1328 = tpu.vector_load %arg6[%get3A_1327] {strides = array<i32>} : memref<33024xi32, #tpu.memory_space<vmem>>, vector<16xi32>,
        %mul3A_1329 = arith.constant 16 : i32
        %mul3A_1330 = arith.muli %while3A_1304, %mul3A_1329 : i32
        %add3A_1331 = arith.constant 1 : i32
        %add3A_1332 = arith.addi %mul3A_1330, %add3A_1331 : i32
        %mul3A_1333 = arith.constant 16 : i32
        %mul3A_1334 = arith.muli %add3A_1332, %mul3A_1333 : i32
        %get3A_1335 = arith.index_cast %mul3A_1334 : i32 to index
        %get3A_1336 = tpu.vector_load %arg6[%get3A_1335] {strides = array<i32>} : memref<33024xi32, #tpu.memory_space<vmem>>, vector<16xi32>,
        %mul3A_1337 = arith.constant 16 : i32
        %mul3A_1338 = arith.muli %while3A_1304, %mul3A_1337 : i32
        %add3A_1339 = arith.constant 2 : i32
        %add3A_1340 = arith.addi %mul3A_1338, %add3A_1339 : i32
        %mul3A_1341 = arith.constant 16 : i32
        %mul3A_1342 = arith.muli %add3A_1340, %mul3A_1341 : i32
        %get3A_1343 = arith.index_cast %mul3A_1342 : i32 to index
        %get3A_1344 = tpu.vector_load %arg6[%get3A_1343] {strides = array<i32>} : memref<33024xi32, #tpu.memory_space<vmem>>, vector<16xi32>,
        %mul3A_1345 = arith.constant 16 : i32
        %mul3A_1346 = arith.muli %while3A_1304, %mul3A_1345 : i32
        %add3A_1347 = arith.constant 3 : i32
        %add3A_1348 = arith.addi %mul3A_1346, %add3A_1347 : i32
        %mul3A_1349 = arith.constant 16 : i32
        %mul3A_1350 = arith.muli %add3A_1348, %mul3A_1349 : i32
        %get3A_1351 = arith.index_cast %mul3A_1350 : i32 to index
        %get3A_1352 = tpu.vector_load %arg6[%get3A_1351] {strides = array<i32>} : memref<33024xi32, #tpu.memory_space<vmem>>, vector<16xi32>,
        %mul3A_1353 = arith.constant 16 : i32
        %mul3A_1354 = arith.muli %while3A_1304, %mul3A_1353 : i32
        %add3A_1355 = arith.constant 4 : i32
        %add3A_1356 = arith.addi %mul3A_1354, %add3A_1355 : i32
        %mul3A_1357 = arith.constant 16 : i32
        %mul3A_1358 = arith.muli %add3A_1356, %mul3A_1357 : i32
        %get3A_1359 = arith.index_cast %mul3A_1358 : i32 to index
        %get3A_1360 = tpu.vector_load %arg6[%get3A_1359] {strides = array<i32>} : memref<33024xi32, #tpu.memory_space<vmem>>, vector<16xi32>,
        %mul3A_1361 = arith.constant 16 : i32
        %mul3A_1362 = arith.muli %while3A_1304, %mul3A_1361 : i32
        %add3A_1363 = arith.constant 5 : i32
        %add3A_1364 = arith.addi %mul3A_1362, %add3A_1363 : i32
        %mul3A_1365 = arith.constant 16 : i32
        %mul3A_1366 = arith.muli %add3A_1364, %mul3A_1365 : i32
        %get3A_1367 = arith.index_cast %mul3A_1366 : i32 to index
        %get3A_1368 = tpu.vector_load %arg6[%get3A_1367] {strides = array<i32>} : memref<33024xi32, #tpu.memory_space<vmem>>, vector<16xi32>,
        %mul3A_1369 = arith.constant 16 : i32
        %mul3A_1370 = arith.muli %while3A_1304, %mul3A_1369 : i32
        %add3A_1371 = arith.constant 6 : i32
        %add3A_1372 = arith.addi %mul3A_1370, %add3A_1371 : i32
        %mul3A_1373 = arith.constant 16 : i32
        %mul3A_1374 = arith.muli %add3A_1372, %mul3A_1373 : i32
        %get3A_1375 = arith.index_cast %mul3A_1374 : i32 to index
        %get3A_1376 = tpu.vector_load %arg6[%get3A_1375] {strides = array<i32>} : memref<33024xi32, #tpu.memory_space<vmem>>, vector<16xi32>,
        %mul3A_1377 = arith.constant 16 : i32
        %mul3A_1378 = arith.muli %while3A_1304, %mul3A_1377 : i32
        %add3A_1379 = arith.constant 7 : i32
        %add3A_1380 = arith.addi %mul3A_1378, %add3A_1379 : i32
        %mul3A_1381 = arith.constant 16 : i32
        %mul3A_1382 = arith.muli %add3A_1380, %mul3A_1381 : i32
        %get3A_1383 = arith.index_cast %mul3A_1382 : i32 to index
        %get3A_1384 = tpu.vector_load %arg6[%get3A_1383] {strides = array<i32>} : memref<33024xi32, #tpu.memory_space<vmem>>, vector<16xi32>,
        %mul3A_1385 = arith.constant 16 : i32
        %mul3A_1386 = arith.muli %while3A_1304, %mul3A_1385 : i32
        %add3A_1387 = arith.constant 8 : i32
        %add3A_1388 = arith.addi %mul3A_1386, %add3A_1387 : i32
        %mul3A_1389 = arith.constant 16 : i32
        %mul3A_1390 = arith.muli %add3A_1388, %mul3A_1389 : i32
        %get3A_1391 = arith.index_cast %mul3A_1390 : i32 to index
        %get3A_1392 = tpu.vector_load %arg6[%get3A_1391] {strides = array<i32>} : memref<33024xi32, #tpu.memory_space<vmem>>, vector<16xi32>,
        %mul3A_1393 = arith.constant 16 : i32
        %mul3A_1394 = arith.muli %while3A_1304, %mul3A_1393 : i32
        %add3A_1395 = arith.constant 9 : i32
        %add3A_1396 = arith.addi %mul3A_1394, %add3A_1395 : i32
        %mul3A_1397 = arith.constant 16 : i32
        %mul3A_1398 = arith.muli %add3A_1396, %mul3A_1397 : i32
        %get3A_1399 = arith.index_cast %mul3A_1398 : i32 to index
        %get3A_1400 = tpu.vector_load %arg6[%get3A_1399] {strides = array<i32>} : memref<33024xi32, #tpu.memory_space<vmem>>, vector<16xi32>,
        %mul3A_1401 = arith.constant 16 : i32
        %mul3A_1402 = arith.muli %while3A_1304, %mul3A_1401 : i32
        %add3A_1403 = arith.constant 10 : i32
        %add3A_1404 = arith.addi %mul3A_1402, %add3A_1403 : i32
        %mul3A_1405 = arith.constant 16 : i32
        %mul3A_1406 = arith.muli %add3A_1404, %mul3A_1405 : i32
        %get3A_1407 = arith.index_cast %mul3A_1406 : i32 to index
        %get3A_1408 = tpu.vector_load %arg6[%get3A_1407] {strides = array<i32>} : memref<33024xi32, #tpu.memory_space<vmem>>, vector<16xi32>,
        %mul3A_1409 = arith.constant 16 : i32
        %mul3A_1410 = arith.muli %while3A_1304, %mul3A_1409 : i32
        %add3A_1411 = arith.constant 11 : i32
        %add3A_1412 = arith.addi %mul3A_1410, %add3A_1411 : i32
        %mul3A_1413 = arith.constant 16 : i32
        %mul3A_1414 = arith.muli %add3A_1412, %mul3A_1413 : i32
        %get3A_1415 = arith.index_cast %mul3A_1414 : i32 to index
        %get3A_1416 = tpu.vector_load %arg6[%get3A_1415] {strides = array<i32>} : memref<33024xi32, #tpu.memory_space<vmem>>, vector<16xi32>,
        %mul3A_1417 = arith.constant 16 : i32
        %mul3A_1418 = arith.muli %while3A_1304, %mul3A_1417 : i32
        %add3A_1419 = arith.constant 12 : i32
        %add3A_1420 = arith.addi %mul3A_1418, %add3A_1419 : i32
        %mul3A_1421 = arith.constant 16 : i32
        %mul3A_1422 = arith.muli %add3A_1420, %mul3A_1421 : i32
        %get3A_1423 = arith.index_cast %mul3A_1422 : i32 to index
        %get3A_1424 = tpu.vector_load %arg6[%get3A_1423] {strides = array<i32>} : memref<33024xi32, #tpu.memory_space<vmem>>, vector<16xi32>,
        %mul3A_1425 = arith.constant 16 : i32
        %mul3A_1426 = arith.muli %while3A_1304, %mul3A_1425 : i32
        %add3A_1427 = arith.constant 13 : i32
        %add3A_1428 = arith.addi %mul3A_1426, %add3A_1427 : i32
        %mul3A_1429 = arith.constant 16 : i32
        %mul3A_1430 = arith.muli %add3A_1428, %mul3A_1429 : i32
        %get3A_1431 = arith.index_cast %mul3A_1430 : i32 to index
        %get3A_1432 = tpu.vector_load %arg6[%get3A_1431] {strides = array<i32>} : memref<33024xi32, #tpu.memory_space<vmem>>, vector<16xi32>,
        %mul3A_1433 = arith.constant 16 : i32
        %mul3A_1434 = arith.muli %while3A_1304, %mul3A_1433 : i32
        %add3A_1435 = arith.constant 14 : i32
        %add3A_1436 = arith.addi %mul3A_1434, %add3A_1435 : i32
        %mul3A_1437 = arith.constant 16 : i32
        %mul3A_1438 = arith.muli %add3A_1436, %mul3A_1437 : i32
        %get3A_1439 = arith.index_cast %mul3A_1438 : i32 to index
        %get3A_1440 = tpu.vector_load %arg6[%get3A_1439] {strides = array<i32>} : memref<33024xi32, #tpu.memory_space<vmem>>, vector<16xi32>,
        %mul3A_1441 = arith.constant 16 : i32
        %mul3A_1442 = arith.muli %while3A_1304, %mul3A_1441 : i32
        %add3A_1443 = arith.constant 15 : i32
        %add3A_1444 = arith.addi %mul3A_1442, %add3A_1443 : i32
        %mul3A_1445 = arith.constant 16 : i32
        %mul3A_1446 = arith.muli %add3A_1444, %mul3A_1445 : i32
        %get3A_1447 = arith.index_cast %mul3A_1446 : i32 to index
        %get3A_1448 = tpu.vector_load %arg6[%get3A_1447] {strides = array<i32>} : memref<33024xi32, #tpu.memory_space<vmem>>, vector<16xi32>,
        %lt3A = vector.broadcast %or3A : i32 to vector<16xi32>
        %lt3A_1449 = arith.cmpi slt, %get3A_1328, %lt3A : vector<16xi32>
        %convert_element_type3A_1450 = arith.extui %lt3A_1449 : vector<16xi1> to vector<16xi32>
        %lt3A_1451 = vector.broadcast %or3A : i32 to vector<16xi32>
        %lt3A_1452 = arith.cmpi slt, %get3A_1336, %lt3A_1451 : vector<16xi32>
        %convert_element_type3A_1453 = arith.extui %lt3A_1452 : vector<16xi1> to vector<16xi32>
        %lt3A_1454 = vector.broadcast %or3A : i32 to vector<16xi32>
        %lt3A_1455 = arith.cmpi slt, %get3A_1344, %lt3A_1454 : vector<16xi32>
        %convert_element_type3A_1456 = arith.extui %lt3A_1455 : vector<16xi1> to vector<16xi32>
        %lt3A_1457 = vector.broadcast %or3A : i32 to vector<16xi32>
        %lt3A_1458 = arith.cmpi slt, %get3A_1352, %lt3A_1457 : vector<16xi32>
        %convert_element_type3A_1459 = arith.extui %lt3A_1458 : vector<16xi1> to vector<16xi32>
        %lt3A_1460 = vector.broadcast %or3A : i32 to vector<16xi32>
        %lt3A_1461 = arith.cmpi slt, %get3A_1360, %lt3A_1460 : vector<16xi32>
        %convert_element_type3A_1462 = arith.extui %lt3A_1461 : vector<16xi1> to vector<16xi32>
        %lt3A_1463 = vector.broadcast %or3A : i32 to vector<16xi32>
        %lt3A_1464 = arith.cmpi slt, %get3A_1368, %lt3A_1463 : vector<16xi32>
        %convert_element_type3A_1465 = arith.extui %lt3A_1464 : vector<16xi1> to vector<16xi32>
        %lt3A_1466 = vector.broadcast %or3A : i32 to vector<16xi32>
        %lt3A_1467 = arith.cmpi slt, %get3A_1376, %lt3A_1466 : vector<16xi32>
        %convert_element_type3A_1468 = arith.extui %lt3A_1467 : vector<16xi1> to vector<16xi32>
        %lt3A_1469 = vector.broadcast %or3A : i32 to vector<16xi32>
        %lt3A_1470 = arith.cmpi slt, %get3A_1384, %lt3A_1469 : vector<16xi32>
        %convert_element_type3A_1471 = arith.extui %lt3A_1470 : vector<16xi1> to vector<16xi32>
        %lt3A_1472 = vector.broadcast %or3A : i32 to vector<16xi32>
        %lt3A_1473 = arith.cmpi slt, %get3A_1392, %lt3A_1472 : vector<16xi32>
        %convert_element_type3A_1474 = arith.extui %lt3A_1473 : vector<16xi1> to vector<16xi32>
        %lt3A_1475 = vector.broadcast %or3A : i32 to vector<16xi32>
        %lt3A_1476 = arith.cmpi slt, %get3A_1400, %lt3A_1475 : vector<16xi32>
        %convert_element_type3A_1477 = arith.extui %lt3A_1476 : vector<16xi1> to vector<16xi32>
        %lt3A_1478 = vector.broadcast %or3A : i32 to vector<16xi32>
        %lt3A_1479 = arith.cmpi slt, %get3A_1408, %lt3A_1478 : vector<16xi32>
        %convert_element_type3A_1480 = arith.extui %lt3A_1479 : vector<16xi1> to vector<16xi32>
        %lt3A_1481 = vector.broadcast %or3A : i32 to vector<16xi32>
        %lt3A_1482 = arith.cmpi slt, %get3A_1416, %lt3A_1481 : vector<16xi32>
        %convert_element_type3A_1483 = arith.extui %lt3A_1482 : vector<16xi1> to vector<16xi32>
        %lt3A_1484 = vector.broadcast %or3A : i32 to vector<16xi32>
        %lt3A_1485 = arith.cmpi slt, %get3A_1424, %lt3A_1484 : vector<16xi32>
        %convert_element_type3A_1486 = arith.extui %lt3A_1485 : vector<16xi1> to vector<16xi32>
        %lt3A_1487 = vector.broadcast %or3A : i32 to vector<16xi32>
        %lt3A_1488 = arith.cmpi slt, %get3A_1432, %lt3A_1487 : vector<16xi32>
        %convert_element_type3A_1489 = arith.extui %lt3A_1488 : vector<16xi1> to vector<16xi32>
        %lt3A_1490 = vector.broadcast %or3A : i32 to vector<16xi32>
        %lt3A_1491 = arith.cmpi slt, %get3A_1440, %lt3A_1490 : vector<16xi32>
        %convert_element_type3A_1492 = arith.extui %lt3A_1491 : vector<16xi1> to vector<16xi32>
        %lt3A_1493 = vector.broadcast %or3A : i32 to vector<16xi32>
        %lt3A_1494 = arith.cmpi slt, %get3A_1448, %lt3A_1493 : vector<16xi32>
        %convert_element_type3A_1495 = arith.extui %lt3A_1494 : vector<16xi1> to vector<16xi32>
        %add3A_1496 = arith.addi %while3A_1305, %convert_element_type3A_1450 : vector<16xi32>
        %add3A_1497 = arith.addi %while3A_1306, %convert_element_type3A_1453 : vector<16xi32>
        %add3A_1498 = arith.addi %while3A_1307, %convert_element_type3A_1456 : vector<16xi32>
        %add3A_1499 = arith.addi %while3A_1308, %convert_element_type3A_1459 : vector<16xi32>
        %add3A_1500 = arith.addi %while3A_1309, %convert_element_type3A_1462 : vector<16xi32>
        %add3A_1501 = arith.addi %while3A_1310, %convert_element_type3A_1465 : vector<16xi32>
        %add3A_1502 = arith.addi %while3A_1311, %convert_element_type3A_1468 : vector<16xi32>
        %add3A_1503 = arith.addi %while3A_1312, %convert_element_type3A_1471 : vector<16xi32>
        %add3A_1504 = arith.addi %while3A_1313, %convert_element_type3A_1474 : vector<16xi32>
        %add3A_1505 = arith.addi %while3A_1314, %convert_element_type3A_1477 : vector<16xi32>
        %add3A_1506 = arith.addi %while3A_1315, %convert_element_type3A_1480 : vector<16xi32>
        %add3A_1507 = arith.addi %while3A_1316, %convert_element_type3A_1483 : vector<16xi32>
        %add3A_1508 = arith.addi %while3A_1317, %convert_element_type3A_1486 : vector<16xi32>
        %add3A_1509 = arith.addi %while3A_1318, %convert_element_type3A_1489 : vector<16xi32>
        %add3A_1510 = arith.addi %while3A_1319, %convert_element_type3A_1492 : vector<16xi32>
        %add3A_1511 = arith.addi %while3A_1320, %convert_element_type3A_1495 : vector<16xi32>
        scf.yield %add3A_1496, %add3A_1497, %add3A_1498, %add3A_1499, %add3A_1500, %add3A_1501, %add3A_1502, %add3A_1503, %add3A_1504, %add3A_1505, %add3A_1506, %add3A_1507, %add3A_1508, %add3A_1509, %add3A_1510, %add3A_1511 : vector<16xi32>, vector<16xi32>, vector<16xi32>, vector<16xi32>, vector<16xi32>, vector<16xi32>, vector<16xi32>, vector<16xi32>, vector<16xi32>, vector<16xi32>, vector<16xi32>, vector<16xi32>, vector<16xi32>, vector<16xi32>, vector<16xi32>, vector<16xi32>
      }
      %add3A_1280 = arith.constant 0 : i32
      %add3A_1281 = vector.broadcast %add3A_1280 : i32 to vector<16xi32>
      %add3A_1282 = arith.addi %add3A_1281, %while3A_1279#0 : vector<16xi32>
      %add3A_1283 = arith.addi %add3A_1282, %while3A_1279#1 : vector<16xi32>
      %add3A_1284 = arith.addi %add3A_1283, %while3A_1279#2 : vector<16xi32>
      %add3A_1285 = arith.addi %add3A_1284, %while3A_1279#3 : vector<16xi32>
      %add3A_1286 = arith.addi %add3A_1285, %while3A_1279#4 : vector<16xi32>
      %add3A_1287 = arith.addi %add3A_1286, %while3A_1279#5 : vector<16xi32>
      %add3A_1288 = arith.addi %add3A_1287, %while3A_1279#6 : vector<16xi32>
      %add3A_1289 = arith.addi %add3A_1288, %while3A_1279#7 : vector<16xi32>
      %add3A_1290 = arith.addi %add3A_1289, %while3A_1279#8 : vector<16xi32>
      %add3A_1291 = arith.addi %add3A_1290, %while3A_1279#9 : vector<16xi32>
      %add3A_1292 = arith.addi %add3A_1291, %while3A_1279#10 : vector<16xi32>
      %add3A_1293 = arith.addi %add3A_1292, %while3A_1279#11 : vector<16xi32>
      %add3A_1294 = arith.addi %add3A_1293, %while3A_1279#12 : vector<16xi32>
      %add3A_1295 = arith.addi %add3A_1294, %while3A_1279#13 : vector<16xi32>
      %add3A_1296 = arith.addi %add3A_1295, %while3A_1279#14 : vector<16xi32>
      %add3A_1297 = arith.addi %add3A_1296, %while3A_1279#15 : vector<16xi32>
      %reduce_sum3A_1298 = arith.constant true
      %reduce_sum3A_1299 = vector.broadcast %reduce_sum3A_1298 : i1 to vector<16xi1>
      %reduce_sum3A_1300 = tpu.scan <sum>, %add3A_1297 masked %reduce_sum3A_1299 : vector<16xi32>, vector<16xi1> -> vector<16xi32>
      %reduce_sum3A_1301 = vector.extract %reduce_sum3A_1300[15] : i32 from vector<16xi32>
      %le3A_1302 = arith.cmpi sle, %reduce_sum3A_1301, %reduce_sum3A_70 : i32
      %select_n3A_1303 = arith.select %le3A_1302, %or3A, %scan3A_1232 : i32
      scf.yield %select_n3A_1303 : i32
    }
    %scan3A_294 = arith.constant 20 : i32
    %iota3A_295 = tpu.iota {dimensions = array<i32: 0>} : vector<16xi32>
    %eq3A = arith.constant 0 : i32
    %eq3A_296 = vector.broadcast %eq3A : i32 to vector<16xi32>
    %eq3A_297 = arith.cmpi eq, %iota3A_295, %eq3A_296 : vector<16xi32>
    %broadcast_in_dim3A_298 = vector.broadcast %scan3A_293 : i32 to vector<16xi32>
    %select_n3A_299 = arith.select %eq3A_297, %broadcast_in_dim3A_298, %broadcast_in_dim3A_8 : vector<16xi1>, vector<16xi32>
    %add3A_300 = arith.constant 1 : i32
    %add3A_301 = arith.addi %mul3A_2, %add3A_300 : i32
    %dma_wait3A_302 = arith.constant 0 : i32
    %dma_wait3A_303 = tpu.memref_slice %arg2[%add3A_301, %dma_wait3A_302] : memref<128x32768xf32, #tpu.memory_space<hbm>> -> memref<1x32768xf32, #tpu.memory_space<hbm>>
    %dma_wait3A_304 = tpu.memref_squeeze %dma_wait3A_303 : memref<1x32768xf32, #tpu.memory_space<hbm>> -> memref<32768xf32, #tpu.memory_space<hbm>>
    %dma_wait3A_305 = arith.constant 0 : i32
    %dma_wait3A_306 = tpu.memref_slice %arg2[%add3A_301, %dma_wait3A_305] : memref<128x32768xf32, #tpu.memory_space<hbm>> -> memref<1x32768xf32, #tpu.memory_space<hbm>>
    %dma_wait3A_307 = tpu.memref_squeeze %dma_wait3A_306 : memref<1x32768xf32, #tpu.memory_space<hbm>> -> memref<32768xf32, #tpu.memory_space<hbm>>
    tpu.wait_dma2 semaphore(%arg10 : memref<!tpu.dma_semaphore, #tpu.memory_space<semaphore_mem>>) src(%dma_wait3A_307 : memref<32768xf32, #tpu.memory_space<hbm>>) dst(%arg5 : memref<32768xf32, #tpu.memory_space<vmem>>)
    %add3A_308 = arith.constant 1 : i32
    %add3A_309 = arith.addi %mul3A_2, %add3A_308 : i32
    %add3A_310 = arith.constant 1 : i32
    %add3A_311 = arith.addi %add3A_309, %add3A_310 : i32
    %dma_start3A_312 = arith.constant 0 : i32
    %dma_start3A_313 = tpu.memref_slice %arg2[%add3A_311, %dma_start3A_312] : memref<128x32768xf32, #tpu.memory_space<hbm>> -> memref<1x32768xf32, #tpu.memory_space<hbm>>
    %dma_start3A_314 = tpu.memref_squeeze %dma_start3A_313 : memref<1x32768xf32, #tpu.memory_space<hbm>> -> memref<32768xf32, #tpu.memory_space<hbm>>
    %dma_start3A_315 = arith.constant 0 : i32
    %dma_start3A_316 = tpu.memref_slice %arg2[%add3A_311, %dma_start3A_315] : memref<128x32768xf32, #tpu.memory_space<hbm>> -> memref<1x32768xf32, #tpu.memory_space<hbm>>
    %dma_start3A_317 = tpu.memref_squeeze %dma_start3A_316 : memref<1x32768xf32, #tpu.memory_space<hbm>> -> memref<32768xf32, #tpu.memory_space<hbm>>
    tpu.enqueue_dma source(%dma_start3A_317 : memref<32768xf32, #tpu.memory_space<hbm>>) target(%arg4 : memref<32768xf32, #tpu.memory_space<vmem>>) target_semaphore(%arg9 : memref<!tpu.dma_semaphore, #tpu.memory_space<semaphore_mem>>)
    %iota3A_318 = tpu.iota {dimensions = array<i32: 0>} : vector<16xi32>
    %parallel_loop3A_319 = arith.constant 0 : i32
    %parallel_loop3A_320 = arith.constant 128 : i32
    %parallel_loop3A_321 = arith.constant 1 : i32
    scf.for %parallel_loop3A_1231 = %parallel_loop3A_319 to %parallel_loop3A_320 step %parallel_loop3A_321  : i32 {
      %parallel_loop3A_1232 = arith.constant 0 : i32
      %parallel_loop3A_1233 = vector.broadcast %parallel_loop3A_1232 : i32 to vector<16xi32>
      %parallel_loop3A_1234 = arith.constant 16 : i32
      %parallel_loop3A_1235 = arith.muli %parallel_loop3A_1231, %parallel_loop3A_1234 : i32
      %parallel_loop3A_1236 = arith.index_cast %parallel_loop3A_1235 : i32 to index
      %parallel_loop3A_1237 = tpu.vector_load %arg7[%parallel_loop3A_1236] {strides = array<i32>} : memref<2048xi32, #tpu.memory_space<vmem>>, vector<16xi32>,
      tpu.vector_store %arg7[%parallel_loop3A_1236], %parallel_loop3A_1233 {strides = array<i32>} : memref<2048xi32, #tpu.memory_space<vmem>>, vector<16xi32>,
    } {sc.loop_unroll_factor = 8 : i64, sc.parallel_access}
    %broadcast_in_dim3A_322 = arith.constant 1 : i32
    %broadcast_in_dim3A_323 = vector.broadcast %broadcast_in_dim3A_322 : i32 to vector<16xi32>
    %parallel_loop3A_324 = arith.constant 0 : i32
    %parallel_loop3A_325 = arith.constant 2048 : i32
    %parallel_loop3A_326 = arith.constant 1 : i32
    scf.for %parallel_loop3A_1231 = %parallel_loop3A_324 to %parallel_loop3A_325 step %parallel_loop3A_326  : i32 {
      %parallel_loop3A_1232 = arith.constant 16 : i32
      %parallel_loop3A_1233 = arith.muli %parallel_loop3A_1231, %parallel_loop3A_1232 : i32
      %parallel_loop3A_1234 = arith.index_cast %parallel_loop3A_1233 : i32 to index
      %parallel_loop3A_1235 = tpu.vector_load %arg5[%parallel_loop3A_1234] {strides = array<i32>} : memref<32768xf32, #tpu.memory_space<vmem>>, vector<16xf32>,
      %parallel_loop3A_1236 = tpu.bitcast %parallel_loop3A_1235 : vector<16xf32> -> vector<16xi32>
      %parallel_loop3A_1237 = arith.constant 2147483647 : i32
      %parallel_loop3A_1238 = vector.broadcast %parallel_loop3A_1237 : i32 to vector<16xi32>
      %parallel_loop3A_1239 = arith.andi %parallel_loop3A_1236, %parallel_loop3A_1238 : vector<16xi32>
      %parallel_loop3A_1240 = arith.constant 20 : i32
      %parallel_loop3A_1241 = vector.broadcast %parallel_loop3A_1240 : i32 to vector<16xi32>
      %parallel_loop3A_1242 = arith.shrsi %parallel_loop3A_1239, %parallel_loop3A_1241 : vector<16xi32>
      tpu.vector_store_idx %arg7[%parallel_loop3A_1242], %broadcast_in_dim3A_323 {add = true} : memref<2048xi32, #tpu.memory_space<vmem>>[vector<16xi32>], vector<16xi32>,
    } {sc.loop_unroll_factor = 16 : i64, sc.parallel_access}
    %get3A_327 = arith.constant 0 : index
    %get3A_328 = tpu.vector_load %arg7[%get3A_327] {strides = array<i32>} : memref<2048xi32, #tpu.memory_space<vmem>>, vector<16xi32>,
    %reduce_sum3A_329 = arith.constant true
    %reduce_sum3A_330 = vector.broadcast %reduce_sum3A_329 : i1 to vector<16xi1>
    %reduce_sum3A_331 = tpu.scan <sum>, %get3A_328 masked %reduce_sum3A_330 : vector<16xi32>, vector<16xi1> -> vector<16xi32>
    %reduce_sum3A_332 = vector.extract %reduce_sum3A_331[15] : i32 from vector<16xi32>
    %while3A_333 = arith.constant 0 : i32
    %while3A_334 = arith.constant 0 : i32
    %while3A_335:3 = scf.while (%while3A_1231 = %while3A_333, %while3A_1232 = %while3A_334, %while3A_1233 = %reduce_sum3A_332) : (i32, i32, i32) -> (i32, i32, i32) {
      %add3A_1234 = arith.addi %while3A_1232, %while3A_1233 : i32
      %le3A_1235 = arith.constant 16384 : i32
      %le3A_1236 = arith.cmpi sle, %add3A_1234, %le3A_1235 : i32
      scf.condition(%le3A_1236) %while3A_1231, %while3A_1232, %while3A_1233 : i32, i32, i32
    } do {
    ^bb0(%while3A_1231: i32, %while3A_1232: i32, %while3A_1233: i32):
      %add3A_1234 = arith.constant 1 : i32
      %add3A_1235 = arith.addi %while3A_1231, %add3A_1234 : i32
      %add3A_1236 = arith.addi %while3A_1232, %while3A_1233 : i32
      %mul3A_1237 = arith.constant 16 : i32
      %mul3A_1238 = arith.muli %add3A_1235, %mul3A_1237 : i32
      %get3A_1239 = arith.index_cast %mul3A_1238 : i32 to index
      %get3A_1240 = tpu.vector_load %arg7[%get3A_1239] {strides = array<i32>} : memref<2048xi32, #tpu.memory_space<vmem>>, vector<16xi32>,
      %reduce_sum3A_1241 = arith.constant true
      %reduce_sum3A_1242 = vector.broadcast %reduce_sum3A_1241 : i1 to vector<16xi1>
      %reduce_sum3A_1243 = tpu.scan <sum>, %get3A_1240 masked %reduce_sum3A_1242 : vector<16xi32>, vector<16xi1> -> vector<16xi32>
      %reduce_sum3A_1244 = vector.extract %reduce_sum3A_1243[15] : i32 from vector<16xi32>
      scf.yield %add3A_1235, %add3A_1236, %reduce_sum3A_1244 : i32, i32, i32
    }
    %mul3A_336 = arith.constant 16 : i32
    %mul3A_337 = arith.muli %while3A_335#0, %mul3A_336 : i32
    %get3A_338 = arith.index_cast %mul3A_337 : i32 to index
    %get3A_339 = tpu.vector_load %arg7[%get3A_338] {strides = array<i32>} : memref<2048xi32, #tpu.memory_space<vmem>>, vector<16xi32>,
    %broadcast_in_dim3A_340 = arith.constant true
    %broadcast_in_dim3A_341 = vector.broadcast %broadcast_in_dim3A_340 : i1 to vector<16xi1>
    %masked_cumsum3A_342 = tpu.scan <sum>, %get3A_339 masked %broadcast_in_dim3A_341 : vector<16xi32>, vector<16xi1> -> vector<16xi32>
    %sub3A_343 = arith.subi %masked_cumsum3A_342, %get3A_339 : vector<16xi32>
    %add3A_344 = vector.broadcast %while3A_335#1 : i32 to vector<16xi32>
    %add3A_345 = arith.addi %add3A_344, %masked_cumsum3A_342 : vector<16xi32>
    %gt3A_346 = arith.constant 16384 : i32
    %gt3A_347 = vector.broadcast %gt3A_346 : i32 to vector<16xi32>
    %gt3A_348 = arith.cmpi sgt, %add3A_345, %gt3A_347 : vector<16xi32>
    %add3A_349 = vector.broadcast %while3A_335#1 : i32 to vector<16xi32>
    %add3A_350 = arith.addi %add3A_349, %sub3A_343 : vector<16xi32>
    %le3A_351 = arith.constant 16384 : i32
    %le3A_352 = vector.broadcast %le3A_351 : i32 to vector<16xi32>
    %le3A_353 = arith.cmpi sle, %add3A_350, %le3A_352 : vector<16xi32>
    %and3A_354 = arith.andi %gt3A_348, %le3A_353 : vector<16xi1>
    %convert_element_type3A_355 = arith.extui %and3A_354 : vector<16xi1> to vector<16xi32>
    %mul3A_356 = arith.constant 16 : i32
    %mul3A_357 = arith.muli %while3A_335#0, %mul3A_356 : i32
    %add3A_358 = vector.broadcast %mul3A_357 : i32 to vector<16xi32>
    %add3A_359 = arith.addi %add3A_358, %iota3A_318 : vector<16xi32>
    %mul3A_360 = arith.muli %convert_element_type3A_355, %add3A_359 : vector<16xi32>
    %reduce_sum3A_361 = arith.constant true
    %reduce_sum3A_362 = vector.broadcast %reduce_sum3A_361 : i1 to vector<16xi1>
    %reduce_sum3A_363 = tpu.scan <sum>, %mul3A_360 masked %reduce_sum3A_362 : vector<16xi32>, vector<16xi1> -> vector<16xi32>
    %reduce_sum3A_364 = vector.extract %reduce_sum3A_363[15] : i32 from vector<16xi32>
    %sub3A_365 = arith.constant 16384 : i32
    %sub3A_366 = arith.subi %sub3A_365, %while3A_335#1 : i32
    %sub3A_367 = vector.broadcast %sub3A_366 : i32 to vector<16xi32>
    %sub3A_368 = arith.subi %sub3A_367, %sub3A_343 : vector<16xi32>
    %mul3A_369 = arith.muli %convert_element_type3A_355, %sub3A_368 : vector<16xi32>
    %reduce_sum3A_370 = arith.constant true
    %reduce_sum3A_371 = vector.broadcast %reduce_sum3A_370 : i1 to vector<16xi1>
    %reduce_sum3A_372 = tpu.scan <sum>, %mul3A_369 masked %reduce_sum3A_371 : vector<16xi32>, vector<16xi1> -> vector<16xi32>
    %reduce_sum3A_373 = vector.extract %reduce_sum3A_372[15] : i32 from vector<16xi32>
    %parallel_loop3A_374 = arith.constant 0 : i32
    %parallel_loop3A_375 = arith.constant 2048 : i32
    %parallel_loop3A_376 = arith.constant 1 : i32
    %parallel_loop3A_377 = arith.constant 0 : i32
    %parallel_loop3A_378 = scf.for %parallel_loop3A_1231 = %parallel_loop3A_374 to %parallel_loop3A_375 step %parallel_loop3A_376 iter_args(%parallel_loop3A_1232 = %parallel_loop3A_377) -> (i32)  : i32 {
      %parallel_loop3A_1233 = arith.constant 16 : i32
      %parallel_loop3A_1234 = arith.muli %parallel_loop3A_1231, %parallel_loop3A_1233 : i32
      %parallel_loop3A_1235 = arith.index_cast %parallel_loop3A_1234 : i32 to index
      %parallel_loop3A_1236 = tpu.vector_load %arg5[%parallel_loop3A_1235] {strides = array<i32>} : memref<32768xf32, #tpu.memory_space<vmem>>, vector<16xf32>,
      %parallel_loop3A_1237 = tpu.bitcast %parallel_loop3A_1236 : vector<16xf32> -> vector<16xi32>
      %parallel_loop3A_1238 = arith.constant 2147483647 : i32
      %parallel_loop3A_1239 = vector.broadcast %parallel_loop3A_1238 : i32 to vector<16xi32>
      %parallel_loop3A_1240 = arith.andi %parallel_loop3A_1237, %parallel_loop3A_1239 : vector<16xi32>
      %parallel_loop3A_1241 = arith.constant 20 : i32
      %parallel_loop3A_1242 = vector.broadcast %parallel_loop3A_1241 : i32 to vector<16xi32>
      %parallel_loop3A_1243 = arith.shrsi %parallel_loop3A_1240, %parallel_loop3A_1242 : vector<16xi32>
      %parallel_loop3A_1244 = vector.broadcast %reduce_sum3A_364 : i32 to vector<16xi32>
      %parallel_loop3A_1245 = arith.cmpi eq, %parallel_loop3A_1243, %parallel_loop3A_1244 : vector<16xi32>
      %parallel_loop3A_1246 = arith.index_cast %parallel_loop3A_1232 : i32 to index
      %parallel_loop3A_1247 = tpu.vector_load %arg6[%parallel_loop3A_1246] masked %parallel_loop3A_1245 {strides = array<i32>} : memref<33024xi32, #tpu.memory_space<vmem>>, vector<16xi32>, vector<16xi1>
      tpu.vector_store %arg6[%parallel_loop3A_1246], %parallel_loop3A_1240 masked %parallel_loop3A_1245 {strides = array<i32>} : memref<33024xi32, #tpu.memory_space<vmem>>, vector<16xi32>, vector<16xi1>
      %parallel_loop3A_1248 = tpu.all_reduce %parallel_loop3A_1245 {dim = 0 : i64, kind = #tpu.reduction_kind<sum>} : vector<16xi1> -> vector<16xi32>
      %parallel_loop3A_1249 = vector.extract_strided_slice %parallel_loop3A_1248 {offsets = [0], sizes = [1], strides = [1]} : vector<16xi32> to vector<1xi32>
      %parallel_loop3A_1250 = vector.extract %parallel_loop3A_1249[0] : i32 from vector<1xi32>
      %parallel_loop3A_1251 = arith.addi %parallel_loop3A_1232, %parallel_loop3A_1250 : i32
      scf.yield %parallel_loop3A_1251 : i32
    } {sc.loop_unroll_factor = 16 : i64, sc.parallel_access}
    %broadcast_in_dim3A_379 = arith.constant 2147483647 : i32
    %broadcast_in_dim3A_380 = vector.broadcast %broadcast_in_dim3A_379 : i32 to vector<16xi32>
    %add3A_381 = arith.constant 0 : i32
    %add3A_382 = arith.addi %parallel_loop3A_378, %add3A_381 : i32
    %swap3A_383 = arith.index_cast %add3A_382 : i32 to index
    %swap3A_384 = tpu.vector_load %arg6[%swap3A_383] {strides = array<i32>} : memref<33024xi32, #tpu.memory_space<vmem>>, vector<16xi32>,
    tpu.vector_store %arg6[%swap3A_383], %broadcast_in_dim3A_380 {strides = array<i32>} : memref<33024xi32, #tpu.memory_space<vmem>>, vector<16xi32>,
    %broadcast_in_dim3A_385 = arith.constant 2147483647 : i32
    %broadcast_in_dim3A_386 = vector.broadcast %broadcast_in_dim3A_385 : i32 to vector<16xi32>
    %add3A_387 = arith.constant 16 : i32
    %add3A_388 = arith.addi %parallel_loop3A_378, %add3A_387 : i32
    %swap3A_389 = arith.index_cast %add3A_388 : i32 to index
    %swap3A_390 = tpu.vector_load %arg6[%swap3A_389] {strides = array<i32>} : memref<33024xi32, #tpu.memory_space<vmem>>, vector<16xi32>,
    tpu.vector_store %arg6[%swap3A_389], %broadcast_in_dim3A_386 {strides = array<i32>} : memref<33024xi32, #tpu.memory_space<vmem>>, vector<16xi32>,
    %broadcast_in_dim3A_391 = arith.constant 2147483647 : i32
    %broadcast_in_dim3A_392 = vector.broadcast %broadcast_in_dim3A_391 : i32 to vector<16xi32>
    %add3A_393 = arith.constant 32 : i32
    %add3A_394 = arith.addi %parallel_loop3A_378, %add3A_393 : i32
    %swap3A_395 = arith.index_cast %add3A_394 : i32 to index
    %swap3A_396 = tpu.vector_load %arg6[%swap3A_395] {strides = array<i32>} : memref<33024xi32, #tpu.memory_space<vmem>>, vector<16xi32>,
    tpu.vector_store %arg6[%swap3A_395], %broadcast_in_dim3A_392 {strides = array<i32>} : memref<33024xi32, #tpu.memory_space<vmem>>, vector<16xi32>,
    %broadcast_in_dim3A_397 = arith.constant 2147483647 : i32
    %broadcast_in_dim3A_398 = vector.broadcast %broadcast_in_dim3A_397 : i32 to vector<16xi32>
    %add3A_399 = arith.constant 48 : i32
    %add3A_400 = arith.addi %parallel_loop3A_378, %add3A_399 : i32
    %swap3A_401 = arith.index_cast %add3A_400 : i32 to index
    %swap3A_402 = tpu.vector_load %arg6[%swap3A_401] {strides = array<i32>} : memref<33024xi32, #tpu.memory_space<vmem>>, vector<16xi32>,
    tpu.vector_store %arg6[%swap3A_401], %broadcast_in_dim3A_398 {strides = array<i32>} : memref<33024xi32, #tpu.memory_space<vmem>>, vector<16xi32>,
    %broadcast_in_dim3A_403 = arith.constant 2147483647 : i32
    %broadcast_in_dim3A_404 = vector.broadcast %broadcast_in_dim3A_403 : i32 to vector<16xi32>
    %add3A_405 = arith.constant 64 : i32
    %add3A_406 = arith.addi %parallel_loop3A_378, %add3A_405 : i32
    %swap3A_407 = arith.index_cast %add3A_406 : i32 to index
    %swap3A_408 = tpu.vector_load %arg6[%swap3A_407] {strides = array<i32>} : memref<33024xi32, #tpu.memory_space<vmem>>, vector<16xi32>,
    tpu.vector_store %arg6[%swap3A_407], %broadcast_in_dim3A_404 {strides = array<i32>} : memref<33024xi32, #tpu.memory_space<vmem>>, vector<16xi32>,
    %broadcast_in_dim3A_409 = arith.constant 2147483647 : i32
    %broadcast_in_dim3A_410 = vector.broadcast %broadcast_in_dim3A_409 : i32 to vector<16xi32>
    %add3A_411 = arith.constant 80 : i32
    %add3A_412 = arith.addi %parallel_loop3A_378, %add3A_411 : i32
    %swap3A_413 = arith.index_cast %add3A_412 : i32 to index
    %swap3A_414 = tpu.vector_load %arg6[%swap3A_413] {strides = array<i32>} : memref<33024xi32, #tpu.memory_space<vmem>>, vector<16xi32>,
    tpu.vector_store %arg6[%swap3A_413], %broadcast_in_dim3A_410 {strides = array<i32>} : memref<33024xi32, #tpu.memory_space<vmem>>, vector<16xi32>,
    %broadcast_in_dim3A_415 = arith.constant 2147483647 : i32
    %broadcast_in_dim3A_416 = vector.broadcast %broadcast_in_dim3A_415 : i32 to vector<16xi32>
    %add3A_417 = arith.constant 96 : i32
    %add3A_418 = arith.addi %parallel_loop3A_378, %add3A_417 : i32
    %swap3A_419 = arith.index_cast %add3A_418 : i32 to index
    %swap3A_420 = tpu.vector_load %arg6[%swap3A_419] {strides = array<i32>} : memref<33024xi32, #tpu.memory_space<vmem>>, vector<16xi32>,
    tpu.vector_store %arg6[%swap3A_419], %broadcast_in_dim3A_416 {strides = array<i32>} : memref<33024xi32, #tpu.memory_space<vmem>>, vector<16xi32>,
    %broadcast_in_dim3A_421 = arith.constant 2147483647 : i32
    %broadcast_in_dim3A_422 = vector.broadcast %broadcast_in_dim3A_421 : i32 to vector<16xi32>
    %add3A_423 = arith.constant 112 : i32
    %add3A_424 = arith.addi %parallel_loop3A_378, %add3A_423 : i32
    %swap3A_425 = arith.index_cast %add3A_424 : i32 to index
    %swap3A_426 = tpu.vector_load %arg6[%swap3A_425] {strides = array<i32>} : memref<33024xi32, #tpu.memory_space<vmem>>, vector<16xi32>,
    tpu.vector_store %arg6[%swap3A_425], %broadcast_in_dim3A_422 {strides = array<i32>} : memref<33024xi32, #tpu.memory_space<vmem>>, vector<16xi32>,
    %broadcast_in_dim3A_427 = arith.constant 2147483647 : i32
    %broadcast_in_dim3A_428 = vector.broadcast %broadcast_in_dim3A_427 : i32 to vector<16xi32>
    %add3A_429 = arith.constant 128 : i32
    %add3A_430 = arith.addi %parallel_loop3A_378, %add3A_429 : i32
    %swap3A_431 = arith.index_cast %add3A_430 : i32 to index
    %swap3A_432 = tpu.vector_load %arg6[%swap3A_431] {strides = array<i32>} : memref<33024xi32, #tpu.memory_space<vmem>>, vector<16xi32>,
    tpu.vector_store %arg6[%swap3A_431], %broadcast_in_dim3A_428 {strides = array<i32>} : memref<33024xi32, #tpu.memory_space<vmem>>, vector<16xi32>,
    %broadcast_in_dim3A_433 = arith.constant 2147483647 : i32
    %broadcast_in_dim3A_434 = vector.broadcast %broadcast_in_dim3A_433 : i32 to vector<16xi32>
    %add3A_435 = arith.constant 144 : i32
    %add3A_436 = arith.addi %parallel_loop3A_378, %add3A_435 : i32
    %swap3A_437 = arith.index_cast %add3A_436 : i32 to index
    %swap3A_438 = tpu.vector_load %arg6[%swap3A_437] {strides = array<i32>} : memref<33024xi32, #tpu.memory_space<vmem>>, vector<16xi32>,
    tpu.vector_store %arg6[%swap3A_437], %broadcast_in_dim3A_434 {strides = array<i32>} : memref<33024xi32, #tpu.memory_space<vmem>>, vector<16xi32>,
    %broadcast_in_dim3A_439 = arith.constant 2147483647 : i32
    %broadcast_in_dim3A_440 = vector.broadcast %broadcast_in_dim3A_439 : i32 to vector<16xi32>
    %add3A_441 = arith.constant 160 : i32
    %add3A_442 = arith.addi %parallel_loop3A_378, %add3A_441 : i32
    %swap3A_443 = arith.index_cast %add3A_442 : i32 to index
    %swap3A_444 = tpu.vector_load %arg6[%swap3A_443] {strides = array<i32>} : memref<33024xi32, #tpu.memory_space<vmem>>, vector<16xi32>,
    tpu.vector_store %arg6[%swap3A_443], %broadcast_in_dim3A_440 {strides = array<i32>} : memref<33024xi32, #tpu.memory_space<vmem>>, vector<16xi32>,
    %broadcast_in_dim3A_445 = arith.constant 2147483647 : i32
    %broadcast_in_dim3A_446 = vector.broadcast %broadcast_in_dim3A_445 : i32 to vector<16xi32>
    %add3A_447 = arith.constant 176 : i32
    %add3A_448 = arith.addi %parallel_loop3A_378, %add3A_447 : i32
    %swap3A_449 = arith.index_cast %add3A_448 : i32 to index
    %swap3A_450 = tpu.vector_load %arg6[%swap3A_449] {strides = array<i32>} : memref<33024xi32, #tpu.memory_space<vmem>>, vector<16xi32>,
    tpu.vector_store %arg6[%swap3A_449], %broadcast_in_dim3A_446 {strides = array<i32>} : memref<33024xi32, #tpu.memory_space<vmem>>, vector<16xi32>,
    %broadcast_in_dim3A_451 = arith.constant 2147483647 : i32
    %broadcast_in_dim3A_452 = vector.broadcast %broadcast_in_dim3A_451 : i32 to vector<16xi32>
    %add3A_453 = arith.constant 192 : i32
    %add3A_454 = arith.addi %parallel_loop3A_378, %add3A_453 : i32
    %swap3A_455 = arith.index_cast %add3A_454 : i32 to index
    %swap3A_456 = tpu.vector_load %arg6[%swap3A_455] {strides = array<i32>} : memref<33024xi32, #tpu.memory_space<vmem>>, vector<16xi32>,
    tpu.vector_store %arg6[%swap3A_455], %broadcast_in_dim3A_452 {strides = array<i32>} : memref<33024xi32, #tpu.memory_space<vmem>>, vector<16xi32>,
    %broadcast_in_dim3A_457 = arith.constant 2147483647 : i32
    %broadcast_in_dim3A_458 = vector.broadcast %broadcast_in_dim3A_457 : i32 to vector<16xi32>
    %add3A_459 = arith.constant 208 : i32
    %add3A_460 = arith.addi %parallel_loop3A_378, %add3A_459 : i32
    %swap3A_461 = arith.index_cast %add3A_460 : i32 to index
    %swap3A_462 = tpu.vector_load %arg6[%swap3A_461] {strides = array<i32>} : memref<33024xi32, #tpu.memory_space<vmem>>, vector<16xi32>,
    tpu.vector_store %arg6[%swap3A_461], %broadcast_in_dim3A_458 {strides = array<i32>} : memref<33024xi32, #tpu.memory_space<vmem>>, vector<16xi32>,
    %broadcast_in_dim3A_463 = arith.constant 2147483647 : i32
    %broadcast_in_dim3A_464 = vector.broadcast %broadcast_in_dim3A_463 : i32 to vector<16xi32>
    %add3A_465 = arith.constant 224 : i32
    %add3A_466 = arith.addi %parallel_loop3A_378, %add3A_465 : i32
    %swap3A_467 = arith.index_cast %add3A_466 : i32 to index
    %swap3A_468 = tpu.vector_load %arg6[%swap3A_467] {strides = array<i32>} : memref<33024xi32, #tpu.memory_space<vmem>>, vector<16xi32>,
    tpu.vector_store %arg6[%swap3A_467], %broadcast_in_dim3A_464 {strides = array<i32>} : memref<33024xi32, #tpu.memory_space<vmem>>, vector<16xi32>,
    %broadcast_in_dim3A_469 = arith.constant 2147483647 : i32
    %broadcast_in_dim3A_470 = vector.broadcast %broadcast_in_dim3A_469 : i32 to vector<16xi32>
    %add3A_471 = arith.constant 240 : i32
    %add3A_472 = arith.addi %parallel_loop3A_378, %add3A_471 : i32
    %swap3A_473 = arith.index_cast %add3A_472 : i32 to index
    %swap3A_474 = tpu.vector_load %arg6[%swap3A_473] {strides = array<i32>} : memref<33024xi32, #tpu.memory_space<vmem>>, vector<16xi32>,
    tpu.vector_store %arg6[%swap3A_473], %broadcast_in_dim3A_470 {strides = array<i32>} : memref<33024xi32, #tpu.memory_space<vmem>>, vector<16xi32>,
    %broadcast_in_dim3A_475 = arith.constant 2147483647 : i32
    %broadcast_in_dim3A_476 = vector.broadcast %broadcast_in_dim3A_475 : i32 to vector<16xi32>
    %add3A_477 = arith.constant 256 : i32
    %add3A_478 = arith.addi %parallel_loop3A_378, %add3A_477 : i32
    %swap3A_479 = arith.index_cast %add3A_478 : i32 to index
    %swap3A_480 = tpu.vector_load %arg6[%swap3A_479] {strides = array<i32>} : memref<33024xi32, #tpu.memory_space<vmem>>, vector<16xi32>,
    tpu.vector_store %arg6[%swap3A_479], %broadcast_in_dim3A_476 {strides = array<i32>} : memref<33024xi32, #tpu.memory_space<vmem>>, vector<16xi32>,
    %broadcast_in_dim3A_481 = arith.constant 2147483647 : i32
    %broadcast_in_dim3A_482 = vector.broadcast %broadcast_in_dim3A_481 : i32 to vector<16xi32>
    %add3A_483 = arith.constant 272 : i32
    %add3A_484 = arith.addi %parallel_loop3A_378, %add3A_483 : i32
    %swap3A_485 = arith.index_cast %add3A_484 : i32 to index
    %swap3A_486 = tpu.vector_load %arg6[%swap3A_485] {strides = array<i32>} : memref<33024xi32, #tpu.memory_space<vmem>>, vector<16xi32>,
    tpu.vector_store %arg6[%swap3A_485], %broadcast_in_dim3A_482 {strides = array<i32>} : memref<33024xi32, #tpu.memory_space<vmem>>, vector<16xi32>,
    %broadcast_in_dim3A_487 = arith.constant 2147483647 : i32
    %broadcast_in_dim3A_488 = vector.broadcast %broadcast_in_dim3A_487 : i32 to vector<16xi32>
    %add3A_489 = arith.constant 288 : i32
    %add3A_490 = arith.addi %parallel_loop3A_378, %add3A_489 : i32
    %swap3A_491 = arith.index_cast %add3A_490 : i32 to index
    %swap3A_492 = tpu.vector_load %arg6[%swap3A_491] {strides = array<i32>} : memref<33024xi32, #tpu.memory_space<vmem>>, vector<16xi32>,
    tpu.vector_store %arg6[%swap3A_491], %broadcast_in_dim3A_488 {strides = array<i32>} : memref<33024xi32, #tpu.memory_space<vmem>>, vector<16xi32>,
    %broadcast_in_dim3A_493 = arith.constant 2147483647 : i32
    %broadcast_in_dim3A_494 = vector.broadcast %broadcast_in_dim3A_493 : i32 to vector<16xi32>
    %add3A_495 = arith.constant 304 : i32
    %add3A_496 = arith.addi %parallel_loop3A_378, %add3A_495 : i32
    %swap3A_497 = arith.index_cast %add3A_496 : i32 to index
    %swap3A_498 = tpu.vector_load %arg6[%swap3A_497] {strides = array<i32>} : memref<33024xi32, #tpu.memory_space<vmem>>, vector<16xi32>,
    tpu.vector_store %arg6[%swap3A_497], %broadcast_in_dim3A_494 {strides = array<i32>} : memref<33024xi32, #tpu.memory_space<vmem>>, vector<16xi32>,
    %broadcast_in_dim3A_499 = arith.constant 2147483647 : i32
    %broadcast_in_dim3A_500 = vector.broadcast %broadcast_in_dim3A_499 : i32 to vector<16xi32>
    %add3A_501 = arith.constant 320 : i32
    %add3A_502 = arith.addi %parallel_loop3A_378, %add3A_501 : i32
    %swap3A_503 = arith.index_cast %add3A_502 : i32 to index
    %swap3A_504 = tpu.vector_load %arg6[%swap3A_503] {strides = array<i32>} : memref<33024xi32, #tpu.memory_space<vmem>>, vector<16xi32>,
    tpu.vector_store %arg6[%swap3A_503], %broadcast_in_dim3A_500 {strides = array<i32>} : memref<33024xi32, #tpu.memory_space<vmem>>, vector<16xi32>,
    %broadcast_in_dim3A_505 = arith.constant 2147483647 : i32
    %broadcast_in_dim3A_506 = vector.broadcast %broadcast_in_dim3A_505 : i32 to vector<16xi32>
    %add3A_507 = arith.constant 336 : i32
    %add3A_508 = arith.addi %parallel_loop3A_378, %add3A_507 : i32
    %swap3A_509 = arith.index_cast %add3A_508 : i32 to index
    %swap3A_510 = tpu.vector_load %arg6[%swap3A_509] {strides = array<i32>} : memref<33024xi32, #tpu.memory_space<vmem>>, vector<16xi32>,
    tpu.vector_store %arg6[%swap3A_509], %broadcast_in_dim3A_506 {strides = array<i32>} : memref<33024xi32, #tpu.memory_space<vmem>>, vector<16xi32>,
    %broadcast_in_dim3A_511 = arith.constant 2147483647 : i32
    %broadcast_in_dim3A_512 = vector.broadcast %broadcast_in_dim3A_511 : i32 to vector<16xi32>
    %add3A_513 = arith.constant 352 : i32
    %add3A_514 = arith.addi %parallel_loop3A_378, %add3A_513 : i32
    %swap3A_515 = arith.index_cast %add3A_514 : i32 to index
    %swap3A_516 = tpu.vector_load %arg6[%swap3A_515] {strides = array<i32>} : memref<33024xi32, #tpu.memory_space<vmem>>, vector<16xi32>,
    tpu.vector_store %arg6[%swap3A_515], %broadcast_in_dim3A_512 {strides = array<i32>} : memref<33024xi32, #tpu.memory_space<vmem>>, vector<16xi32>,
    %broadcast_in_dim3A_517 = arith.constant 2147483647 : i32
    %broadcast_in_dim3A_518 = vector.broadcast %broadcast_in_dim3A_517 : i32 to vector<16xi32>
    %add3A_519 = arith.constant 368 : i32
    %add3A_520 = arith.addi %parallel_loop3A_378, %add3A_519 : i32
    %swap3A_521 = arith.index_cast %add3A_520 : i32 to index
    %swap3A_522 = tpu.vector_load %arg6[%swap3A_521] {strides = array<i32>} : memref<33024xi32, #tpu.memory_space<vmem>>, vector<16xi32>,
    tpu.vector_store %arg6[%swap3A_521], %broadcast_in_dim3A_518 {strides = array<i32>} : memref<33024xi32, #tpu.memory_space<vmem>>, vector<16xi32>,
    %broadcast_in_dim3A_523 = arith.constant 2147483647 : i32
    %broadcast_in_dim3A_524 = vector.broadcast %broadcast_in_dim3A_523 : i32 to vector<16xi32>
    %add3A_525 = arith.constant 384 : i32
    %add3A_526 = arith.addi %parallel_loop3A_378, %add3A_525 : i32
    %swap3A_527 = arith.index_cast %add3A_526 : i32 to index
    %swap3A_528 = tpu.vector_load %arg6[%swap3A_527] {strides = array<i32>} : memref<33024xi32, #tpu.memory_space<vmem>>, vector<16xi32>,
    tpu.vector_store %arg6[%swap3A_527], %broadcast_in_dim3A_524 {strides = array<i32>} : memref<33024xi32, #tpu.memory_space<vmem>>, vector<16xi32>,
    %broadcast_in_dim3A_529 = arith.constant 2147483647 : i32
    %broadcast_in_dim3A_530 = vector.broadcast %broadcast_in_dim3A_529 : i32 to vector<16xi32>
    %add3A_531 = arith.constant 400 : i32
    %add3A_532 = arith.addi %parallel_loop3A_378, %add3A_531 : i32
    %swap3A_533 = arith.index_cast %add3A_532 : i32 to index
    %swap3A_534 = tpu.vector_load %arg6[%swap3A_533] {strides = array<i32>} : memref<33024xi32, #tpu.memory_space<vmem>>, vector<16xi32>,
    tpu.vector_store %arg6[%swap3A_533], %broadcast_in_dim3A_530 {strides = array<i32>} : memref<33024xi32, #tpu.memory_space<vmem>>, vector<16xi32>,
    %broadcast_in_dim3A_535 = arith.constant 2147483647 : i32
    %broadcast_in_dim3A_536 = vector.broadcast %broadcast_in_dim3A_535 : i32 to vector<16xi32>
    %add3A_537 = arith.constant 416 : i32
    %add3A_538 = arith.addi %parallel_loop3A_378, %add3A_537 : i32
    %swap3A_539 = arith.index_cast %add3A_538 : i32 to index
    %swap3A_540 = tpu.vector_load %arg6[%swap3A_539] {strides = array<i32>} : memref<33024xi32, #tpu.memory_space<vmem>>, vector<16xi32>,
    tpu.vector_store %arg6[%swap3A_539], %broadcast_in_dim3A_536 {strides = array<i32>} : memref<33024xi32, #tpu.memory_space<vmem>>, vector<16xi32>,
    %broadcast_in_dim3A_541 = arith.constant 2147483647 : i32
    %broadcast_in_dim3A_542 = vector.broadcast %broadcast_in_dim3A_541 : i32 to vector<16xi32>
    %add3A_543 = arith.constant 432 : i32
    %add3A_544 = arith.addi %parallel_loop3A_378, %add3A_543 : i32
    %swap3A_545 = arith.index_cast %add3A_544 : i32 to index
    %swap3A_546 = tpu.vector_load %arg6[%swap3A_545] {strides = array<i32>} : memref<33024xi32, #tpu.memory_space<vmem>>, vector<16xi32>,
    tpu.vector_store %arg6[%swap3A_545], %broadcast_in_dim3A_542 {strides = array<i32>} : memref<33024xi32, #tpu.memory_space<vmem>>, vector<16xi32>,
    %broadcast_in_dim3A_547 = arith.constant 2147483647 : i32
    %broadcast_in_dim3A_548 = vector.broadcast %broadcast_in_dim3A_547 : i32 to vector<16xi32>
    %add3A_549 = arith.constant 448 : i32
    %add3A_550 = arith.addi %parallel_loop3A_378, %add3A_549 : i32
    %swap3A_551 = arith.index_cast %add3A_550 : i32 to index
    %swap3A_552 = tpu.vector_load %arg6[%swap3A_551] {strides = array<i32>} : memref<33024xi32, #tpu.memory_space<vmem>>, vector<16xi32>,
    tpu.vector_store %arg6[%swap3A_551], %broadcast_in_dim3A_548 {strides = array<i32>} : memref<33024xi32, #tpu.memory_space<vmem>>, vector<16xi32>,
    %broadcast_in_dim3A_553 = arith.constant 2147483647 : i32
    %broadcast_in_dim3A_554 = vector.broadcast %broadcast_in_dim3A_553 : i32 to vector<16xi32>
    %add3A_555 = arith.constant 464 : i32
    %add3A_556 = arith.addi %parallel_loop3A_378, %add3A_555 : i32
    %swap3A_557 = arith.index_cast %add3A_556 : i32 to index
    %swap3A_558 = tpu.vector_load %arg6[%swap3A_557] {strides = array<i32>} : memref<33024xi32, #tpu.memory_space<vmem>>, vector<16xi32>,
    tpu.vector_store %arg6[%swap3A_557], %broadcast_in_dim3A_554 {strides = array<i32>} : memref<33024xi32, #tpu.memory_space<vmem>>, vector<16xi32>,
    %broadcast_in_dim3A_559 = arith.constant 2147483647 : i32
    %broadcast_in_dim3A_560 = vector.broadcast %broadcast_in_dim3A_559 : i32 to vector<16xi32>
    %add3A_561 = arith.constant 480 : i32
    %add3A_562 = arith.addi %parallel_loop3A_378, %add3A_561 : i32
    %swap3A_563 = arith.index_cast %add3A_562 : i32 to index
    %swap3A_564 = tpu.vector_load %arg6[%swap3A_563] {strides = array<i32>} : memref<33024xi32, #tpu.memory_space<vmem>>, vector<16xi32>,
    tpu.vector_store %arg6[%swap3A_563], %broadcast_in_dim3A_560 {strides = array<i32>} : memref<33024xi32, #tpu.memory_space<vmem>>, vector<16xi32>,
    %broadcast_in_dim3A_565 = arith.constant 2147483647 : i32
    %broadcast_in_dim3A_566 = vector.broadcast %broadcast_in_dim3A_565 : i32 to vector<16xi32>
    %add3A_567 = arith.constant 496 : i32
    %add3A_568 = arith.addi %parallel_loop3A_378, %add3A_567 : i32
    %swap3A_569 = arith.index_cast %add3A_568 : i32 to index
    %swap3A_570 = tpu.vector_load %arg6[%swap3A_569] {strides = array<i32>} : memref<33024xi32, #tpu.memory_space<vmem>>, vector<16xi32>,
    tpu.vector_store %arg6[%swap3A_569], %broadcast_in_dim3A_566 {strides = array<i32>} : memref<33024xi32, #tpu.memory_space<vmem>>, vector<16xi32>,
    %add3A_571 = arith.constant 256 : i32
    %add3A_572 = arith.addi %parallel_loop3A_378, %add3A_571 : i32
    %sub3A_573 = arith.constant 1 : i32
    %sub3A_574 = arith.subi %add3A_572, %sub3A_573 : i32
    %jit3A_575 = arith.constant 256 : i32
    %div3A_576 = arith.divsi %sub3A_574, %jit3A_575 : i32
    %sign3A_577 = arith.constant 0 : i32
    %sign3A_578 = arith.cmpi sgt, %sub3A_574, %sign3A_577 : i32
    %sign3A_579 = arith.extui %sign3A_578 : i1 to i32
    %sign3A_580 = arith.constant 0 : i32
    %sign3A_581 = arith.cmpi slt, %sub3A_574, %sign3A_580 : i32
    %sign3A_582 = arith.extui %sign3A_581 : i1 to i32
    %sign3A_583 = arith.subi %sign3A_579, %sign3A_582 : i32
    %sign3A_584 = arith.constant 0 : i32
    %sign3A_585 = arith.cmpi sgt, %jit3A_575, %sign3A_584 : i32
    %sign3A_586 = arith.extui %sign3A_585 : i1 to i32
    %sign3A_587 = arith.constant 0 : i32
    %sign3A_588 = arith.cmpi slt, %jit3A_575, %sign3A_587 : i32
    %sign3A_589 = arith.extui %sign3A_588 : i1 to i32
    %sign3A_590 = arith.subi %sign3A_586, %sign3A_589 : i32
    %ne3A_591 = arith.cmpi ne, %sign3A_583, %sign3A_590 : i32
    %rem3A_592 = arith.remsi %sub3A_574, %jit3A_575 : i32
    %ne3A_593 = arith.constant 0 : i32
    %ne3A_594 = arith.cmpi ne, %rem3A_592, %ne3A_593 : i32
    %and3A_595 = arith.andi %ne3A_591, %ne3A_594 : i1
    %sub3A_596 = arith.constant 1 : i32
    %sub3A_597 = arith.subi %div3A_576, %sub3A_596 : i32
    %select_n3A_598 = arith.select %and3A_595, %sub3A_597, %div3A_576 : i32
    %shift_left3A_599 = arith.constant 20 : i32
    %shift_left3A_600 = arith.shli %reduce_sum3A_364, %shift_left3A_599 : i32
    %scan3A_601 = arith.constant 0 : i32
    %scan3A_602 = arith.constant 20 : i32
    %scan3A_603 = arith.addi %scan3A_601, %scan3A_602 : i32
    %scan3A_604 = arith.constant 1 : i32
    %scan3A_605 = scf.for %scan3A_1231 = %scan3A_601 to %scan3A_603 step %scan3A_604 iter_args(%scan3A_1232 = %shift_left3A_600) -> (i32)  : i32 {
      %sub3A_1233 = arith.constant 19 : i32
      %sub3A_1234 = arith.subi %sub3A_1233, %scan3A_1231 : i32
      %shift_left3A_1235 = arith.constant 1 : i32
      %shift_left3A_1236 = arith.shli %shift_left3A_1235, %sub3A_1234 : i32
      %or3A = arith.ori %scan3A_1232, %shift_left3A_1236 : i32
      %broadcast_in_dim3A_1237 = arith.constant 0 : i32
      %broadcast_in_dim3A_1238 = vector.broadcast %broadcast_in_dim3A_1237 : i32 to vector<16xi32>
      %broadcast_in_dim3A_1239 = arith.constant 0 : i32
      %broadcast_in_dim3A_1240 = vector.broadcast %broadcast_in_dim3A_1239 : i32 to vector<16xi32>
      %broadcast_in_dim3A_1241 = arith.constant 0 : i32
      %broadcast_in_dim3A_1242 = vector.broadcast %broadcast_in_dim3A_1241 : i32 to vector<16xi32>
      %broadcast_in_dim3A_1243 = arith.constant 0 : i32
      %broadcast_in_dim3A_1244 = vector.broadcast %broadcast_in_dim3A_1243 : i32 to vector<16xi32>
      %broadcast_in_dim3A_1245 = arith.constant 0 : i32
      %broadcast_in_dim3A_1246 = vector.broadcast %broadcast_in_dim3A_1245 : i32 to vector<16xi32>
      %broadcast_in_dim3A_1247 = arith.constant 0 : i32
      %broadcast_in_dim3A_1248 = vector.broadcast %broadcast_in_dim3A_1247 : i32 to vector<16xi32>
      %broadcast_in_dim3A_1249 = arith.constant 0 : i32
      %broadcast_in_dim3A_1250 = vector.broadcast %broadcast_in_dim3A_1249 : i32 to vector<16xi32>
      %broadcast_in_dim3A_1251 = arith.constant 0 : i32
      %broadcast_in_dim3A_1252 = vector.broadcast %broadcast_in_dim3A_1251 : i32 to vector<16xi32>
      %broadcast_in_dim3A_1253 = arith.constant 0 : i32
      %broadcast_in_dim3A_1254 = vector.broadcast %broadcast_in_dim3A_1253 : i32 to vector<16xi32>
      %broadcast_in_dim3A_1255 = arith.constant 0 : i32
      %broadcast_in_dim3A_1256 = vector.broadcast %broadcast_in_dim3A_1255 : i32 to vector<16xi32>
      %broadcast_in_dim3A_1257 = arith.constant 0 : i32
      %broadcast_in_dim3A_1258 = vector.broadcast %broadcast_in_dim3A_1257 : i32 to vector<16xi32>
      %broadcast_in_dim3A_1259 = arith.constant 0 : i32
      %broadcast_in_dim3A_1260 = vector.broadcast %broadcast_in_dim3A_1259 : i32 to vector<16xi32>
      %broadcast_in_dim3A_1261 = arith.constant 0 : i32
      %broadcast_in_dim3A_1262 = vector.broadcast %broadcast_in_dim3A_1261 : i32 to vector<16xi32>
      %broadcast_in_dim3A_1263 = arith.constant 0 : i32
      %broadcast_in_dim3A_1264 = vector.broadcast %broadcast_in_dim3A_1263 : i32 to vector<16xi32>
      %broadcast_in_dim3A_1265 = arith.constant 0 : i32
      %broadcast_in_dim3A_1266 = vector.broadcast %broadcast_in_dim3A_1265 : i32 to vector<16xi32>
      %broadcast_in_dim3A_1267 = arith.constant 0 : i32
      %broadcast_in_dim3A_1268 = vector.broadcast %broadcast_in_dim3A_1267 : i32 to vector<16xi32>
      %while3A_1269 = arith.constant 0 : i32
      %while3A_1270 = arith.subi %select_n3A_598, %while3A_1269 : i32
      %while3A_1271 = arith.addi %while3A_1269, %while3A_1270 : i32
      %while3A_1272 = arith.constant 1 : i32
      %while3A_1273 = arith.divsi %while3A_1270, %while3A_1272 : i32
      %while3A_1274 = arith.muli %while3A_1273, %while3A_1272 : i32
      %while3A_1275 = arith.addi %while3A_1269, %while3A_1274 : i32
      %while3A_1276 = arith.constant 1 : i32
      %while3A_1277:16 = scf.for %while3A_1304 = %while3A_1269 to %while3A_1275 step %while3A_1276 iter_args(%while3A_1305 = %broadcast_in_dim3A_1238, %while3A_1306 = %broadcast_in_dim3A_1240, %while3A_1307 = %broadcast_in_dim3A_1242, %while3A_1308 = %broadcast_in_dim3A_1244, %while3A_1309 = %broadcast_in_dim3A_1246, %while3A_1310 = %broadcast_in_dim3A_1248, %while3A_1311 = %broadcast_in_dim3A_1250, %while3A_1312 = %broadcast_in_dim3A_1252, %while3A_1313 = %broadcast_in_dim3A_1254, %while3A_1314 = %broadcast_in_dim3A_1256, %while3A_1315 = %broadcast_in_dim3A_1258, %while3A_1316 = %broadcast_in_dim3A_1260, %while3A_1317 = %broadcast_in_dim3A_1262, %while3A_1318 = %broadcast_in_dim3A_1264, %while3A_1319 = %broadcast_in_dim3A_1266, %while3A_1320 = %broadcast_in_dim3A_1268) -> (vector<16xi32>, vector<16xi32>, vector<16xi32>, vector<16xi32>, vector<16xi32>, vector<16xi32>, vector<16xi32>, vector<16xi32>, vector<16xi32>, vector<16xi32>, vector<16xi32>, vector<16xi32>, vector<16xi32>, vector<16xi32>, vector<16xi32>, vector<16xi32>)  : i32 {
        %mul3A_1321 = arith.constant 16 : i32
        %mul3A_1322 = arith.muli %while3A_1304, %mul3A_1321 : i32
        %add3A_1323 = arith.constant 0 : i32
        %add3A_1324 = arith.addi %mul3A_1322, %add3A_1323 : i32
        %mul3A_1325 = arith.constant 16 : i32
        %mul3A_1326 = arith.muli %add3A_1324, %mul3A_1325 : i32
        %get3A_1327 = arith.index_cast %mul3A_1326 : i32 to index
        %get3A_1328 = tpu.vector_load %arg6[%get3A_1327] {strides = array<i32>} : memref<33024xi32, #tpu.memory_space<vmem>>, vector<16xi32>,
        %mul3A_1329 = arith.constant 16 : i32
        %mul3A_1330 = arith.muli %while3A_1304, %mul3A_1329 : i32
        %add3A_1331 = arith.constant 1 : i32
        %add3A_1332 = arith.addi %mul3A_1330, %add3A_1331 : i32
        %mul3A_1333 = arith.constant 16 : i32
        %mul3A_1334 = arith.muli %add3A_1332, %mul3A_1333 : i32
        %get3A_1335 = arith.index_cast %mul3A_1334 : i32 to index
        %get3A_1336 = tpu.vector_load %arg6[%get3A_1335] {strides = array<i32>} : memref<33024xi32, #tpu.memory_space<vmem>>, vector<16xi32>,
        %mul3A_1337 = arith.constant 16 : i32
        %mul3A_1338 = arith.muli %while3A_1304, %mul3A_1337 : i32
        %add3A_1339 = arith.constant 2 : i32
        %add3A_1340 = arith.addi %mul3A_1338, %add3A_1339 : i32
        %mul3A_1341 = arith.constant 16 : i32
        %mul3A_1342 = arith.muli %add3A_1340, %mul3A_1341 : i32
        %get3A_1343 = arith.index_cast %mul3A_1342 : i32 to index
        %get3A_1344 = tpu.vector_load %arg6[%get3A_1343] {strides = array<i32>} : memref<33024xi32, #tpu.memory_space<vmem>>, vector<16xi32>,
        %mul3A_1345 = arith.constant 16 : i32
        %mul3A_1346 = arith.muli %while3A_1304, %mul3A_1345 : i32
        %add3A_1347 = arith.constant 3 : i32
        %add3A_1348 = arith.addi %mul3A_1346, %add3A_1347 : i32
        %mul3A_1349 = arith.constant 16 : i32
        %mul3A_1350 = arith.muli %add3A_1348, %mul3A_1349 : i32
        %get3A_1351 = arith.index_cast %mul3A_1350 : i32 to index
        %get3A_1352 = tpu.vector_load %arg6[%get3A_1351] {strides = array<i32>} : memref<33024xi32, #tpu.memory_space<vmem>>, vector<16xi32>,
        %mul3A_1353 = arith.constant 16 : i32
        %mul3A_1354 = arith.muli %while3A_1304, %mul3A_1353 : i32
        %add3A_1355 = arith.constant 4 : i32
        %add3A_1356 = arith.addi %mul3A_1354, %add3A_1355 : i32
        %mul3A_1357 = arith.constant 16 : i32
        %mul3A_1358 = arith.muli %add3A_1356, %mul3A_1357 : i32
        %get3A_1359 = arith.index_cast %mul3A_1358 : i32 to index
        %get3A_1360 = tpu.vector_load %arg6[%get3A_1359] {strides = array<i32>} : memref<33024xi32, #tpu.memory_space<vmem>>, vector<16xi32>,
        %mul3A_1361 = arith.constant 16 : i32
        %mul3A_1362 = arith.muli %while3A_1304, %mul3A_1361 : i32
        %add3A_1363 = arith.constant 5 : i32
        %add3A_1364 = arith.addi %mul3A_1362, %add3A_1363 : i32
        %mul3A_1365 = arith.constant 16 : i32
        %mul3A_1366 = arith.muli %add3A_1364, %mul3A_1365 : i32
        %get3A_1367 = arith.index_cast %mul3A_1366 : i32 to index
        %get3A_1368 = tpu.vector_load %arg6[%get3A_1367] {strides = array<i32>} : memref<33024xi32, #tpu.memory_space<vmem>>, vector<16xi32>,
        %mul3A_1369 = arith.constant 16 : i32
        %mul3A_1370 = arith.muli %while3A_1304, %mul3A_1369 : i32
        %add3A_1371 = arith.constant 6 : i32
        %add3A_1372 = arith.addi %mul3A_1370, %add3A_1371 : i32
        %mul3A_1373 = arith.constant 16 : i32
        %mul3A_1374 = arith.muli %add3A_1372, %mul3A_1373 : i32
        %get3A_1375 = arith.index_cast %mul3A_1374 : i32 to index
        %get3A_1376 = tpu.vector_load %arg6[%get3A_1375] {strides = array<i32>} : memref<33024xi32, #tpu.memory_space<vmem>>, vector<16xi32>,
        %mul3A_1377 = arith.constant 16 : i32
        %mul3A_1378 = arith.muli %while3A_1304, %mul3A_1377 : i32
        %add3A_1379 = arith.constant 7 : i32
        %add3A_1380 = arith.addi %mul3A_1378, %add3A_1379 : i32
        %mul3A_1381 = arith.constant 16 : i32
        %mul3A_1382 = arith.muli %add3A_1380, %mul3A_1381 : i32
        %get3A_1383 = arith.index_cast %mul3A_1382 : i32 to index
        %get3A_1384 = tpu.vector_load %arg6[%get3A_1383] {strides = array<i32>} : memref<33024xi32, #tpu.memory_space<vmem>>, vector<16xi32>,
        %mul3A_1385 = arith.constant 16 : i32
        %mul3A_1386 = arith.muli %while3A_1304, %mul3A_1385 : i32
        %add3A_1387 = arith.constant 8 : i32
        %add3A_1388 = arith.addi %mul3A_1386, %add3A_1387 : i32
        %mul3A_1389 = arith.constant 16 : i32
        %mul3A_1390 = arith.muli %add3A_1388, %mul3A_1389 : i32
        %get3A_1391 = arith.index_cast %mul3A_1390 : i32 to index
        %get3A_1392 = tpu.vector_load %arg6[%get3A_1391] {strides = array<i32>} : memref<33024xi32, #tpu.memory_space<vmem>>, vector<16xi32>,
        %mul3A_1393 = arith.constant 16 : i32
        %mul3A_1394 = arith.muli %while3A_1304, %mul3A_1393 : i32
        %add3A_1395 = arith.constant 9 : i32
        %add3A_1396 = arith.addi %mul3A_1394, %add3A_1395 : i32
        %mul3A_1397 = arith.constant 16 : i32
        %mul3A_1398 = arith.muli %add3A_1396, %mul3A_1397 : i32
        %get3A_1399 = arith.index_cast %mul3A_1398 : i32 to index
        %get3A_1400 = tpu.vector_load %arg6[%get3A_1399] {strides = array<i32>} : memref<33024xi32, #tpu.memory_space<vmem>>, vector<16xi32>,
        %mul3A_1401 = arith.constant 16 : i32
        %mul3A_1402 = arith.muli %while3A_1304, %mul3A_1401 : i32
        %add3A_1403 = arith.constant 10 : i32
        %add3A_1404 = arith.addi %mul3A_1402, %add3A_1403 : i32
        %mul3A_1405 = arith.constant 16 : i32
        %mul3A_1406 = arith.muli %add3A_1404, %mul3A_1405 : i32
        %get3A_1407 = arith.index_cast %mul3A_1406 : i32 to index
        %get3A_1408 = tpu.vector_load %arg6[%get3A_1407] {strides = array<i32>} : memref<33024xi32, #tpu.memory_space<vmem>>, vector<16xi32>,
        %mul3A_1409 = arith.constant 16 : i32
        %mul3A_1410 = arith.muli %while3A_1304, %mul3A_1409 : i32
        %add3A_1411 = arith.constant 11 : i32
        %add3A_1412 = arith.addi %mul3A_1410, %add3A_1411 : i32
        %mul3A_1413 = arith.constant 16 : i32
        %mul3A_1414 = arith.muli %add3A_1412, %mul3A_1413 : i32
        %get3A_1415 = arith.index_cast %mul3A_1414 : i32 to index
        %get3A_1416 = tpu.vector_load %arg6[%get3A_1415] {strides = array<i32>} : memref<33024xi32, #tpu.memory_space<vmem>>, vector<16xi32>,
        %mul3A_1417 = arith.constant 16 : i32
        %mul3A_1418 = arith.muli %while3A_1304, %mul3A_1417 : i32
        %add3A_1419 = arith.constant 12 : i32
        %add3A_1420 = arith.addi %mul3A_1418, %add3A_1419 : i32
        %mul3A_1421 = arith.constant 16 : i32
        %mul3A_1422 = arith.muli %add3A_1420, %mul3A_1421 : i32
        %get3A_1423 = arith.index_cast %mul3A_1422 : i32 to index
        %get3A_1424 = tpu.vector_load %arg6[%get3A_1423] {strides = array<i32>} : memref<33024xi32, #tpu.memory_space<vmem>>, vector<16xi32>,
        %mul3A_1425 = arith.constant 16 : i32
        %mul3A_1426 = arith.muli %while3A_1304, %mul3A_1425 : i32
        %add3A_1427 = arith.constant 13 : i32
        %add3A_1428 = arith.addi %mul3A_1426, %add3A_1427 : i32
        %mul3A_1429 = arith.constant 16 : i32
        %mul3A_1430 = arith.muli %add3A_1428, %mul3A_1429 : i32
        %get3A_1431 = arith.index_cast %mul3A_1430 : i32 to index
        %get3A_1432 = tpu.vector_load %arg6[%get3A_1431] {strides = array<i32>} : memref<33024xi32, #tpu.memory_space<vmem>>, vector<16xi32>,
        %mul3A_1433 = arith.constant 16 : i32
        %mul3A_1434 = arith.muli %while3A_1304, %mul3A_1433 : i32
        %add3A_1435 = arith.constant 14 : i32
        %add3A_1436 = arith.addi %mul3A_1434, %add3A_1435 : i32
        %mul3A_1437 = arith.constant 16 : i32
        %mul3A_1438 = arith.muli %add3A_1436, %mul3A_1437 : i32
        %get3A_1439 = arith.index_cast %mul3A_1438 : i32 to index
        %get3A_1440 = tpu.vector_load %arg6[%get3A_1439] {strides = array<i32>} : memref<33024xi32, #tpu.memory_space<vmem>>, vector<16xi32>,
        %mul3A_1441 = arith.constant 16 : i32
        %mul3A_1442 = arith.muli %while3A_1304, %mul3A_1441 : i32
        %add3A_1443 = arith.constant 15 : i32
        %add3A_1444 = arith.addi %mul3A_1442, %add3A_1443 : i32
        %mul3A_1445 = arith.constant 16 : i32
        %mul3A_1446 = arith.muli %add3A_1444, %mul3A_1445 : i32
        %get3A_1447 = arith.index_cast %mul3A_1446 : i32 to index
        %get3A_1448 = tpu.vector_load %arg6[%get3A_1447] {strides = array<i32>} : memref<33024xi32, #tpu.memory_space<vmem>>, vector<16xi32>,
        %lt3A = vector.broadcast %or3A : i32 to vector<16xi32>
        %lt3A_1449 = arith.cmpi slt, %get3A_1328, %lt3A : vector<16xi32>
        %convert_element_type3A_1450 = arith.extui %lt3A_1449 : vector<16xi1> to vector<16xi32>
        %lt3A_1451 = vector.broadcast %or3A : i32 to vector<16xi32>
        %lt3A_1452 = arith.cmpi slt, %get3A_1336, %lt3A_1451 : vector<16xi32>
        %convert_element_type3A_1453 = arith.extui %lt3A_1452 : vector<16xi1> to vector<16xi32>
        %lt3A_1454 = vector.broadcast %or3A : i32 to vector<16xi32>
        %lt3A_1455 = arith.cmpi slt, %get3A_1344, %lt3A_1454 : vector<16xi32>
        %convert_element_type3A_1456 = arith.extui %lt3A_1455 : vector<16xi1> to vector<16xi32>
        %lt3A_1457 = vector.broadcast %or3A : i32 to vector<16xi32>
        %lt3A_1458 = arith.cmpi slt, %get3A_1352, %lt3A_1457 : vector<16xi32>
        %convert_element_type3A_1459 = arith.extui %lt3A_1458 : vector<16xi1> to vector<16xi32>
        %lt3A_1460 = vector.broadcast %or3A : i32 to vector<16xi32>
        %lt3A_1461 = arith.cmpi slt, %get3A_1360, %lt3A_1460 : vector<16xi32>
        %convert_element_type3A_1462 = arith.extui %lt3A_1461 : vector<16xi1> to vector<16xi32>
        %lt3A_1463 = vector.broadcast %or3A : i32 to vector<16xi32>
        %lt3A_1464 = arith.cmpi slt, %get3A_1368, %lt3A_1463 : vector<16xi32>
        %convert_element_type3A_1465 = arith.extui %lt3A_1464 : vector<16xi1> to vector<16xi32>
        %lt3A_1466 = vector.broadcast %or3A : i32 to vector<16xi32>
        %lt3A_1467 = arith.cmpi slt, %get3A_1376, %lt3A_1466 : vector<16xi32>
        %convert_element_type3A_1468 = arith.extui %lt3A_1467 : vector<16xi1> to vector<16xi32>
        %lt3A_1469 = vector.broadcast %or3A : i32 to vector<16xi32>
        %lt3A_1470 = arith.cmpi slt, %get3A_1384, %lt3A_1469 : vector<16xi32>
        %convert_element_type3A_1471 = arith.extui %lt3A_1470 : vector<16xi1> to vector<16xi32>
        %lt3A_1472 = vector.broadcast %or3A : i32 to vector<16xi32>
        %lt3A_1473 = arith.cmpi slt, %get3A_1392, %lt3A_1472 : vector<16xi32>
        %convert_element_type3A_1474 = arith.extui %lt3A_1473 : vector<16xi1> to vector<16xi32>
        %lt3A_1475 = vector.broadcast %or3A : i32 to vector<16xi32>
        %lt3A_1476 = arith.cmpi slt, %get3A_1400, %lt3A_1475 : vector<16xi32>
        %convert_element_type3A_1477 = arith.extui %lt3A_1476 : vector<16xi1> to vector<16xi32>
        %lt3A_1478 = vector.broadcast %or3A : i32 to vector<16xi32>
        %lt3A_1479 = arith.cmpi slt, %get3A_1408, %lt3A_1478 : vector<16xi32>
        %convert_element_type3A_1480 = arith.extui %lt3A_1479 : vector<16xi1> to vector<16xi32>
        %lt3A_1481 = vector.broadcast %or3A : i32 to vector<16xi32>
        %lt3A_1482 = arith.cmpi slt, %get3A_1416, %lt3A_1481 : vector<16xi32>
        %convert_element_type3A_1483 = arith.extui %lt3A_1482 : vector<16xi1> to vector<16xi32>
        %lt3A_1484 = vector.broadcast %or3A : i32 to vector<16xi32>
        %lt3A_1485 = arith.cmpi slt, %get3A_1424, %lt3A_1484 : vector<16xi32>
        %convert_element_type3A_1486 = arith.extui %lt3A_1485 : vector<16xi1> to vector<16xi32>
        %lt3A_1487 = vector.broadcast %or3A : i32 to vector<16xi32>
        %lt3A_1488 = arith.cmpi slt, %get3A_1432, %lt3A_1487 : vector<16xi32>
        %convert_element_type3A_1489 = arith.extui %lt3A_1488 : vector<16xi1> to vector<16xi32>
        %lt3A_1490 = vector.broadcast %or3A : i32 to vector<16xi32>
        %lt3A_1491 = arith.cmpi slt, %get3A_1440, %lt3A_1490 : vector<16xi32>
        %convert_element_type3A_1492 = arith.extui %lt3A_1491 : vector<16xi1> to vector<16xi32>
        %lt3A_1493 = vector.broadcast %or3A : i32 to vector<16xi32>
        %lt3A_1494 = arith.cmpi slt, %get3A_1448, %lt3A_1493 : vector<16xi32>
        %convert_element_type3A_1495 = arith.extui %lt3A_1494 : vector<16xi1> to vector<16xi32>
        %add3A_1496 = arith.addi %while3A_1305, %convert_element_type3A_1450 : vector<16xi32>
        %add3A_1497 = arith.addi %while3A_1306, %convert_element_type3A_1453 : vector<16xi32>
        %add3A_1498 = arith.addi %while3A_1307, %convert_element_type3A_1456 : vector<16xi32>
        %add3A_1499 = arith.addi %while3A_1308, %convert_element_type3A_1459 : vector<16xi32>
        %add3A_1500 = arith.addi %while3A_1309, %convert_element_type3A_1462 : vector<16xi32>
        %add3A_1501 = arith.addi %while3A_1310, %convert_element_type3A_1465 : vector<16xi32>
        %add3A_1502 = arith.addi %while3A_1311, %convert_element_type3A_1468 : vector<16xi32>
        %add3A_1503 = arith.addi %while3A_1312, %convert_element_type3A_1471 : vector<16xi32>
        %add3A_1504 = arith.addi %while3A_1313, %convert_element_type3A_1474 : vector<16xi32>
        %add3A_1505 = arith.addi %while3A_1314, %convert_element_type3A_1477 : vector<16xi32>
        %add3A_1506 = arith.addi %while3A_1315, %convert_element_type3A_1480 : vector<16xi32>
        %add3A_1507 = arith.addi %while3A_1316, %convert_element_type3A_1483 : vector<16xi32>
        %add3A_1508 = arith.addi %while3A_1317, %convert_element_type3A_1486 : vector<16xi32>
        %add3A_1509 = arith.addi %while3A_1318, %convert_element_type3A_1489 : vector<16xi32>
        %add3A_1510 = arith.addi %while3A_1319, %convert_element_type3A_1492 : vector<16xi32>
        %add3A_1511 = arith.addi %while3A_1320, %convert_element_type3A_1495 : vector<16xi32>
        scf.yield %add3A_1496, %add3A_1497, %add3A_1498, %add3A_1499, %add3A_1500, %add3A_1501, %add3A_1502, %add3A_1503, %add3A_1504, %add3A_1505, %add3A_1506, %add3A_1507, %add3A_1508, %add3A_1509, %add3A_1510, %add3A_1511 : vector<16xi32>, vector<16xi32>, vector<16xi32>, vector<16xi32>, vector<16xi32>, vector<16xi32>, vector<16xi32>, vector<16xi32>, vector<16xi32>, vector<16xi32>, vector<16xi32>, vector<16xi32>, vector<16xi32>, vector<16xi32>, vector<16xi32>, vector<16xi32>
      }
      %while3A_1278 = arith.constant 1 : i32
      %while3A_1279:16 = scf.for %while3A_1304 = %while3A_1275 to %while3A_1271 step %while3A_1278 iter_args(%while3A_1305 = %while3A_1277#0, %while3A_1306 = %while3A_1277#1, %while3A_1307 = %while3A_1277#2, %while3A_1308 = %while3A_1277#3, %while3A_1309 = %while3A_1277#4, %while3A_1310 = %while3A_1277#5, %while3A_1311 = %while3A_1277#6, %while3A_1312 = %while3A_1277#7, %while3A_1313 = %while3A_1277#8, %while3A_1314 = %while3A_1277#9, %while3A_1315 = %while3A_1277#10, %while3A_1316 = %while3A_1277#11, %while3A_1317 = %while3A_1277#12, %while3A_1318 = %while3A_1277#13, %while3A_1319 = %while3A_1277#14, %while3A_1320 = %while3A_1277#15) -> (vector<16xi32>, vector<16xi32>, vector<16xi32>, vector<16xi32>, vector<16xi32>, vector<16xi32>, vector<16xi32>, vector<16xi32>, vector<16xi32>, vector<16xi32>, vector<16xi32>, vector<16xi32>, vector<16xi32>, vector<16xi32>, vector<16xi32>, vector<16xi32>)  : i32 {
        %mul3A_1321 = arith.constant 16 : i32
        %mul3A_1322 = arith.muli %while3A_1304, %mul3A_1321 : i32
        %add3A_1323 = arith.constant 0 : i32
        %add3A_1324 = arith.addi %mul3A_1322, %add3A_1323 : i32
        %mul3A_1325 = arith.constant 16 : i32
        %mul3A_1326 = arith.muli %add3A_1324, %mul3A_1325 : i32
        %get3A_1327 = arith.index_cast %mul3A_1326 : i32 to index
        %get3A_1328 = tpu.vector_load %arg6[%get3A_1327] {strides = array<i32>} : memref<33024xi32, #tpu.memory_space<vmem>>, vector<16xi32>,
        %mul3A_1329 = arith.constant 16 : i32
        %mul3A_1330 = arith.muli %while3A_1304, %mul3A_1329 : i32
        %add3A_1331 = arith.constant 1 : i32
        %add3A_1332 = arith.addi %mul3A_1330, %add3A_1331 : i32
        %mul3A_1333 = arith.constant 16 : i32
        %mul3A_1334 = arith.muli %add3A_1332, %mul3A_1333 : i32
        %get3A_1335 = arith.index_cast %mul3A_1334 : i32 to index
        %get3A_1336 = tpu.vector_load %arg6[%get3A_1335] {strides = array<i32>} : memref<33024xi32, #tpu.memory_space<vmem>>, vector<16xi32>,
        %mul3A_1337 = arith.constant 16 : i32
        %mul3A_1338 = arith.muli %while3A_1304, %mul3A_1337 : i32
        %add3A_1339 = arith.constant 2 : i32
        %add3A_1340 = arith.addi %mul3A_1338, %add3A_1339 : i32
        %mul3A_1341 = arith.constant 16 : i32
        %mul3A_1342 = arith.muli %add3A_1340, %mul3A_1341 : i32
        %get3A_1343 = arith.index_cast %mul3A_1342 : i32 to index
        %get3A_1344 = tpu.vector_load %arg6[%get3A_1343] {strides = array<i32>} : memref<33024xi32, #tpu.memory_space<vmem>>, vector<16xi32>,
        %mul3A_1345 = arith.constant 16 : i32
        %mul3A_1346 = arith.muli %while3A_1304, %mul3A_1345 : i32
        %add3A_1347 = arith.constant 3 : i32
        %add3A_1348 = arith.addi %mul3A_1346, %add3A_1347 : i32
        %mul3A_1349 = arith.constant 16 : i32
        %mul3A_1350 = arith.muli %add3A_1348, %mul3A_1349 : i32
        %get3A_1351 = arith.index_cast %mul3A_1350 : i32 to index
        %get3A_1352 = tpu.vector_load %arg6[%get3A_1351] {strides = array<i32>} : memref<33024xi32, #tpu.memory_space<vmem>>, vector<16xi32>,
        %mul3A_1353 = arith.constant 16 : i32
        %mul3A_1354 = arith.muli %while3A_1304, %mul3A_1353 : i32
        %add3A_1355 = arith.constant 4 : i32
        %add3A_1356 = arith.addi %mul3A_1354, %add3A_1355 : i32
        %mul3A_1357 = arith.constant 16 : i32
        %mul3A_1358 = arith.muli %add3A_1356, %mul3A_1357 : i32
        %get3A_1359 = arith.index_cast %mul3A_1358 : i32 to index
        %get3A_1360 = tpu.vector_load %arg6[%get3A_1359] {strides = array<i32>} : memref<33024xi32, #tpu.memory_space<vmem>>, vector<16xi32>,
        %mul3A_1361 = arith.constant 16 : i32
        %mul3A_1362 = arith.muli %while3A_1304, %mul3A_1361 : i32
        %add3A_1363 = arith.constant 5 : i32
        %add3A_1364 = arith.addi %mul3A_1362, %add3A_1363 : i32
        %mul3A_1365 = arith.constant 16 : i32
        %mul3A_1366 = arith.muli %add3A_1364, %mul3A_1365 : i32
        %get3A_1367 = arith.index_cast %mul3A_1366 : i32 to index
        %get3A_1368 = tpu.vector_load %arg6[%get3A_1367] {strides = array<i32>} : memref<33024xi32, #tpu.memory_space<vmem>>, vector<16xi32>,
        %mul3A_1369 = arith.constant 16 : i32
        %mul3A_1370 = arith.muli %while3A_1304, %mul3A_1369 : i32
        %add3A_1371 = arith.constant 6 : i32
        %add3A_1372 = arith.addi %mul3A_1370, %add3A_1371 : i32
        %mul3A_1373 = arith.constant 16 : i32
        %mul3A_1374 = arith.muli %add3A_1372, %mul3A_1373 : i32
        %get3A_1375 = arith.index_cast %mul3A_1374 : i32 to index
        %get3A_1376 = tpu.vector_load %arg6[%get3A_1375] {strides = array<i32>} : memref<33024xi32, #tpu.memory_space<vmem>>, vector<16xi32>,
        %mul3A_1377 = arith.constant 16 : i32
        %mul3A_1378 = arith.muli %while3A_1304, %mul3A_1377 : i32
        %add3A_1379 = arith.constant 7 : i32
        %add3A_1380 = arith.addi %mul3A_1378, %add3A_1379 : i32
        %mul3A_1381 = arith.constant 16 : i32
        %mul3A_1382 = arith.muli %add3A_1380, %mul3A_1381 : i32
        %get3A_1383 = arith.index_cast %mul3A_1382 : i32 to index
        %get3A_1384 = tpu.vector_load %arg6[%get3A_1383] {strides = array<i32>} : memref<33024xi32, #tpu.memory_space<vmem>>, vector<16xi32>,
        %mul3A_1385 = arith.constant 16 : i32
        %mul3A_1386 = arith.muli %while3A_1304, %mul3A_1385 : i32
        %add3A_1387 = arith.constant 8 : i32
        %add3A_1388 = arith.addi %mul3A_1386, %add3A_1387 : i32
        %mul3A_1389 = arith.constant 16 : i32
        %mul3A_1390 = arith.muli %add3A_1388, %mul3A_1389 : i32
        %get3A_1391 = arith.index_cast %mul3A_1390 : i32 to index
        %get3A_1392 = tpu.vector_load %arg6[%get3A_1391] {strides = array<i32>} : memref<33024xi32, #tpu.memory_space<vmem>>, vector<16xi32>,
        %mul3A_1393 = arith.constant 16 : i32
        %mul3A_1394 = arith.muli %while3A_1304, %mul3A_1393 : i32
        %add3A_1395 = arith.constant 9 : i32
        %add3A_1396 = arith.addi %mul3A_1394, %add3A_1395 : i32
        %mul3A_1397 = arith.constant 16 : i32
        %mul3A_1398 = arith.muli %add3A_1396, %mul3A_1397 : i32
        %get3A_1399 = arith.index_cast %mul3A_1398 : i32 to index
        %get3A_1400 = tpu.vector_load %arg6[%get3A_1399] {strides = array<i32>} : memref<33024xi32, #tpu.memory_space<vmem>>, vector<16xi32>,
        %mul3A_1401 = arith.constant 16 : i32
        %mul3A_1402 = arith.muli %while3A_1304, %mul3A_1401 : i32
        %add3A_1403 = arith.constant 10 : i32
        %add3A_1404 = arith.addi %mul3A_1402, %add3A_1403 : i32
        %mul3A_1405 = arith.constant 16 : i32
        %mul3A_1406 = arith.muli %add3A_1404, %mul3A_1405 : i32
        %get3A_1407 = arith.index_cast %mul3A_1406 : i32 to index
        %get3A_1408 = tpu.vector_load %arg6[%get3A_1407] {strides = array<i32>} : memref<33024xi32, #tpu.memory_space<vmem>>, vector<16xi32>,
        %mul3A_1409 = arith.constant 16 : i32
        %mul3A_1410 = arith.muli %while3A_1304, %mul3A_1409 : i32
        %add3A_1411 = arith.constant 11 : i32
        %add3A_1412 = arith.addi %mul3A_1410, %add3A_1411 : i32
        %mul3A_1413 = arith.constant 16 : i32
        %mul3A_1414 = arith.muli %add3A_1412, %mul3A_1413 : i32
        %get3A_1415 = arith.index_cast %mul3A_1414 : i32 to index
        %get3A_1416 = tpu.vector_load %arg6[%get3A_1415] {strides = array<i32>} : memref<33024xi32, #tpu.memory_space<vmem>>, vector<16xi32>,
        %mul3A_1417 = arith.constant 16 : i32
        %mul3A_1418 = arith.muli %while3A_1304, %mul3A_1417 : i32
        %add3A_1419 = arith.constant 12 : i32
        %add3A_1420 = arith.addi %mul3A_1418, %add3A_1419 : i32
        %mul3A_1421 = arith.constant 16 : i32
        %mul3A_1422 = arith.muli %add3A_1420, %mul3A_1421 : i32
        %get3A_1423 = arith.index_cast %mul3A_1422 : i32 to index
        %get3A_1424 = tpu.vector_load %arg6[%get3A_1423] {strides = array<i32>} : memref<33024xi32, #tpu.memory_space<vmem>>, vector<16xi32>,
        %mul3A_1425 = arith.constant 16 : i32
        %mul3A_1426 = arith.muli %while3A_1304, %mul3A_1425 : i32
        %add3A_1427 = arith.constant 13 : i32
        %add3A_1428 = arith.addi %mul3A_1426, %add3A_1427 : i32
        %mul3A_1429 = arith.constant 16 : i32
        %mul3A_1430 = arith.muli %add3A_1428, %mul3A_1429 : i32
        %get3A_1431 = arith.index_cast %mul3A_1430 : i32 to index
        %get3A_1432 = tpu.vector_load %arg6[%get3A_1431] {strides = array<i32>} : memref<33024xi32, #tpu.memory_space<vmem>>, vector<16xi32>,
        %mul3A_1433 = arith.constant 16 : i32
        %mul3A_1434 = arith.muli %while3A_1304, %mul3A_1433 : i32
        %add3A_1435 = arith.constant 14 : i32
        %add3A_1436 = arith.addi %mul3A_1434, %add3A_1435 : i32
        %mul3A_1437 = arith.constant 16 : i32
        %mul3A_1438 = arith.muli %add3A_1436, %mul3A_1437 : i32
        %get3A_1439 = arith.index_cast %mul3A_1438 : i32 to index
        %get3A_1440 = tpu.vector_load %arg6[%get3A_1439] {strides = array<i32>} : memref<33024xi32, #tpu.memory_space<vmem>>, vector<16xi32>,
        %mul3A_1441 = arith.constant 16 : i32
        %mul3A_1442 = arith.muli %while3A_1304, %mul3A_1441 : i32
        %add3A_1443 = arith.constant 15 : i32
        %add3A_1444 = arith.addi %mul3A_1442, %add3A_1443 : i32
        %mul3A_1445 = arith.constant 16 : i32
        %mul3A_1446 = arith.muli %add3A_1444, %mul3A_1445 : i32
        %get3A_1447 = arith.index_cast %mul3A_1446 : i32 to index
        %get3A_1448 = tpu.vector_load %arg6[%get3A_1447] {strides = array<i32>} : memref<33024xi32, #tpu.memory_space<vmem>>, vector<16xi32>,
        %lt3A = vector.broadcast %or3A : i32 to vector<16xi32>
        %lt3A_1449 = arith.cmpi slt, %get3A_1328, %lt3A : vector<16xi32>
        %convert_element_type3A_1450 = arith.extui %lt3A_1449 : vector<16xi1> to vector<16xi32>
        %lt3A_1451 = vector.broadcast %or3A : i32 to vector<16xi32>
        %lt3A_1452 = arith.cmpi slt, %get3A_1336, %lt3A_1451 : vector<16xi32>
        %convert_element_type3A_1453 = arith.extui %lt3A_1452 : vector<16xi1> to vector<16xi32>
        %lt3A_1454 = vector.broadcast %or3A : i32 to vector<16xi32>
        %lt3A_1455 = arith.cmpi slt, %get3A_1344, %lt3A_1454 : vector<16xi32>
        %convert_element_type3A_1456 = arith.extui %lt3A_1455 : vector<16xi1> to vector<16xi32>
        %lt3A_1457 = vector.broadcast %or3A : i32 to vector<16xi32>
        %lt3A_1458 = arith.cmpi slt, %get3A_1352, %lt3A_1457 : vector<16xi32>
        %convert_element_type3A_1459 = arith.extui %lt3A_1458 : vector<16xi1> to vector<16xi32>
        %lt3A_1460 = vector.broadcast %or3A : i32 to vector<16xi32>
        %lt3A_1461 = arith.cmpi slt, %get3A_1360, %lt3A_1460 : vector<16xi32>
        %convert_element_type3A_1462 = arith.extui %lt3A_1461 : vector<16xi1> to vector<16xi32>
        %lt3A_1463 = vector.broadcast %or3A : i32 to vector<16xi32>
        %lt3A_1464 = arith.cmpi slt, %get3A_1368, %lt3A_1463 : vector<16xi32>
        %convert_element_type3A_1465 = arith.extui %lt3A_1464 : vector<16xi1> to vector<16xi32>
        %lt3A_1466 = vector.broadcast %or3A : i32 to vector<16xi32>
        %lt3A_1467 = arith.cmpi slt, %get3A_1376, %lt3A_1466 : vector<16xi32>
        %convert_element_type3A_1468 = arith.extui %lt3A_1467 : vector<16xi1> to vector<16xi32>
        %lt3A_1469 = vector.broadcast %or3A : i32 to vector<16xi32>
        %lt3A_1470 = arith.cmpi slt, %get3A_1384, %lt3A_1469 : vector<16xi32>
        %convert_element_type3A_1471 = arith.extui %lt3A_1470 : vector<16xi1> to vector<16xi32>
        %lt3A_1472 = vector.broadcast %or3A : i32 to vector<16xi32>
        %lt3A_1473 = arith.cmpi slt, %get3A_1392, %lt3A_1472 : vector<16xi32>
        %convert_element_type3A_1474 = arith.extui %lt3A_1473 : vector<16xi1> to vector<16xi32>
        %lt3A_1475 = vector.broadcast %or3A : i32 to vector<16xi32>
        %lt3A_1476 = arith.cmpi slt, %get3A_1400, %lt3A_1475 : vector<16xi32>
        %convert_element_type3A_1477 = arith.extui %lt3A_1476 : vector<16xi1> to vector<16xi32>
        %lt3A_1478 = vector.broadcast %or3A : i32 to vector<16xi32>
        %lt3A_1479 = arith.cmpi slt, %get3A_1408, %lt3A_1478 : vector<16xi32>
        %convert_element_type3A_1480 = arith.extui %lt3A_1479 : vector<16xi1> to vector<16xi32>
        %lt3A_1481 = vector.broadcast %or3A : i32 to vector<16xi32>
        %lt3A_1482 = arith.cmpi slt, %get3A_1416, %lt3A_1481 : vector<16xi32>
        %convert_element_type3A_1483 = arith.extui %lt3A_1482 : vector<16xi1> to vector<16xi32>
        %lt3A_1484 = vector.broadcast %or3A : i32 to vector<16xi32>
        %lt3A_1485 = arith.cmpi slt, %get3A_1424, %lt3A_1484 : vector<16xi32>
        %convert_element_type3A_1486 = arith.extui %lt3A_1485 : vector<16xi1> to vector<16xi32>
        %lt3A_1487 = vector.broadcast %or3A : i32 to vector<16xi32>
        %lt3A_1488 = arith.cmpi slt, %get3A_1432, %lt3A_1487 : vector<16xi32>
        %convert_element_type3A_1489 = arith.extui %lt3A_1488 : vector<16xi1> to vector<16xi32>
        %lt3A_1490 = vector.broadcast %or3A : i32 to vector<16xi32>
        %lt3A_1491 = arith.cmpi slt, %get3A_1440, %lt3A_1490 : vector<16xi32>
        %convert_element_type3A_1492 = arith.extui %lt3A_1491 : vector<16xi1> to vector<16xi32>
        %lt3A_1493 = vector.broadcast %or3A : i32 to vector<16xi32>
        %lt3A_1494 = arith.cmpi slt, %get3A_1448, %lt3A_1493 : vector<16xi32>
        %convert_element_type3A_1495 = arith.extui %lt3A_1494 : vector<16xi1> to vector<16xi32>
        %add3A_1496 = arith.addi %while3A_1305, %convert_element_type3A_1450 : vector<16xi32>
        %add3A_1497 = arith.addi %while3A_1306, %convert_element_type3A_1453 : vector<16xi32>
        %add3A_1498 = arith.addi %while3A_1307, %convert_element_type3A_1456 : vector<16xi32>
        %add3A_1499 = arith.addi %while3A_1308, %convert_element_type3A_1459 : vector<16xi32>
        %add3A_1500 = arith.addi %while3A_1309, %convert_element_type3A_1462 : vector<16xi32>
        %add3A_1501 = arith.addi %while3A_1310, %convert_element_type3A_1465 : vector<16xi32>
        %add3A_1502 = arith.addi %while3A_1311, %convert_element_type3A_1468 : vector<16xi32>
        %add3A_1503 = arith.addi %while3A_1312, %convert_element_type3A_1471 : vector<16xi32>
        %add3A_1504 = arith.addi %while3A_1313, %convert_element_type3A_1474 : vector<16xi32>
        %add3A_1505 = arith.addi %while3A_1314, %convert_element_type3A_1477 : vector<16xi32>
        %add3A_1506 = arith.addi %while3A_1315, %convert_element_type3A_1480 : vector<16xi32>
        %add3A_1507 = arith.addi %while3A_1316, %convert_element_type3A_1483 : vector<16xi32>
        %add3A_1508 = arith.addi %while3A_1317, %convert_element_type3A_1486 : vector<16xi32>
        %add3A_1509 = arith.addi %while3A_1318, %convert_element_type3A_1489 : vector<16xi32>
        %add3A_1510 = arith.addi %while3A_1319, %convert_element_type3A_1492 : vector<16xi32>
        %add3A_1511 = arith.addi %while3A_1320, %convert_element_type3A_1495 : vector<16xi32>
        scf.yield %add3A_1496, %add3A_1497, %add3A_1498, %add3A_1499, %add3A_1500, %add3A_1501, %add3A_1502, %add3A_1503, %add3A_1504, %add3A_1505, %add3A_1506, %add3A_1507, %add3A_1508, %add3A_1509, %add3A_1510, %add3A_1511 : vector<16xi32>, vector<16xi32>, vector<16xi32>, vector<16xi32>, vector<16xi32>, vector<16xi32>, vector<16xi32>, vector<16xi32>, vector<16xi32>, vector<16xi32>, vector<16xi32>, vector<16xi32>, vector<16xi32>, vector<16xi32>, vector<16xi32>, vector<16xi32>
      }
      %add3A_1280 = arith.constant 0 : i32
      %add3A_1281 = vector.broadcast %add3A_1280 : i32 to vector<16xi32>
      %add3A_1282 = arith.addi %add3A_1281, %while3A_1279#0 : vector<16xi32>
      %add3A_1283 = arith.addi %add3A_1282, %while3A_1279#1 : vector<16xi32>
      %add3A_1284 = arith.addi %add3A_1283, %while3A_1279#2 : vector<16xi32>
      %add3A_1285 = arith.addi %add3A_1284, %while3A_1279#3 : vector<16xi32>
      %add3A_1286 = arith.addi %add3A_1285, %while3A_1279#4 : vector<16xi32>
      %add3A_1287 = arith.addi %add3A_1286, %while3A_1279#5 : vector<16xi32>
      %add3A_1288 = arith.addi %add3A_1287, %while3A_1279#6 : vector<16xi32>
      %add3A_1289 = arith.addi %add3A_1288, %while3A_1279#7 : vector<16xi32>
      %add3A_1290 = arith.addi %add3A_1289, %while3A_1279#8 : vector<16xi32>
      %add3A_1291 = arith.addi %add3A_1290, %while3A_1279#9 : vector<16xi32>
      %add3A_1292 = arith.addi %add3A_1291, %while3A_1279#10 : vector<16xi32>
      %add3A_1293 = arith.addi %add3A_1292, %while3A_1279#11 : vector<16xi32>
      %add3A_1294 = arith.addi %add3A_1293, %while3A_1279#12 : vector<16xi32>
      %add3A_1295 = arith.addi %add3A_1294, %while3A_1279#13 : vector<16xi32>
      %add3A_1296 = arith.addi %add3A_1295, %while3A_1279#14 : vector<16xi32>
      %add3A_1297 = arith.addi %add3A_1296, %while3A_1279#15 : vector<16xi32>
      %reduce_sum3A_1298 = arith.constant true
      %reduce_sum3A_1299 = vector.broadcast %reduce_sum3A_1298 : i1 to vector<16xi1>
      %reduce_sum3A_1300 = tpu.scan <sum>, %add3A_1297 masked %reduce_sum3A_1299 : vector<16xi32>, vector<16xi1> -> vector<16xi32>
      %reduce_sum3A_1301 = vector.extract %reduce_sum3A_1300[15] : i32 from vector<16xi32>
      %le3A_1302 = arith.cmpi sle, %reduce_sum3A_1301, %reduce_sum3A_373 : i32
      %select_n3A_1303 = arith.select %le3A_1302, %or3A, %scan3A_1232 : i32
      scf.yield %select_n3A_1303 : i32
    }
    %scan3A_606 = arith.constant 20 : i32
    %iota3A_607 = tpu.iota {dimensions = array<i32: 0>} : vector<16xi32>
    %eq3A_608 = arith.constant 1 : i32
    %eq3A_609 = vector.broadcast %eq3A_608 : i32 to vector<16xi32>
    %eq3A_610 = arith.cmpi eq, %iota3A_607, %eq3A_609 : vector<16xi32>
    %broadcast_in_dim3A_611 = vector.broadcast %scan3A_605 : i32 to vector<16xi32>
    %select_n3A_612 = arith.select %eq3A_610, %broadcast_in_dim3A_611, %select_n3A_299 : vector<16xi1>, vector<16xi32>
    %add3A_613 = arith.constant 2 : i32
    %add3A_614 = arith.addi %mul3A_2, %add3A_613 : i32
    %dma_wait3A_615 = arith.constant 0 : i32
    %dma_wait3A_616 = tpu.memref_slice %arg2[%add3A_614, %dma_wait3A_615] : memref<128x32768xf32, #tpu.memory_space<hbm>> -> memref<1x32768xf32, #tpu.memory_space<hbm>>
    %dma_wait3A_617 = tpu.memref_squeeze %dma_wait3A_616 : memref<1x32768xf32, #tpu.memory_space<hbm>> -> memref<32768xf32, #tpu.memory_space<hbm>>
    %dma_wait3A_618 = arith.constant 0 : i32
    %dma_wait3A_619 = tpu.memref_slice %arg2[%add3A_614, %dma_wait3A_618] : memref<128x32768xf32, #tpu.memory_space<hbm>> -> memref<1x32768xf32, #tpu.memory_space<hbm>>
    %dma_wait3A_620 = tpu.memref_squeeze %dma_wait3A_619 : memref<1x32768xf32, #tpu.memory_space<hbm>> -> memref<32768xf32, #tpu.memory_space<hbm>>
    tpu.wait_dma2 semaphore(%arg9 : memref<!tpu.dma_semaphore, #tpu.memory_space<semaphore_mem>>) src(%dma_wait3A_620 : memref<32768xf32, #tpu.memory_space<hbm>>) dst(%arg4 : memref<32768xf32, #tpu.memory_space<vmem>>)
    %add3A_621 = arith.constant 2 : i32
    %add3A_622 = arith.addi %mul3A_2, %add3A_621 : i32
    %add3A_623 = arith.constant 1 : i32
    %add3A_624 = arith.addi %add3A_622, %add3A_623 : i32
    %dma_start3A_625 = arith.constant 0 : i32
    %dma_start3A_626 = tpu.memref_slice %arg2[%add3A_624, %dma_start3A_625] : memref<128x32768xf32, #tpu.memory_space<hbm>> -> memref<1x32768xf32, #tpu.memory_space<hbm>>
    %dma_start3A_627 = tpu.memref_squeeze %dma_start3A_626 : memref<1x32768xf32, #tpu.memory_space<hbm>> -> memref<32768xf32, #tpu.memory_space<hbm>>
    %dma_start3A_628 = arith.constant 0 : i32
    %dma_start3A_629 = tpu.memref_slice %arg2[%add3A_624, %dma_start3A_628] : memref<128x32768xf32, #tpu.memory_space<hbm>> -> memref<1x32768xf32, #tpu.memory_space<hbm>>
    %dma_start3A_630 = tpu.memref_squeeze %dma_start3A_629 : memref<1x32768xf32, #tpu.memory_space<hbm>> -> memref<32768xf32, #tpu.memory_space<hbm>>
    tpu.enqueue_dma source(%dma_start3A_630 : memref<32768xf32, #tpu.memory_space<hbm>>) target(%arg5 : memref<32768xf32, #tpu.memory_space<vmem>>) target_semaphore(%arg10 : memref<!tpu.dma_semaphore, #tpu.memory_space<semaphore_mem>>)
    %iota3A_631 = tpu.iota {dimensions = array<i32: 0>} : vector<16xi32>
    %parallel_loop3A_632 = arith.constant 0 : i32
    %parallel_loop3A_633 = arith.constant 128 : i32
    %parallel_loop3A_634 = arith.constant 1 : i32
    scf.for %parallel_loop3A_1231 = %parallel_loop3A_632 to %parallel_loop3A_633 step %parallel_loop3A_634  : i32 {
      %parallel_loop3A_1232 = arith.constant 0 : i32
      %parallel_loop3A_1233 = vector.broadcast %parallel_loop3A_1232 : i32 to vector<16xi32>
      %parallel_loop3A_1234 = arith.constant 16 : i32
      %parallel_loop3A_1235 = arith.muli %parallel_loop3A_1231, %parallel_loop3A_1234 : i32
      %parallel_loop3A_1236 = arith.index_cast %parallel_loop3A_1235 : i32 to index
      %parallel_loop3A_1237 = tpu.vector_load %arg7[%parallel_loop3A_1236] {strides = array<i32>} : memref<2048xi32, #tpu.memory_space<vmem>>, vector<16xi32>,
      tpu.vector_store %arg7[%parallel_loop3A_1236], %parallel_loop3A_1233 {strides = array<i32>} : memref<2048xi32, #tpu.memory_space<vmem>>, vector<16xi32>,
    } {sc.loop_unroll_factor = 8 : i64, sc.parallel_access}
    %broadcast_in_dim3A_635 = arith.constant 1 : i32
    %broadcast_in_dim3A_636 = vector.broadcast %broadcast_in_dim3A_635 : i32 to vector<16xi32>
    %parallel_loop3A_637 = arith.constant 0 : i32
    %parallel_loop3A_638 = arith.constant 2048 : i32
    %parallel_loop3A_639 = arith.constant 1 : i32
    scf.for %parallel_loop3A_1231 = %parallel_loop3A_637 to %parallel_loop3A_638 step %parallel_loop3A_639  : i32 {
      %parallel_loop3A_1232 = arith.constant 16 : i32
      %parallel_loop3A_1233 = arith.muli %parallel_loop3A_1231, %parallel_loop3A_1232 : i32
      %parallel_loop3A_1234 = arith.index_cast %parallel_loop3A_1233 : i32 to index
      %parallel_loop3A_1235 = tpu.vector_load %arg4[%parallel_loop3A_1234] {strides = array<i32>} : memref<32768xf32, #tpu.memory_space<vmem>>, vector<16xf32>,
      %parallel_loop3A_1236 = tpu.bitcast %parallel_loop3A_1235 : vector<16xf32> -> vector<16xi32>
      %parallel_loop3A_1237 = arith.constant 2147483647 : i32
      %parallel_loop3A_1238 = vector.broadcast %parallel_loop3A_1237 : i32 to vector<16xi32>
      %parallel_loop3A_1239 = arith.andi %parallel_loop3A_1236, %parallel_loop3A_1238 : vector<16xi32>
      %parallel_loop3A_1240 = arith.constant 20 : i32
      %parallel_loop3A_1241 = vector.broadcast %parallel_loop3A_1240 : i32 to vector<16xi32>
      %parallel_loop3A_1242 = arith.shrsi %parallel_loop3A_1239, %parallel_loop3A_1241 : vector<16xi32>
      tpu.vector_store_idx %arg7[%parallel_loop3A_1242], %broadcast_in_dim3A_636 {add = true} : memref<2048xi32, #tpu.memory_space<vmem>>[vector<16xi32>], vector<16xi32>,
    } {sc.loop_unroll_factor = 16 : i64, sc.parallel_access}
    %get3A_640 = arith.constant 0 : index
    %get3A_641 = tpu.vector_load %arg7[%get3A_640] {strides = array<i32>} : memref<2048xi32, #tpu.memory_space<vmem>>, vector<16xi32>,
    %reduce_sum3A_642 = arith.constant true
    %reduce_sum3A_643 = vector.broadcast %reduce_sum3A_642 : i1 to vector<16xi1>
    %reduce_sum3A_644 = tpu.scan <sum>, %get3A_641 masked %reduce_sum3A_643 : vector<16xi32>, vector<16xi1> -> vector<16xi32>
    %reduce_sum3A_645 = vector.extract %reduce_sum3A_644[15] : i32 from vector<16xi32>
    %while3A_646 = arith.constant 0 : i32
    %while3A_647 = arith.constant 0 : i32
    %while3A_648:3 = scf.while (%while3A_1231 = %while3A_646, %while3A_1232 = %while3A_647, %while3A_1233 = %reduce_sum3A_645) : (i32, i32, i32) -> (i32, i32, i32) {
      %add3A_1234 = arith.addi %while3A_1232, %while3A_1233 : i32
      %le3A_1235 = arith.constant 16384 : i32
      %le3A_1236 = arith.cmpi sle, %add3A_1234, %le3A_1235 : i32
      scf.condition(%le3A_1236) %while3A_1231, %while3A_1232, %while3A_1233 : i32, i32, i32
    } do {
    ^bb0(%while3A_1231: i32, %while3A_1232: i32, %while3A_1233: i32):
      %add3A_1234 = arith.constant 1 : i32
      %add3A_1235 = arith.addi %while3A_1231, %add3A_1234 : i32
      %add3A_1236 = arith.addi %while3A_1232, %while3A_1233 : i32
      %mul3A_1237 = arith.constant 16 : i32
      %mul3A_1238 = arith.muli %add3A_1235, %mul3A_1237 : i32
      %get3A_1239 = arith.index_cast %mul3A_1238 : i32 to index
      %get3A_1240 = tpu.vector_load %arg7[%get3A_1239] {strides = array<i32>} : memref<2048xi32, #tpu.memory_space<vmem>>, vector<16xi32>,
      %reduce_sum3A_1241 = arith.constant true
      %reduce_sum3A_1242 = vector.broadcast %reduce_sum3A_1241 : i1 to vector<16xi1>
      %reduce_sum3A_1243 = tpu.scan <sum>, %get3A_1240 masked %reduce_sum3A_1242 : vector<16xi32>, vector<16xi1> -> vector<16xi32>
      %reduce_sum3A_1244 = vector.extract %reduce_sum3A_1243[15] : i32 from vector<16xi32>
      scf.yield %add3A_1235, %add3A_1236, %reduce_sum3A_1244 : i32, i32, i32
    }
    %mul3A_649 = arith.constant 16 : i32
    %mul3A_650 = arith.muli %while3A_648#0, %mul3A_649 : i32
    %get3A_651 = arith.index_cast %mul3A_650 : i32 to index
    %get3A_652 = tpu.vector_load %arg7[%get3A_651] {strides = array<i32>} : memref<2048xi32, #tpu.memory_space<vmem>>, vector<16xi32>,
    %broadcast_in_dim3A_653 = arith.constant true
    %broadcast_in_dim3A_654 = vector.broadcast %broadcast_in_dim3A_653 : i1 to vector<16xi1>
    %masked_cumsum3A_655 = tpu.scan <sum>, %get3A_652 masked %broadcast_in_dim3A_654 : vector<16xi32>, vector<16xi1> -> vector<16xi32>
    %sub3A_656 = arith.subi %masked_cumsum3A_655, %get3A_652 : vector<16xi32>
    %add3A_657 = vector.broadcast %while3A_648#1 : i32 to vector<16xi32>
    %add3A_658 = arith.addi %add3A_657, %masked_cumsum3A_655 : vector<16xi32>
    %gt3A_659 = arith.constant 16384 : i32
    %gt3A_660 = vector.broadcast %gt3A_659 : i32 to vector<16xi32>
    %gt3A_661 = arith.cmpi sgt, %add3A_658, %gt3A_660 : vector<16xi32>
    %add3A_662 = vector.broadcast %while3A_648#1 : i32 to vector<16xi32>
    %add3A_663 = arith.addi %add3A_662, %sub3A_656 : vector<16xi32>
    %le3A_664 = arith.constant 16384 : i32
    %le3A_665 = vector.broadcast %le3A_664 : i32 to vector<16xi32>
    %le3A_666 = arith.cmpi sle, %add3A_663, %le3A_665 : vector<16xi32>
    %and3A_667 = arith.andi %gt3A_661, %le3A_666 : vector<16xi1>
    %convert_element_type3A_668 = arith.extui %and3A_667 : vector<16xi1> to vector<16xi32>
    %mul3A_669 = arith.constant 16 : i32
    %mul3A_670 = arith.muli %while3A_648#0, %mul3A_669 : i32
    %add3A_671 = vector.broadcast %mul3A_670 : i32 to vector<16xi32>
    %add3A_672 = arith.addi %add3A_671, %iota3A_631 : vector<16xi32>
    %mul3A_673 = arith.muli %convert_element_type3A_668, %add3A_672 : vector<16xi32>
    %reduce_sum3A_674 = arith.constant true
    %reduce_sum3A_675 = vector.broadcast %reduce_sum3A_674 : i1 to vector<16xi1>
    %reduce_sum3A_676 = tpu.scan <sum>, %mul3A_673 masked %reduce_sum3A_675 : vector<16xi32>, vector<16xi1> -> vector<16xi32>
    %reduce_sum3A_677 = vector.extract %reduce_sum3A_676[15] : i32 from vector<16xi32>
    %sub3A_678 = arith.constant 16384 : i32
    %sub3A_679 = arith.subi %sub3A_678, %while3A_648#1 : i32
    %sub3A_680 = vector.broadcast %sub3A_679 : i32 to vector<16xi32>
    %sub3A_681 = arith.subi %sub3A_680, %sub3A_656 : vector<16xi32>
    %mul3A_682 = arith.muli %convert_element_type3A_668, %sub3A_681 : vector<16xi32>
    %reduce_sum3A_683 = arith.constant true
    %reduce_sum3A_684 = vector.broadcast %reduce_sum3A_683 : i1 to vector<16xi1>
    %reduce_sum3A_685 = tpu.scan <sum>, %mul3A_682 masked %reduce_sum3A_684 : vector<16xi32>, vector<16xi1> -> vector<16xi32>
    %reduce_sum3A_686 = vector.extract %reduce_sum3A_685[15] : i32 from vector<16xi32>
    %parallel_loop3A_687 = arith.constant 0 : i32
    %parallel_loop3A_688 = arith.constant 2048 : i32
    %parallel_loop3A_689 = arith.constant 1 : i32
    %parallel_loop3A_690 = arith.constant 0 : i32
    %parallel_loop3A_691 = scf.for %parallel_loop3A_1231 = %parallel_loop3A_687 to %parallel_loop3A_688 step %parallel_loop3A_689 iter_args(%parallel_loop3A_1232 = %parallel_loop3A_690) -> (i32)  : i32 {
      %parallel_loop3A_1233 = arith.constant 16 : i32
      %parallel_loop3A_1234 = arith.muli %parallel_loop3A_1231, %parallel_loop3A_1233 : i32
      %parallel_loop3A_1235 = arith.index_cast %parallel_loop3A_1234 : i32 to index
      %parallel_loop3A_1236 = tpu.vector_load %arg4[%parallel_loop3A_1235] {strides = array<i32>} : memref<32768xf32, #tpu.memory_space<vmem>>, vector<16xf32>,
      %parallel_loop3A_1237 = tpu.bitcast %parallel_loop3A_1236 : vector<16xf32> -> vector<16xi32>
      %parallel_loop3A_1238 = arith.constant 2147483647 : i32
      %parallel_loop3A_1239 = vector.broadcast %parallel_loop3A_1238 : i32 to vector<16xi32>
      %parallel_loop3A_1240 = arith.andi %parallel_loop3A_1237, %parallel_loop3A_1239 : vector<16xi32>
      %parallel_loop3A_1241 = arith.constant 20 : i32
      %parallel_loop3A_1242 = vector.broadcast %parallel_loop3A_1241 : i32 to vector<16xi32>
      %parallel_loop3A_1243 = arith.shrsi %parallel_loop3A_1240, %parallel_loop3A_1242 : vector<16xi32>
      %parallel_loop3A_1244 = vector.broadcast %reduce_sum3A_677 : i32 to vector<16xi32>
      %parallel_loop3A_1245 = arith.cmpi eq, %parallel_loop3A_1243, %parallel_loop3A_1244 : vector<16xi32>
      %parallel_loop3A_1246 = arith.index_cast %parallel_loop3A_1232 : i32 to index
      %parallel_loop3A_1247 = tpu.vector_load %arg6[%parallel_loop3A_1246] masked %parallel_loop3A_1245 {strides = array<i32>} : memref<33024xi32, #tpu.memory_space<vmem>>, vector<16xi32>, vector<16xi1>
      tpu.vector_store %arg6[%parallel_loop3A_1246], %parallel_loop3A_1240 masked %parallel_loop3A_1245 {strides = array<i32>} : memref<33024xi32, #tpu.memory_space<vmem>>, vector<16xi32>, vector<16xi1>
      %parallel_loop3A_1248 = tpu.all_reduce %parallel_loop3A_1245 {dim = 0 : i64, kind = #tpu.reduction_kind<sum>} : vector<16xi1> -> vector<16xi32>
      %parallel_loop3A_1249 = vector.extract_strided_slice %parallel_loop3A_1248 {offsets = [0], sizes = [1], strides = [1]} : vector<16xi32> to vector<1xi32>
      %parallel_loop3A_1250 = vector.extract %parallel_loop3A_1249[0] : i32 from vector<1xi32>
      %parallel_loop3A_1251 = arith.addi %parallel_loop3A_1232, %parallel_loop3A_1250 : i32
      scf.yield %parallel_loop3A_1251 : i32
    } {sc.loop_unroll_factor = 16 : i64, sc.parallel_access}
    %broadcast_in_dim3A_692 = arith.constant 2147483647 : i32
    %broadcast_in_dim3A_693 = vector.broadcast %broadcast_in_dim3A_692 : i32 to vector<16xi32>
    %add3A_694 = arith.constant 0 : i32
    %add3A_695 = arith.addi %parallel_loop3A_691, %add3A_694 : i32
    %swap3A_696 = arith.index_cast %add3A_695 : i32 to index
    %swap3A_697 = tpu.vector_load %arg6[%swap3A_696] {strides = array<i32>} : memref<33024xi32, #tpu.memory_space<vmem>>, vector<16xi32>,
    tpu.vector_store %arg6[%swap3A_696], %broadcast_in_dim3A_693 {strides = array<i32>} : memref<33024xi32, #tpu.memory_space<vmem>>, vector<16xi32>,
    %broadcast_in_dim3A_698 = arith.constant 2147483647 : i32
    %broadcast_in_dim3A_699 = vector.broadcast %broadcast_in_dim3A_698 : i32 to vector<16xi32>
    %add3A_700 = arith.constant 16 : i32
    %add3A_701 = arith.addi %parallel_loop3A_691, %add3A_700 : i32
    %swap3A_702 = arith.index_cast %add3A_701 : i32 to index
    %swap3A_703 = tpu.vector_load %arg6[%swap3A_702] {strides = array<i32>} : memref<33024xi32, #tpu.memory_space<vmem>>, vector<16xi32>,
    tpu.vector_store %arg6[%swap3A_702], %broadcast_in_dim3A_699 {strides = array<i32>} : memref<33024xi32, #tpu.memory_space<vmem>>, vector<16xi32>,
    %broadcast_in_dim3A_704 = arith.constant 2147483647 : i32
    %broadcast_in_dim3A_705 = vector.broadcast %broadcast_in_dim3A_704 : i32 to vector<16xi32>
    %add3A_706 = arith.constant 32 : i32
    %add3A_707 = arith.addi %parallel_loop3A_691, %add3A_706 : i32
    %swap3A_708 = arith.index_cast %add3A_707 : i32 to index
    %swap3A_709 = tpu.vector_load %arg6[%swap3A_708] {strides = array<i32>} : memref<33024xi32, #tpu.memory_space<vmem>>, vector<16xi32>,
    tpu.vector_store %arg6[%swap3A_708], %broadcast_in_dim3A_705 {strides = array<i32>} : memref<33024xi32, #tpu.memory_space<vmem>>, vector<16xi32>,
    %broadcast_in_dim3A_710 = arith.constant 2147483647 : i32
    %broadcast_in_dim3A_711 = vector.broadcast %broadcast_in_dim3A_710 : i32 to vector<16xi32>
    %add3A_712 = arith.constant 48 : i32
    %add3A_713 = arith.addi %parallel_loop3A_691, %add3A_712 : i32
    %swap3A_714 = arith.index_cast %add3A_713 : i32 to index
    %swap3A_715 = tpu.vector_load %arg6[%swap3A_714] {strides = array<i32>} : memref<33024xi32, #tpu.memory_space<vmem>>, vector<16xi32>,
    tpu.vector_store %arg6[%swap3A_714], %broadcast_in_dim3A_711 {strides = array<i32>} : memref<33024xi32, #tpu.memory_space<vmem>>, vector<16xi32>,
    %broadcast_in_dim3A_716 = arith.constant 2147483647 : i32
    %broadcast_in_dim3A_717 = vector.broadcast %broadcast_in_dim3A_716 : i32 to vector<16xi32>
    %add3A_718 = arith.constant 64 : i32
    %add3A_719 = arith.addi %parallel_loop3A_691, %add3A_718 : i32
    %swap3A_720 = arith.index_cast %add3A_719 : i32 to index
    %swap3A_721 = tpu.vector_load %arg6[%swap3A_720] {strides = array<i32>} : memref<33024xi32, #tpu.memory_space<vmem>>, vector<16xi32>,
    tpu.vector_store %arg6[%swap3A_720], %broadcast_in_dim3A_717 {strides = array<i32>} : memref<33024xi32, #tpu.memory_space<vmem>>, vector<16xi32>,
    %broadcast_in_dim3A_722 = arith.constant 2147483647 : i32
    %broadcast_in_dim3A_723 = vector.broadcast %broadcast_in_dim3A_722 : i32 to vector<16xi32>
    %add3A_724 = arith.constant 80 : i32
    %add3A_725 = arith.addi %parallel_loop3A_691, %add3A_724 : i32
    %swap3A_726 = arith.index_cast %add3A_725 : i32 to index
    %swap3A_727 = tpu.vector_load %arg6[%swap3A_726] {strides = array<i32>} : memref<33024xi32, #tpu.memory_space<vmem>>, vector<16xi32>,
    tpu.vector_store %arg6[%swap3A_726], %broadcast_in_dim3A_723 {strides = array<i32>} : memref<33024xi32, #tpu.memory_space<vmem>>, vector<16xi32>,
    %broadcast_in_dim3A_728 = arith.constant 2147483647 : i32
    %broadcast_in_dim3A_729 = vector.broadcast %broadcast_in_dim3A_728 : i32 to vector<16xi32>
    %add3A_730 = arith.constant 96 : i32
    %add3A_731 = arith.addi %parallel_loop3A_691, %add3A_730 : i32
    %swap3A_732 = arith.index_cast %add3A_731 : i32 to index
    %swap3A_733 = tpu.vector_load %arg6[%swap3A_732] {strides = array<i32>} : memref<33024xi32, #tpu.memory_space<vmem>>, vector<16xi32>,
    tpu.vector_store %arg6[%swap3A_732], %broadcast_in_dim3A_729 {strides = array<i32>} : memref<33024xi32, #tpu.memory_space<vmem>>, vector<16xi32>,
    %broadcast_in_dim3A_734 = arith.constant 2147483647 : i32
    %broadcast_in_dim3A_735 = vector.broadcast %broadcast_in_dim3A_734 : i32 to vector<16xi32>
    %add3A_736 = arith.constant 112 : i32
    %add3A_737 = arith.addi %parallel_loop3A_691, %add3A_736 : i32
    %swap3A_738 = arith.index_cast %add3A_737 : i32 to index
    %swap3A_739 = tpu.vector_load %arg6[%swap3A_738] {strides = array<i32>} : memref<33024xi32, #tpu.memory_space<vmem>>, vector<16xi32>,
    tpu.vector_store %arg6[%swap3A_738], %broadcast_in_dim3A_735 {strides = array<i32>} : memref<33024xi32, #tpu.memory_space<vmem>>, vector<16xi32>,
    %broadcast_in_dim3A_740 = arith.constant 2147483647 : i32
    %broadcast_in_dim3A_741 = vector.broadcast %broadcast_in_dim3A_740 : i32 to vector<16xi32>
    %add3A_742 = arith.constant 128 : i32
    %add3A_743 = arith.addi %parallel_loop3A_691, %add3A_742 : i32
    %swap3A_744 = arith.index_cast %add3A_743 : i32 to index
    %swap3A_745 = tpu.vector_load %arg6[%swap3A_744] {strides = array<i32>} : memref<33024xi32, #tpu.memory_space<vmem>>, vector<16xi32>,
    tpu.vector_store %arg6[%swap3A_744], %broadcast_in_dim3A_741 {strides = array<i32>} : memref<33024xi32, #tpu.memory_space<vmem>>, vector<16xi32>,
    %broadcast_in_dim3A_746 = arith.constant 2147483647 : i32
    %broadcast_in_dim3A_747 = vector.broadcast %broadcast_in_dim3A_746 : i32 to vector<16xi32>
    %add3A_748 = arith.constant 144 : i32
    %add3A_749 = arith.addi %parallel_loop3A_691, %add3A_748 : i32
    %swap3A_750 = arith.index_cast %add3A_749 : i32 to index
    %swap3A_751 = tpu.vector_load %arg6[%swap3A_750] {strides = array<i32>} : memref<33024xi32, #tpu.memory_space<vmem>>, vector<16xi32>,
    tpu.vector_store %arg6[%swap3A_750], %broadcast_in_dim3A_747 {strides = array<i32>} : memref<33024xi32, #tpu.memory_space<vmem>>, vector<16xi32>,
    %broadcast_in_dim3A_752 = arith.constant 2147483647 : i32
    %broadcast_in_dim3A_753 = vector.broadcast %broadcast_in_dim3A_752 : i32 to vector<16xi32>
    %add3A_754 = arith.constant 160 : i32
    %add3A_755 = arith.addi %parallel_loop3A_691, %add3A_754 : i32
    %swap3A_756 = arith.index_cast %add3A_755 : i32 to index
    %swap3A_757 = tpu.vector_load %arg6[%swap3A_756] {strides = array<i32>} : memref<33024xi32, #tpu.memory_space<vmem>>, vector<16xi32>,
    tpu.vector_store %arg6[%swap3A_756], %broadcast_in_dim3A_753 {strides = array<i32>} : memref<33024xi32, #tpu.memory_space<vmem>>, vector<16xi32>,
    %broadcast_in_dim3A_758 = arith.constant 2147483647 : i32
    %broadcast_in_dim3A_759 = vector.broadcast %broadcast_in_dim3A_758 : i32 to vector<16xi32>
    %add3A_760 = arith.constant 176 : i32
    %add3A_761 = arith.addi %parallel_loop3A_691, %add3A_760 : i32
    %swap3A_762 = arith.index_cast %add3A_761 : i32 to index
    %swap3A_763 = tpu.vector_load %arg6[%swap3A_762] {strides = array<i32>} : memref<33024xi32, #tpu.memory_space<vmem>>, vector<16xi32>,
    tpu.vector_store %arg6[%swap3A_762], %broadcast_in_dim3A_759 {strides = array<i32>} : memref<33024xi32, #tpu.memory_space<vmem>>, vector<16xi32>,
    %broadcast_in_dim3A_764 = arith.constant 2147483647 : i32
    %broadcast_in_dim3A_765 = vector.broadcast %broadcast_in_dim3A_764 : i32 to vector<16xi32>
    %add3A_766 = arith.constant 192 : i32
    %add3A_767 = arith.addi %parallel_loop3A_691, %add3A_766 : i32
    %swap3A_768 = arith.index_cast %add3A_767 : i32 to index
    %swap3A_769 = tpu.vector_load %arg6[%swap3A_768] {strides = array<i32>} : memref<33024xi32, #tpu.memory_space<vmem>>, vector<16xi32>,
    tpu.vector_store %arg6[%swap3A_768], %broadcast_in_dim3A_765 {strides = array<i32>} : memref<33024xi32, #tpu.memory_space<vmem>>, vector<16xi32>,
    %broadcast_in_dim3A_770 = arith.constant 2147483647 : i32
    %broadcast_in_dim3A_771 = vector.broadcast %broadcast_in_dim3A_770 : i32 to vector<16xi32>
    %add3A_772 = arith.constant 208 : i32
    %add3A_773 = arith.addi %parallel_loop3A_691, %add3A_772 : i32
    %swap3A_774 = arith.index_cast %add3A_773 : i32 to index
    %swap3A_775 = tpu.vector_load %arg6[%swap3A_774] {strides = array<i32>} : memref<33024xi32, #tpu.memory_space<vmem>>, vector<16xi32>,
    tpu.vector_store %arg6[%swap3A_774], %broadcast_in_dim3A_771 {strides = array<i32>} : memref<33024xi32, #tpu.memory_space<vmem>>, vector<16xi32>,
    %broadcast_in_dim3A_776 = arith.constant 2147483647 : i32
    %broadcast_in_dim3A_777 = vector.broadcast %broadcast_in_dim3A_776 : i32 to vector<16xi32>
    %add3A_778 = arith.constant 224 : i32
    %add3A_779 = arith.addi %parallel_loop3A_691, %add3A_778 : i32
    %swap3A_780 = arith.index_cast %add3A_779 : i32 to index
    %swap3A_781 = tpu.vector_load %arg6[%swap3A_780] {strides = array<i32>} : memref<33024xi32, #tpu.memory_space<vmem>>, vector<16xi32>,
    tpu.vector_store %arg6[%swap3A_780], %broadcast_in_dim3A_777 {strides = array<i32>} : memref<33024xi32, #tpu.memory_space<vmem>>, vector<16xi32>,
    %broadcast_in_dim3A_782 = arith.constant 2147483647 : i32
    %broadcast_in_dim3A_783 = vector.broadcast %broadcast_in_dim3A_782 : i32 to vector<16xi32>
    %add3A_784 = arith.constant 240 : i32
    %add3A_785 = arith.addi %parallel_loop3A_691, %add3A_784 : i32
    %swap3A_786 = arith.index_cast %add3A_785 : i32 to index
    %swap3A_787 = tpu.vector_load %arg6[%swap3A_786] {strides = array<i32>} : memref<33024xi32, #tpu.memory_space<vmem>>, vector<16xi32>,
    tpu.vector_store %arg6[%swap3A_786], %broadcast_in_dim3A_783 {strides = array<i32>} : memref<33024xi32, #tpu.memory_space<vmem>>, vector<16xi32>,
    %broadcast_in_dim3A_788 = arith.constant 2147483647 : i32
    %broadcast_in_dim3A_789 = vector.broadcast %broadcast_in_dim3A_788 : i32 to vector<16xi32>
    %add3A_790 = arith.constant 256 : i32
    %add3A_791 = arith.addi %parallel_loop3A_691, %add3A_790 : i32
    %swap3A_792 = arith.index_cast %add3A_791 : i32 to index
    %swap3A_793 = tpu.vector_load %arg6[%swap3A_792] {strides = array<i32>} : memref<33024xi32, #tpu.memory_space<vmem>>, vector<16xi32>,
    tpu.vector_store %arg6[%swap3A_792], %broadcast_in_dim3A_789 {strides = array<i32>} : memref<33024xi32, #tpu.memory_space<vmem>>, vector<16xi32>,
    %broadcast_in_dim3A_794 = arith.constant 2147483647 : i32
    %broadcast_in_dim3A_795 = vector.broadcast %broadcast_in_dim3A_794 : i32 to vector<16xi32>
    %add3A_796 = arith.constant 272 : i32
    %add3A_797 = arith.addi %parallel_loop3A_691, %add3A_796 : i32
    %swap3A_798 = arith.index_cast %add3A_797 : i32 to index
    %swap3A_799 = tpu.vector_load %arg6[%swap3A_798] {strides = array<i32>} : memref<33024xi32, #tpu.memory_space<vmem>>, vector<16xi32>,
    tpu.vector_store %arg6[%swap3A_798], %broadcast_in_dim3A_795 {strides = array<i32>} : memref<33024xi32, #tpu.memory_space<vmem>>, vector<16xi32>,
    %broadcast_in_dim3A_800 = arith.constant 2147483647 : i32
    %broadcast_in_dim3A_801 = vector.broadcast %broadcast_in_dim3A_800 : i32 to vector<16xi32>
    %add3A_802 = arith.constant 288 : i32
    %add3A_803 = arith.addi %parallel_loop3A_691, %add3A_802 : i32
    %swap3A_804 = arith.index_cast %add3A_803 : i32 to index
    %swap3A_805 = tpu.vector_load %arg6[%swap3A_804] {strides = array<i32>} : memref<33024xi32, #tpu.memory_space<vmem>>, vector<16xi32>,
    tpu.vector_store %arg6[%swap3A_804], %broadcast_in_dim3A_801 {strides = array<i32>} : memref<33024xi32, #tpu.memory_space<vmem>>, vector<16xi32>,
    %broadcast_in_dim3A_806 = arith.constant 2147483647 : i32
    %broadcast_in_dim3A_807 = vector.broadcast %broadcast_in_dim3A_806 : i32 to vector<16xi32>
    %add3A_808 = arith.constant 304 : i32
    %add3A_809 = arith.addi %parallel_loop3A_691, %add3A_808 : i32
    %swap3A_810 = arith.index_cast %add3A_809 : i32 to index
    %swap3A_811 = tpu.vector_load %arg6[%swap3A_810] {strides = array<i32>} : memref<33024xi32, #tpu.memory_space<vmem>>, vector<16xi32>,
    tpu.vector_store %arg6[%swap3A_810], %broadcast_in_dim3A_807 {strides = array<i32>} : memref<33024xi32, #tpu.memory_space<vmem>>, vector<16xi32>,
    %broadcast_in_dim3A_812 = arith.constant 2147483647 : i32
    %broadcast_in_dim3A_813 = vector.broadcast %broadcast_in_dim3A_812 : i32 to vector<16xi32>
    %add3A_814 = arith.constant 320 : i32
    %add3A_815 = arith.addi %parallel_loop3A_691, %add3A_814 : i32
    %swap3A_816 = arith.index_cast %add3A_815 : i32 to index
    %swap3A_817 = tpu.vector_load %arg6[%swap3A_816] {strides = array<i32>} : memref<33024xi32, #tpu.memory_space<vmem>>, vector<16xi32>,
    tpu.vector_store %arg6[%swap3A_816], %broadcast_in_dim3A_813 {strides = array<i32>} : memref<33024xi32, #tpu.memory_space<vmem>>, vector<16xi32>,
    %broadcast_in_dim3A_818 = arith.constant 2147483647 : i32
    %broadcast_in_dim3A_819 = vector.broadcast %broadcast_in_dim3A_818 : i32 to vector<16xi32>
    %add3A_820 = arith.constant 336 : i32
    %add3A_821 = arith.addi %parallel_loop3A_691, %add3A_820 : i32
    %swap3A_822 = arith.index_cast %add3A_821 : i32 to index
    %swap3A_823 = tpu.vector_load %arg6[%swap3A_822] {strides = array<i32>} : memref<33024xi32, #tpu.memory_space<vmem>>, vector<16xi32>,
    tpu.vector_store %arg6[%swap3A_822], %broadcast_in_dim3A_819 {strides = array<i32>} : memref<33024xi32, #tpu.memory_space<vmem>>, vector<16xi32>,
    %broadcast_in_dim3A_824 = arith.constant 2147483647 : i32
    %broadcast_in_dim3A_825 = vector.broadcast %broadcast_in_dim3A_824 : i32 to vector<16xi32>
    %add3A_826 = arith.constant 352 : i32
    %add3A_827 = arith.addi %parallel_loop3A_691, %add3A_826 : i32
    %swap3A_828 = arith.index_cast %add3A_827 : i32 to index
    %swap3A_829 = tpu.vector_load %arg6[%swap3A_828] {strides = array<i32>} : memref<33024xi32, #tpu.memory_space<vmem>>, vector<16xi32>,
    tpu.vector_store %arg6[%swap3A_828], %broadcast_in_dim3A_825 {strides = array<i32>} : memref<33024xi32, #tpu.memory_space<vmem>>, vector<16xi32>,
    %broadcast_in_dim3A_830 = arith.constant 2147483647 : i32
    %broadcast_in_dim3A_831 = vector.broadcast %broadcast_in_dim3A_830 : i32 to vector<16xi32>
    %add3A_832 = arith.constant 368 : i32
    %add3A_833 = arith.addi %parallel_loop3A_691, %add3A_832 : i32
    %swap3A_834 = arith.index_cast %add3A_833 : i32 to index
    %swap3A_835 = tpu.vector_load %arg6[%swap3A_834] {strides = array<i32>} : memref<33024xi32, #tpu.memory_space<vmem>>, vector<16xi32>,
    tpu.vector_store %arg6[%swap3A_834], %broadcast_in_dim3A_831 {strides = array<i32>} : memref<33024xi32, #tpu.memory_space<vmem>>, vector<16xi32>,
    %broadcast_in_dim3A_836 = arith.constant 2147483647 : i32
    %broadcast_in_dim3A_837 = vector.broadcast %broadcast_in_dim3A_836 : i32 to vector<16xi32>
    %add3A_838 = arith.constant 384 : i32
    %add3A_839 = arith.addi %parallel_loop3A_691, %add3A_838 : i32
    %swap3A_840 = arith.index_cast %add3A_839 : i32 to index
    %swap3A_841 = tpu.vector_load %arg6[%swap3A_840] {strides = array<i32>} : memref<33024xi32, #tpu.memory_space<vmem>>, vector<16xi32>,
    tpu.vector_store %arg6[%swap3A_840], %broadcast_in_dim3A_837 {strides = array<i32>} : memref<33024xi32, #tpu.memory_space<vmem>>, vector<16xi32>,
    %broadcast_in_dim3A_842 = arith.constant 2147483647 : i32
    %broadcast_in_dim3A_843 = vector.broadcast %broadcast_in_dim3A_842 : i32 to vector<16xi32>
    %add3A_844 = arith.constant 400 : i32
    %add3A_845 = arith.addi %parallel_loop3A_691, %add3A_844 : i32
    %swap3A_846 = arith.index_cast %add3A_845 : i32 to index
    %swap3A_847 = tpu.vector_load %arg6[%swap3A_846] {strides = array<i32>} : memref<33024xi32, #tpu.memory_space<vmem>>, vector<16xi32>,
    tpu.vector_store %arg6[%swap3A_846], %broadcast_in_dim3A_843 {strides = array<i32>} : memref<33024xi32, #tpu.memory_space<vmem>>, vector<16xi32>,
    %broadcast_in_dim3A_848 = arith.constant 2147483647 : i32
    %broadcast_in_dim3A_849 = vector.broadcast %broadcast_in_dim3A_848 : i32 to vector<16xi32>
    %add3A_850 = arith.constant 416 : i32
    %add3A_851 = arith.addi %parallel_loop3A_691, %add3A_850 : i32
    %swap3A_852 = arith.index_cast %add3A_851 : i32 to index
    %swap3A_853 = tpu.vector_load %arg6[%swap3A_852] {strides = array<i32>} : memref<33024xi32, #tpu.memory_space<vmem>>, vector<16xi32>,
    tpu.vector_store %arg6[%swap3A_852], %broadcast_in_dim3A_849 {strides = array<i32>} : memref<33024xi32, #tpu.memory_space<vmem>>, vector<16xi32>,
    %broadcast_in_dim3A_854 = arith.constant 2147483647 : i32
    %broadcast_in_dim3A_855 = vector.broadcast %broadcast_in_dim3A_854 : i32 to vector<16xi32>
    %add3A_856 = arith.constant 432 : i32
    %add3A_857 = arith.addi %parallel_loop3A_691, %add3A_856 : i32
    %swap3A_858 = arith.index_cast %add3A_857 : i32 to index
    %swap3A_859 = tpu.vector_load %arg6[%swap3A_858] {strides = array<i32>} : memref<33024xi32, #tpu.memory_space<vmem>>, vector<16xi32>,
    tpu.vector_store %arg6[%swap3A_858], %broadcast_in_dim3A_855 {strides = array<i32>} : memref<33024xi32, #tpu.memory_space<vmem>>, vector<16xi32>,
    %broadcast_in_dim3A_860 = arith.constant 2147483647 : i32
    %broadcast_in_dim3A_861 = vector.broadcast %broadcast_in_dim3A_860 : i32 to vector<16xi32>
    %add3A_862 = arith.constant 448 : i32
    %add3A_863 = arith.addi %parallel_loop3A_691, %add3A_862 : i32
    %swap3A_864 = arith.index_cast %add3A_863 : i32 to index
    %swap3A_865 = tpu.vector_load %arg6[%swap3A_864] {strides = array<i32>} : memref<33024xi32, #tpu.memory_space<vmem>>, vector<16xi32>,
    tpu.vector_store %arg6[%swap3A_864], %broadcast_in_dim3A_861 {strides = array<i32>} : memref<33024xi32, #tpu.memory_space<vmem>>, vector<16xi32>,
    %broadcast_in_dim3A_866 = arith.constant 2147483647 : i32
    %broadcast_in_dim3A_867 = vector.broadcast %broadcast_in_dim3A_866 : i32 to vector<16xi32>
    %add3A_868 = arith.constant 464 : i32
    %add3A_869 = arith.addi %parallel_loop3A_691, %add3A_868 : i32
    %swap3A_870 = arith.index_cast %add3A_869 : i32 to index
    %swap3A_871 = tpu.vector_load %arg6[%swap3A_870] {strides = array<i32>} : memref<33024xi32, #tpu.memory_space<vmem>>, vector<16xi32>,
    tpu.vector_store %arg6[%swap3A_870], %broadcast_in_dim3A_867 {strides = array<i32>} : memref<33024xi32, #tpu.memory_space<vmem>>, vector<16xi32>,
    %broadcast_in_dim3A_872 = arith.constant 2147483647 : i32
    %broadcast_in_dim3A_873 = vector.broadcast %broadcast_in_dim3A_872 : i32 to vector<16xi32>
    %add3A_874 = arith.constant 480 : i32
    %add3A_875 = arith.addi %parallel_loop3A_691, %add3A_874 : i32
    %swap3A_876 = arith.index_cast %add3A_875 : i32 to index
    %swap3A_877 = tpu.vector_load %arg6[%swap3A_876] {strides = array<i32>} : memref<33024xi32, #tpu.memory_space<vmem>>, vector<16xi32>,
    tpu.vector_store %arg6[%swap3A_876], %broadcast_in_dim3A_873 {strides = array<i32>} : memref<33024xi32, #tpu.memory_space<vmem>>, vector<16xi32>,
    %broadcast_in_dim3A_878 = arith.constant 2147483647 : i32
    %broadcast_in_dim3A_879 = vector.broadcast %broadcast_in_dim3A_878 : i32 to vector<16xi32>
    %add3A_880 = arith.constant 496 : i32
    %add3A_881 = arith.addi %parallel_loop3A_691, %add3A_880 : i32
    %swap3A_882 = arith.index_cast %add3A_881 : i32 to index
    %swap3A_883 = tpu.vector_load %arg6[%swap3A_882] {strides = array<i32>} : memref<33024xi32, #tpu.memory_space<vmem>>, vector<16xi32>,
    tpu.vector_store %arg6[%swap3A_882], %broadcast_in_dim3A_879 {strides = array<i32>} : memref<33024xi32, #tpu.memory_space<vmem>>, vector<16xi32>,
    %add3A_884 = arith.constant 256 : i32
    %add3A_885 = arith.addi %parallel_loop3A_691, %add3A_884 : i32
    %sub3A_886 = arith.constant 1 : i32
    %sub3A_887 = arith.subi %add3A_885, %sub3A_886 : i32
    %jit3A_888 = arith.constant 256 : i32
    %div3A_889 = arith.divsi %sub3A_887, %jit3A_888 : i32
    %sign3A_890 = arith.constant 0 : i32
    %sign3A_891 = arith.cmpi sgt, %sub3A_887, %sign3A_890 : i32
    %sign3A_892 = arith.extui %sign3A_891 : i1 to i32
    %sign3A_893 = arith.constant 0 : i32
    %sign3A_894 = arith.cmpi slt, %sub3A_887, %sign3A_893 : i32
    %sign3A_895 = arith.extui %sign3A_894 : i1 to i32
    %sign3A_896 = arith.subi %sign3A_892, %sign3A_895 : i32
    %sign3A_897 = arith.constant 0 : i32
    %sign3A_898 = arith.cmpi sgt, %jit3A_888, %sign3A_897 : i32
    %sign3A_899 = arith.extui %sign3A_898 : i1 to i32
    %sign3A_900 = arith.constant 0 : i32
    %sign3A_901 = arith.cmpi slt, %jit3A_888, %sign3A_900 : i32
    %sign3A_902 = arith.extui %sign3A_901 : i1 to i32
    %sign3A_903 = arith.subi %sign3A_899, %sign3A_902 : i32
    %ne3A_904 = arith.cmpi ne, %sign3A_896, %sign3A_903 : i32
    %rem3A_905 = arith.remsi %sub3A_887, %jit3A_888 : i32
    %ne3A_906 = arith.constant 0 : i32
    %ne3A_907 = arith.cmpi ne, %rem3A_905, %ne3A_906 : i32
    %and3A_908 = arith.andi %ne3A_904, %ne3A_907 : i1
    %sub3A_909 = arith.constant 1 : i32
    %sub3A_910 = arith.subi %div3A_889, %sub3A_909 : i32
    %select_n3A_911 = arith.select %and3A_908, %sub3A_910, %div3A_889 : i32
    %shift_left3A_912 = arith.constant 20 : i32
    %shift_left3A_913 = arith.shli %reduce_sum3A_677, %shift_left3A_912 : i32
    %scan3A_914 = arith.constant 0 : i32
    %scan3A_915 = arith.constant 20 : i32
    %scan3A_916 = arith.addi %scan3A_914, %scan3A_915 : i32
    %scan3A_917 = arith.constant 1 : i32
    %scan3A_918 = scf.for %scan3A_1231 = %scan3A_914 to %scan3A_916 step %scan3A_917 iter_args(%scan3A_1232 = %shift_left3A_913) -> (i32)  : i32 {
      %sub3A_1233 = arith.constant 19 : i32
      %sub3A_1234 = arith.subi %sub3A_1233, %scan3A_1231 : i32
      %shift_left3A_1235 = arith.constant 1 : i32
      %shift_left3A_1236 = arith.shli %shift_left3A_1235, %sub3A_1234 : i32
      %or3A = arith.ori %scan3A_1232, %shift_left3A_1236 : i32
      %broadcast_in_dim3A_1237 = arith.constant 0 : i32
      %broadcast_in_dim3A_1238 = vector.broadcast %broadcast_in_dim3A_1237 : i32 to vector<16xi32>
      %broadcast_in_dim3A_1239 = arith.constant 0 : i32
      %broadcast_in_dim3A_1240 = vector.broadcast %broadcast_in_dim3A_1239 : i32 to vector<16xi32>
      %broadcast_in_dim3A_1241 = arith.constant 0 : i32
      %broadcast_in_dim3A_1242 = vector.broadcast %broadcast_in_dim3A_1241 : i32 to vector<16xi32>
      %broadcast_in_dim3A_1243 = arith.constant 0 : i32
      %broadcast_in_dim3A_1244 = vector.broadcast %broadcast_in_dim3A_1243 : i32 to vector<16xi32>
      %broadcast_in_dim3A_1245 = arith.constant 0 : i32
      %broadcast_in_dim3A_1246 = vector.broadcast %broadcast_in_dim3A_1245 : i32 to vector<16xi32>
      %broadcast_in_dim3A_1247 = arith.constant 0 : i32
      %broadcast_in_dim3A_1248 = vector.broadcast %broadcast_in_dim3A_1247 : i32 to vector<16xi32>
      %broadcast_in_dim3A_1249 = arith.constant 0 : i32
      %broadcast_in_dim3A_1250 = vector.broadcast %broadcast_in_dim3A_1249 : i32 to vector<16xi32>
      %broadcast_in_dim3A_1251 = arith.constant 0 : i32
      %broadcast_in_dim3A_1252 = vector.broadcast %broadcast_in_dim3A_1251 : i32 to vector<16xi32>
      %broadcast_in_dim3A_1253 = arith.constant 0 : i32
      %broadcast_in_dim3A_1254 = vector.broadcast %broadcast_in_dim3A_1253 : i32 to vector<16xi32>
      %broadcast_in_dim3A_1255 = arith.constant 0 : i32
      %broadcast_in_dim3A_1256 = vector.broadcast %broadcast_in_dim3A_1255 : i32 to vector<16xi32>
      %broadcast_in_dim3A_1257 = arith.constant 0 : i32
      %broadcast_in_dim3A_1258 = vector.broadcast %broadcast_in_dim3A_1257 : i32 to vector<16xi32>
      %broadcast_in_dim3A_1259 = arith.constant 0 : i32
      %broadcast_in_dim3A_1260 = vector.broadcast %broadcast_in_dim3A_1259 : i32 to vector<16xi32>
      %broadcast_in_dim3A_1261 = arith.constant 0 : i32
      %broadcast_in_dim3A_1262 = vector.broadcast %broadcast_in_dim3A_1261 : i32 to vector<16xi32>
      %broadcast_in_dim3A_1263 = arith.constant 0 : i32
      %broadcast_in_dim3A_1264 = vector.broadcast %broadcast_in_dim3A_1263 : i32 to vector<16xi32>
      %broadcast_in_dim3A_1265 = arith.constant 0 : i32
      %broadcast_in_dim3A_1266 = vector.broadcast %broadcast_in_dim3A_1265 : i32 to vector<16xi32>
      %broadcast_in_dim3A_1267 = arith.constant 0 : i32
      %broadcast_in_dim3A_1268 = vector.broadcast %broadcast_in_dim3A_1267 : i32 to vector<16xi32>
      %while3A_1269 = arith.constant 0 : i32
      %while3A_1270 = arith.subi %select_n3A_911, %while3A_1269 : i32
      %while3A_1271 = arith.addi %while3A_1269, %while3A_1270 : i32
      %while3A_1272 = arith.constant 1 : i32
      %while3A_1273 = arith.divsi %while3A_1270, %while3A_1272 : i32
      %while3A_1274 = arith.muli %while3A_1273, %while3A_1272 : i32
      %while3A_1275 = arith.addi %while3A_1269, %while3A_1274 : i32
      %while3A_1276 = arith.constant 1 : i32
      %while3A_1277:16 = scf.for %while3A_1304 = %while3A_1269 to %while3A_1275 step %while3A_1276 iter_args(%while3A_1305 = %broadcast_in_dim3A_1238, %while3A_1306 = %broadcast_in_dim3A_1240, %while3A_1307 = %broadcast_in_dim3A_1242, %while3A_1308 = %broadcast_in_dim3A_1244, %while3A_1309 = %broadcast_in_dim3A_1246, %while3A_1310 = %broadcast_in_dim3A_1248, %while3A_1311 = %broadcast_in_dim3A_1250, %while3A_1312 = %broadcast_in_dim3A_1252, %while3A_1313 = %broadcast_in_dim3A_1254, %while3A_1314 = %broadcast_in_dim3A_1256, %while3A_1315 = %broadcast_in_dim3A_1258, %while3A_1316 = %broadcast_in_dim3A_1260, %while3A_1317 = %broadcast_in_dim3A_1262, %while3A_1318 = %broadcast_in_dim3A_1264, %while3A_1319 = %broadcast_in_dim3A_1266, %while3A_1320 = %broadcast_in_dim3A_1268) -> (vector<16xi32>, vector<16xi32>, vector<16xi32>, vector<16xi32>, vector<16xi32>, vector<16xi32>, vector<16xi32>, vector<16xi32>, vector<16xi32>, vector<16xi32>, vector<16xi32>, vector<16xi32>, vector<16xi32>, vector<16xi32>, vector<16xi32>, vector<16xi32>)  : i32 {
        %mul3A_1321 = arith.constant 16 : i32
        %mul3A_1322 = arith.muli %while3A_1304, %mul3A_1321 : i32
        %add3A_1323 = arith.constant 0 : i32
        %add3A_1324 = arith.addi %mul3A_1322, %add3A_1323 : i32
        %mul3A_1325 = arith.constant 16 : i32
        %mul3A_1326 = arith.muli %add3A_1324, %mul3A_1325 : i32
        %get3A_1327 = arith.index_cast %mul3A_1326 : i32 to index
        %get3A_1328 = tpu.vector_load %arg6[%get3A_1327] {strides = array<i32>} : memref<33024xi32, #tpu.memory_space<vmem>>, vector<16xi32>,
        %mul3A_1329 = arith.constant 16 : i32
        %mul3A_1330 = arith.muli %while3A_1304, %mul3A_1329 : i32
        %add3A_1331 = arith.constant 1 : i32
        %add3A_1332 = arith.addi %mul3A_1330, %add3A_1331 : i32
        %mul3A_1333 = arith.constant 16 : i32
        %mul3A_1334 = arith.muli %add3A_1332, %mul3A_1333 : i32
        %get3A_1335 = arith.index_cast %mul3A_1334 : i32 to index
        %get3A_1336 = tpu.vector_load %arg6[%get3A_1335] {strides = array<i32>} : memref<33024xi32, #tpu.memory_space<vmem>>, vector<16xi32>,
        %mul3A_1337 = arith.constant 16 : i32
        %mul3A_1338 = arith.muli %while3A_1304, %mul3A_1337 : i32
        %add3A_1339 = arith.constant 2 : i32
        %add3A_1340 = arith.addi %mul3A_1338, %add3A_1339 : i32
        %mul3A_1341 = arith.constant 16 : i32
        %mul3A_1342 = arith.muli %add3A_1340, %mul3A_1341 : i32
        %get3A_1343 = arith.index_cast %mul3A_1342 : i32 to index
        %get3A_1344 = tpu.vector_load %arg6[%get3A_1343] {strides = array<i32>} : memref<33024xi32, #tpu.memory_space<vmem>>, vector<16xi32>,
        %mul3A_1345 = arith.constant 16 : i32
        %mul3A_1346 = arith.muli %while3A_1304, %mul3A_1345 : i32
        %add3A_1347 = arith.constant 3 : i32
        %add3A_1348 = arith.addi %mul3A_1346, %add3A_1347 : i32
        %mul3A_1349 = arith.constant 16 : i32
        %mul3A_1350 = arith.muli %add3A_1348, %mul3A_1349 : i32
        %get3A_1351 = arith.index_cast %mul3A_1350 : i32 to index
        %get3A_1352 = tpu.vector_load %arg6[%get3A_1351] {strides = array<i32>} : memref<33024xi32, #tpu.memory_space<vmem>>, vector<16xi32>,
        %mul3A_1353 = arith.constant 16 : i32
        %mul3A_1354 = arith.muli %while3A_1304, %mul3A_1353 : i32
        %add3A_1355 = arith.constant 4 : i32
        %add3A_1356 = arith.addi %mul3A_1354, %add3A_1355 : i32
        %mul3A_1357 = arith.constant 16 : i32
        %mul3A_1358 = arith.muli %add3A_1356, %mul3A_1357 : i32
        %get3A_1359 = arith.index_cast %mul3A_1358 : i32 to index
        %get3A_1360 = tpu.vector_load %arg6[%get3A_1359] {strides = array<i32>} : memref<33024xi32, #tpu.memory_space<vmem>>, vector<16xi32>,
        %mul3A_1361 = arith.constant 16 : i32
        %mul3A_1362 = arith.muli %while3A_1304, %mul3A_1361 : i32
        %add3A_1363 = arith.constant 5 : i32
        %add3A_1364 = arith.addi %mul3A_1362, %add3A_1363 : i32
        %mul3A_1365 = arith.constant 16 : i32
        %mul3A_1366 = arith.muli %add3A_1364, %mul3A_1365 : i32
        %get3A_1367 = arith.index_cast %mul3A_1366 : i32 to index
        %get3A_1368 = tpu.vector_load %arg6[%get3A_1367] {strides = array<i32>} : memref<33024xi32, #tpu.memory_space<vmem>>, vector<16xi32>,
        %mul3A_1369 = arith.constant 16 : i32
        %mul3A_1370 = arith.muli %while3A_1304, %mul3A_1369 : i32
        %add3A_1371 = arith.constant 6 : i32
        %add3A_1372 = arith.addi %mul3A_1370, %add3A_1371 : i32
        %mul3A_1373 = arith.constant 16 : i32
        %mul3A_1374 = arith.muli %add3A_1372, %mul3A_1373 : i32
        %get3A_1375 = arith.index_cast %mul3A_1374 : i32 to index
        %get3A_1376 = tpu.vector_load %arg6[%get3A_1375] {strides = array<i32>} : memref<33024xi32, #tpu.memory_space<vmem>>, vector<16xi32>,
        %mul3A_1377 = arith.constant 16 : i32
        %mul3A_1378 = arith.muli %while3A_1304, %mul3A_1377 : i32
        %add3A_1379 = arith.constant 7 : i32
        %add3A_1380 = arith.addi %mul3A_1378, %add3A_1379 : i32
        %mul3A_1381 = arith.constant 16 : i32
        %mul3A_1382 = arith.muli %add3A_1380, %mul3A_1381 : i32
        %get3A_1383 = arith.index_cast %mul3A_1382 : i32 to index
        %get3A_1384 = tpu.vector_load %arg6[%get3A_1383] {strides = array<i32>} : memref<33024xi32, #tpu.memory_space<vmem>>, vector<16xi32>,
        %mul3A_1385 = arith.constant 16 : i32
        %mul3A_1386 = arith.muli %while3A_1304, %mul3A_1385 : i32
        %add3A_1387 = arith.constant 8 : i32
        %add3A_1388 = arith.addi %mul3A_1386, %add3A_1387 : i32
        %mul3A_1389 = arith.constant 16 : i32
        %mul3A_1390 = arith.muli %add3A_1388, %mul3A_1389 : i32
        %get3A_1391 = arith.index_cast %mul3A_1390 : i32 to index
        %get3A_1392 = tpu.vector_load %arg6[%get3A_1391] {strides = array<i32>} : memref<33024xi32, #tpu.memory_space<vmem>>, vector<16xi32>,
        %mul3A_1393 = arith.constant 16 : i32
        %mul3A_1394 = arith.muli %while3A_1304, %mul3A_1393 : i32
        %add3A_1395 = arith.constant 9 : i32
        %add3A_1396 = arith.addi %mul3A_1394, %add3A_1395 : i32
        %mul3A_1397 = arith.constant 16 : i32
        %mul3A_1398 = arith.muli %add3A_1396, %mul3A_1397 : i32
        %get3A_1399 = arith.index_cast %mul3A_1398 : i32 to index
        %get3A_1400 = tpu.vector_load %arg6[%get3A_1399] {strides = array<i32>} : memref<33024xi32, #tpu.memory_space<vmem>>, vector<16xi32>,
        %mul3A_1401 = arith.constant 16 : i32
        %mul3A_1402 = arith.muli %while3A_1304, %mul3A_1401 : i32
        %add3A_1403 = arith.constant 10 : i32
        %add3A_1404 = arith.addi %mul3A_1402, %add3A_1403 : i32
        %mul3A_1405 = arith.constant 16 : i32
        %mul3A_1406 = arith.muli %add3A_1404, %mul3A_1405 : i32
        %get3A_1407 = arith.index_cast %mul3A_1406 : i32 to index
        %get3A_1408 = tpu.vector_load %arg6[%get3A_1407] {strides = array<i32>} : memref<33024xi32, #tpu.memory_space<vmem>>, vector<16xi32>,
        %mul3A_1409 = arith.constant 16 : i32
        %mul3A_1410 = arith.muli %while3A_1304, %mul3A_1409 : i32
        %add3A_1411 = arith.constant 11 : i32
        %add3A_1412 = arith.addi %mul3A_1410, %add3A_1411 : i32
        %mul3A_1413 = arith.constant 16 : i32
        %mul3A_1414 = arith.muli %add3A_1412, %mul3A_1413 : i32
        %get3A_1415 = arith.index_cast %mul3A_1414 : i32 to index
        %get3A_1416 = tpu.vector_load %arg6[%get3A_1415] {strides = array<i32>} : memref<33024xi32, #tpu.memory_space<vmem>>, vector<16xi32>,
        %mul3A_1417 = arith.constant 16 : i32
        %mul3A_1418 = arith.muli %while3A_1304, %mul3A_1417 : i32
        %add3A_1419 = arith.constant 12 : i32
        %add3A_1420 = arith.addi %mul3A_1418, %add3A_1419 : i32
        %mul3A_1421 = arith.constant 16 : i32
        %mul3A_1422 = arith.muli %add3A_1420, %mul3A_1421 : i32
        %get3A_1423 = arith.index_cast %mul3A_1422 : i32 to index
        %get3A_1424 = tpu.vector_load %arg6[%get3A_1423] {strides = array<i32>} : memref<33024xi32, #tpu.memory_space<vmem>>, vector<16xi32>,
        %mul3A_1425 = arith.constant 16 : i32
        %mul3A_1426 = arith.muli %while3A_1304, %mul3A_1425 : i32
        %add3A_1427 = arith.constant 13 : i32
        %add3A_1428 = arith.addi %mul3A_1426, %add3A_1427 : i32
        %mul3A_1429 = arith.constant 16 : i32
        %mul3A_1430 = arith.muli %add3A_1428, %mul3A_1429 : i32
        %get3A_1431 = arith.index_cast %mul3A_1430 : i32 to index
        %get3A_1432 = tpu.vector_load %arg6[%get3A_1431] {strides = array<i32>} : memref<33024xi32, #tpu.memory_space<vmem>>, vector<16xi32>,
        %mul3A_1433 = arith.constant 16 : i32
        %mul3A_1434 = arith.muli %while3A_1304, %mul3A_1433 : i32
        %add3A_1435 = arith.constant 14 : i32
        %add3A_1436 = arith.addi %mul3A_1434, %add3A_1435 : i32
        %mul3A_1437 = arith.constant 16 : i32
        %mul3A_1438 = arith.muli %add3A_1436, %mul3A_1437 : i32
        %get3A_1439 = arith.index_cast %mul3A_1438 : i32 to index
        %get3A_1440 = tpu.vector_load %arg6[%get3A_1439] {strides = array<i32>} : memref<33024xi32, #tpu.memory_space<vmem>>, vector<16xi32>,
        %mul3A_1441 = arith.constant 16 : i32
        %mul3A_1442 = arith.muli %while3A_1304, %mul3A_1441 : i32
        %add3A_1443 = arith.constant 15 : i32
        %add3A_1444 = arith.addi %mul3A_1442, %add3A_1443 : i32
        %mul3A_1445 = arith.constant 16 : i32
        %mul3A_1446 = arith.muli %add3A_1444, %mul3A_1445 : i32
        %get3A_1447 = arith.index_cast %mul3A_1446 : i32 to index
        %get3A_1448 = tpu.vector_load %arg6[%get3A_1447] {strides = array<i32>} : memref<33024xi32, #tpu.memory_space<vmem>>, vector<16xi32>,
        %lt3A = vector.broadcast %or3A : i32 to vector<16xi32>
        %lt3A_1449 = arith.cmpi slt, %get3A_1328, %lt3A : vector<16xi32>
        %convert_element_type3A_1450 = arith.extui %lt3A_1449 : vector<16xi1> to vector<16xi32>
        %lt3A_1451 = vector.broadcast %or3A : i32 to vector<16xi32>
        %lt3A_1452 = arith.cmpi slt, %get3A_1336, %lt3A_1451 : vector<16xi32>
        %convert_element_type3A_1453 = arith.extui %lt3A_1452 : vector<16xi1> to vector<16xi32>
        %lt3A_1454 = vector.broadcast %or3A : i32 to vector<16xi32>
        %lt3A_1455 = arith.cmpi slt, %get3A_1344, %lt3A_1454 : vector<16xi32>
        %convert_element_type3A_1456 = arith.extui %lt3A_1455 : vector<16xi1> to vector<16xi32>
        %lt3A_1457 = vector.broadcast %or3A : i32 to vector<16xi32>
        %lt3A_1458 = arith.cmpi slt, %get3A_1352, %lt3A_1457 : vector<16xi32>
        %convert_element_type3A_1459 = arith.extui %lt3A_1458 : vector<16xi1> to vector<16xi32>
        %lt3A_1460 = vector.broadcast %or3A : i32 to vector<16xi32>
        %lt3A_1461 = arith.cmpi slt, %get3A_1360, %lt3A_1460 : vector<16xi32>
        %convert_element_type3A_1462 = arith.extui %lt3A_1461 : vector<16xi1> to vector<16xi32>
        %lt3A_1463 = vector.broadcast %or3A : i32 to vector<16xi32>
        %lt3A_1464 = arith.cmpi slt, %get3A_1368, %lt3A_1463 : vector<16xi32>
        %convert_element_type3A_1465 = arith.extui %lt3A_1464 : vector<16xi1> to vector<16xi32>
        %lt3A_1466 = vector.broadcast %or3A : i32 to vector<16xi32>
        %lt3A_1467 = arith.cmpi slt, %get3A_1376, %lt3A_1466 : vector<16xi32>
        %convert_element_type3A_1468 = arith.extui %lt3A_1467 : vector<16xi1> to vector<16xi32>
        %lt3A_1469 = vector.broadcast %or3A : i32 to vector<16xi32>
        %lt3A_1470 = arith.cmpi slt, %get3A_1384, %lt3A_1469 : vector<16xi32>
        %convert_element_type3A_1471 = arith.extui %lt3A_1470 : vector<16xi1> to vector<16xi32>
        %lt3A_1472 = vector.broadcast %or3A : i32 to vector<16xi32>
        %lt3A_1473 = arith.cmpi slt, %get3A_1392, %lt3A_1472 : vector<16xi32>
        %convert_element_type3A_1474 = arith.extui %lt3A_1473 : vector<16xi1> to vector<16xi32>
        %lt3A_1475 = vector.broadcast %or3A : i32 to vector<16xi32>
        %lt3A_1476 = arith.cmpi slt, %get3A_1400, %lt3A_1475 : vector<16xi32>
        %convert_element_type3A_1477 = arith.extui %lt3A_1476 : vector<16xi1> to vector<16xi32>
        %lt3A_1478 = vector.broadcast %or3A : i32 to vector<16xi32>
        %lt3A_1479 = arith.cmpi slt, %get3A_1408, %lt3A_1478 : vector<16xi32>
        %convert_element_type3A_1480 = arith.extui %lt3A_1479 : vector<16xi1> to vector<16xi32>
        %lt3A_1481 = vector.broadcast %or3A : i32 to vector<16xi32>
        %lt3A_1482 = arith.cmpi slt, %get3A_1416, %lt3A_1481 : vector<16xi32>
        %convert_element_type3A_1483 = arith.extui %lt3A_1482 : vector<16xi1> to vector<16xi32>
        %lt3A_1484 = vector.broadcast %or3A : i32 to vector<16xi32>
        %lt3A_1485 = arith.cmpi slt, %get3A_1424, %lt3A_1484 : vector<16xi32>
        %convert_element_type3A_1486 = arith.extui %lt3A_1485 : vector<16xi1> to vector<16xi32>
        %lt3A_1487 = vector.broadcast %or3A : i32 to vector<16xi32>
        %lt3A_1488 = arith.cmpi slt, %get3A_1432, %lt3A_1487 : vector<16xi32>
        %convert_element_type3A_1489 = arith.extui %lt3A_1488 : vector<16xi1> to vector<16xi32>
        %lt3A_1490 = vector.broadcast %or3A : i32 to vector<16xi32>
        %lt3A_1491 = arith.cmpi slt, %get3A_1440, %lt3A_1490 : vector<16xi32>
        %convert_element_type3A_1492 = arith.extui %lt3A_1491 : vector<16xi1> to vector<16xi32>
        %lt3A_1493 = vector.broadcast %or3A : i32 to vector<16xi32>
        %lt3A_1494 = arith.cmpi slt, %get3A_1448, %lt3A_1493 : vector<16xi32>
        %convert_element_type3A_1495 = arith.extui %lt3A_1494 : vector<16xi1> to vector<16xi32>
        %add3A_1496 = arith.addi %while3A_1305, %convert_element_type3A_1450 : vector<16xi32>
        %add3A_1497 = arith.addi %while3A_1306, %convert_element_type3A_1453 : vector<16xi32>
        %add3A_1498 = arith.addi %while3A_1307, %convert_element_type3A_1456 : vector<16xi32>
        %add3A_1499 = arith.addi %while3A_1308, %convert_element_type3A_1459 : vector<16xi32>
        %add3A_1500 = arith.addi %while3A_1309, %convert_element_type3A_1462 : vector<16xi32>
        %add3A_1501 = arith.addi %while3A_1310, %convert_element_type3A_1465 : vector<16xi32>
        %add3A_1502 = arith.addi %while3A_1311, %convert_element_type3A_1468 : vector<16xi32>
        %add3A_1503 = arith.addi %while3A_1312, %convert_element_type3A_1471 : vector<16xi32>
        %add3A_1504 = arith.addi %while3A_1313, %convert_element_type3A_1474 : vector<16xi32>
        %add3A_1505 = arith.addi %while3A_1314, %convert_element_type3A_1477 : vector<16xi32>
        %add3A_1506 = arith.addi %while3A_1315, %convert_element_type3A_1480 : vector<16xi32>
        %add3A_1507 = arith.addi %while3A_1316, %convert_element_type3A_1483 : vector<16xi32>
        %add3A_1508 = arith.addi %while3A_1317, %convert_element_type3A_1486 : vector<16xi32>
        %add3A_1509 = arith.addi %while3A_1318, %convert_element_type3A_1489 : vector<16xi32>
        %add3A_1510 = arith.addi %while3A_1319, %convert_element_type3A_1492 : vector<16xi32>
        %add3A_1511 = arith.addi %while3A_1320, %convert_element_type3A_1495 : vector<16xi32>
        scf.yield %add3A_1496, %add3A_1497, %add3A_1498, %add3A_1499, %add3A_1500, %add3A_1501, %add3A_1502, %add3A_1503, %add3A_1504, %add3A_1505, %add3A_1506, %add3A_1507, %add3A_1508, %add3A_1509, %add3A_1510, %add3A_1511 : vector<16xi32>, vector<16xi32>, vector<16xi32>, vector<16xi32>, vector<16xi32>, vector<16xi32>, vector<16xi32>, vector<16xi32>, vector<16xi32>, vector<16xi32>, vector<16xi32>, vector<16xi32>, vector<16xi32>, vector<16xi32>, vector<16xi32>, vector<16xi32>
      }
      %while3A_1278 = arith.constant 1 : i32
      %while3A_1279:16 = scf.for %while3A_1304 = %while3A_1275 to %while3A_1271 step %while3A_1278 iter_args(%while3A_1305 = %while3A_1277#0, %while3A_1306 = %while3A_1277#1, %while3A_1307 = %while3A_1277#2, %while3A_1308 = %while3A_1277#3, %while3A_1309 = %while3A_1277#4, %while3A_1310 = %while3A_1277#5, %while3A_1311 = %while3A_1277#6, %while3A_1312 = %while3A_1277#7, %while3A_1313 = %while3A_1277#8, %while3A_1314 = %while3A_1277#9, %while3A_1315 = %while3A_1277#10, %while3A_1316 = %while3A_1277#11, %while3A_1317 = %while3A_1277#12, %while3A_1318 = %while3A_1277#13, %while3A_1319 = %while3A_1277#14, %while3A_1320 = %while3A_1277#15) -> (vector<16xi32>, vector<16xi32>, vector<16xi32>, vector<16xi32>, vector<16xi32>, vector<16xi32>, vector<16xi32>, vector<16xi32>, vector<16xi32>, vector<16xi32>, vector<16xi32>, vector<16xi32>, vector<16xi32>, vector<16xi32>, vector<16xi32>, vector<16xi32>)  : i32 {
        %mul3A_1321 = arith.constant 16 : i32
        %mul3A_1322 = arith.muli %while3A_1304, %mul3A_1321 : i32
        %add3A_1323 = arith.constant 0 : i32
        %add3A_1324 = arith.addi %mul3A_1322, %add3A_1323 : i32
        %mul3A_1325 = arith.constant 16 : i32
        %mul3A_1326 = arith.muli %add3A_1324, %mul3A_1325 : i32
        %get3A_1327 = arith.index_cast %mul3A_1326 : i32 to index
        %get3A_1328 = tpu.vector_load %arg6[%get3A_1327] {strides = array<i32>} : memref<33024xi32, #tpu.memory_space<vmem>>, vector<16xi32>,
        %mul3A_1329 = arith.constant 16 : i32
        %mul3A_1330 = arith.muli %while3A_1304, %mul3A_1329 : i32
        %add3A_1331 = arith.constant 1 : i32
        %add3A_1332 = arith.addi %mul3A_1330, %add3A_1331 : i32
        %mul3A_1333 = arith.constant 16 : i32
        %mul3A_1334 = arith.muli %add3A_1332, %mul3A_1333 : i32
        %get3A_1335 = arith.index_cast %mul3A_1334 : i32 to index
        %get3A_1336 = tpu.vector_load %arg6[%get3A_1335] {strides = array<i32>} : memref<33024xi32, #tpu.memory_space<vmem>>, vector<16xi32>,
        %mul3A_1337 = arith.constant 16 : i32
        %mul3A_1338 = arith.muli %while3A_1304, %mul3A_1337 : i32
        %add3A_1339 = arith.constant 2 : i32
        %add3A_1340 = arith.addi %mul3A_1338, %add3A_1339 : i32
        %mul3A_1341 = arith.constant 16 : i32
        %mul3A_1342 = arith.muli %add3A_1340, %mul3A_1341 : i32
        %get3A_1343 = arith.index_cast %mul3A_1342 : i32 to index
        %get3A_1344 = tpu.vector_load %arg6[%get3A_1343] {strides = array<i32>} : memref<33024xi32, #tpu.memory_space<vmem>>, vector<16xi32>,
        %mul3A_1345 = arith.constant 16 : i32
        %mul3A_1346 = arith.muli %while3A_1304, %mul3A_1345 : i32
        %add3A_1347 = arith.constant 3 : i32
        %add3A_1348 = arith.addi %mul3A_1346, %add3A_1347 : i32
        %mul3A_1349 = arith.constant 16 : i32
        %mul3A_1350 = arith.muli %add3A_1348, %mul3A_1349 : i32
        %get3A_1351 = arith.index_cast %mul3A_1350 : i32 to index
        %get3A_1352 = tpu.vector_load %arg6[%get3A_1351] {strides = array<i32>} : memref<33024xi32, #tpu.memory_space<vmem>>, vector<16xi32>,
        %mul3A_1353 = arith.constant 16 : i32
        %mul3A_1354 = arith.muli %while3A_1304, %mul3A_1353 : i32
        %add3A_1355 = arith.constant 4 : i32
        %add3A_1356 = arith.addi %mul3A_1354, %add3A_1355 : i32
        %mul3A_1357 = arith.constant 16 : i32
        %mul3A_1358 = arith.muli %add3A_1356, %mul3A_1357 : i32
        %get3A_1359 = arith.index_cast %mul3A_1358 : i32 to index
        %get3A_1360 = tpu.vector_load %arg6[%get3A_1359] {strides = array<i32>} : memref<33024xi32, #tpu.memory_space<vmem>>, vector<16xi32>,
        %mul3A_1361 = arith.constant 16 : i32
        %mul3A_1362 = arith.muli %while3A_1304, %mul3A_1361 : i32
        %add3A_1363 = arith.constant 5 : i32
        %add3A_1364 = arith.addi %mul3A_1362, %add3A_1363 : i32
        %mul3A_1365 = arith.constant 16 : i32
        %mul3A_1366 = arith.muli %add3A_1364, %mul3A_1365 : i32
        %get3A_1367 = arith.index_cast %mul3A_1366 : i32 to index
        %get3A_1368 = tpu.vector_load %arg6[%get3A_1367] {strides = array<i32>} : memref<33024xi32, #tpu.memory_space<vmem>>, vector<16xi32>,
        %mul3A_1369 = arith.constant 16 : i32
        %mul3A_1370 = arith.muli %while3A_1304, %mul3A_1369 : i32
        %add3A_1371 = arith.constant 6 : i32
        %add3A_1372 = arith.addi %mul3A_1370, %add3A_1371 : i32
        %mul3A_1373 = arith.constant 16 : i32
        %mul3A_1374 = arith.muli %add3A_1372, %mul3A_1373 : i32
        %get3A_1375 = arith.index_cast %mul3A_1374 : i32 to index
        %get3A_1376 = tpu.vector_load %arg6[%get3A_1375] {strides = array<i32>} : memref<33024xi32, #tpu.memory_space<vmem>>, vector<16xi32>,
        %mul3A_1377 = arith.constant 16 : i32
        %mul3A_1378 = arith.muli %while3A_1304, %mul3A_1377 : i32
        %add3A_1379 = arith.constant 7 : i32
        %add3A_1380 = arith.addi %mul3A_1378, %add3A_1379 : i32
        %mul3A_1381 = arith.constant 16 : i32
        %mul3A_1382 = arith.muli %add3A_1380, %mul3A_1381 : i32
        %get3A_1383 = arith.index_cast %mul3A_1382 : i32 to index
        %get3A_1384 = tpu.vector_load %arg6[%get3A_1383] {strides = array<i32>} : memref<33024xi32, #tpu.memory_space<vmem>>, vector<16xi32>,
        %mul3A_1385 = arith.constant 16 : i32
        %mul3A_1386 = arith.muli %while3A_1304, %mul3A_1385 : i32
        %add3A_1387 = arith.constant 8 : i32
        %add3A_1388 = arith.addi %mul3A_1386, %add3A_1387 : i32
        %mul3A_1389 = arith.constant 16 : i32
        %mul3A_1390 = arith.muli %add3A_1388, %mul3A_1389 : i32
        %get3A_1391 = arith.index_cast %mul3A_1390 : i32 to index
        %get3A_1392 = tpu.vector_load %arg6[%get3A_1391] {strides = array<i32>} : memref<33024xi32, #tpu.memory_space<vmem>>, vector<16xi32>,
        %mul3A_1393 = arith.constant 16 : i32
        %mul3A_1394 = arith.muli %while3A_1304, %mul3A_1393 : i32
        %add3A_1395 = arith.constant 9 : i32
        %add3A_1396 = arith.addi %mul3A_1394, %add3A_1395 : i32
        %mul3A_1397 = arith.constant 16 : i32
        %mul3A_1398 = arith.muli %add3A_1396, %mul3A_1397 : i32
        %get3A_1399 = arith.index_cast %mul3A_1398 : i32 to index
        %get3A_1400 = tpu.vector_load %arg6[%get3A_1399] {strides = array<i32>} : memref<33024xi32, #tpu.memory_space<vmem>>, vector<16xi32>,
        %mul3A_1401 = arith.constant 16 : i32
        %mul3A_1402 = arith.muli %while3A_1304, %mul3A_1401 : i32
        %add3A_1403 = arith.constant 10 : i32
        %add3A_1404 = arith.addi %mul3A_1402, %add3A_1403 : i32
        %mul3A_1405 = arith.constant 16 : i32
        %mul3A_1406 = arith.muli %add3A_1404, %mul3A_1405 : i32
        %get3A_1407 = arith.index_cast %mul3A_1406 : i32 to index
        %get3A_1408 = tpu.vector_load %arg6[%get3A_1407] {strides = array<i32>} : memref<33024xi32, #tpu.memory_space<vmem>>, vector<16xi32>,
        %mul3A_1409 = arith.constant 16 : i32
        %mul3A_1410 = arith.muli %while3A_1304, %mul3A_1409 : i32
        %add3A_1411 = arith.constant 11 : i32
        %add3A_1412 = arith.addi %mul3A_1410, %add3A_1411 : i32
        %mul3A_1413 = arith.constant 16 : i32
        %mul3A_1414 = arith.muli %add3A_1412, %mul3A_1413 : i32
        %get3A_1415 = arith.index_cast %mul3A_1414 : i32 to index
        %get3A_1416 = tpu.vector_load %arg6[%get3A_1415] {strides = array<i32>} : memref<33024xi32, #tpu.memory_space<vmem>>, vector<16xi32>,
        %mul3A_1417 = arith.constant 16 : i32
        %mul3A_1418 = arith.muli %while3A_1304, %mul3A_1417 : i32
        %add3A_1419 = arith.constant 12 : i32
        %add3A_1420 = arith.addi %mul3A_1418, %add3A_1419 : i32
        %mul3A_1421 = arith.constant 16 : i32
        %mul3A_1422 = arith.muli %add3A_1420, %mul3A_1421 : i32
        %get3A_1423 = arith.index_cast %mul3A_1422 : i32 to index
        %get3A_1424 = tpu.vector_load %arg6[%get3A_1423] {strides = array<i32>} : memref<33024xi32, #tpu.memory_space<vmem>>, vector<16xi32>,
        %mul3A_1425 = arith.constant 16 : i32
        %mul3A_1426 = arith.muli %while3A_1304, %mul3A_1425 : i32
        %add3A_1427 = arith.constant 13 : i32
        %add3A_1428 = arith.addi %mul3A_1426, %add3A_1427 : i32
        %mul3A_1429 = arith.constant 16 : i32
        %mul3A_1430 = arith.muli %add3A_1428, %mul3A_1429 : i32
        %get3A_1431 = arith.index_cast %mul3A_1430 : i32 to index
        %get3A_1432 = tpu.vector_load %arg6[%get3A_1431] {strides = array<i32>} : memref<33024xi32, #tpu.memory_space<vmem>>, vector<16xi32>,
        %mul3A_1433 = arith.constant 16 : i32
        %mul3A_1434 = arith.muli %while3A_1304, %mul3A_1433 : i32
        %add3A_1435 = arith.constant 14 : i32
        %add3A_1436 = arith.addi %mul3A_1434, %add3A_1435 : i32
        %mul3A_1437 = arith.constant 16 : i32
        %mul3A_1438 = arith.muli %add3A_1436, %mul3A_1437 : i32
        %get3A_1439 = arith.index_cast %mul3A_1438 : i32 to index
        %get3A_1440 = tpu.vector_load %arg6[%get3A_1439] {strides = array<i32>} : memref<33024xi32, #tpu.memory_space<vmem>>, vector<16xi32>,
        %mul3A_1441 = arith.constant 16 : i32
        %mul3A_1442 = arith.muli %while3A_1304, %mul3A_1441 : i32
        %add3A_1443 = arith.constant 15 : i32
        %add3A_1444 = arith.addi %mul3A_1442, %add3A_1443 : i32
        %mul3A_1445 = arith.constant 16 : i32
        %mul3A_1446 = arith.muli %add3A_1444, %mul3A_1445 : i32
        %get3A_1447 = arith.index_cast %mul3A_1446 : i32 to index
        %get3A_1448 = tpu.vector_load %arg6[%get3A_1447] {strides = array<i32>} : memref<33024xi32, #tpu.memory_space<vmem>>, vector<16xi32>,
        %lt3A = vector.broadcast %or3A : i32 to vector<16xi32>
        %lt3A_1449 = arith.cmpi slt, %get3A_1328, %lt3A : vector<16xi32>
        %convert_element_type3A_1450 = arith.extui %lt3A_1449 : vector<16xi1> to vector<16xi32>
        %lt3A_1451 = vector.broadcast %or3A : i32 to vector<16xi32>
        %lt3A_1452 = arith.cmpi slt, %get3A_1336, %lt3A_1451 : vector<16xi32>
        %convert_element_type3A_1453 = arith.extui %lt3A_1452 : vector<16xi1> to vector<16xi32>
        %lt3A_1454 = vector.broadcast %or3A : i32 to vector<16xi32>
        %lt3A_1455 = arith.cmpi slt, %get3A_1344, %lt3A_1454 : vector<16xi32>
        %convert_element_type3A_1456 = arith.extui %lt3A_1455 : vector<16xi1> to vector<16xi32>
        %lt3A_1457 = vector.broadcast %or3A : i32 to vector<16xi32>
        %lt3A_1458 = arith.cmpi slt, %get3A_1352, %lt3A_1457 : vector<16xi32>
        %convert_element_type3A_1459 = arith.extui %lt3A_1458 : vector<16xi1> to vector<16xi32>
        %lt3A_1460 = vector.broadcast %or3A : i32 to vector<16xi32>
        %lt3A_1461 = arith.cmpi slt, %get3A_1360, %lt3A_1460 : vector<16xi32>
        %convert_element_type3A_1462 = arith.extui %lt3A_1461 : vector<16xi1> to vector<16xi32>
        %lt3A_1463 = vector.broadcast %or3A : i32 to vector<16xi32>
        %lt3A_1464 = arith.cmpi slt, %get3A_1368, %lt3A_1463 : vector<16xi32>
        %convert_element_type3A_1465 = arith.extui %lt3A_1464 : vector<16xi1> to vector<16xi32>
        %lt3A_1466 = vector.broadcast %or3A : i32 to vector<16xi32>
        %lt3A_1467 = arith.cmpi slt, %get3A_1376, %lt3A_1466 : vector<16xi32>
        %convert_element_type3A_1468 = arith.extui %lt3A_1467 : vector<16xi1> to vector<16xi32>
        %lt3A_1469 = vector.broadcast %or3A : i32 to vector<16xi32>
        %lt3A_1470 = arith.cmpi slt, %get3A_1384, %lt3A_1469 : vector<16xi32>
        %convert_element_type3A_1471 = arith.extui %lt3A_1470 : vector<16xi1> to vector<16xi32>
        %lt3A_1472 = vector.broadcast %or3A : i32 to vector<16xi32>
        %lt3A_1473 = arith.cmpi slt, %get3A_1392, %lt3A_1472 : vector<16xi32>
        %convert_element_type3A_1474 = arith.extui %lt3A_1473 : vector<16xi1> to vector<16xi32>
        %lt3A_1475 = vector.broadcast %or3A : i32 to vector<16xi32>
        %lt3A_1476 = arith.cmpi slt, %get3A_1400, %lt3A_1475 : vector<16xi32>
        %convert_element_type3A_1477 = arith.extui %lt3A_1476 : vector<16xi1> to vector<16xi32>
        %lt3A_1478 = vector.broadcast %or3A : i32 to vector<16xi32>
        %lt3A_1479 = arith.cmpi slt, %get3A_1408, %lt3A_1478 : vector<16xi32>
        %convert_element_type3A_1480 = arith.extui %lt3A_1479 : vector<16xi1> to vector<16xi32>
        %lt3A_1481 = vector.broadcast %or3A : i32 to vector<16xi32>
        %lt3A_1482 = arith.cmpi slt, %get3A_1416, %lt3A_1481 : vector<16xi32>
        %convert_element_type3A_1483 = arith.extui %lt3A_1482 : vector<16xi1> to vector<16xi32>
        %lt3A_1484 = vector.broadcast %or3A : i32 to vector<16xi32>
        %lt3A_1485 = arith.cmpi slt, %get3A_1424, %lt3A_1484 : vector<16xi32>
        %convert_element_type3A_1486 = arith.extui %lt3A_1485 : vector<16xi1> to vector<16xi32>
        %lt3A_1487 = vector.broadcast %or3A : i32 to vector<16xi32>
        %lt3A_1488 = arith.cmpi slt, %get3A_1432, %lt3A_1487 : vector<16xi32>
        %convert_element_type3A_1489 = arith.extui %lt3A_1488 : vector<16xi1> to vector<16xi32>
        %lt3A_1490 = vector.broadcast %or3A : i32 to vector<16xi32>
        %lt3A_1491 = arith.cmpi slt, %get3A_1440, %lt3A_1490 : vector<16xi32>
        %convert_element_type3A_1492 = arith.extui %lt3A_1491 : vector<16xi1> to vector<16xi32>
        %lt3A_1493 = vector.broadcast %or3A : i32 to vector<16xi32>
        %lt3A_1494 = arith.cmpi slt, %get3A_1448, %lt3A_1493 : vector<16xi32>
        %convert_element_type3A_1495 = arith.extui %lt3A_1494 : vector<16xi1> to vector<16xi32>
        %add3A_1496 = arith.addi %while3A_1305, %convert_element_type3A_1450 : vector<16xi32>
        %add3A_1497 = arith.addi %while3A_1306, %convert_element_type3A_1453 : vector<16xi32>
        %add3A_1498 = arith.addi %while3A_1307, %convert_element_type3A_1456 : vector<16xi32>
        %add3A_1499 = arith.addi %while3A_1308, %convert_element_type3A_1459 : vector<16xi32>
        %add3A_1500 = arith.addi %while3A_1309, %convert_element_type3A_1462 : vector<16xi32>
        %add3A_1501 = arith.addi %while3A_1310, %convert_element_type3A_1465 : vector<16xi32>
        %add3A_1502 = arith.addi %while3A_1311, %convert_element_type3A_1468 : vector<16xi32>
        %add3A_1503 = arith.addi %while3A_1312, %convert_element_type3A_1471 : vector<16xi32>
        %add3A_1504 = arith.addi %while3A_1313, %convert_element_type3A_1474 : vector<16xi32>
        %add3A_1505 = arith.addi %while3A_1314, %convert_element_type3A_1477 : vector<16xi32>
        %add3A_1506 = arith.addi %while3A_1315, %convert_element_type3A_1480 : vector<16xi32>
        %add3A_1507 = arith.addi %while3A_1316, %convert_element_type3A_1483 : vector<16xi32>
        %add3A_1508 = arith.addi %while3A_1317, %convert_element_type3A_1486 : vector<16xi32>
        %add3A_1509 = arith.addi %while3A_1318, %convert_element_type3A_1489 : vector<16xi32>
        %add3A_1510 = arith.addi %while3A_1319, %convert_element_type3A_1492 : vector<16xi32>
        %add3A_1511 = arith.addi %while3A_1320, %convert_element_type3A_1495 : vector<16xi32>
        scf.yield %add3A_1496, %add3A_1497, %add3A_1498, %add3A_1499, %add3A_1500, %add3A_1501, %add3A_1502, %add3A_1503, %add3A_1504, %add3A_1505, %add3A_1506, %add3A_1507, %add3A_1508, %add3A_1509, %add3A_1510, %add3A_1511 : vector<16xi32>, vector<16xi32>, vector<16xi32>, vector<16xi32>, vector<16xi32>, vector<16xi32>, vector<16xi32>, vector<16xi32>, vector<16xi32>, vector<16xi32>, vector<16xi32>, vector<16xi32>, vector<16xi32>, vector<16xi32>, vector<16xi32>, vector<16xi32>
      }
      %add3A_1280 = arith.constant 0 : i32
      %add3A_1281 = vector.broadcast %add3A_1280 : i32 to vector<16xi32>
      %add3A_1282 = arith.addi %add3A_1281, %while3A_1279#0 : vector<16xi32>
      %add3A_1283 = arith.addi %add3A_1282, %while3A_1279#1 : vector<16xi32>
      %add3A_1284 = arith.addi %add3A_1283, %while3A_1279#2 : vector<16xi32>
      %add3A_1285 = arith.addi %add3A_1284, %while3A_1279#3 : vector<16xi32>
      %add3A_1286 = arith.addi %add3A_1285, %while3A_1279#4 : vector<16xi32>
      %add3A_1287 = arith.addi %add3A_1286, %while3A_1279#5 : vector<16xi32>
      %add3A_1288 = arith.addi %add3A_1287, %while3A_1279#6 : vector<16xi32>
      %add3A_1289 = arith.addi %add3A_1288, %while3A_1279#7 : vector<16xi32>
      %add3A_1290 = arith.addi %add3A_1289, %while3A_1279#8 : vector<16xi32>
      %add3A_1291 = arith.addi %add3A_1290, %while3A_1279#9 : vector<16xi32>
      %add3A_1292 = arith.addi %add3A_1291, %while3A_1279#10 : vector<16xi32>
      %add3A_1293 = arith.addi %add3A_1292, %while3A_1279#11 : vector<16xi32>
      %add3A_1294 = arith.addi %add3A_1293, %while3A_1279#12 : vector<16xi32>
      %add3A_1295 = arith.addi %add3A_1294, %while3A_1279#13 : vector<16xi32>
      %add3A_1296 = arith.addi %add3A_1295, %while3A_1279#14 : vector<16xi32>
      %add3A_1297 = arith.addi %add3A_1296, %while3A_1279#15 : vector<16xi32>
      %reduce_sum3A_1298 = arith.constant true
      %reduce_sum3A_1299 = vector.broadcast %reduce_sum3A_1298 : i1 to vector<16xi1>
      %reduce_sum3A_1300 = tpu.scan <sum>, %add3A_1297 masked %reduce_sum3A_1299 : vector<16xi32>, vector<16xi1> -> vector<16xi32>
      %reduce_sum3A_1301 = vector.extract %reduce_sum3A_1300[15] : i32 from vector<16xi32>
      %le3A_1302 = arith.cmpi sle, %reduce_sum3A_1301, %reduce_sum3A_686 : i32
      %select_n3A_1303 = arith.select %le3A_1302, %or3A, %scan3A_1232 : i32
      scf.yield %select_n3A_1303 : i32
    }
    %scan3A_919 = arith.constant 20 : i32
    %iota3A_920 = tpu.iota {dimensions = array<i32: 0>} : vector<16xi32>
    %eq3A_921 = arith.constant 2 : i32
    %eq3A_922 = vector.broadcast %eq3A_921 : i32 to vector<16xi32>
    %eq3A_923 = arith.cmpi eq, %iota3A_920, %eq3A_922 : vector<16xi32>
    %broadcast_in_dim3A_924 = vector.broadcast %scan3A_918 : i32 to vector<16xi32>
    %select_n3A_925 = arith.select %eq3A_923, %broadcast_in_dim3A_924, %select_n3A_612 : vector<16xi1>, vector<16xi32>
    %add3A_926 = arith.constant 3 : i32
    %add3A_927 = arith.addi %mul3A_2, %add3A_926 : i32
    %dma_wait3A_928 = arith.constant 0 : i32
    %dma_wait3A_929 = tpu.memref_slice %arg2[%add3A_927, %dma_wait3A_928] : memref<128x32768xf32, #tpu.memory_space<hbm>> -> memref<1x32768xf32, #tpu.memory_space<hbm>>
    %dma_wait3A_930 = tpu.memref_squeeze %dma_wait3A_929 : memref<1x32768xf32, #tpu.memory_space<hbm>> -> memref<32768xf32, #tpu.memory_space<hbm>>
    %dma_wait3A_931 = arith.constant 0 : i32
    %dma_wait3A_932 = tpu.memref_slice %arg2[%add3A_927, %dma_wait3A_931] : memref<128x32768xf32, #tpu.memory_space<hbm>> -> memref<1x32768xf32, #tpu.memory_space<hbm>>
    %dma_wait3A_933 = tpu.memref_squeeze %dma_wait3A_932 : memref<1x32768xf32, #tpu.memory_space<hbm>> -> memref<32768xf32, #tpu.memory_space<hbm>>
    tpu.wait_dma2 semaphore(%arg10 : memref<!tpu.dma_semaphore, #tpu.memory_space<semaphore_mem>>) src(%dma_wait3A_933 : memref<32768xf32, #tpu.memory_space<hbm>>) dst(%arg5 : memref<32768xf32, #tpu.memory_space<vmem>>)
    %iota3A_934 = tpu.iota {dimensions = array<i32: 0>} : vector<16xi32>
    %parallel_loop3A_935 = arith.constant 0 : i32
    %parallel_loop3A_936 = arith.constant 128 : i32
    %parallel_loop3A_937 = arith.constant 1 : i32
    scf.for %parallel_loop3A_1231 = %parallel_loop3A_935 to %parallel_loop3A_936 step %parallel_loop3A_937  : i32 {
      %parallel_loop3A_1232 = arith.constant 0 : i32
      %parallel_loop3A_1233 = vector.broadcast %parallel_loop3A_1232 : i32 to vector<16xi32>
      %parallel_loop3A_1234 = arith.constant 16 : i32
      %parallel_loop3A_1235 = arith.muli %parallel_loop3A_1231, %parallel_loop3A_1234 : i32
      %parallel_loop3A_1236 = arith.index_cast %parallel_loop3A_1235 : i32 to index
      %parallel_loop3A_1237 = tpu.vector_load %arg7[%parallel_loop3A_1236] {strides = array<i32>} : memref<2048xi32, #tpu.memory_space<vmem>>, vector<16xi32>,
      tpu.vector_store %arg7[%parallel_loop3A_1236], %parallel_loop3A_1233 {strides = array<i32>} : memref<2048xi32, #tpu.memory_space<vmem>>, vector<16xi32>,
    } {sc.loop_unroll_factor = 8 : i64, sc.parallel_access}
    %broadcast_in_dim3A_938 = arith.constant 1 : i32
    %broadcast_in_dim3A_939 = vector.broadcast %broadcast_in_dim3A_938 : i32 to vector<16xi32>
    %parallel_loop3A_940 = arith.constant 0 : i32
    %parallel_loop3A_941 = arith.constant 2048 : i32
    %parallel_loop3A_942 = arith.constant 1 : i32
    scf.for %parallel_loop3A_1231 = %parallel_loop3A_940 to %parallel_loop3A_941 step %parallel_loop3A_942  : i32 {
      %parallel_loop3A_1232 = arith.constant 16 : i32
      %parallel_loop3A_1233 = arith.muli %parallel_loop3A_1231, %parallel_loop3A_1232 : i32
      %parallel_loop3A_1234 = arith.index_cast %parallel_loop3A_1233 : i32 to index
      %parallel_loop3A_1235 = tpu.vector_load %arg5[%parallel_loop3A_1234] {strides = array<i32>} : memref<32768xf32, #tpu.memory_space<vmem>>, vector<16xf32>,
      %parallel_loop3A_1236 = tpu.bitcast %parallel_loop3A_1235 : vector<16xf32> -> vector<16xi32>
      %parallel_loop3A_1237 = arith.constant 2147483647 : i32
      %parallel_loop3A_1238 = vector.broadcast %parallel_loop3A_1237 : i32 to vector<16xi32>
      %parallel_loop3A_1239 = arith.andi %parallel_loop3A_1236, %parallel_loop3A_1238 : vector<16xi32>
      %parallel_loop3A_1240 = arith.constant 20 : i32
      %parallel_loop3A_1241 = vector.broadcast %parallel_loop3A_1240 : i32 to vector<16xi32>
      %parallel_loop3A_1242 = arith.shrsi %parallel_loop3A_1239, %parallel_loop3A_1241 : vector<16xi32>
      tpu.vector_store_idx %arg7[%parallel_loop3A_1242], %broadcast_in_dim3A_939 {add = true} : memref<2048xi32, #tpu.memory_space<vmem>>[vector<16xi32>], vector<16xi32>,
    } {sc.loop_unroll_factor = 16 : i64, sc.parallel_access}
    %get3A_943 = arith.constant 0 : index
    %get3A_944 = tpu.vector_load %arg7[%get3A_943] {strides = array<i32>} : memref<2048xi32, #tpu.memory_space<vmem>>, vector<16xi32>,
    %reduce_sum3A_945 = arith.constant true
    %reduce_sum3A_946 = vector.broadcast %reduce_sum3A_945 : i1 to vector<16xi1>
    %reduce_sum3A_947 = tpu.scan <sum>, %get3A_944 masked %reduce_sum3A_946 : vector<16xi32>, vector<16xi1> -> vector<16xi32>
    %reduce_sum3A_948 = vector.extract %reduce_sum3A_947[15] : i32 from vector<16xi32>
    %while3A_949 = arith.constant 0 : i32
    %while3A_950 = arith.constant 0 : i32
    %while3A_951:3 = scf.while (%while3A_1231 = %while3A_949, %while3A_1232 = %while3A_950, %while3A_1233 = %reduce_sum3A_948) : (i32, i32, i32) -> (i32, i32, i32) {
      %add3A_1234 = arith.addi %while3A_1232, %while3A_1233 : i32
      %le3A_1235 = arith.constant 16384 : i32
      %le3A_1236 = arith.cmpi sle, %add3A_1234, %le3A_1235 : i32
      scf.condition(%le3A_1236) %while3A_1231, %while3A_1232, %while3A_1233 : i32, i32, i32
    } do {
    ^bb0(%while3A_1231: i32, %while3A_1232: i32, %while3A_1233: i32):
      %add3A_1234 = arith.constant 1 : i32
      %add3A_1235 = arith.addi %while3A_1231, %add3A_1234 : i32
      %add3A_1236 = arith.addi %while3A_1232, %while3A_1233 : i32
      %mul3A_1237 = arith.constant 16 : i32
      %mul3A_1238 = arith.muli %add3A_1235, %mul3A_1237 : i32
      %get3A_1239 = arith.index_cast %mul3A_1238 : i32 to index
      %get3A_1240 = tpu.vector_load %arg7[%get3A_1239] {strides = array<i32>} : memref<2048xi32, #tpu.memory_space<vmem>>, vector<16xi32>,
      %reduce_sum3A_1241 = arith.constant true
      %reduce_sum3A_1242 = vector.broadcast %reduce_sum3A_1241 : i1 to vector<16xi1>
      %reduce_sum3A_1243 = tpu.scan <sum>, %get3A_1240 masked %reduce_sum3A_1242 : vector<16xi32>, vector<16xi1> -> vector<16xi32>
      %reduce_sum3A_1244 = vector.extract %reduce_sum3A_1243[15] : i32 from vector<16xi32>
      scf.yield %add3A_1235, %add3A_1236, %reduce_sum3A_1244 : i32, i32, i32
    }
    %mul3A_952 = arith.constant 16 : i32
    %mul3A_953 = arith.muli %while3A_951#0, %mul3A_952 : i32
    %get3A_954 = arith.index_cast %mul3A_953 : i32 to index
    %get3A_955 = tpu.vector_load %arg7[%get3A_954] {strides = array<i32>} : memref<2048xi32, #tpu.memory_space<vmem>>, vector<16xi32>,
    %broadcast_in_dim3A_956 = arith.constant true
    %broadcast_in_dim3A_957 = vector.broadcast %broadcast_in_dim3A_956 : i1 to vector<16xi1>
    %masked_cumsum3A_958 = tpu.scan <sum>, %get3A_955 masked %broadcast_in_dim3A_957 : vector<16xi32>, vector<16xi1> -> vector<16xi32>
    %sub3A_959 = arith.subi %masked_cumsum3A_958, %get3A_955 : vector<16xi32>
    %add3A_960 = vector.broadcast %while3A_951#1 : i32 to vector<16xi32>
    %add3A_961 = arith.addi %add3A_960, %masked_cumsum3A_958 : vector<16xi32>
    %gt3A_962 = arith.constant 16384 : i32
    %gt3A_963 = vector.broadcast %gt3A_962 : i32 to vector<16xi32>
    %gt3A_964 = arith.cmpi sgt, %add3A_961, %gt3A_963 : vector<16xi32>
    %add3A_965 = vector.broadcast %while3A_951#1 : i32 to vector<16xi32>
    %add3A_966 = arith.addi %add3A_965, %sub3A_959 : vector<16xi32>
    %le3A_967 = arith.constant 16384 : i32
    %le3A_968 = vector.broadcast %le3A_967 : i32 to vector<16xi32>
    %le3A_969 = arith.cmpi sle, %add3A_966, %le3A_968 : vector<16xi32>
    %and3A_970 = arith.andi %gt3A_964, %le3A_969 : vector<16xi1>
    %convert_element_type3A_971 = arith.extui %and3A_970 : vector<16xi1> to vector<16xi32>
    %mul3A_972 = arith.constant 16 : i32
    %mul3A_973 = arith.muli %while3A_951#0, %mul3A_972 : i32
    %add3A_974 = vector.broadcast %mul3A_973 : i32 to vector<16xi32>
    %add3A_975 = arith.addi %add3A_974, %iota3A_934 : vector<16xi32>
    %mul3A_976 = arith.muli %convert_element_type3A_971, %add3A_975 : vector<16xi32>
    %reduce_sum3A_977 = arith.constant true
    %reduce_sum3A_978 = vector.broadcast %reduce_sum3A_977 : i1 to vector<16xi1>
    %reduce_sum3A_979 = tpu.scan <sum>, %mul3A_976 masked %reduce_sum3A_978 : vector<16xi32>, vector<16xi1> -> vector<16xi32>
    %reduce_sum3A_980 = vector.extract %reduce_sum3A_979[15] : i32 from vector<16xi32>
    %sub3A_981 = arith.constant 16384 : i32
    %sub3A_982 = arith.subi %sub3A_981, %while3A_951#1 : i32
    %sub3A_983 = vector.broadcast %sub3A_982 : i32 to vector<16xi32>
    %sub3A_984 = arith.subi %sub3A_983, %sub3A_959 : vector<16xi32>
    %mul3A_985 = arith.muli %convert_element_type3A_971, %sub3A_984 : vector<16xi32>
    %reduce_sum3A_986 = arith.constant true
    %reduce_sum3A_987 = vector.broadcast %reduce_sum3A_986 : i1 to vector<16xi1>
    %reduce_sum3A_988 = tpu.scan <sum>, %mul3A_985 masked %reduce_sum3A_987 : vector<16xi32>, vector<16xi1> -> vector<16xi32>
    %reduce_sum3A_989 = vector.extract %reduce_sum3A_988[15] : i32 from vector<16xi32>
    %parallel_loop3A_990 = arith.constant 0 : i32
    %parallel_loop3A_991 = arith.constant 2048 : i32
    %parallel_loop3A_992 = arith.constant 1 : i32
    %parallel_loop3A_993 = arith.constant 0 : i32
    %parallel_loop3A_994 = scf.for %parallel_loop3A_1231 = %parallel_loop3A_990 to %parallel_loop3A_991 step %parallel_loop3A_992 iter_args(%parallel_loop3A_1232 = %parallel_loop3A_993) -> (i32)  : i32 {
      %parallel_loop3A_1233 = arith.constant 16 : i32
      %parallel_loop3A_1234 = arith.muli %parallel_loop3A_1231, %parallel_loop3A_1233 : i32
      %parallel_loop3A_1235 = arith.index_cast %parallel_loop3A_1234 : i32 to index
      %parallel_loop3A_1236 = tpu.vector_load %arg5[%parallel_loop3A_1235] {strides = array<i32>} : memref<32768xf32, #tpu.memory_space<vmem>>, vector<16xf32>,
      %parallel_loop3A_1237 = tpu.bitcast %parallel_loop3A_1236 : vector<16xf32> -> vector<16xi32>
      %parallel_loop3A_1238 = arith.constant 2147483647 : i32
      %parallel_loop3A_1239 = vector.broadcast %parallel_loop3A_1238 : i32 to vector<16xi32>
      %parallel_loop3A_1240 = arith.andi %parallel_loop3A_1237, %parallel_loop3A_1239 : vector<16xi32>
      %parallel_loop3A_1241 = arith.constant 20 : i32
      %parallel_loop3A_1242 = vector.broadcast %parallel_loop3A_1241 : i32 to vector<16xi32>
      %parallel_loop3A_1243 = arith.shrsi %parallel_loop3A_1240, %parallel_loop3A_1242 : vector<16xi32>
      %parallel_loop3A_1244 = vector.broadcast %reduce_sum3A_980 : i32 to vector<16xi32>
      %parallel_loop3A_1245 = arith.cmpi eq, %parallel_loop3A_1243, %parallel_loop3A_1244 : vector<16xi32>
      %parallel_loop3A_1246 = arith.index_cast %parallel_loop3A_1232 : i32 to index
      %parallel_loop3A_1247 = tpu.vector_load %arg6[%parallel_loop3A_1246] masked %parallel_loop3A_1245 {strides = array<i32>} : memref<33024xi32, #tpu.memory_space<vmem>>, vector<16xi32>, vector<16xi1>
      tpu.vector_store %arg6[%parallel_loop3A_1246], %parallel_loop3A_1240 masked %parallel_loop3A_1245 {strides = array<i32>} : memref<33024xi32, #tpu.memory_space<vmem>>, vector<16xi32>, vector<16xi1>
      %parallel_loop3A_1248 = tpu.all_reduce %parallel_loop3A_1245 {dim = 0 : i64, kind = #tpu.reduction_kind<sum>} : vector<16xi1> -> vector<16xi32>
      %parallel_loop3A_1249 = vector.extract_strided_slice %parallel_loop3A_1248 {offsets = [0], sizes = [1], strides = [1]} : vector<16xi32> to vector<1xi32>
      %parallel_loop3A_1250 = vector.extract %parallel_loop3A_1249[0] : i32 from vector<1xi32>
      %parallel_loop3A_1251 = arith.addi %parallel_loop3A_1232, %parallel_loop3A_1250 : i32
      scf.yield %parallel_loop3A_1251 : i32
    } {sc.loop_unroll_factor = 16 : i64, sc.parallel_access}
    %broadcast_in_dim3A_995 = arith.constant 2147483647 : i32
    %broadcast_in_dim3A_996 = vector.broadcast %broadcast_in_dim3A_995 : i32 to vector<16xi32>
    %add3A_997 = arith.constant 0 : i32
    %add3A_998 = arith.addi %parallel_loop3A_994, %add3A_997 : i32
    %swap3A_999 = arith.index_cast %add3A_998 : i32 to index
    %swap3A_1000 = tpu.vector_load %arg6[%swap3A_999] {strides = array<i32>} : memref<33024xi32, #tpu.memory_space<vmem>>, vector<16xi32>,
    tpu.vector_store %arg6[%swap3A_999], %broadcast_in_dim3A_996 {strides = array<i32>} : memref<33024xi32, #tpu.memory_space<vmem>>, vector<16xi32>,
    %broadcast_in_dim3A_1001 = arith.constant 2147483647 : i32
    %broadcast_in_dim3A_1002 = vector.broadcast %broadcast_in_dim3A_1001 : i32 to vector<16xi32>
    %add3A_1003 = arith.constant 16 : i32
    %add3A_1004 = arith.addi %parallel_loop3A_994, %add3A_1003 : i32
    %swap3A_1005 = arith.index_cast %add3A_1004 : i32 to index
    %swap3A_1006 = tpu.vector_load %arg6[%swap3A_1005] {strides = array<i32>} : memref<33024xi32, #tpu.memory_space<vmem>>, vector<16xi32>,
    tpu.vector_store %arg6[%swap3A_1005], %broadcast_in_dim3A_1002 {strides = array<i32>} : memref<33024xi32, #tpu.memory_space<vmem>>, vector<16xi32>,
    %broadcast_in_dim3A_1007 = arith.constant 2147483647 : i32
    %broadcast_in_dim3A_1008 = vector.broadcast %broadcast_in_dim3A_1007 : i32 to vector<16xi32>
    %add3A_1009 = arith.constant 32 : i32
    %add3A_1010 = arith.addi %parallel_loop3A_994, %add3A_1009 : i32
    %swap3A_1011 = arith.index_cast %add3A_1010 : i32 to index
    %swap3A_1012 = tpu.vector_load %arg6[%swap3A_1011] {strides = array<i32>} : memref<33024xi32, #tpu.memory_space<vmem>>, vector<16xi32>,
    tpu.vector_store %arg6[%swap3A_1011], %broadcast_in_dim3A_1008 {strides = array<i32>} : memref<33024xi32, #tpu.memory_space<vmem>>, vector<16xi32>,
    %broadcast_in_dim3A_1013 = arith.constant 2147483647 : i32
    %broadcast_in_dim3A_1014 = vector.broadcast %broadcast_in_dim3A_1013 : i32 to vector<16xi32>
    %add3A_1015 = arith.constant 48 : i32
    %add3A_1016 = arith.addi %parallel_loop3A_994, %add3A_1015 : i32
    %swap3A_1017 = arith.index_cast %add3A_1016 : i32 to index
    %swap3A_1018 = tpu.vector_load %arg6[%swap3A_1017] {strides = array<i32>} : memref<33024xi32, #tpu.memory_space<vmem>>, vector<16xi32>,
    tpu.vector_store %arg6[%swap3A_1017], %broadcast_in_dim3A_1014 {strides = array<i32>} : memref<33024xi32, #tpu.memory_space<vmem>>, vector<16xi32>,
    %broadcast_in_dim3A_1019 = arith.constant 2147483647 : i32
    %broadcast_in_dim3A_1020 = vector.broadcast %broadcast_in_dim3A_1019 : i32 to vector<16xi32>
    %add3A_1021 = arith.constant 64 : i32
    %add3A_1022 = arith.addi %parallel_loop3A_994, %add3A_1021 : i32
    %swap3A_1023 = arith.index_cast %add3A_1022 : i32 to index
    %swap3A_1024 = tpu.vector_load %arg6[%swap3A_1023] {strides = array<i32>} : memref<33024xi32, #tpu.memory_space<vmem>>, vector<16xi32>,
    tpu.vector_store %arg6[%swap3A_1023], %broadcast_in_dim3A_1020 {strides = array<i32>} : memref<33024xi32, #tpu.memory_space<vmem>>, vector<16xi32>,
    %broadcast_in_dim3A_1025 = arith.constant 2147483647 : i32
    %broadcast_in_dim3A_1026 = vector.broadcast %broadcast_in_dim3A_1025 : i32 to vector<16xi32>
    %add3A_1027 = arith.constant 80 : i32
    %add3A_1028 = arith.addi %parallel_loop3A_994, %add3A_1027 : i32
    %swap3A_1029 = arith.index_cast %add3A_1028 : i32 to index
    %swap3A_1030 = tpu.vector_load %arg6[%swap3A_1029] {strides = array<i32>} : memref<33024xi32, #tpu.memory_space<vmem>>, vector<16xi32>,
    tpu.vector_store %arg6[%swap3A_1029], %broadcast_in_dim3A_1026 {strides = array<i32>} : memref<33024xi32, #tpu.memory_space<vmem>>, vector<16xi32>,
    %broadcast_in_dim3A_1031 = arith.constant 2147483647 : i32
    %broadcast_in_dim3A_1032 = vector.broadcast %broadcast_in_dim3A_1031 : i32 to vector<16xi32>
    %add3A_1033 = arith.constant 96 : i32
    %add3A_1034 = arith.addi %parallel_loop3A_994, %add3A_1033 : i32
    %swap3A_1035 = arith.index_cast %add3A_1034 : i32 to index
    %swap3A_1036 = tpu.vector_load %arg6[%swap3A_1035] {strides = array<i32>} : memref<33024xi32, #tpu.memory_space<vmem>>, vector<16xi32>,
    tpu.vector_store %arg6[%swap3A_1035], %broadcast_in_dim3A_1032 {strides = array<i32>} : memref<33024xi32, #tpu.memory_space<vmem>>, vector<16xi32>,
    %broadcast_in_dim3A_1037 = arith.constant 2147483647 : i32
    %broadcast_in_dim3A_1038 = vector.broadcast %broadcast_in_dim3A_1037 : i32 to vector<16xi32>
    %add3A_1039 = arith.constant 112 : i32
    %add3A_1040 = arith.addi %parallel_loop3A_994, %add3A_1039 : i32
    %swap3A_1041 = arith.index_cast %add3A_1040 : i32 to index
    %swap3A_1042 = tpu.vector_load %arg6[%swap3A_1041] {strides = array<i32>} : memref<33024xi32, #tpu.memory_space<vmem>>, vector<16xi32>,
    tpu.vector_store %arg6[%swap3A_1041], %broadcast_in_dim3A_1038 {strides = array<i32>} : memref<33024xi32, #tpu.memory_space<vmem>>, vector<16xi32>,
    %broadcast_in_dim3A_1043 = arith.constant 2147483647 : i32
    %broadcast_in_dim3A_1044 = vector.broadcast %broadcast_in_dim3A_1043 : i32 to vector<16xi32>
    %add3A_1045 = arith.constant 128 : i32
    %add3A_1046 = arith.addi %parallel_loop3A_994, %add3A_1045 : i32
    %swap3A_1047 = arith.index_cast %add3A_1046 : i32 to index
    %swap3A_1048 = tpu.vector_load %arg6[%swap3A_1047] {strides = array<i32>} : memref<33024xi32, #tpu.memory_space<vmem>>, vector<16xi32>,
    tpu.vector_store %arg6[%swap3A_1047], %broadcast_in_dim3A_1044 {strides = array<i32>} : memref<33024xi32, #tpu.memory_space<vmem>>, vector<16xi32>,
    %broadcast_in_dim3A_1049 = arith.constant 2147483647 : i32
    %broadcast_in_dim3A_1050 = vector.broadcast %broadcast_in_dim3A_1049 : i32 to vector<16xi32>
    %add3A_1051 = arith.constant 144 : i32
    %add3A_1052 = arith.addi %parallel_loop3A_994, %add3A_1051 : i32
    %swap3A_1053 = arith.index_cast %add3A_1052 : i32 to index
    %swap3A_1054 = tpu.vector_load %arg6[%swap3A_1053] {strides = array<i32>} : memref<33024xi32, #tpu.memory_space<vmem>>, vector<16xi32>,
    tpu.vector_store %arg6[%swap3A_1053], %broadcast_in_dim3A_1050 {strides = array<i32>} : memref<33024xi32, #tpu.memory_space<vmem>>, vector<16xi32>,
    %broadcast_in_dim3A_1055 = arith.constant 2147483647 : i32
    %broadcast_in_dim3A_1056 = vector.broadcast %broadcast_in_dim3A_1055 : i32 to vector<16xi32>
    %add3A_1057 = arith.constant 160 : i32
    %add3A_1058 = arith.addi %parallel_loop3A_994, %add3A_1057 : i32
    %swap3A_1059 = arith.index_cast %add3A_1058 : i32 to index
    %swap3A_1060 = tpu.vector_load %arg6[%swap3A_1059] {strides = array<i32>} : memref<33024xi32, #tpu.memory_space<vmem>>, vector<16xi32>,
    tpu.vector_store %arg6[%swap3A_1059], %broadcast_in_dim3A_1056 {strides = array<i32>} : memref<33024xi32, #tpu.memory_space<vmem>>, vector<16xi32>,
    %broadcast_in_dim3A_1061 = arith.constant 2147483647 : i32
    %broadcast_in_dim3A_1062 = vector.broadcast %broadcast_in_dim3A_1061 : i32 to vector<16xi32>
    %add3A_1063 = arith.constant 176 : i32
    %add3A_1064 = arith.addi %parallel_loop3A_994, %add3A_1063 : i32
    %swap3A_1065 = arith.index_cast %add3A_1064 : i32 to index
    %swap3A_1066 = tpu.vector_load %arg6[%swap3A_1065] {strides = array<i32>} : memref<33024xi32, #tpu.memory_space<vmem>>, vector<16xi32>,
    tpu.vector_store %arg6[%swap3A_1065], %broadcast_in_dim3A_1062 {strides = array<i32>} : memref<33024xi32, #tpu.memory_space<vmem>>, vector<16xi32>,
    %broadcast_in_dim3A_1067 = arith.constant 2147483647 : i32
    %broadcast_in_dim3A_1068 = vector.broadcast %broadcast_in_dim3A_1067 : i32 to vector<16xi32>
    %add3A_1069 = arith.constant 192 : i32
    %add3A_1070 = arith.addi %parallel_loop3A_994, %add3A_1069 : i32
    %swap3A_1071 = arith.index_cast %add3A_1070 : i32 to index
    %swap3A_1072 = tpu.vector_load %arg6[%swap3A_1071] {strides = array<i32>} : memref<33024xi32, #tpu.memory_space<vmem>>, vector<16xi32>,
    tpu.vector_store %arg6[%swap3A_1071], %broadcast_in_dim3A_1068 {strides = array<i32>} : memref<33024xi32, #tpu.memory_space<vmem>>, vector<16xi32>,
    %broadcast_in_dim3A_1073 = arith.constant 2147483647 : i32
    %broadcast_in_dim3A_1074 = vector.broadcast %broadcast_in_dim3A_1073 : i32 to vector<16xi32>
    %add3A_1075 = arith.constant 208 : i32
    %add3A_1076 = arith.addi %parallel_loop3A_994, %add3A_1075 : i32
    %swap3A_1077 = arith.index_cast %add3A_1076 : i32 to index
    %swap3A_1078 = tpu.vector_load %arg6[%swap3A_1077] {strides = array<i32>} : memref<33024xi32, #tpu.memory_space<vmem>>, vector<16xi32>,
    tpu.vector_store %arg6[%swap3A_1077], %broadcast_in_dim3A_1074 {strides = array<i32>} : memref<33024xi32, #tpu.memory_space<vmem>>, vector<16xi32>,
    %broadcast_in_dim3A_1079 = arith.constant 2147483647 : i32
    %broadcast_in_dim3A_1080 = vector.broadcast %broadcast_in_dim3A_1079 : i32 to vector<16xi32>
    %add3A_1081 = arith.constant 224 : i32
    %add3A_1082 = arith.addi %parallel_loop3A_994, %add3A_1081 : i32
    %swap3A_1083 = arith.index_cast %add3A_1082 : i32 to index
    %swap3A_1084 = tpu.vector_load %arg6[%swap3A_1083] {strides = array<i32>} : memref<33024xi32, #tpu.memory_space<vmem>>, vector<16xi32>,
    tpu.vector_store %arg6[%swap3A_1083], %broadcast_in_dim3A_1080 {strides = array<i32>} : memref<33024xi32, #tpu.memory_space<vmem>>, vector<16xi32>,
    %broadcast_in_dim3A_1085 = arith.constant 2147483647 : i32
    %broadcast_in_dim3A_1086 = vector.broadcast %broadcast_in_dim3A_1085 : i32 to vector<16xi32>
    %add3A_1087 = arith.constant 240 : i32
    %add3A_1088 = arith.addi %parallel_loop3A_994, %add3A_1087 : i32
    %swap3A_1089 = arith.index_cast %add3A_1088 : i32 to index
    %swap3A_1090 = tpu.vector_load %arg6[%swap3A_1089] {strides = array<i32>} : memref<33024xi32, #tpu.memory_space<vmem>>, vector<16xi32>,
    tpu.vector_store %arg6[%swap3A_1089], %broadcast_in_dim3A_1086 {strides = array<i32>} : memref<33024xi32, #tpu.memory_space<vmem>>, vector<16xi32>,
    %broadcast_in_dim3A_1091 = arith.constant 2147483647 : i32
    %broadcast_in_dim3A_1092 = vector.broadcast %broadcast_in_dim3A_1091 : i32 to vector<16xi32>
    %add3A_1093 = arith.constant 256 : i32
    %add3A_1094 = arith.addi %parallel_loop3A_994, %add3A_1093 : i32
    %swap3A_1095 = arith.index_cast %add3A_1094 : i32 to index
    %swap3A_1096 = tpu.vector_load %arg6[%swap3A_1095] {strides = array<i32>} : memref<33024xi32, #tpu.memory_space<vmem>>, vector<16xi32>,
    tpu.vector_store %arg6[%swap3A_1095], %broadcast_in_dim3A_1092 {strides = array<i32>} : memref<33024xi32, #tpu.memory_space<vmem>>, vector<16xi32>,
    %broadcast_in_dim3A_1097 = arith.constant 2147483647 : i32
    %broadcast_in_dim3A_1098 = vector.broadcast %broadcast_in_dim3A_1097 : i32 to vector<16xi32>
    %add3A_1099 = arith.constant 272 : i32
    %add3A_1100 = arith.addi %parallel_loop3A_994, %add3A_1099 : i32
    %swap3A_1101 = arith.index_cast %add3A_1100 : i32 to index
    %swap3A_1102 = tpu.vector_load %arg6[%swap3A_1101] {strides = array<i32>} : memref<33024xi32, #tpu.memory_space<vmem>>, vector<16xi32>,
    tpu.vector_store %arg6[%swap3A_1101], %broadcast_in_dim3A_1098 {strides = array<i32>} : memref<33024xi32, #tpu.memory_space<vmem>>, vector<16xi32>,
    %broadcast_in_dim3A_1103 = arith.constant 2147483647 : i32
    %broadcast_in_dim3A_1104 = vector.broadcast %broadcast_in_dim3A_1103 : i32 to vector<16xi32>
    %add3A_1105 = arith.constant 288 : i32
    %add3A_1106 = arith.addi %parallel_loop3A_994, %add3A_1105 : i32
    %swap3A_1107 = arith.index_cast %add3A_1106 : i32 to index
    %swap3A_1108 = tpu.vector_load %arg6[%swap3A_1107] {strides = array<i32>} : memref<33024xi32, #tpu.memory_space<vmem>>, vector<16xi32>,
    tpu.vector_store %arg6[%swap3A_1107], %broadcast_in_dim3A_1104 {strides = array<i32>} : memref<33024xi32, #tpu.memory_space<vmem>>, vector<16xi32>,
    %broadcast_in_dim3A_1109 = arith.constant 2147483647 : i32
    %broadcast_in_dim3A_1110 = vector.broadcast %broadcast_in_dim3A_1109 : i32 to vector<16xi32>
    %add3A_1111 = arith.constant 304 : i32
    %add3A_1112 = arith.addi %parallel_loop3A_994, %add3A_1111 : i32
    %swap3A_1113 = arith.index_cast %add3A_1112 : i32 to index
    %swap3A_1114 = tpu.vector_load %arg6[%swap3A_1113] {strides = array<i32>} : memref<33024xi32, #tpu.memory_space<vmem>>, vector<16xi32>,
    tpu.vector_store %arg6[%swap3A_1113], %broadcast_in_dim3A_1110 {strides = array<i32>} : memref<33024xi32, #tpu.memory_space<vmem>>, vector<16xi32>,
    %broadcast_in_dim3A_1115 = arith.constant 2147483647 : i32
    %broadcast_in_dim3A_1116 = vector.broadcast %broadcast_in_dim3A_1115 : i32 to vector<16xi32>
    %add3A_1117 = arith.constant 320 : i32
    %add3A_1118 = arith.addi %parallel_loop3A_994, %add3A_1117 : i32
    %swap3A_1119 = arith.index_cast %add3A_1118 : i32 to index
    %swap3A_1120 = tpu.vector_load %arg6[%swap3A_1119] {strides = array<i32>} : memref<33024xi32, #tpu.memory_space<vmem>>, vector<16xi32>,
    tpu.vector_store %arg6[%swap3A_1119], %broadcast_in_dim3A_1116 {strides = array<i32>} : memref<33024xi32, #tpu.memory_space<vmem>>, vector<16xi32>,
    %broadcast_in_dim3A_1121 = arith.constant 2147483647 : i32
    %broadcast_in_dim3A_1122 = vector.broadcast %broadcast_in_dim3A_1121 : i32 to vector<16xi32>
    %add3A_1123 = arith.constant 336 : i32
    %add3A_1124 = arith.addi %parallel_loop3A_994, %add3A_1123 : i32
    %swap3A_1125 = arith.index_cast %add3A_1124 : i32 to index
    %swap3A_1126 = tpu.vector_load %arg6[%swap3A_1125] {strides = array<i32>} : memref<33024xi32, #tpu.memory_space<vmem>>, vector<16xi32>,
    tpu.vector_store %arg6[%swap3A_1125], %broadcast_in_dim3A_1122 {strides = array<i32>} : memref<33024xi32, #tpu.memory_space<vmem>>, vector<16xi32>,
    %broadcast_in_dim3A_1127 = arith.constant 2147483647 : i32
    %broadcast_in_dim3A_1128 = vector.broadcast %broadcast_in_dim3A_1127 : i32 to vector<16xi32>
    %add3A_1129 = arith.constant 352 : i32
    %add3A_1130 = arith.addi %parallel_loop3A_994, %add3A_1129 : i32
    %swap3A_1131 = arith.index_cast %add3A_1130 : i32 to index
    %swap3A_1132 = tpu.vector_load %arg6[%swap3A_1131] {strides = array<i32>} : memref<33024xi32, #tpu.memory_space<vmem>>, vector<16xi32>,
    tpu.vector_store %arg6[%swap3A_1131], %broadcast_in_dim3A_1128 {strides = array<i32>} : memref<33024xi32, #tpu.memory_space<vmem>>, vector<16xi32>,
    %broadcast_in_dim3A_1133 = arith.constant 2147483647 : i32
    %broadcast_in_dim3A_1134 = vector.broadcast %broadcast_in_dim3A_1133 : i32 to vector<16xi32>
    %add3A_1135 = arith.constant 368 : i32
    %add3A_1136 = arith.addi %parallel_loop3A_994, %add3A_1135 : i32
    %swap3A_1137 = arith.index_cast %add3A_1136 : i32 to index
    %swap3A_1138 = tpu.vector_load %arg6[%swap3A_1137] {strides = array<i32>} : memref<33024xi32, #tpu.memory_space<vmem>>, vector<16xi32>,
    tpu.vector_store %arg6[%swap3A_1137], %broadcast_in_dim3A_1134 {strides = array<i32>} : memref<33024xi32, #tpu.memory_space<vmem>>, vector<16xi32>,
    %broadcast_in_dim3A_1139 = arith.constant 2147483647 : i32
    %broadcast_in_dim3A_1140 = vector.broadcast %broadcast_in_dim3A_1139 : i32 to vector<16xi32>
    %add3A_1141 = arith.constant 384 : i32
    %add3A_1142 = arith.addi %parallel_loop3A_994, %add3A_1141 : i32
    %swap3A_1143 = arith.index_cast %add3A_1142 : i32 to index
    %swap3A_1144 = tpu.vector_load %arg6[%swap3A_1143] {strides = array<i32>} : memref<33024xi32, #tpu.memory_space<vmem>>, vector<16xi32>,
    tpu.vector_store %arg6[%swap3A_1143], %broadcast_in_dim3A_1140 {strides = array<i32>} : memref<33024xi32, #tpu.memory_space<vmem>>, vector<16xi32>,
    %broadcast_in_dim3A_1145 = arith.constant 2147483647 : i32
    %broadcast_in_dim3A_1146 = vector.broadcast %broadcast_in_dim3A_1145 : i32 to vector<16xi32>
    %add3A_1147 = arith.constant 400 : i32
    %add3A_1148 = arith.addi %parallel_loop3A_994, %add3A_1147 : i32
    %swap3A_1149 = arith.index_cast %add3A_1148 : i32 to index
    %swap3A_1150 = tpu.vector_load %arg6[%swap3A_1149] {strides = array<i32>} : memref<33024xi32, #tpu.memory_space<vmem>>, vector<16xi32>,
    tpu.vector_store %arg6[%swap3A_1149], %broadcast_in_dim3A_1146 {strides = array<i32>} : memref<33024xi32, #tpu.memory_space<vmem>>, vector<16xi32>,
    %broadcast_in_dim3A_1151 = arith.constant 2147483647 : i32
    %broadcast_in_dim3A_1152 = vector.broadcast %broadcast_in_dim3A_1151 : i32 to vector<16xi32>
    %add3A_1153 = arith.constant 416 : i32
    %add3A_1154 = arith.addi %parallel_loop3A_994, %add3A_1153 : i32
    %swap3A_1155 = arith.index_cast %add3A_1154 : i32 to index
    %swap3A_1156 = tpu.vector_load %arg6[%swap3A_1155] {strides = array<i32>} : memref<33024xi32, #tpu.memory_space<vmem>>, vector<16xi32>,
    tpu.vector_store %arg6[%swap3A_1155], %broadcast_in_dim3A_1152 {strides = array<i32>} : memref<33024xi32, #tpu.memory_space<vmem>>, vector<16xi32>,
    %broadcast_in_dim3A_1157 = arith.constant 2147483647 : i32
    %broadcast_in_dim3A_1158 = vector.broadcast %broadcast_in_dim3A_1157 : i32 to vector<16xi32>
    %add3A_1159 = arith.constant 432 : i32
    %add3A_1160 = arith.addi %parallel_loop3A_994, %add3A_1159 : i32
    %swap3A_1161 = arith.index_cast %add3A_1160 : i32 to index
    %swap3A_1162 = tpu.vector_load %arg6[%swap3A_1161] {strides = array<i32>} : memref<33024xi32, #tpu.memory_space<vmem>>, vector<16xi32>,
    tpu.vector_store %arg6[%swap3A_1161], %broadcast_in_dim3A_1158 {strides = array<i32>} : memref<33024xi32, #tpu.memory_space<vmem>>, vector<16xi32>,
    %broadcast_in_dim3A_1163 = arith.constant 2147483647 : i32
    %broadcast_in_dim3A_1164 = vector.broadcast %broadcast_in_dim3A_1163 : i32 to vector<16xi32>
    %add3A_1165 = arith.constant 448 : i32
    %add3A_1166 = arith.addi %parallel_loop3A_994, %add3A_1165 : i32
    %swap3A_1167 = arith.index_cast %add3A_1166 : i32 to index
    %swap3A_1168 = tpu.vector_load %arg6[%swap3A_1167] {strides = array<i32>} : memref<33024xi32, #tpu.memory_space<vmem>>, vector<16xi32>,
    tpu.vector_store %arg6[%swap3A_1167], %broadcast_in_dim3A_1164 {strides = array<i32>} : memref<33024xi32, #tpu.memory_space<vmem>>, vector<16xi32>,
    %broadcast_in_dim3A_1169 = arith.constant 2147483647 : i32
    %broadcast_in_dim3A_1170 = vector.broadcast %broadcast_in_dim3A_1169 : i32 to vector<16xi32>
    %add3A_1171 = arith.constant 464 : i32
    %add3A_1172 = arith.addi %parallel_loop3A_994, %add3A_1171 : i32
    %swap3A_1173 = arith.index_cast %add3A_1172 : i32 to index
    %swap3A_1174 = tpu.vector_load %arg6[%swap3A_1173] {strides = array<i32>} : memref<33024xi32, #tpu.memory_space<vmem>>, vector<16xi32>,
    tpu.vector_store %arg6[%swap3A_1173], %broadcast_in_dim3A_1170 {strides = array<i32>} : memref<33024xi32, #tpu.memory_space<vmem>>, vector<16xi32>,
    %broadcast_in_dim3A_1175 = arith.constant 2147483647 : i32
    %broadcast_in_dim3A_1176 = vector.broadcast %broadcast_in_dim3A_1175 : i32 to vector<16xi32>
    %add3A_1177 = arith.constant 480 : i32
    %add3A_1178 = arith.addi %parallel_loop3A_994, %add3A_1177 : i32
    %swap3A_1179 = arith.index_cast %add3A_1178 : i32 to index
    %swap3A_1180 = tpu.vector_load %arg6[%swap3A_1179] {strides = array<i32>} : memref<33024xi32, #tpu.memory_space<vmem>>, vector<16xi32>,
    tpu.vector_store %arg6[%swap3A_1179], %broadcast_in_dim3A_1176 {strides = array<i32>} : memref<33024xi32, #tpu.memory_space<vmem>>, vector<16xi32>,
    %broadcast_in_dim3A_1181 = arith.constant 2147483647 : i32
    %broadcast_in_dim3A_1182 = vector.broadcast %broadcast_in_dim3A_1181 : i32 to vector<16xi32>
    %add3A_1183 = arith.constant 496 : i32
    %add3A_1184 = arith.addi %parallel_loop3A_994, %add3A_1183 : i32
    %swap3A_1185 = arith.index_cast %add3A_1184 : i32 to index
    %swap3A_1186 = tpu.vector_load %arg6[%swap3A_1185] {strides = array<i32>} : memref<33024xi32, #tpu.memory_space<vmem>>, vector<16xi32>,
    tpu.vector_store %arg6[%swap3A_1185], %broadcast_in_dim3A_1182 {strides = array<i32>} : memref<33024xi32, #tpu.memory_space<vmem>>, vector<16xi32>,
    %add3A_1187 = arith.constant 256 : i32
    %add3A_1188 = arith.addi %parallel_loop3A_994, %add3A_1187 : i32
    %sub3A_1189 = arith.constant 1 : i32
    %sub3A_1190 = arith.subi %add3A_1188, %sub3A_1189 : i32
    %jit3A_1191 = arith.constant 256 : i32
    %div3A_1192 = arith.divsi %sub3A_1190, %jit3A_1191 : i32
    %sign3A_1193 = arith.constant 0 : i32
    %sign3A_1194 = arith.cmpi sgt, %sub3A_1190, %sign3A_1193 : i32
    %sign3A_1195 = arith.extui %sign3A_1194 : i1 to i32
    %sign3A_1196 = arith.constant 0 : i32
    %sign3A_1197 = arith.cmpi slt, %sub3A_1190, %sign3A_1196 : i32
    %sign3A_1198 = arith.extui %sign3A_1197 : i1 to i32
    %sign3A_1199 = arith.subi %sign3A_1195, %sign3A_1198 : i32
    %sign3A_1200 = arith.constant 0 : i32
    %sign3A_1201 = arith.cmpi sgt, %jit3A_1191, %sign3A_1200 : i32
    %sign3A_1202 = arith.extui %sign3A_1201 : i1 to i32
    %sign3A_1203 = arith.constant 0 : i32
    %sign3A_1204 = arith.cmpi slt, %jit3A_1191, %sign3A_1203 : i32
    %sign3A_1205 = arith.extui %sign3A_1204 : i1 to i32
    %sign3A_1206 = arith.subi %sign3A_1202, %sign3A_1205 : i32
    %ne3A_1207 = arith.cmpi ne, %sign3A_1199, %sign3A_1206 : i32
    %rem3A_1208 = arith.remsi %sub3A_1190, %jit3A_1191 : i32
    %ne3A_1209 = arith.constant 0 : i32
    %ne3A_1210 = arith.cmpi ne, %rem3A_1208, %ne3A_1209 : i32
    %and3A_1211 = arith.andi %ne3A_1207, %ne3A_1210 : i1
    %sub3A_1212 = arith.constant 1 : i32
    %sub3A_1213 = arith.subi %div3A_1192, %sub3A_1212 : i32
    %select_n3A_1214 = arith.select %and3A_1211, %sub3A_1213, %div3A_1192 : i32
    %shift_left3A_1215 = arith.constant 20 : i32
    %shift_left3A_1216 = arith.shli %reduce_sum3A_980, %shift_left3A_1215 : i32
    %scan3A_1217 = arith.constant 0 : i32
    %scan3A_1218 = arith.constant 20 : i32
    %scan3A_1219 = arith.addi %scan3A_1217, %scan3A_1218 : i32
    %scan3A_1220 = arith.constant 1 : i32
    %scan3A_1221 = scf.for %scan3A_1231 = %scan3A_1217 to %scan3A_1219 step %scan3A_1220 iter_args(%scan3A_1232 = %shift_left3A_1216) -> (i32)  : i32 {
      %sub3A_1233 = arith.constant 19 : i32
      %sub3A_1234 = arith.subi %sub3A_1233, %scan3A_1231 : i32
      %shift_left3A_1235 = arith.constant 1 : i32
      %shift_left3A_1236 = arith.shli %shift_left3A_1235, %sub3A_1234 : i32
      %or3A = arith.ori %scan3A_1232, %shift_left3A_1236 : i32
      %broadcast_in_dim3A_1237 = arith.constant 0 : i32
      %broadcast_in_dim3A_1238 = vector.broadcast %broadcast_in_dim3A_1237 : i32 to vector<16xi32>
      %broadcast_in_dim3A_1239 = arith.constant 0 : i32
      %broadcast_in_dim3A_1240 = vector.broadcast %broadcast_in_dim3A_1239 : i32 to vector<16xi32>
      %broadcast_in_dim3A_1241 = arith.constant 0 : i32
      %broadcast_in_dim3A_1242 = vector.broadcast %broadcast_in_dim3A_1241 : i32 to vector<16xi32>
      %broadcast_in_dim3A_1243 = arith.constant 0 : i32
      %broadcast_in_dim3A_1244 = vector.broadcast %broadcast_in_dim3A_1243 : i32 to vector<16xi32>
      %broadcast_in_dim3A_1245 = arith.constant 0 : i32
      %broadcast_in_dim3A_1246 = vector.broadcast %broadcast_in_dim3A_1245 : i32 to vector<16xi32>
      %broadcast_in_dim3A_1247 = arith.constant 0 : i32
      %broadcast_in_dim3A_1248 = vector.broadcast %broadcast_in_dim3A_1247 : i32 to vector<16xi32>
      %broadcast_in_dim3A_1249 = arith.constant 0 : i32
      %broadcast_in_dim3A_1250 = vector.broadcast %broadcast_in_dim3A_1249 : i32 to vector<16xi32>
      %broadcast_in_dim3A_1251 = arith.constant 0 : i32
      %broadcast_in_dim3A_1252 = vector.broadcast %broadcast_in_dim3A_1251 : i32 to vector<16xi32>
      %broadcast_in_dim3A_1253 = arith.constant 0 : i32
      %broadcast_in_dim3A_1254 = vector.broadcast %broadcast_in_dim3A_1253 : i32 to vector<16xi32>
      %broadcast_in_dim3A_1255 = arith.constant 0 : i32
      %broadcast_in_dim3A_1256 = vector.broadcast %broadcast_in_dim3A_1255 : i32 to vector<16xi32>
      %broadcast_in_dim3A_1257 = arith.constant 0 : i32
      %broadcast_in_dim3A_1258 = vector.broadcast %broadcast_in_dim3A_1257 : i32 to vector<16xi32>
      %broadcast_in_dim3A_1259 = arith.constant 0 : i32
      %broadcast_in_dim3A_1260 = vector.broadcast %broadcast_in_dim3A_1259 : i32 to vector<16xi32>
      %broadcast_in_dim3A_1261 = arith.constant 0 : i32
      %broadcast_in_dim3A_1262 = vector.broadcast %broadcast_in_dim3A_1261 : i32 to vector<16xi32>
      %broadcast_in_dim3A_1263 = arith.constant 0 : i32
      %broadcast_in_dim3A_1264 = vector.broadcast %broadcast_in_dim3A_1263 : i32 to vector<16xi32>
      %broadcast_in_dim3A_1265 = arith.constant 0 : i32
      %broadcast_in_dim3A_1266 = vector.broadcast %broadcast_in_dim3A_1265 : i32 to vector<16xi32>
      %broadcast_in_dim3A_1267 = arith.constant 0 : i32
      %broadcast_in_dim3A_1268 = vector.broadcast %broadcast_in_dim3A_1267 : i32 to vector<16xi32>
      %while3A_1269 = arith.constant 0 : i32
      %while3A_1270 = arith.subi %select_n3A_1214, %while3A_1269 : i32
      %while3A_1271 = arith.addi %while3A_1269, %while3A_1270 : i32
      %while3A_1272 = arith.constant 1 : i32
      %while3A_1273 = arith.divsi %while3A_1270, %while3A_1272 : i32
      %while3A_1274 = arith.muli %while3A_1273, %while3A_1272 : i32
      %while3A_1275 = arith.addi %while3A_1269, %while3A_1274 : i32
      %while3A_1276 = arith.constant 1 : i32
      %while3A_1277:16 = scf.for %while3A_1304 = %while3A_1269 to %while3A_1275 step %while3A_1276 iter_args(%while3A_1305 = %broadcast_in_dim3A_1238, %while3A_1306 = %broadcast_in_dim3A_1240, %while3A_1307 = %broadcast_in_dim3A_1242, %while3A_1308 = %broadcast_in_dim3A_1244, %while3A_1309 = %broadcast_in_dim3A_1246, %while3A_1310 = %broadcast_in_dim3A_1248, %while3A_1311 = %broadcast_in_dim3A_1250, %while3A_1312 = %broadcast_in_dim3A_1252, %while3A_1313 = %broadcast_in_dim3A_1254, %while3A_1314 = %broadcast_in_dim3A_1256, %while3A_1315 = %broadcast_in_dim3A_1258, %while3A_1316 = %broadcast_in_dim3A_1260, %while3A_1317 = %broadcast_in_dim3A_1262, %while3A_1318 = %broadcast_in_dim3A_1264, %while3A_1319 = %broadcast_in_dim3A_1266, %while3A_1320 = %broadcast_in_dim3A_1268) -> (vector<16xi32>, vector<16xi32>, vector<16xi32>, vector<16xi32>, vector<16xi32>, vector<16xi32>, vector<16xi32>, vector<16xi32>, vector<16xi32>, vector<16xi32>, vector<16xi32>, vector<16xi32>, vector<16xi32>, vector<16xi32>, vector<16xi32>, vector<16xi32>)  : i32 {
        %mul3A_1321 = arith.constant 16 : i32
        %mul3A_1322 = arith.muli %while3A_1304, %mul3A_1321 : i32
        %add3A_1323 = arith.constant 0 : i32
        %add3A_1324 = arith.addi %mul3A_1322, %add3A_1323 : i32
        %mul3A_1325 = arith.constant 16 : i32
        %mul3A_1326 = arith.muli %add3A_1324, %mul3A_1325 : i32
        %get3A_1327 = arith.index_cast %mul3A_1326 : i32 to index
        %get3A_1328 = tpu.vector_load %arg6[%get3A_1327] {strides = array<i32>} : memref<33024xi32, #tpu.memory_space<vmem>>, vector<16xi32>,
        %mul3A_1329 = arith.constant 16 : i32
        %mul3A_1330 = arith.muli %while3A_1304, %mul3A_1329 : i32
        %add3A_1331 = arith.constant 1 : i32
        %add3A_1332 = arith.addi %mul3A_1330, %add3A_1331 : i32
        %mul3A_1333 = arith.constant 16 : i32
        %mul3A_1334 = arith.muli %add3A_1332, %mul3A_1333 : i32
        %get3A_1335 = arith.index_cast %mul3A_1334 : i32 to index
        %get3A_1336 = tpu.vector_load %arg6[%get3A_1335] {strides = array<i32>} : memref<33024xi32, #tpu.memory_space<vmem>>, vector<16xi32>,
        %mul3A_1337 = arith.constant 16 : i32
        %mul3A_1338 = arith.muli %while3A_1304, %mul3A_1337 : i32
        %add3A_1339 = arith.constant 2 : i32
        %add3A_1340 = arith.addi %mul3A_1338, %add3A_1339 : i32
        %mul3A_1341 = arith.constant 16 : i32
        %mul3A_1342 = arith.muli %add3A_1340, %mul3A_1341 : i32
        %get3A_1343 = arith.index_cast %mul3A_1342 : i32 to index
        %get3A_1344 = tpu.vector_load %arg6[%get3A_1343] {strides = array<i32>} : memref<33024xi32, #tpu.memory_space<vmem>>, vector<16xi32>,
        %mul3A_1345 = arith.constant 16 : i32
        %mul3A_1346 = arith.muli %while3A_1304, %mul3A_1345 : i32
        %add3A_1347 = arith.constant 3 : i32
        %add3A_1348 = arith.addi %mul3A_1346, %add3A_1347 : i32
        %mul3A_1349 = arith.constant 16 : i32
        %mul3A_1350 = arith.muli %add3A_1348, %mul3A_1349 : i32
        %get3A_1351 = arith.index_cast %mul3A_1350 : i32 to index
        %get3A_1352 = tpu.vector_load %arg6[%get3A_1351] {strides = array<i32>} : memref<33024xi32, #tpu.memory_space<vmem>>, vector<16xi32>,
        %mul3A_1353 = arith.constant 16 : i32
        %mul3A_1354 = arith.muli %while3A_1304, %mul3A_1353 : i32
        %add3A_1355 = arith.constant 4 : i32
        %add3A_1356 = arith.addi %mul3A_1354, %add3A_1355 : i32
        %mul3A_1357 = arith.constant 16 : i32
        %mul3A_1358 = arith.muli %add3A_1356, %mul3A_1357 : i32
        %get3A_1359 = arith.index_cast %mul3A_1358 : i32 to index
        %get3A_1360 = tpu.vector_load %arg6[%get3A_1359] {strides = array<i32>} : memref<33024xi32, #tpu.memory_space<vmem>>, vector<16xi32>,
        %mul3A_1361 = arith.constant 16 : i32
        %mul3A_1362 = arith.muli %while3A_1304, %mul3A_1361 : i32
        %add3A_1363 = arith.constant 5 : i32
        %add3A_1364 = arith.addi %mul3A_1362, %add3A_1363 : i32
        %mul3A_1365 = arith.constant 16 : i32
        %mul3A_1366 = arith.muli %add3A_1364, %mul3A_1365 : i32
        %get3A_1367 = arith.index_cast %mul3A_1366 : i32 to index
        %get3A_1368 = tpu.vector_load %arg6[%get3A_1367] {strides = array<i32>} : memref<33024xi32, #tpu.memory_space<vmem>>, vector<16xi32>,
        %mul3A_1369 = arith.constant 16 : i32
        %mul3A_1370 = arith.muli %while3A_1304, %mul3A_1369 : i32
        %add3A_1371 = arith.constant 6 : i32
        %add3A_1372 = arith.addi %mul3A_1370, %add3A_1371 : i32
        %mul3A_1373 = arith.constant 16 : i32
        %mul3A_1374 = arith.muli %add3A_1372, %mul3A_1373 : i32
        %get3A_1375 = arith.index_cast %mul3A_1374 : i32 to index
        %get3A_1376 = tpu.vector_load %arg6[%get3A_1375] {strides = array<i32>} : memref<33024xi32, #tpu.memory_space<vmem>>, vector<16xi32>,
        %mul3A_1377 = arith.constant 16 : i32
        %mul3A_1378 = arith.muli %while3A_1304, %mul3A_1377 : i32
        %add3A_1379 = arith.constant 7 : i32
        %add3A_1380 = arith.addi %mul3A_1378, %add3A_1379 : i32
        %mul3A_1381 = arith.constant 16 : i32
        %mul3A_1382 = arith.muli %add3A_1380, %mul3A_1381 : i32
        %get3A_1383 = arith.index_cast %mul3A_1382 : i32 to index
        %get3A_1384 = tpu.vector_load %arg6[%get3A_1383] {strides = array<i32>} : memref<33024xi32, #tpu.memory_space<vmem>>, vector<16xi32>,
        %mul3A_1385 = arith.constant 16 : i32
        %mul3A_1386 = arith.muli %while3A_1304, %mul3A_1385 : i32
        %add3A_1387 = arith.constant 8 : i32
        %add3A_1388 = arith.addi %mul3A_1386, %add3A_1387 : i32
        %mul3A_1389 = arith.constant 16 : i32
        %mul3A_1390 = arith.muli %add3A_1388, %mul3A_1389 : i32
        %get3A_1391 = arith.index_cast %mul3A_1390 : i32 to index
        %get3A_1392 = tpu.vector_load %arg6[%get3A_1391] {strides = array<i32>} : memref<33024xi32, #tpu.memory_space<vmem>>, vector<16xi32>,
        %mul3A_1393 = arith.constant 16 : i32
        %mul3A_1394 = arith.muli %while3A_1304, %mul3A_1393 : i32
        %add3A_1395 = arith.constant 9 : i32
        %add3A_1396 = arith.addi %mul3A_1394, %add3A_1395 : i32
        %mul3A_1397 = arith.constant 16 : i32
        %mul3A_1398 = arith.muli %add3A_1396, %mul3A_1397 : i32
        %get3A_1399 = arith.index_cast %mul3A_1398 : i32 to index
        %get3A_1400 = tpu.vector_load %arg6[%get3A_1399] {strides = array<i32>} : memref<33024xi32, #tpu.memory_space<vmem>>, vector<16xi32>,
        %mul3A_1401 = arith.constant 16 : i32
        %mul3A_1402 = arith.muli %while3A_1304, %mul3A_1401 : i32
        %add3A_1403 = arith.constant 10 : i32
        %add3A_1404 = arith.addi %mul3A_1402, %add3A_1403 : i32
        %mul3A_1405 = arith.constant 16 : i32
        %mul3A_1406 = arith.muli %add3A_1404, %mul3A_1405 : i32
        %get3A_1407 = arith.index_cast %mul3A_1406 : i32 to index
        %get3A_1408 = tpu.vector_load %arg6[%get3A_1407] {strides = array<i32>} : memref<33024xi32, #tpu.memory_space<vmem>>, vector<16xi32>,
        %mul3A_1409 = arith.constant 16 : i32
        %mul3A_1410 = arith.muli %while3A_1304, %mul3A_1409 : i32
        %add3A_1411 = arith.constant 11 : i32
        %add3A_1412 = arith.addi %mul3A_1410, %add3A_1411 : i32
        %mul3A_1413 = arith.constant 16 : i32
        %mul3A_1414 = arith.muli %add3A_1412, %mul3A_1413 : i32
        %get3A_1415 = arith.index_cast %mul3A_1414 : i32 to index
        %get3A_1416 = tpu.vector_load %arg6[%get3A_1415] {strides = array<i32>} : memref<33024xi32, #tpu.memory_space<vmem>>, vector<16xi32>,
        %mul3A_1417 = arith.constant 16 : i32
        %mul3A_1418 = arith.muli %while3A_1304, %mul3A_1417 : i32
        %add3A_1419 = arith.constant 12 : i32
        %add3A_1420 = arith.addi %mul3A_1418, %add3A_1419 : i32
        %mul3A_1421 = arith.constant 16 : i32
        %mul3A_1422 = arith.muli %add3A_1420, %mul3A_1421 : i32
        %get3A_1423 = arith.index_cast %mul3A_1422 : i32 to index
        %get3A_1424 = tpu.vector_load %arg6[%get3A_1423] {strides = array<i32>} : memref<33024xi32, #tpu.memory_space<vmem>>, vector<16xi32>,
        %mul3A_1425 = arith.constant 16 : i32
        %mul3A_1426 = arith.muli %while3A_1304, %mul3A_1425 : i32
        %add3A_1427 = arith.constant 13 : i32
        %add3A_1428 = arith.addi %mul3A_1426, %add3A_1427 : i32
        %mul3A_1429 = arith.constant 16 : i32
        %mul3A_1430 = arith.muli %add3A_1428, %mul3A_1429 : i32
        %get3A_1431 = arith.index_cast %mul3A_1430 : i32 to index
        %get3A_1432 = tpu.vector_load %arg6[%get3A_1431] {strides = array<i32>} : memref<33024xi32, #tpu.memory_space<vmem>>, vector<16xi32>,
        %mul3A_1433 = arith.constant 16 : i32
        %mul3A_1434 = arith.muli %while3A_1304, %mul3A_1433 : i32
        %add3A_1435 = arith.constant 14 : i32
        %add3A_1436 = arith.addi %mul3A_1434, %add3A_1435 : i32
        %mul3A_1437 = arith.constant 16 : i32
        %mul3A_1438 = arith.muli %add3A_1436, %mul3A_1437 : i32
        %get3A_1439 = arith.index_cast %mul3A_1438 : i32 to index
        %get3A_1440 = tpu.vector_load %arg6[%get3A_1439] {strides = array<i32>} : memref<33024xi32, #tpu.memory_space<vmem>>, vector<16xi32>,
        %mul3A_1441 = arith.constant 16 : i32
        %mul3A_1442 = arith.muli %while3A_1304, %mul3A_1441 : i32
        %add3A_1443 = arith.constant 15 : i32
        %add3A_1444 = arith.addi %mul3A_1442, %add3A_1443 : i32
        %mul3A_1445 = arith.constant 16 : i32
        %mul3A_1446 = arith.muli %add3A_1444, %mul3A_1445 : i32
        %get3A_1447 = arith.index_cast %mul3A_1446 : i32 to index
        %get3A_1448 = tpu.vector_load %arg6[%get3A_1447] {strides = array<i32>} : memref<33024xi32, #tpu.memory_space<vmem>>, vector<16xi32>,
        %lt3A = vector.broadcast %or3A : i32 to vector<16xi32>
        %lt3A_1449 = arith.cmpi slt, %get3A_1328, %lt3A : vector<16xi32>
        %convert_element_type3A_1450 = arith.extui %lt3A_1449 : vector<16xi1> to vector<16xi32>
        %lt3A_1451 = vector.broadcast %or3A : i32 to vector<16xi32>
        %lt3A_1452 = arith.cmpi slt, %get3A_1336, %lt3A_1451 : vector<16xi32>
        %convert_element_type3A_1453 = arith.extui %lt3A_1452 : vector<16xi1> to vector<16xi32>
        %lt3A_1454 = vector.broadcast %or3A : i32 to vector<16xi32>
        %lt3A_1455 = arith.cmpi slt, %get3A_1344, %lt3A_1454 : vector<16xi32>
        %convert_element_type3A_1456 = arith.extui %lt3A_1455 : vector<16xi1> to vector<16xi32>
        %lt3A_1457 = vector.broadcast %or3A : i32 to vector<16xi32>
        %lt3A_1458 = arith.cmpi slt, %get3A_1352, %lt3A_1457 : vector<16xi32>
        %convert_element_type3A_1459 = arith.extui %lt3A_1458 : vector<16xi1> to vector<16xi32>
        %lt3A_1460 = vector.broadcast %or3A : i32 to vector<16xi32>
        %lt3A_1461 = arith.cmpi slt, %get3A_1360, %lt3A_1460 : vector<16xi32>
        %convert_element_type3A_1462 = arith.extui %lt3A_1461 : vector<16xi1> to vector<16xi32>
        %lt3A_1463 = vector.broadcast %or3A : i32 to vector<16xi32>
        %lt3A_1464 = arith.cmpi slt, %get3A_1368, %lt3A_1463 : vector<16xi32>
        %convert_element_type3A_1465 = arith.extui %lt3A_1464 : vector<16xi1> to vector<16xi32>
        %lt3A_1466 = vector.broadcast %or3A : i32 to vector<16xi32>
        %lt3A_1467 = arith.cmpi slt, %get3A_1376, %lt3A_1466 : vector<16xi32>
        %convert_element_type3A_1468 = arith.extui %lt3A_1467 : vector<16xi1> to vector<16xi32>
        %lt3A_1469 = vector.broadcast %or3A : i32 to vector<16xi32>
        %lt3A_1470 = arith.cmpi slt, %get3A_1384, %lt3A_1469 : vector<16xi32>
        %convert_element_type3A_1471 = arith.extui %lt3A_1470 : vector<16xi1> to vector<16xi32>
        %lt3A_1472 = vector.broadcast %or3A : i32 to vector<16xi32>
        %lt3A_1473 = arith.cmpi slt, %get3A_1392, %lt3A_1472 : vector<16xi32>
        %convert_element_type3A_1474 = arith.extui %lt3A_1473 : vector<16xi1> to vector<16xi32>
        %lt3A_1475 = vector.broadcast %or3A : i32 to vector<16xi32>
        %lt3A_1476 = arith.cmpi slt, %get3A_1400, %lt3A_1475 : vector<16xi32>
        %convert_element_type3A_1477 = arith.extui %lt3A_1476 : vector<16xi1> to vector<16xi32>
        %lt3A_1478 = vector.broadcast %or3A : i32 to vector<16xi32>
        %lt3A_1479 = arith.cmpi slt, %get3A_1408, %lt3A_1478 : vector<16xi32>
        %convert_element_type3A_1480 = arith.extui %lt3A_1479 : vector<16xi1> to vector<16xi32>
        %lt3A_1481 = vector.broadcast %or3A : i32 to vector<16xi32>
        %lt3A_1482 = arith.cmpi slt, %get3A_1416, %lt3A_1481 : vector<16xi32>
        %convert_element_type3A_1483 = arith.extui %lt3A_1482 : vector<16xi1> to vector<16xi32>
        %lt3A_1484 = vector.broadcast %or3A : i32 to vector<16xi32>
        %lt3A_1485 = arith.cmpi slt, %get3A_1424, %lt3A_1484 : vector<16xi32>
        %convert_element_type3A_1486 = arith.extui %lt3A_1485 : vector<16xi1> to vector<16xi32>
        %lt3A_1487 = vector.broadcast %or3A : i32 to vector<16xi32>
        %lt3A_1488 = arith.cmpi slt, %get3A_1432, %lt3A_1487 : vector<16xi32>
        %convert_element_type3A_1489 = arith.extui %lt3A_1488 : vector<16xi1> to vector<16xi32>
        %lt3A_1490 = vector.broadcast %or3A : i32 to vector<16xi32>
        %lt3A_1491 = arith.cmpi slt, %get3A_1440, %lt3A_1490 : vector<16xi32>
        %convert_element_type3A_1492 = arith.extui %lt3A_1491 : vector<16xi1> to vector<16xi32>
        %lt3A_1493 = vector.broadcast %or3A : i32 to vector<16xi32>
        %lt3A_1494 = arith.cmpi slt, %get3A_1448, %lt3A_1493 : vector<16xi32>
        %convert_element_type3A_1495 = arith.extui %lt3A_1494 : vector<16xi1> to vector<16xi32>
        %add3A_1496 = arith.addi %while3A_1305, %convert_element_type3A_1450 : vector<16xi32>
        %add3A_1497 = arith.addi %while3A_1306, %convert_element_type3A_1453 : vector<16xi32>
        %add3A_1498 = arith.addi %while3A_1307, %convert_element_type3A_1456 : vector<16xi32>
        %add3A_1499 = arith.addi %while3A_1308, %convert_element_type3A_1459 : vector<16xi32>
        %add3A_1500 = arith.addi %while3A_1309, %convert_element_type3A_1462 : vector<16xi32>
        %add3A_1501 = arith.addi %while3A_1310, %convert_element_type3A_1465 : vector<16xi32>
        %add3A_1502 = arith.addi %while3A_1311, %convert_element_type3A_1468 : vector<16xi32>
        %add3A_1503 = arith.addi %while3A_1312, %convert_element_type3A_1471 : vector<16xi32>
        %add3A_1504 = arith.addi %while3A_1313, %convert_element_type3A_1474 : vector<16xi32>
        %add3A_1505 = arith.addi %while3A_1314, %convert_element_type3A_1477 : vector<16xi32>
        %add3A_1506 = arith.addi %while3A_1315, %convert_element_type3A_1480 : vector<16xi32>
        %add3A_1507 = arith.addi %while3A_1316, %convert_element_type3A_1483 : vector<16xi32>
        %add3A_1508 = arith.addi %while3A_1317, %convert_element_type3A_1486 : vector<16xi32>
        %add3A_1509 = arith.addi %while3A_1318, %convert_element_type3A_1489 : vector<16xi32>
        %add3A_1510 = arith.addi %while3A_1319, %convert_element_type3A_1492 : vector<16xi32>
        %add3A_1511 = arith.addi %while3A_1320, %convert_element_type3A_1495 : vector<16xi32>
        scf.yield %add3A_1496, %add3A_1497, %add3A_1498, %add3A_1499, %add3A_1500, %add3A_1501, %add3A_1502, %add3A_1503, %add3A_1504, %add3A_1505, %add3A_1506, %add3A_1507, %add3A_1508, %add3A_1509, %add3A_1510, %add3A_1511 : vector<16xi32>, vector<16xi32>, vector<16xi32>, vector<16xi32>, vector<16xi32>, vector<16xi32>, vector<16xi32>, vector<16xi32>, vector<16xi32>, vector<16xi32>, vector<16xi32>, vector<16xi32>, vector<16xi32>, vector<16xi32>, vector<16xi32>, vector<16xi32>
      }
      %while3A_1278 = arith.constant 1 : i32
      %while3A_1279:16 = scf.for %while3A_1304 = %while3A_1275 to %while3A_1271 step %while3A_1278 iter_args(%while3A_1305 = %while3A_1277#0, %while3A_1306 = %while3A_1277#1, %while3A_1307 = %while3A_1277#2, %while3A_1308 = %while3A_1277#3, %while3A_1309 = %while3A_1277#4, %while3A_1310 = %while3A_1277#5, %while3A_1311 = %while3A_1277#6, %while3A_1312 = %while3A_1277#7, %while3A_1313 = %while3A_1277#8, %while3A_1314 = %while3A_1277#9, %while3A_1315 = %while3A_1277#10, %while3A_1316 = %while3A_1277#11, %while3A_1317 = %while3A_1277#12, %while3A_1318 = %while3A_1277#13, %while3A_1319 = %while3A_1277#14, %while3A_1320 = %while3A_1277#15) -> (vector<16xi32>, vector<16xi32>, vector<16xi32>, vector<16xi32>, vector<16xi32>, vector<16xi32>, vector<16xi32>, vector<16xi32>, vector<16xi32>, vector<16xi32>, vector<16xi32>, vector<16xi32>, vector<16xi32>, vector<16xi32>, vector<16xi32>, vector<16xi32>)  : i32 {
        %mul3A_1321 = arith.constant 16 : i32
        %mul3A_1322 = arith.muli %while3A_1304, %mul3A_1321 : i32
        %add3A_1323 = arith.constant 0 : i32
        %add3A_1324 = arith.addi %mul3A_1322, %add3A_1323 : i32
        %mul3A_1325 = arith.constant 16 : i32
        %mul3A_1326 = arith.muli %add3A_1324, %mul3A_1325 : i32
        %get3A_1327 = arith.index_cast %mul3A_1326 : i32 to index
        %get3A_1328 = tpu.vector_load %arg6[%get3A_1327] {strides = array<i32>} : memref<33024xi32, #tpu.memory_space<vmem>>, vector<16xi32>,
        %mul3A_1329 = arith.constant 16 : i32
        %mul3A_1330 = arith.muli %while3A_1304, %mul3A_1329 : i32
        %add3A_1331 = arith.constant 1 : i32
        %add3A_1332 = arith.addi %mul3A_1330, %add3A_1331 : i32
        %mul3A_1333 = arith.constant 16 : i32
        %mul3A_1334 = arith.muli %add3A_1332, %mul3A_1333 : i32
        %get3A_1335 = arith.index_cast %mul3A_1334 : i32 to index
        %get3A_1336 = tpu.vector_load %arg6[%get3A_1335] {strides = array<i32>} : memref<33024xi32, #tpu.memory_space<vmem>>, vector<16xi32>,
        %mul3A_1337 = arith.constant 16 : i32
        %mul3A_1338 = arith.muli %while3A_1304, %mul3A_1337 : i32
        %add3A_1339 = arith.constant 2 : i32
        %add3A_1340 = arith.addi %mul3A_1338, %add3A_1339 : i32
        %mul3A_1341 = arith.constant 16 : i32
        %mul3A_1342 = arith.muli %add3A_1340, %mul3A_1341 : i32
        %get3A_1343 = arith.index_cast %mul3A_1342 : i32 to index
        %get3A_1344 = tpu.vector_load %arg6[%get3A_1343] {strides = array<i32>} : memref<33024xi32, #tpu.memory_space<vmem>>, vector<16xi32>,
        %mul3A_1345 = arith.constant 16 : i32
        %mul3A_1346 = arith.muli %while3A_1304, %mul3A_1345 : i32
        %add3A_1347 = arith.constant 3 : i32
        %add3A_1348 = arith.addi %mul3A_1346, %add3A_1347 : i32
        %mul3A_1349 = arith.constant 16 : i32
        %mul3A_1350 = arith.muli %add3A_1348, %mul3A_1349 : i32
        %get3A_1351 = arith.index_cast %mul3A_1350 : i32 to index
        %get3A_1352 = tpu.vector_load %arg6[%get3A_1351] {strides = array<i32>} : memref<33024xi32, #tpu.memory_space<vmem>>, vector<16xi32>,
        %mul3A_1353 = arith.constant 16 : i32
        %mul3A_1354 = arith.muli %while3A_1304, %mul3A_1353 : i32
        %add3A_1355 = arith.constant 4 : i32
        %add3A_1356 = arith.addi %mul3A_1354, %add3A_1355 : i32
        %mul3A_1357 = arith.constant 16 : i32
        %mul3A_1358 = arith.muli %add3A_1356, %mul3A_1357 : i32
        %get3A_1359 = arith.index_cast %mul3A_1358 : i32 to index
        %get3A_1360 = tpu.vector_load %arg6[%get3A_1359] {strides = array<i32>} : memref<33024xi32, #tpu.memory_space<vmem>>, vector<16xi32>,
        %mul3A_1361 = arith.constant 16 : i32
        %mul3A_1362 = arith.muli %while3A_1304, %mul3A_1361 : i32
        %add3A_1363 = arith.constant 5 : i32
        %add3A_1364 = arith.addi %mul3A_1362, %add3A_1363 : i32
        %mul3A_1365 = arith.constant 16 : i32
        %mul3A_1366 = arith.muli %add3A_1364, %mul3A_1365 : i32
        %get3A_1367 = arith.index_cast %mul3A_1366 : i32 to index
        %get3A_1368 = tpu.vector_load %arg6[%get3A_1367] {strides = array<i32>} : memref<33024xi32, #tpu.memory_space<vmem>>, vector<16xi32>,
        %mul3A_1369 = arith.constant 16 : i32
        %mul3A_1370 = arith.muli %while3A_1304, %mul3A_1369 : i32
        %add3A_1371 = arith.constant 6 : i32
        %add3A_1372 = arith.addi %mul3A_1370, %add3A_1371 : i32
        %mul3A_1373 = arith.constant 16 : i32
        %mul3A_1374 = arith.muli %add3A_1372, %mul3A_1373 : i32
        %get3A_1375 = arith.index_cast %mul3A_1374 : i32 to index
        %get3A_1376 = tpu.vector_load %arg6[%get3A_1375] {strides = array<i32>} : memref<33024xi32, #tpu.memory_space<vmem>>, vector<16xi32>,
        %mul3A_1377 = arith.constant 16 : i32
        %mul3A_1378 = arith.muli %while3A_1304, %mul3A_1377 : i32
        %add3A_1379 = arith.constant 7 : i32
        %add3A_1380 = arith.addi %mul3A_1378, %add3A_1379 : i32
        %mul3A_1381 = arith.constant 16 : i32
        %mul3A_1382 = arith.muli %add3A_1380, %mul3A_1381 : i32
        %get3A_1383 = arith.index_cast %mul3A_1382 : i32 to index
        %get3A_1384 = tpu.vector_load %arg6[%get3A_1383] {strides = array<i32>} : memref<33024xi32, #tpu.memory_space<vmem>>, vector<16xi32>,
        %mul3A_1385 = arith.constant 16 : i32
        %mul3A_1386 = arith.muli %while3A_1304, %mul3A_1385 : i32
        %add3A_1387 = arith.constant 8 : i32
        %add3A_1388 = arith.addi %mul3A_1386, %add3A_1387 : i32
        %mul3A_1389 = arith.constant 16 : i32
        %mul3A_1390 = arith.muli %add3A_1388, %mul3A_1389 : i32
        %get3A_1391 = arith.index_cast %mul3A_1390 : i32 to index
        %get3A_1392 = tpu.vector_load %arg6[%get3A_1391] {strides = array<i32>} : memref<33024xi32, #tpu.memory_space<vmem>>, vector<16xi32>,
        %mul3A_1393 = arith.constant 16 : i32
        %mul3A_1394 = arith.muli %while3A_1304, %mul3A_1393 : i32
        %add3A_1395 = arith.constant 9 : i32
        %add3A_1396 = arith.addi %mul3A_1394, %add3A_1395 : i32
        %mul3A_1397 = arith.constant 16 : i32
        %mul3A_1398 = arith.muli %add3A_1396, %mul3A_1397 : i32
        %get3A_1399 = arith.index_cast %mul3A_1398 : i32 to index
        %get3A_1400 = tpu.vector_load %arg6[%get3A_1399] {strides = array<i32>} : memref<33024xi32, #tpu.memory_space<vmem>>, vector<16xi32>,
        %mul3A_1401 = arith.constant 16 : i32
        %mul3A_1402 = arith.muli %while3A_1304, %mul3A_1401 : i32
        %add3A_1403 = arith.constant 10 : i32
        %add3A_1404 = arith.addi %mul3A_1402, %add3A_1403 : i32
        %mul3A_1405 = arith.constant 16 : i32
        %mul3A_1406 = arith.muli %add3A_1404, %mul3A_1405 : i32
        %get3A_1407 = arith.index_cast %mul3A_1406 : i32 to index
        %get3A_1408 = tpu.vector_load %arg6[%get3A_1407] {strides = array<i32>} : memref<33024xi32, #tpu.memory_space<vmem>>, vector<16xi32>,
        %mul3A_1409 = arith.constant 16 : i32
        %mul3A_1410 = arith.muli %while3A_1304, %mul3A_1409 : i32
        %add3A_1411 = arith.constant 11 : i32
        %add3A_1412 = arith.addi %mul3A_1410, %add3A_1411 : i32
        %mul3A_1413 = arith.constant 16 : i32
        %mul3A_1414 = arith.muli %add3A_1412, %mul3A_1413 : i32
        %get3A_1415 = arith.index_cast %mul3A_1414 : i32 to index
        %get3A_1416 = tpu.vector_load %arg6[%get3A_1415] {strides = array<i32>} : memref<33024xi32, #tpu.memory_space<vmem>>, vector<16xi32>,
        %mul3A_1417 = arith.constant 16 : i32
        %mul3A_1418 = arith.muli %while3A_1304, %mul3A_1417 : i32
        %add3A_1419 = arith.constant 12 : i32
        %add3A_1420 = arith.addi %mul3A_1418, %add3A_1419 : i32
        %mul3A_1421 = arith.constant 16 : i32
        %mul3A_1422 = arith.muli %add3A_1420, %mul3A_1421 : i32
        %get3A_1423 = arith.index_cast %mul3A_1422 : i32 to index
        %get3A_1424 = tpu.vector_load %arg6[%get3A_1423] {strides = array<i32>} : memref<33024xi32, #tpu.memory_space<vmem>>, vector<16xi32>,
        %mul3A_1425 = arith.constant 16 : i32
        %mul3A_1426 = arith.muli %while3A_1304, %mul3A_1425 : i32
        %add3A_1427 = arith.constant 13 : i32
        %add3A_1428 = arith.addi %mul3A_1426, %add3A_1427 : i32
        %mul3A_1429 = arith.constant 16 : i32
        %mul3A_1430 = arith.muli %add3A_1428, %mul3A_1429 : i32
        %get3A_1431 = arith.index_cast %mul3A_1430 : i32 to index
        %get3A_1432 = tpu.vector_load %arg6[%get3A_1431] {strides = array<i32>} : memref<33024xi32, #tpu.memory_space<vmem>>, vector<16xi32>,
        %mul3A_1433 = arith.constant 16 : i32
        %mul3A_1434 = arith.muli %while3A_1304, %mul3A_1433 : i32
        %add3A_1435 = arith.constant 14 : i32
        %add3A_1436 = arith.addi %mul3A_1434, %add3A_1435 : i32
        %mul3A_1437 = arith.constant 16 : i32
        %mul3A_1438 = arith.muli %add3A_1436, %mul3A_1437 : i32
        %get3A_1439 = arith.index_cast %mul3A_1438 : i32 to index
        %get3A_1440 = tpu.vector_load %arg6[%get3A_1439] {strides = array<i32>} : memref<33024xi32, #tpu.memory_space<vmem>>, vector<16xi32>,
        %mul3A_1441 = arith.constant 16 : i32
        %mul3A_1442 = arith.muli %while3A_1304, %mul3A_1441 : i32
        %add3A_1443 = arith.constant 15 : i32
        %add3A_1444 = arith.addi %mul3A_1442, %add3A_1443 : i32
        %mul3A_1445 = arith.constant 16 : i32
        %mul3A_1446 = arith.muli %add3A_1444, %mul3A_1445 : i32
        %get3A_1447 = arith.index_cast %mul3A_1446 : i32 to index
        %get3A_1448 = tpu.vector_load %arg6[%get3A_1447] {strides = array<i32>} : memref<33024xi32, #tpu.memory_space<vmem>>, vector<16xi32>,
        %lt3A = vector.broadcast %or3A : i32 to vector<16xi32>
        %lt3A_1449 = arith.cmpi slt, %get3A_1328, %lt3A : vector<16xi32>
        %convert_element_type3A_1450 = arith.extui %lt3A_1449 : vector<16xi1> to vector<16xi32>
        %lt3A_1451 = vector.broadcast %or3A : i32 to vector<16xi32>
        %lt3A_1452 = arith.cmpi slt, %get3A_1336, %lt3A_1451 : vector<16xi32>
        %convert_element_type3A_1453 = arith.extui %lt3A_1452 : vector<16xi1> to vector<16xi32>
        %lt3A_1454 = vector.broadcast %or3A : i32 to vector<16xi32>
        %lt3A_1455 = arith.cmpi slt, %get3A_1344, %lt3A_1454 : vector<16xi32>
        %convert_element_type3A_1456 = arith.extui %lt3A_1455 : vector<16xi1> to vector<16xi32>
        %lt3A_1457 = vector.broadcast %or3A : i32 to vector<16xi32>
        %lt3A_1458 = arith.cmpi slt, %get3A_1352, %lt3A_1457 : vector<16xi32>
        %convert_element_type3A_1459 = arith.extui %lt3A_1458 : vector<16xi1> to vector<16xi32>
        %lt3A_1460 = vector.broadcast %or3A : i32 to vector<16xi32>
        %lt3A_1461 = arith.cmpi slt, %get3A_1360, %lt3A_1460 : vector<16xi32>
        %convert_element_type3A_1462 = arith.extui %lt3A_1461 : vector<16xi1> to vector<16xi32>
        %lt3A_1463 = vector.broadcast %or3A : i32 to vector<16xi32>
        %lt3A_1464 = arith.cmpi slt, %get3A_1368, %lt3A_1463 : vector<16xi32>
        %convert_element_type3A_1465 = arith.extui %lt3A_1464 : vector<16xi1> to vector<16xi32>
        %lt3A_1466 = vector.broadcast %or3A : i32 to vector<16xi32>
        %lt3A_1467 = arith.cmpi slt, %get3A_1376, %lt3A_1466 : vector<16xi32>
        %convert_element_type3A_1468 = arith.extui %lt3A_1467 : vector<16xi1> to vector<16xi32>
        %lt3A_1469 = vector.broadcast %or3A : i32 to vector<16xi32>
        %lt3A_1470 = arith.cmpi slt, %get3A_1384, %lt3A_1469 : vector<16xi32>
        %convert_element_type3A_1471 = arith.extui %lt3A_1470 : vector<16xi1> to vector<16xi32>
        %lt3A_1472 = vector.broadcast %or3A : i32 to vector<16xi32>
        %lt3A_1473 = arith.cmpi slt, %get3A_1392, %lt3A_1472 : vector<16xi32>
        %convert_element_type3A_1474 = arith.extui %lt3A_1473 : vector<16xi1> to vector<16xi32>
        %lt3A_1475 = vector.broadcast %or3A : i32 to vector<16xi32>
        %lt3A_1476 = arith.cmpi slt, %get3A_1400, %lt3A_1475 : vector<16xi32>
        %convert_element_type3A_1477 = arith.extui %lt3A_1476 : vector<16xi1> to vector<16xi32>
        %lt3A_1478 = vector.broadcast %or3A : i32 to vector<16xi32>
        %lt3A_1479 = arith.cmpi slt, %get3A_1408, %lt3A_1478 : vector<16xi32>
        %convert_element_type3A_1480 = arith.extui %lt3A_1479 : vector<16xi1> to vector<16xi32>
        %lt3A_1481 = vector.broadcast %or3A : i32 to vector<16xi32>
        %lt3A_1482 = arith.cmpi slt, %get3A_1416, %lt3A_1481 : vector<16xi32>
        %convert_element_type3A_1483 = arith.extui %lt3A_1482 : vector<16xi1> to vector<16xi32>
        %lt3A_1484 = vector.broadcast %or3A : i32 to vector<16xi32>
        %lt3A_1485 = arith.cmpi slt, %get3A_1424, %lt3A_1484 : vector<16xi32>
        %convert_element_type3A_1486 = arith.extui %lt3A_1485 : vector<16xi1> to vector<16xi32>
        %lt3A_1487 = vector.broadcast %or3A : i32 to vector<16xi32>
        %lt3A_1488 = arith.cmpi slt, %get3A_1432, %lt3A_1487 : vector<16xi32>
        %convert_element_type3A_1489 = arith.extui %lt3A_1488 : vector<16xi1> to vector<16xi32>
        %lt3A_1490 = vector.broadcast %or3A : i32 to vector<16xi32>
        %lt3A_1491 = arith.cmpi slt, %get3A_1440, %lt3A_1490 : vector<16xi32>
        %convert_element_type3A_1492 = arith.extui %lt3A_1491 : vector<16xi1> to vector<16xi32>
        %lt3A_1493 = vector.broadcast %or3A : i32 to vector<16xi32>
        %lt3A_1494 = arith.cmpi slt, %get3A_1448, %lt3A_1493 : vector<16xi32>
        %convert_element_type3A_1495 = arith.extui %lt3A_1494 : vector<16xi1> to vector<16xi32>
        %add3A_1496 = arith.addi %while3A_1305, %convert_element_type3A_1450 : vector<16xi32>
        %add3A_1497 = arith.addi %while3A_1306, %convert_element_type3A_1453 : vector<16xi32>
        %add3A_1498 = arith.addi %while3A_1307, %convert_element_type3A_1456 : vector<16xi32>
        %add3A_1499 = arith.addi %while3A_1308, %convert_element_type3A_1459 : vector<16xi32>
        %add3A_1500 = arith.addi %while3A_1309, %convert_element_type3A_1462 : vector<16xi32>
        %add3A_1501 = arith.addi %while3A_1310, %convert_element_type3A_1465 : vector<16xi32>
        %add3A_1502 = arith.addi %while3A_1311, %convert_element_type3A_1468 : vector<16xi32>
        %add3A_1503 = arith.addi %while3A_1312, %convert_element_type3A_1471 : vector<16xi32>
        %add3A_1504 = arith.addi %while3A_1313, %convert_element_type3A_1474 : vector<16xi32>
        %add3A_1505 = arith.addi %while3A_1314, %convert_element_type3A_1477 : vector<16xi32>
        %add3A_1506 = arith.addi %while3A_1315, %convert_element_type3A_1480 : vector<16xi32>
        %add3A_1507 = arith.addi %while3A_1316, %convert_element_type3A_1483 : vector<16xi32>
        %add3A_1508 = arith.addi %while3A_1317, %convert_element_type3A_1486 : vector<16xi32>
        %add3A_1509 = arith.addi %while3A_1318, %convert_element_type3A_1489 : vector<16xi32>
        %add3A_1510 = arith.addi %while3A_1319, %convert_element_type3A_1492 : vector<16xi32>
        %add3A_1511 = arith.addi %while3A_1320, %convert_element_type3A_1495 : vector<16xi32>
        scf.yield %add3A_1496, %add3A_1497, %add3A_1498, %add3A_1499, %add3A_1500, %add3A_1501, %add3A_1502, %add3A_1503, %add3A_1504, %add3A_1505, %add3A_1506, %add3A_1507, %add3A_1508, %add3A_1509, %add3A_1510, %add3A_1511 : vector<16xi32>, vector<16xi32>, vector<16xi32>, vector<16xi32>, vector<16xi32>, vector<16xi32>, vector<16xi32>, vector<16xi32>, vector<16xi32>, vector<16xi32>, vector<16xi32>, vector<16xi32>, vector<16xi32>, vector<16xi32>, vector<16xi32>, vector<16xi32>
      }
      %add3A_1280 = arith.constant 0 : i32
      %add3A_1281 = vector.broadcast %add3A_1280 : i32 to vector<16xi32>
      %add3A_1282 = arith.addi %add3A_1281, %while3A_1279#0 : vector<16xi32>
      %add3A_1283 = arith.addi %add3A_1282, %while3A_1279#1 : vector<16xi32>
      %add3A_1284 = arith.addi %add3A_1283, %while3A_1279#2 : vector<16xi32>
      %add3A_1285 = arith.addi %add3A_1284, %while3A_1279#3 : vector<16xi32>
      %add3A_1286 = arith.addi %add3A_1285, %while3A_1279#4 : vector<16xi32>
      %add3A_1287 = arith.addi %add3A_1286, %while3A_1279#5 : vector<16xi32>
      %add3A_1288 = arith.addi %add3A_1287, %while3A_1279#6 : vector<16xi32>
      %add3A_1289 = arith.addi %add3A_1288, %while3A_1279#7 : vector<16xi32>
      %add3A_1290 = arith.addi %add3A_1289, %while3A_1279#8 : vector<16xi32>
      %add3A_1291 = arith.addi %add3A_1290, %while3A_1279#9 : vector<16xi32>
      %add3A_1292 = arith.addi %add3A_1291, %while3A_1279#10 : vector<16xi32>
      %add3A_1293 = arith.addi %add3A_1292, %while3A_1279#11 : vector<16xi32>
      %add3A_1294 = arith.addi %add3A_1293, %while3A_1279#12 : vector<16xi32>
      %add3A_1295 = arith.addi %add3A_1294, %while3A_1279#13 : vector<16xi32>
      %add3A_1296 = arith.addi %add3A_1295, %while3A_1279#14 : vector<16xi32>
      %add3A_1297 = arith.addi %add3A_1296, %while3A_1279#15 : vector<16xi32>
      %reduce_sum3A_1298 = arith.constant true
      %reduce_sum3A_1299 = vector.broadcast %reduce_sum3A_1298 : i1 to vector<16xi1>
      %reduce_sum3A_1300 = tpu.scan <sum>, %add3A_1297 masked %reduce_sum3A_1299 : vector<16xi32>, vector<16xi1> -> vector<16xi32>
      %reduce_sum3A_1301 = vector.extract %reduce_sum3A_1300[15] : i32 from vector<16xi32>
      %le3A_1302 = arith.cmpi sle, %reduce_sum3A_1301, %reduce_sum3A_989 : i32
      %select_n3A_1303 = arith.select %le3A_1302, %or3A, %scan3A_1232 : i32
      scf.yield %select_n3A_1303 : i32
    }
    %scan3A_1222 = arith.constant 20 : i32
    %iota3A_1223 = tpu.iota {dimensions = array<i32: 0>} : vector<16xi32>
    %eq3A_1224 = arith.constant 3 : i32
    %eq3A_1225 = vector.broadcast %eq3A_1224 : i32 to vector<16xi32>
    %eq3A_1226 = arith.cmpi eq, %iota3A_1223, %eq3A_1225 : vector<16xi32>
    %broadcast_in_dim3A_1227 = vector.broadcast %scan3A_1221 : i32 to vector<16xi32>
    %select_n3A_1228 = arith.select %eq3A_1226, %broadcast_in_dim3A_1227, %select_n3A_925 : vector<16xi1>, vector<16xi32>
    %bitcast_convert_type3A = tpu.bitcast %select_n3A_1228 : vector<16xi32> -> vector<16xf32>
    %swap3A_1229 = arith.constant 0 : index
    %swap3A_1230 = tpu.vector_load %arg8[%swap3A_1229] {strides = array<i32>} : memref<16xf32, #tpu.memory_space<vmem>>, vector<16xf32>,
    tpu.vector_store %arg8[%swap3A_1229], %bitcast_convert_type3A {strides = array<i32>} : memref<16xf32, #tpu.memory_space<vmem>>, vector<16xf32>,
    "tpu.region"() ({
      %run_scoped3A = tpu.sem_alloc : memref<!tpu.dma_semaphore, #tpu.memory_space<semaphore_mem>>
      %dma_start3A_1231 = arith.constant 0 : i32
      %dma_start3A_1232 = tpu.memref_slice %arg3[%add3A, %dma_start3A_1231] : memref<32x16xf32, #tpu.memory_space<hbm>> -> memref<1x16xf32, #tpu.memory_space<hbm>>
      %dma_start3A_1233 = tpu.memref_squeeze %dma_start3A_1232 : memref<1x16xf32, #tpu.memory_space<hbm>> -> memref<16xf32, #tpu.memory_space<hbm>>
      %dma_start3A_1234 = arith.constant 0 : i32
      %dma_start3A_1235 = tpu.memref_slice %arg3[%add3A, %dma_start3A_1234] : memref<32x16xf32, #tpu.memory_space<hbm>> -> memref<1x16xf32, #tpu.memory_space<hbm>>
      %dma_start3A_1236 = tpu.memref_squeeze %dma_start3A_1235 : memref<1x16xf32, #tpu.memory_space<hbm>> -> memref<16xf32, #tpu.memory_space<hbm>>
      tpu.enqueue_dma source(%arg8 : memref<16xf32, #tpu.memory_space<vmem>>) target(%dma_start3A_1236 : memref<16xf32, #tpu.memory_space<hbm>>) target_semaphore(%run_scoped3A : memref<!tpu.dma_semaphore, #tpu.memory_space<semaphore_mem>>)
      %dma_wait3A_1237 = arith.constant 0 : i32
      %dma_wait3A_1238 = tpu.memref_slice %arg3[%add3A, %dma_wait3A_1237] : memref<32x16xf32, #tpu.memory_space<hbm>> -> memref<1x16xf32, #tpu.memory_space<hbm>>
      %dma_wait3A_1239 = tpu.memref_squeeze %dma_wait3A_1238 : memref<1x16xf32, #tpu.memory_space<hbm>> -> memref<16xf32, #tpu.memory_space<hbm>>
      %dma_wait3A_1240 = arith.constant 0 : i32
      %dma_wait3A_1241 = tpu.memref_slice %arg3[%add3A, %dma_wait3A_1240] : memref<32x16xf32, #tpu.memory_space<hbm>> -> memref<1x16xf32, #tpu.memory_space<hbm>>
      %dma_wait3A_1242 = tpu.memref_squeeze %dma_wait3A_1241 : memref<1x16xf32, #tpu.memory_space<hbm>> -> memref<16xf32, #tpu.memory_space<hbm>>
      tpu.wait_dma2 semaphore(%run_scoped3A : memref<!tpu.dma_semaphore, #tpu.memory_space<semaphore_mem>>) src(%arg8 : memref<16xf32, #tpu.memory_space<vmem>>) dst(%dma_wait3A_1242 : memref<16xf32, #tpu.memory_space<hbm>>)
      tpu.yield
    }) : () -> ()
    return
  }
}

module attributes {stable_mosaic.version = 14 : i64} {
  func.func @_train_body(%arg0: i32, %arg1: memref<16x32768xf32, #tpu.memory_space<vmem>>, %arg2: memref<16x1xf32, #tpu.memory_space<vmem>>, %arg3: memref<16x32768xf32, #tpu.memory_space<vmem>>, %arg4: memref<16x32768xf32, #tpu.memory_space<vmem>>) attributes {dimension_semantics = [#tpu.dimension_semantics<arbitrary>], iteration_bounds = array<i64: 8>, scalar_prefetch = 0 : i64, scratch_operands = 0 : i64, tpu.core_type = #tpu.core_type<tc>, window_params = [{transform_indices = @transform_0, window_bounds = array<i64: 16, 32768>}, {transform_indices = @transform_1, window_bounds = array<i64: 16, 1>}, {transform_indices = @transform_2, window_bounds = array<i64: 16, 32768>}, {transform_indices = @transform_3, window_bounds = array<i64: 16, 32768>}]} {
    %get3A = arith.constant 0 : index
    %get3A_0 = arith.constant 0 : index
    %get3A_1 = vector.load %arg1[%get3A, %get3A_0] : memref<16x32768xf32, #tpu.memory_space<vmem>>, vector<16x32768xf32>
    %abs3A = math.absf %get3A_1 : vector<16x32768xf32>
    %get3A_2 = arith.constant 0 : index
    %get3A_3 = arith.constant 0 : index
    %get3A_4 = vector.load %arg2[%get3A_2, %get3A_3] : memref<16x1xf32, #tpu.memory_space<vmem>>, vector<16x1xf32>
    %le3A = vector.broadcast %get3A_4 : vector<16x1xf32> to vector<16x32768xf32>
    %le3A_5 = arith.cmpf ole, %abs3A, %le3A : vector<16x32768xf32>
    %get3A_6 = arith.constant 0 : index
    %get3A_7 = arith.constant 0 : index
    %get3A_8 = vector.load %arg3[%get3A_6, %get3A_7] : memref<16x32768xf32, #tpu.memory_space<vmem>>, vector<16x32768xf32>
    %ne3A = arith.constant 0.000000e+00 : f32
    %ne3A_9 = vector.broadcast %ne3A : f32 to vector<16x32768xf32>
    %ne3A_10 = arith.cmpf one, %get3A_8, %ne3A_9 : vector<16x32768xf32>
    %and3A = arith.andi %le3A_5, %ne3A_10 : vector<16x32768xi1>
    %jit3A = arith.constant 0.000000e+00 : f32
    %broadcast_in_dim3A = vector.broadcast %jit3A : f32 to vector<16x32768xf32>
    %select_n3A = arith.select %and3A, %broadcast_in_dim3A, %abs3A : vector<16x32768xi1>, vector<16x32768xf32>
    %swap3A = arith.constant 0 : index
    %swap3A_11 = arith.constant 0 : index
    %swap3A_12 = vector.load %arg4[%swap3A, %swap3A_11] : memref<16x32768xf32, #tpu.memory_space<vmem>>, vector<16x32768xf32>
    tpu.vector_store %arg4[%swap3A, %swap3A_11], %select_n3A {strides = array<i32>} : memref<16x32768xf32, #tpu.memory_space<vmem>>, vector<16x32768xf32>,
    return
  }
  func.func @transform_0(%arg0: i32) -> (i32, i32) {
    %c0_i32 = arith.constant 0 : i32
    %c0_i32_0 = arith.constant 0 : i32
    return %arg0, %c0_i32 : i32, i32
  }
  func.func @transform_1(%arg0: i32) -> (i32, i32) {
    %c0_i32 = arith.constant 0 : i32
    %c0_i32_0 = arith.constant 0 : i32
    return %arg0, %c0_i32 : i32, i32
  }
  func.func @transform_2(%arg0: i32) -> (i32, i32) {
    %c0_i32 = arith.constant 0 : i32
    %c0_i32_0 = arith.constant 0 : i32
    return %arg0, %c0_i32 : i32, i32
  }
  func.func @transform_3(%arg0: i32) -> (i32, i32) {
    %c0_i32 = arith.constant 0 : i32
    %c0_i32_0 = arith.constant 0 : i32
    return %arg0, %c0_i32 : i32, i32
  }
}

module attributes {stable_mosaic.version = 14 : i64} {
  func.func @_eval_body(%arg0: i32, %arg1: memref<128x8192xf32, #tpu.memory_space<vmem>>, %arg2: memref<128x1xf32, #tpu.memory_space<vmem>>, %arg3: memref<32x32768xf32, #tpu.memory_space<vmem>>) attributes {dimension_semantics = [#tpu.dimension_semantics<arbitrary>], iteration_bounds = array<i64: 4>, scalar_prefetch = 0 : i64, scratch_operands = 0 : i64, tpu.core_type = #tpu.core_type<tc>, window_params = [{transform_indices = @transform_0, window_bounds = array<i64: 128, 8192>}, {pipeline_mode = #tpu.pipeline_mode<synchronous>, transform_indices = @transform_1, window_bounds = array<i64: 128, 1>}, {transform_indices = @transform_2, window_bounds = array<i64: 32, 32768>}]} {
    %get3A = arith.constant 0 : index
    %get3A_0 = arith.constant 0 : index
    %get3A_1 = vector.load %arg1[%get3A, %get3A_0] : memref<128x8192xf32, #tpu.memory_space<vmem>>, vector<128x8192xf32>
    %abs3A = math.absf %get3A_1 : vector<128x8192xf32>
    %get3A_2 = arith.constant 0 : index
    %get3A_3 = arith.constant 0 : index
    %get3A_4 = vector.load %arg2[%get3A_2, %get3A_3] : memref<128x1xf32, #tpu.memory_space<vmem>>, vector<128x1xf32>
    %gt3A = vector.broadcast %get3A_4 : vector<128x1xf32> to vector<128x8192xf32>
    %gt3A_5 = arith.cmpf ogt, %abs3A, %gt3A : vector<128x8192xf32>
    %jit3A = arith.constant 0.000000e+00 : f32
    %broadcast_in_dim3A = vector.broadcast %jit3A : f32 to vector<128x8192xf32>
    %select_n3A = arith.select %gt3A_5, %abs3A, %broadcast_in_dim3A : vector<128x8192xi1>, vector<128x8192xf32>
    %slice3A = vector.extract_strided_slice %select_n3A {offsets = [0, 0], sizes = [128, 256], strides = [1, 1]} : vector<128x8192xf32> to vector<128x256xf32>
    %transpose3A = tpu.transpose %slice3A, [1, 0] : vector<128x256xf32> -> vector<256x128xf32>
    %reshape3A = vector.shape_cast %transpose3A : vector<256x128xf32> to vector<32768xf32>
    %swap3A = arith.constant 0 : index
    %swap3A_6 = arith.constant 0 : index
    %swap3A_7 = vector.load %arg3[%swap3A, %swap3A_6] : memref<32x32768xf32, #tpu.memory_space<vmem>>, vector<1x32768xf32>
    %swap3A_8 = vector.shape_cast %swap3A_7 : vector<1x32768xf32> to vector<32768xf32>
    %swap3A_9 = vector.shape_cast %reshape3A : vector<32768xf32> to vector<1x32768xf32>
    tpu.vector_store %arg3[%swap3A, %swap3A_6], %swap3A_9 {strides = array<i32>} : memref<32x32768xf32, #tpu.memory_space<vmem>>, vector<1x32768xf32>,
    %slice3A_10 = vector.extract_strided_slice %select_n3A {offsets = [0, 256], sizes = [128, 256], strides = [1, 1]} : vector<128x8192xf32> to vector<128x256xf32>
    %transpose3A_11 = tpu.transpose %slice3A_10, [1, 0] : vector<128x256xf32> -> vector<256x128xf32>
    %reshape3A_12 = vector.shape_cast %transpose3A_11 : vector<256x128xf32> to vector<32768xf32>
    %swap3A_13 = arith.constant 1 : index
    %swap3A_14 = arith.constant 0 : index
    %swap3A_15 = vector.load %arg3[%swap3A_13, %swap3A_14] : memref<32x32768xf32, #tpu.memory_space<vmem>>, vector<1x32768xf32>
    %swap3A_16 = vector.shape_cast %swap3A_15 : vector<1x32768xf32> to vector<32768xf32>
    %swap3A_17 = vector.shape_cast %reshape3A_12 : vector<32768xf32> to vector<1x32768xf32>
    tpu.vector_store %arg3[%swap3A_13, %swap3A_14], %swap3A_17 {strides = array<i32>} : memref<32x32768xf32, #tpu.memory_space<vmem>>, vector<1x32768xf32>,
    %slice3A_18 = vector.extract_strided_slice %select_n3A {offsets = [0, 512], sizes = [128, 256], strides = [1, 1]} : vector<128x8192xf32> to vector<128x256xf32>
    %transpose3A_19 = tpu.transpose %slice3A_18, [1, 0] : vector<128x256xf32> -> vector<256x128xf32>
    %reshape3A_20 = vector.shape_cast %transpose3A_19 : vector<256x128xf32> to vector<32768xf32>
    %swap3A_21 = arith.constant 2 : index
    %swap3A_22 = arith.constant 0 : index
    %swap3A_23 = vector.load %arg3[%swap3A_21, %swap3A_22] : memref<32x32768xf32, #tpu.memory_space<vmem>>, vector<1x32768xf32>
    %swap3A_24 = vector.shape_cast %swap3A_23 : vector<1x32768xf32> to vector<32768xf32>
    %swap3A_25 = vector.shape_cast %reshape3A_20 : vector<32768xf32> to vector<1x32768xf32>
    tpu.vector_store %arg3[%swap3A_21, %swap3A_22], %swap3A_25 {strides = array<i32>} : memref<32x32768xf32, #tpu.memory_space<vmem>>, vector<1x32768xf32>,
    %slice3A_26 = vector.extract_strided_slice %select_n3A {offsets = [0, 768], sizes = [128, 256], strides = [1, 1]} : vector<128x8192xf32> to vector<128x256xf32>
    %transpose3A_27 = tpu.transpose %slice3A_26, [1, 0] : vector<128x256xf32> -> vector<256x128xf32>
    %reshape3A_28 = vector.shape_cast %transpose3A_27 : vector<256x128xf32> to vector<32768xf32>
    %swap3A_29 = arith.constant 3 : index
    %swap3A_30 = arith.constant 0 : index
    %swap3A_31 = vector.load %arg3[%swap3A_29, %swap3A_30] : memref<32x32768xf32, #tpu.memory_space<vmem>>, vector<1x32768xf32>
    %swap3A_32 = vector.shape_cast %swap3A_31 : vector<1x32768xf32> to vector<32768xf32>
    %swap3A_33 = vector.shape_cast %reshape3A_28 : vector<32768xf32> to vector<1x32768xf32>
    tpu.vector_store %arg3[%swap3A_29, %swap3A_30], %swap3A_33 {strides = array<i32>} : memref<32x32768xf32, #tpu.memory_space<vmem>>, vector<1x32768xf32>,
    %slice3A_34 = vector.extract_strided_slice %select_n3A {offsets = [0, 1024], sizes = [128, 256], strides = [1, 1]} : vector<128x8192xf32> to vector<128x256xf32>
    %transpose3A_35 = tpu.transpose %slice3A_34, [1, 0] : vector<128x256xf32> -> vector<256x128xf32>
    %reshape3A_36 = vector.shape_cast %transpose3A_35 : vector<256x128xf32> to vector<32768xf32>
    %swap3A_37 = arith.constant 4 : index
    %swap3A_38 = arith.constant 0 : index
    %swap3A_39 = vector.load %arg3[%swap3A_37, %swap3A_38] : memref<32x32768xf32, #tpu.memory_space<vmem>>, vector<1x32768xf32>
    %swap3A_40 = vector.shape_cast %swap3A_39 : vector<1x32768xf32> to vector<32768xf32>
    %swap3A_41 = vector.shape_cast %reshape3A_36 : vector<32768xf32> to vector<1x32768xf32>
    tpu.vector_store %arg3[%swap3A_37, %swap3A_38], %swap3A_41 {strides = array<i32>} : memref<32x32768xf32, #tpu.memory_space<vmem>>, vector<1x32768xf32>,
    %slice3A_42 = vector.extract_strided_slice %select_n3A {offsets = [0, 1280], sizes = [128, 256], strides = [1, 1]} : vector<128x8192xf32> to vector<128x256xf32>
    %transpose3A_43 = tpu.transpose %slice3A_42, [1, 0] : vector<128x256xf32> -> vector<256x128xf32>
    %reshape3A_44 = vector.shape_cast %transpose3A_43 : vector<256x128xf32> to vector<32768xf32>
    %swap3A_45 = arith.constant 5 : index
    %swap3A_46 = arith.constant 0 : index
    %swap3A_47 = vector.load %arg3[%swap3A_45, %swap3A_46] : memref<32x32768xf32, #tpu.memory_space<vmem>>, vector<1x32768xf32>
    %swap3A_48 = vector.shape_cast %swap3A_47 : vector<1x32768xf32> to vector<32768xf32>
    %swap3A_49 = vector.shape_cast %reshape3A_44 : vector<32768xf32> to vector<1x32768xf32>
    tpu.vector_store %arg3[%swap3A_45, %swap3A_46], %swap3A_49 {strides = array<i32>} : memref<32x32768xf32, #tpu.memory_space<vmem>>, vector<1x32768xf32>,
    %slice3A_50 = vector.extract_strided_slice %select_n3A {offsets = [0, 1536], sizes = [128, 256], strides = [1, 1]} : vector<128x8192xf32> to vector<128x256xf32>
    %transpose3A_51 = tpu.transpose %slice3A_50, [1, 0] : vector<128x256xf32> -> vector<256x128xf32>
    %reshape3A_52 = vector.shape_cast %transpose3A_51 : vector<256x128xf32> to vector<32768xf32>
    %swap3A_53 = arith.constant 6 : index
    %swap3A_54 = arith.constant 0 : index
    %swap3A_55 = vector.load %arg3[%swap3A_53, %swap3A_54] : memref<32x32768xf32, #tpu.memory_space<vmem>>, vector<1x32768xf32>
    %swap3A_56 = vector.shape_cast %swap3A_55 : vector<1x32768xf32> to vector<32768xf32>
    %swap3A_57 = vector.shape_cast %reshape3A_52 : vector<32768xf32> to vector<1x32768xf32>
    tpu.vector_store %arg3[%swap3A_53, %swap3A_54], %swap3A_57 {strides = array<i32>} : memref<32x32768xf32, #tpu.memory_space<vmem>>, vector<1x32768xf32>,
    %slice3A_58 = vector.extract_strided_slice %select_n3A {offsets = [0, 1792], sizes = [128, 256], strides = [1, 1]} : vector<128x8192xf32> to vector<128x256xf32>
    %transpose3A_59 = tpu.transpose %slice3A_58, [1, 0] : vector<128x256xf32> -> vector<256x128xf32>
    %reshape3A_60 = vector.shape_cast %transpose3A_59 : vector<256x128xf32> to vector<32768xf32>
    %swap3A_61 = arith.constant 7 : index
    %swap3A_62 = arith.constant 0 : index
    %swap3A_63 = vector.load %arg3[%swap3A_61, %swap3A_62] : memref<32x32768xf32, #tpu.memory_space<vmem>>, vector<1x32768xf32>
    %swap3A_64 = vector.shape_cast %swap3A_63 : vector<1x32768xf32> to vector<32768xf32>
    %swap3A_65 = vector.shape_cast %reshape3A_60 : vector<32768xf32> to vector<1x32768xf32>
    tpu.vector_store %arg3[%swap3A_61, %swap3A_62], %swap3A_65 {strides = array<i32>} : memref<32x32768xf32, #tpu.memory_space<vmem>>, vector<1x32768xf32>,
    %slice3A_66 = vector.extract_strided_slice %select_n3A {offsets = [0, 2048], sizes = [128, 256], strides = [1, 1]} : vector<128x8192xf32> to vector<128x256xf32>
    %transpose3A_67 = tpu.transpose %slice3A_66, [1, 0] : vector<128x256xf32> -> vector<256x128xf32>
    %reshape3A_68 = vector.shape_cast %transpose3A_67 : vector<256x128xf32> to vector<32768xf32>
    %swap3A_69 = arith.constant 8 : index
    %swap3A_70 = arith.constant 0 : index
    %swap3A_71 = vector.load %arg3[%swap3A_69, %swap3A_70] : memref<32x32768xf32, #tpu.memory_space<vmem>>, vector<1x32768xf32>
    %swap3A_72 = vector.shape_cast %swap3A_71 : vector<1x32768xf32> to vector<32768xf32>
    %swap3A_73 = vector.shape_cast %reshape3A_68 : vector<32768xf32> to vector<1x32768xf32>
    tpu.vector_store %arg3[%swap3A_69, %swap3A_70], %swap3A_73 {strides = array<i32>} : memref<32x32768xf32, #tpu.memory_space<vmem>>, vector<1x32768xf32>,
    %slice3A_74 = vector.extract_strided_slice %select_n3A {offsets = [0, 2304], sizes = [128, 256], strides = [1, 1]} : vector<128x8192xf32> to vector<128x256xf32>
    %transpose3A_75 = tpu.transpose %slice3A_74, [1, 0] : vector<128x256xf32> -> vector<256x128xf32>
    %reshape3A_76 = vector.shape_cast %transpose3A_75 : vector<256x128xf32> to vector<32768xf32>
    %swap3A_77 = arith.constant 9 : index
    %swap3A_78 = arith.constant 0 : index
    %swap3A_79 = vector.load %arg3[%swap3A_77, %swap3A_78] : memref<32x32768xf32, #tpu.memory_space<vmem>>, vector<1x32768xf32>
    %swap3A_80 = vector.shape_cast %swap3A_79 : vector<1x32768xf32> to vector<32768xf32>
    %swap3A_81 = vector.shape_cast %reshape3A_76 : vector<32768xf32> to vector<1x32768xf32>
    tpu.vector_store %arg3[%swap3A_77, %swap3A_78], %swap3A_81 {strides = array<i32>} : memref<32x32768xf32, #tpu.memory_space<vmem>>, vector<1x32768xf32>,
    %slice3A_82 = vector.extract_strided_slice %select_n3A {offsets = [0, 2560], sizes = [128, 256], strides = [1, 1]} : vector<128x8192xf32> to vector<128x256xf32>
    %transpose3A_83 = tpu.transpose %slice3A_82, [1, 0] : vector<128x256xf32> -> vector<256x128xf32>
    %reshape3A_84 = vector.shape_cast %transpose3A_83 : vector<256x128xf32> to vector<32768xf32>
    %swap3A_85 = arith.constant 10 : index
    %swap3A_86 = arith.constant 0 : index
    %swap3A_87 = vector.load %arg3[%swap3A_85, %swap3A_86] : memref<32x32768xf32, #tpu.memory_space<vmem>>, vector<1x32768xf32>
    %swap3A_88 = vector.shape_cast %swap3A_87 : vector<1x32768xf32> to vector<32768xf32>
    %swap3A_89 = vector.shape_cast %reshape3A_84 : vector<32768xf32> to vector<1x32768xf32>
    tpu.vector_store %arg3[%swap3A_85, %swap3A_86], %swap3A_89 {strides = array<i32>} : memref<32x32768xf32, #tpu.memory_space<vmem>>, vector<1x32768xf32>,
    %slice3A_90 = vector.extract_strided_slice %select_n3A {offsets = [0, 2816], sizes = [128, 256], strides = [1, 1]} : vector<128x8192xf32> to vector<128x256xf32>
    %transpose3A_91 = tpu.transpose %slice3A_90, [1, 0] : vector<128x256xf32> -> vector<256x128xf32>
    %reshape3A_92 = vector.shape_cast %transpose3A_91 : vector<256x128xf32> to vector<32768xf32>
    %swap3A_93 = arith.constant 11 : index
    %swap3A_94 = arith.constant 0 : index
    %swap3A_95 = vector.load %arg3[%swap3A_93, %swap3A_94] : memref<32x32768xf32, #tpu.memory_space<vmem>>, vector<1x32768xf32>
    %swap3A_96 = vector.shape_cast %swap3A_95 : vector<1x32768xf32> to vector<32768xf32>
    %swap3A_97 = vector.shape_cast %reshape3A_92 : vector<32768xf32> to vector<1x32768xf32>
    tpu.vector_store %arg3[%swap3A_93, %swap3A_94], %swap3A_97 {strides = array<i32>} : memref<32x32768xf32, #tpu.memory_space<vmem>>, vector<1x32768xf32>,
    %slice3A_98 = vector.extract_strided_slice %select_n3A {offsets = [0, 3072], sizes = [128, 256], strides = [1, 1]} : vector<128x8192xf32> to vector<128x256xf32>
    %transpose3A_99 = tpu.transpose %slice3A_98, [1, 0] : vector<128x256xf32> -> vector<256x128xf32>
    %reshape3A_100 = vector.shape_cast %transpose3A_99 : vector<256x128xf32> to vector<32768xf32>
    %swap3A_101 = arith.constant 12 : index
    %swap3A_102 = arith.constant 0 : index
    %swap3A_103 = vector.load %arg3[%swap3A_101, %swap3A_102] : memref<32x32768xf32, #tpu.memory_space<vmem>>, vector<1x32768xf32>
    %swap3A_104 = vector.shape_cast %swap3A_103 : vector<1x32768xf32> to vector<32768xf32>
    %swap3A_105 = vector.shape_cast %reshape3A_100 : vector<32768xf32> to vector<1x32768xf32>
    tpu.vector_store %arg3[%swap3A_101, %swap3A_102], %swap3A_105 {strides = array<i32>} : memref<32x32768xf32, #tpu.memory_space<vmem>>, vector<1x32768xf32>,
    %slice3A_106 = vector.extract_strided_slice %select_n3A {offsets = [0, 3328], sizes = [128, 256], strides = [1, 1]} : vector<128x8192xf32> to vector<128x256xf32>
    %transpose3A_107 = tpu.transpose %slice3A_106, [1, 0] : vector<128x256xf32> -> vector<256x128xf32>
    %reshape3A_108 = vector.shape_cast %transpose3A_107 : vector<256x128xf32> to vector<32768xf32>
    %swap3A_109 = arith.constant 13 : index
    %swap3A_110 = arith.constant 0 : index
    %swap3A_111 = vector.load %arg3[%swap3A_109, %swap3A_110] : memref<32x32768xf32, #tpu.memory_space<vmem>>, vector<1x32768xf32>
    %swap3A_112 = vector.shape_cast %swap3A_111 : vector<1x32768xf32> to vector<32768xf32>
    %swap3A_113 = vector.shape_cast %reshape3A_108 : vector<32768xf32> to vector<1x32768xf32>
    tpu.vector_store %arg3[%swap3A_109, %swap3A_110], %swap3A_113 {strides = array<i32>} : memref<32x32768xf32, #tpu.memory_space<vmem>>, vector<1x32768xf32>,
    %slice3A_114 = vector.extract_strided_slice %select_n3A {offsets = [0, 3584], sizes = [128, 256], strides = [1, 1]} : vector<128x8192xf32> to vector<128x256xf32>
    %transpose3A_115 = tpu.transpose %slice3A_114, [1, 0] : vector<128x256xf32> -> vector<256x128xf32>
    %reshape3A_116 = vector.shape_cast %transpose3A_115 : vector<256x128xf32> to vector<32768xf32>
    %swap3A_117 = arith.constant 14 : index
    %swap3A_118 = arith.constant 0 : index
    %swap3A_119 = vector.load %arg3[%swap3A_117, %swap3A_118] : memref<32x32768xf32, #tpu.memory_space<vmem>>, vector<1x32768xf32>
    %swap3A_120 = vector.shape_cast %swap3A_119 : vector<1x32768xf32> to vector<32768xf32>
    %swap3A_121 = vector.shape_cast %reshape3A_116 : vector<32768xf32> to vector<1x32768xf32>
    tpu.vector_store %arg3[%swap3A_117, %swap3A_118], %swap3A_121 {strides = array<i32>} : memref<32x32768xf32, #tpu.memory_space<vmem>>, vector<1x32768xf32>,
    %slice3A_122 = vector.extract_strided_slice %select_n3A {offsets = [0, 3840], sizes = [128, 256], strides = [1, 1]} : vector<128x8192xf32> to vector<128x256xf32>
    %transpose3A_123 = tpu.transpose %slice3A_122, [1, 0] : vector<128x256xf32> -> vector<256x128xf32>
    %reshape3A_124 = vector.shape_cast %transpose3A_123 : vector<256x128xf32> to vector<32768xf32>
    %swap3A_125 = arith.constant 15 : index
    %swap3A_126 = arith.constant 0 : index
    %swap3A_127 = vector.load %arg3[%swap3A_125, %swap3A_126] : memref<32x32768xf32, #tpu.memory_space<vmem>>, vector<1x32768xf32>
    %swap3A_128 = vector.shape_cast %swap3A_127 : vector<1x32768xf32> to vector<32768xf32>
    %swap3A_129 = vector.shape_cast %reshape3A_124 : vector<32768xf32> to vector<1x32768xf32>
    tpu.vector_store %arg3[%swap3A_125, %swap3A_126], %swap3A_129 {strides = array<i32>} : memref<32x32768xf32, #tpu.memory_space<vmem>>, vector<1x32768xf32>,
    %slice3A_130 = vector.extract_strided_slice %select_n3A {offsets = [0, 4096], sizes = [128, 256], strides = [1, 1]} : vector<128x8192xf32> to vector<128x256xf32>
    %transpose3A_131 = tpu.transpose %slice3A_130, [1, 0] : vector<128x256xf32> -> vector<256x128xf32>
    %reshape3A_132 = vector.shape_cast %transpose3A_131 : vector<256x128xf32> to vector<32768xf32>
    %swap3A_133 = arith.constant 16 : index
    %swap3A_134 = arith.constant 0 : index
    %swap3A_135 = vector.load %arg3[%swap3A_133, %swap3A_134] : memref<32x32768xf32, #tpu.memory_space<vmem>>, vector<1x32768xf32>
    %swap3A_136 = vector.shape_cast %swap3A_135 : vector<1x32768xf32> to vector<32768xf32>
    %swap3A_137 = vector.shape_cast %reshape3A_132 : vector<32768xf32> to vector<1x32768xf32>
    tpu.vector_store %arg3[%swap3A_133, %swap3A_134], %swap3A_137 {strides = array<i32>} : memref<32x32768xf32, #tpu.memory_space<vmem>>, vector<1x32768xf32>,
    %slice3A_138 = vector.extract_strided_slice %select_n3A {offsets = [0, 4352], sizes = [128, 256], strides = [1, 1]} : vector<128x8192xf32> to vector<128x256xf32>
    %transpose3A_139 = tpu.transpose %slice3A_138, [1, 0] : vector<128x256xf32> -> vector<256x128xf32>
    %reshape3A_140 = vector.shape_cast %transpose3A_139 : vector<256x128xf32> to vector<32768xf32>
    %swap3A_141 = arith.constant 17 : index
    %swap3A_142 = arith.constant 0 : index
    %swap3A_143 = vector.load %arg3[%swap3A_141, %swap3A_142] : memref<32x32768xf32, #tpu.memory_space<vmem>>, vector<1x32768xf32>
    %swap3A_144 = vector.shape_cast %swap3A_143 : vector<1x32768xf32> to vector<32768xf32>
    %swap3A_145 = vector.shape_cast %reshape3A_140 : vector<32768xf32> to vector<1x32768xf32>
    tpu.vector_store %arg3[%swap3A_141, %swap3A_142], %swap3A_145 {strides = array<i32>} : memref<32x32768xf32, #tpu.memory_space<vmem>>, vector<1x32768xf32>,
    %slice3A_146 = vector.extract_strided_slice %select_n3A {offsets = [0, 4608], sizes = [128, 256], strides = [1, 1]} : vector<128x8192xf32> to vector<128x256xf32>
    %transpose3A_147 = tpu.transpose %slice3A_146, [1, 0] : vector<128x256xf32> -> vector<256x128xf32>
    %reshape3A_148 = vector.shape_cast %transpose3A_147 : vector<256x128xf32> to vector<32768xf32>
    %swap3A_149 = arith.constant 18 : index
    %swap3A_150 = arith.constant 0 : index
    %swap3A_151 = vector.load %arg3[%swap3A_149, %swap3A_150] : memref<32x32768xf32, #tpu.memory_space<vmem>>, vector<1x32768xf32>
    %swap3A_152 = vector.shape_cast %swap3A_151 : vector<1x32768xf32> to vector<32768xf32>
    %swap3A_153 = vector.shape_cast %reshape3A_148 : vector<32768xf32> to vector<1x32768xf32>
    tpu.vector_store %arg3[%swap3A_149, %swap3A_150], %swap3A_153 {strides = array<i32>} : memref<32x32768xf32, #tpu.memory_space<vmem>>, vector<1x32768xf32>,
    %slice3A_154 = vector.extract_strided_slice %select_n3A {offsets = [0, 4864], sizes = [128, 256], strides = [1, 1]} : vector<128x8192xf32> to vector<128x256xf32>
    %transpose3A_155 = tpu.transpose %slice3A_154, [1, 0] : vector<128x256xf32> -> vector<256x128xf32>
    %reshape3A_156 = vector.shape_cast %transpose3A_155 : vector<256x128xf32> to vector<32768xf32>
    %swap3A_157 = arith.constant 19 : index
    %swap3A_158 = arith.constant 0 : index
    %swap3A_159 = vector.load %arg3[%swap3A_157, %swap3A_158] : memref<32x32768xf32, #tpu.memory_space<vmem>>, vector<1x32768xf32>
    %swap3A_160 = vector.shape_cast %swap3A_159 : vector<1x32768xf32> to vector<32768xf32>
    %swap3A_161 = vector.shape_cast %reshape3A_156 : vector<32768xf32> to vector<1x32768xf32>
    tpu.vector_store %arg3[%swap3A_157, %swap3A_158], %swap3A_161 {strides = array<i32>} : memref<32x32768xf32, #tpu.memory_space<vmem>>, vector<1x32768xf32>,
    %slice3A_162 = vector.extract_strided_slice %select_n3A {offsets = [0, 5120], sizes = [128, 256], strides = [1, 1]} : vector<128x8192xf32> to vector<128x256xf32>
    %transpose3A_163 = tpu.transpose %slice3A_162, [1, 0] : vector<128x256xf32> -> vector<256x128xf32>
    %reshape3A_164 = vector.shape_cast %transpose3A_163 : vector<256x128xf32> to vector<32768xf32>
    %swap3A_165 = arith.constant 20 : index
    %swap3A_166 = arith.constant 0 : index
    %swap3A_167 = vector.load %arg3[%swap3A_165, %swap3A_166] : memref<32x32768xf32, #tpu.memory_space<vmem>>, vector<1x32768xf32>
    %swap3A_168 = vector.shape_cast %swap3A_167 : vector<1x32768xf32> to vector<32768xf32>
    %swap3A_169 = vector.shape_cast %reshape3A_164 : vector<32768xf32> to vector<1x32768xf32>
    tpu.vector_store %arg3[%swap3A_165, %swap3A_166], %swap3A_169 {strides = array<i32>} : memref<32x32768xf32, #tpu.memory_space<vmem>>, vector<1x32768xf32>,
    %slice3A_170 = vector.extract_strided_slice %select_n3A {offsets = [0, 5376], sizes = [128, 256], strides = [1, 1]} : vector<128x8192xf32> to vector<128x256xf32>
    %transpose3A_171 = tpu.transpose %slice3A_170, [1, 0] : vector<128x256xf32> -> vector<256x128xf32>
    %reshape3A_172 = vector.shape_cast %transpose3A_171 : vector<256x128xf32> to vector<32768xf32>
    %swap3A_173 = arith.constant 21 : index
    %swap3A_174 = arith.constant 0 : index
    %swap3A_175 = vector.load %arg3[%swap3A_173, %swap3A_174] : memref<32x32768xf32, #tpu.memory_space<vmem>>, vector<1x32768xf32>
    %swap3A_176 = vector.shape_cast %swap3A_175 : vector<1x32768xf32> to vector<32768xf32>
    %swap3A_177 = vector.shape_cast %reshape3A_172 : vector<32768xf32> to vector<1x32768xf32>
    tpu.vector_store %arg3[%swap3A_173, %swap3A_174], %swap3A_177 {strides = array<i32>} : memref<32x32768xf32, #tpu.memory_space<vmem>>, vector<1x32768xf32>,
    %slice3A_178 = vector.extract_strided_slice %select_n3A {offsets = [0, 5632], sizes = [128, 256], strides = [1, 1]} : vector<128x8192xf32> to vector<128x256xf32>
    %transpose3A_179 = tpu.transpose %slice3A_178, [1, 0] : vector<128x256xf32> -> vector<256x128xf32>
    %reshape3A_180 = vector.shape_cast %transpose3A_179 : vector<256x128xf32> to vector<32768xf32>
    %swap3A_181 = arith.constant 22 : index
    %swap3A_182 = arith.constant 0 : index
    %swap3A_183 = vector.load %arg3[%swap3A_181, %swap3A_182] : memref<32x32768xf32, #tpu.memory_space<vmem>>, vector<1x32768xf32>
    %swap3A_184 = vector.shape_cast %swap3A_183 : vector<1x32768xf32> to vector<32768xf32>
    %swap3A_185 = vector.shape_cast %reshape3A_180 : vector<32768xf32> to vector<1x32768xf32>
    tpu.vector_store %arg3[%swap3A_181, %swap3A_182], %swap3A_185 {strides = array<i32>} : memref<32x32768xf32, #tpu.memory_space<vmem>>, vector<1x32768xf32>,
    %slice3A_186 = vector.extract_strided_slice %select_n3A {offsets = [0, 5888], sizes = [128, 256], strides = [1, 1]} : vector<128x8192xf32> to vector<128x256xf32>
    %transpose3A_187 = tpu.transpose %slice3A_186, [1, 0] : vector<128x256xf32> -> vector<256x128xf32>
    %reshape3A_188 = vector.shape_cast %transpose3A_187 : vector<256x128xf32> to vector<32768xf32>
    %swap3A_189 = arith.constant 23 : index
    %swap3A_190 = arith.constant 0 : index
    %swap3A_191 = vector.load %arg3[%swap3A_189, %swap3A_190] : memref<32x32768xf32, #tpu.memory_space<vmem>>, vector<1x32768xf32>
    %swap3A_192 = vector.shape_cast %swap3A_191 : vector<1x32768xf32> to vector<32768xf32>
    %swap3A_193 = vector.shape_cast %reshape3A_188 : vector<32768xf32> to vector<1x32768xf32>
    tpu.vector_store %arg3[%swap3A_189, %swap3A_190], %swap3A_193 {strides = array<i32>} : memref<32x32768xf32, #tpu.memory_space<vmem>>, vector<1x32768xf32>,
    %slice3A_194 = vector.extract_strided_slice %select_n3A {offsets = [0, 6144], sizes = [128, 256], strides = [1, 1]} : vector<128x8192xf32> to vector<128x256xf32>
    %transpose3A_195 = tpu.transpose %slice3A_194, [1, 0] : vector<128x256xf32> -> vector<256x128xf32>
    %reshape3A_196 = vector.shape_cast %transpose3A_195 : vector<256x128xf32> to vector<32768xf32>
    %swap3A_197 = arith.constant 24 : index
    %swap3A_198 = arith.constant 0 : index
    %swap3A_199 = vector.load %arg3[%swap3A_197, %swap3A_198] : memref<32x32768xf32, #tpu.memory_space<vmem>>, vector<1x32768xf32>
    %swap3A_200 = vector.shape_cast %swap3A_199 : vector<1x32768xf32> to vector<32768xf32>
    %swap3A_201 = vector.shape_cast %reshape3A_196 : vector<32768xf32> to vector<1x32768xf32>
    tpu.vector_store %arg3[%swap3A_197, %swap3A_198], %swap3A_201 {strides = array<i32>} : memref<32x32768xf32, #tpu.memory_space<vmem>>, vector<1x32768xf32>,
    %slice3A_202 = vector.extract_strided_slice %select_n3A {offsets = [0, 6400], sizes = [128, 256], strides = [1, 1]} : vector<128x8192xf32> to vector<128x256xf32>
    %transpose3A_203 = tpu.transpose %slice3A_202, [1, 0] : vector<128x256xf32> -> vector<256x128xf32>
    %reshape3A_204 = vector.shape_cast %transpose3A_203 : vector<256x128xf32> to vector<32768xf32>
    %swap3A_205 = arith.constant 25 : index
    %swap3A_206 = arith.constant 0 : index
    %swap3A_207 = vector.load %arg3[%swap3A_205, %swap3A_206] : memref<32x32768xf32, #tpu.memory_space<vmem>>, vector<1x32768xf32>
    %swap3A_208 = vector.shape_cast %swap3A_207 : vector<1x32768xf32> to vector<32768xf32>
    %swap3A_209 = vector.shape_cast %reshape3A_204 : vector<32768xf32> to vector<1x32768xf32>
    tpu.vector_store %arg3[%swap3A_205, %swap3A_206], %swap3A_209 {strides = array<i32>} : memref<32x32768xf32, #tpu.memory_space<vmem>>, vector<1x32768xf32>,
    %slice3A_210 = vector.extract_strided_slice %select_n3A {offsets = [0, 6656], sizes = [128, 256], strides = [1, 1]} : vector<128x8192xf32> to vector<128x256xf32>
    %transpose3A_211 = tpu.transpose %slice3A_210, [1, 0] : vector<128x256xf32> -> vector<256x128xf32>
    %reshape3A_212 = vector.shape_cast %transpose3A_211 : vector<256x128xf32> to vector<32768xf32>
    %swap3A_213 = arith.constant 26 : index
    %swap3A_214 = arith.constant 0 : index
    %swap3A_215 = vector.load %arg3[%swap3A_213, %swap3A_214] : memref<32x32768xf32, #tpu.memory_space<vmem>>, vector<1x32768xf32>
    %swap3A_216 = vector.shape_cast %swap3A_215 : vector<1x32768xf32> to vector<32768xf32>
    %swap3A_217 = vector.shape_cast %reshape3A_212 : vector<32768xf32> to vector<1x32768xf32>
    tpu.vector_store %arg3[%swap3A_213, %swap3A_214], %swap3A_217 {strides = array<i32>} : memref<32x32768xf32, #tpu.memory_space<vmem>>, vector<1x32768xf32>,
    %slice3A_218 = vector.extract_strided_slice %select_n3A {offsets = [0, 6912], sizes = [128, 256], strides = [1, 1]} : vector<128x8192xf32> to vector<128x256xf32>
    %transpose3A_219 = tpu.transpose %slice3A_218, [1, 0] : vector<128x256xf32> -> vector<256x128xf32>
    %reshape3A_220 = vector.shape_cast %transpose3A_219 : vector<256x128xf32> to vector<32768xf32>
    %swap3A_221 = arith.constant 27 : index
    %swap3A_222 = arith.constant 0 : index
    %swap3A_223 = vector.load %arg3[%swap3A_221, %swap3A_222] : memref<32x32768xf32, #tpu.memory_space<vmem>>, vector<1x32768xf32>
    %swap3A_224 = vector.shape_cast %swap3A_223 : vector<1x32768xf32> to vector<32768xf32>
    %swap3A_225 = vector.shape_cast %reshape3A_220 : vector<32768xf32> to vector<1x32768xf32>
    tpu.vector_store %arg3[%swap3A_221, %swap3A_222], %swap3A_225 {strides = array<i32>} : memref<32x32768xf32, #tpu.memory_space<vmem>>, vector<1x32768xf32>,
    %slice3A_226 = vector.extract_strided_slice %select_n3A {offsets = [0, 7168], sizes = [128, 256], strides = [1, 1]} : vector<128x8192xf32> to vector<128x256xf32>
    %transpose3A_227 = tpu.transpose %slice3A_226, [1, 0] : vector<128x256xf32> -> vector<256x128xf32>
    %reshape3A_228 = vector.shape_cast %transpose3A_227 : vector<256x128xf32> to vector<32768xf32>
    %swap3A_229 = arith.constant 28 : index
    %swap3A_230 = arith.constant 0 : index
    %swap3A_231 = vector.load %arg3[%swap3A_229, %swap3A_230] : memref<32x32768xf32, #tpu.memory_space<vmem>>, vector<1x32768xf32>
    %swap3A_232 = vector.shape_cast %swap3A_231 : vector<1x32768xf32> to vector<32768xf32>
    %swap3A_233 = vector.shape_cast %reshape3A_228 : vector<32768xf32> to vector<1x32768xf32>
    tpu.vector_store %arg3[%swap3A_229, %swap3A_230], %swap3A_233 {strides = array<i32>} : memref<32x32768xf32, #tpu.memory_space<vmem>>, vector<1x32768xf32>,
    %slice3A_234 = vector.extract_strided_slice %select_n3A {offsets = [0, 7424], sizes = [128, 256], strides = [1, 1]} : vector<128x8192xf32> to vector<128x256xf32>
    %transpose3A_235 = tpu.transpose %slice3A_234, [1, 0] : vector<128x256xf32> -> vector<256x128xf32>
    %reshape3A_236 = vector.shape_cast %transpose3A_235 : vector<256x128xf32> to vector<32768xf32>
    %swap3A_237 = arith.constant 29 : index
    %swap3A_238 = arith.constant 0 : index
    %swap3A_239 = vector.load %arg3[%swap3A_237, %swap3A_238] : memref<32x32768xf32, #tpu.memory_space<vmem>>, vector<1x32768xf32>
    %swap3A_240 = vector.shape_cast %swap3A_239 : vector<1x32768xf32> to vector<32768xf32>
    %swap3A_241 = vector.shape_cast %reshape3A_236 : vector<32768xf32> to vector<1x32768xf32>
    tpu.vector_store %arg3[%swap3A_237, %swap3A_238], %swap3A_241 {strides = array<i32>} : memref<32x32768xf32, #tpu.memory_space<vmem>>, vector<1x32768xf32>,
    %slice3A_242 = vector.extract_strided_slice %select_n3A {offsets = [0, 7680], sizes = [128, 256], strides = [1, 1]} : vector<128x8192xf32> to vector<128x256xf32>
    %transpose3A_243 = tpu.transpose %slice3A_242, [1, 0] : vector<128x256xf32> -> vector<256x128xf32>
    %reshape3A_244 = vector.shape_cast %transpose3A_243 : vector<256x128xf32> to vector<32768xf32>
    %swap3A_245 = arith.constant 30 : index
    %swap3A_246 = arith.constant 0 : index
    %swap3A_247 = vector.load %arg3[%swap3A_245, %swap3A_246] : memref<32x32768xf32, #tpu.memory_space<vmem>>, vector<1x32768xf32>
    %swap3A_248 = vector.shape_cast %swap3A_247 : vector<1x32768xf32> to vector<32768xf32>
    %swap3A_249 = vector.shape_cast %reshape3A_244 : vector<32768xf32> to vector<1x32768xf32>
    tpu.vector_store %arg3[%swap3A_245, %swap3A_246], %swap3A_249 {strides = array<i32>} : memref<32x32768xf32, #tpu.memory_space<vmem>>, vector<1x32768xf32>,
    %slice3A_250 = vector.extract_strided_slice %select_n3A {offsets = [0, 7936], sizes = [128, 256], strides = [1, 1]} : vector<128x8192xf32> to vector<128x256xf32>
    %transpose3A_251 = tpu.transpose %slice3A_250, [1, 0] : vector<128x256xf32> -> vector<256x128xf32>
    %reshape3A_252 = vector.shape_cast %transpose3A_251 : vector<256x128xf32> to vector<32768xf32>
    %swap3A_253 = arith.constant 31 : index
    %swap3A_254 = arith.constant 0 : index
    %swap3A_255 = vector.load %arg3[%swap3A_253, %swap3A_254] : memref<32x32768xf32, #tpu.memory_space<vmem>>, vector<1x32768xf32>
    %swap3A_256 = vector.shape_cast %swap3A_255 : vector<1x32768xf32> to vector<32768xf32>
    %swap3A_257 = vector.shape_cast %reshape3A_252 : vector<32768xf32> to vector<1x32768xf32>
    tpu.vector_store %arg3[%swap3A_253, %swap3A_254], %swap3A_257 {strides = array<i32>} : memref<32x32768xf32, #tpu.memory_space<vmem>>, vector<1x32768xf32>,
    return
  }
  func.func @transform_0(%arg0: i32) -> (i32, i32) {
    %c0_i32 = arith.constant 0 : i32
    %c0_i32_0 = arith.constant 0 : i32
    return %c0_i32, %arg0 : i32, i32
  }
  func.func @transform_1(%arg0: i32) -> (i32, i32) {
    %c0_i32 = arith.constant 0 : i32
    %c0_i32_0 = arith.constant 0 : i32
    %c0_i32_1 = arith.constant 0 : i32
    return %c0_i32, %c0_i32_0 : i32, i32
  }
  func.func @transform_2(%arg0: i32) -> (i32, i32) {
    %c0_i32 = arith.constant 0 : i32
    %c0_i32_0 = arith.constant 0 : i32
    return %arg0, %c0_i32 : i32, i32
  }
}

</mosaic_0001>

<sc_bundles>
// kernel: kernel.3.cloned.1.call-start
scs
__scs_entry_jumppad:
0x0: {  	(pc) =	sbr.rel $0x88, $3  }
0x1: {  	(tag) =	ssettag $0x0;
	lr =	simm.s32 $0x1  }
0x2: {  	[smem:$0x3F9F] =	sst lr;
	_ =	strace $0xD0000000  }
0x3: {  	_ = 	snop  }
0x4: {  	_ = 	snop  }
0x5: {  	_ = 	snop  }
0x6: {  	_ = 	snop  }
0x7: {  	_ = 	snop  }
__scs_overlays_trampoline_lowered:
0x8: {  	[smem:$0x3FAE] =	sst s0  }
0x9: {  	[smem:$0x3FAF] =	sst s1  }
0xa: {  	[smem:$0x3FB0] =	sst s2  }
0xb: {  	[smem:$0x3FB1] =	sst s3  }
0xc: {  	[smem:$0x3FB2] =	sst s4  }
0xd: {  	[smem:$0x3FB3] =	sst s5  }
0xe: {  	[smem:$0x3FB4] =	sst s6  }
0xf: {  	[smem:$0x3FB5] =	sst s7  }
0x10: {  	[smem:$0x3FB6] =	sst s8  }
0x11: {  	[smem:$0x3FB7] =	sst s9;
	s0 =	simm.s32 @!p0 $0x0  }
0x12: {  	s1 =	sld [smem:$0x3F9D];
	s0 =	simm.s32 @p0 $0x1  }
0x13: {  	[smem:$0x3FB8] =	sst s0;
	s0 =	simm.s32 @!p1 $0x0  }
0x14: {  	s2 =	sld [smem:$0x3F9C];
	s0 =	simm.s32 @p1 $0x1  }
0x15: {  	[smem:$0x3FB9] =	sst s0;
	s0 =	simm.s32 @!p2 $0x0  }
0x16: {  	s3 =	sld [smem:$0x3FDB];
	s0 =	simm.s32 @p2 $0x1  }
0x17: {  	s4 =	simm.s32 $0x1BF5;
	[smem:$0x3FBB] =	sst s0  }
0x18: {  	s0 =	sld [smem:$0x3F9E];
	_ =	swait.ge [sflag:s4], $0x0  }
0x19: {  	s7 =	sld [smem:$0x3F9F]  }
0x1a: {  	s8 =	sadd.s32 $0xFFFFE003, lr  }
0x1b: {  	s9 =	sadd.s32 $0xFFFFFEF7, lr;
	s5 =	simm.s32 $0xFFFFFFFF;
	p2 =	slt.u32 s8, $0xFFFFF086  }
0x1c: {  	p1 =	slt.u32 s9, $0xF7A;
	s5 =	simm.s32 @!p2 $0x0  }
0x1d: {  	s5 =	simm.s32 @p1 $0x1;
	p0 =	seq.s32 s7, s2  }
0x1e: {  	s7 =	smul.u32 @!p0 $0xF7A, s2;
	p2 =	seq.s32 @!p0 s5, $0x0  }
0x1f: {  	s9 =	smul.u32 $0xF7A, s1;
	s8 =	simm.s32 @!p0 $0x1BF5;
	p2 =	por !p2, p0  }
0x20: {  	[sflag:s8] =	ssyncset.s32 @!p0 $0xFFFFF086;
	s6 =	sadd.s32 @!p0 s3, s7;
	s7 =	simm.s32 @!p0 $0x108  }
0x21: {  	s3 =	sadd.s32 s3, s9;
	s6 =	sadd.s32 @!p0 $0x88, s6;
	s7 =	simm.s32 @p2 $0x1082  }
0x22: {  	[simem:s7], [sflag:s8] =	dma.local @!p0 [hbm:s6], $0xF7A  }
0x23: {  	s9 =	sor.u32 $0xD0000000, s2;
	s6 =	simm.s32 $0x108;
	_ =	swait.ge @!p0 [sflag:s8], $0x0  }
0x24: {  	s3 =	sadd.s32 $0x88, s3;
	s6 =	simm.s32 @!p1 $0x1082;
	[sflag:s4] =	ssyncset.s32 $0xFFFFF086  }
0x25: {  	[simem:s6], [sflag:s4] =	dma.local [hbm:s3], $0xF7A  }
0x26: {  	[smem:$0x3F9F] =	sst s1;
	(tag) =	ssettag s2;
	_ =	strace s9  }
0x27: {  	s1 =	sld [smem:$0x3FAF]  }
0x28: {  	s2 =	sld [smem:$0x3FB0]  }
0x29: {  	s4 =	sld [smem:$0x3FB2]  }
0x2a: {  	p0 =	seq.s32 s5, $0x0;
	s5 =	sld [smem:$0x3FB3]  }
0x2b: {  	s6 =	sld [smem:$0x3FB4]  }
0x2c: {  	s7 =	sld [smem:$0x3FB5]  }
0x2d: {  	s3 =	simm.s32 $0x108;
	s8 =	sld [smem:$0x3FB6]  }
0x2e: {  	s3 =	simm.s32 @!p0 $0x1082;
	s9 =	sld [smem:$0x3FB7]  }
0x2f: {  	lr =	sadd.s32 s0, s3;
	s0 =	sld [smem:$0x3FAE]  }
0x30: {  	s3 =	sld [smem:$0x3FB1]  }
0x31: {  	[smem:$0x3FBA] =	sst s10  }
0x32: {  	s10 =	sld [smem:$0x3FB8];
	_ =	sdelay $0x3  }
0x33: {  	p0 =	seq.s32 s10, $0x1;
	s10 =	sld [smem:$0x3FBA];
	_ =	sdelay $0x3  }
0x34: {  	[smem:$0x3FBA] =	sst s10  }
0x35: {  	s10 =	sld [smem:$0x3FB9];
	_ =	sdelay $0x3  }
0x36: {  	p1 =	seq.s32 s10, $0x1;
	s10 =	sld [smem:$0x3FBA];
	_ =	sdelay $0x3  }
0x37: {  	[smem:$0x3FBA] =	sst s10  }
0x38: {  	s10 =	sld [smem:$0x3FBB]  }
0x39: {  	_ = 	snop;
	(pc) =	sbr.ind lr, $3  }
0x3a: {  	_ = 	snop  }
0x3b: {  	_ = 	snop  }
0x3c: {  	p2 =	seq.s32 s10, $0x1;
	s10 =	sld [smem:$0x3FBA]  }
0x3d: {  	_ =	shalt  }
0x3e: {  	_ =	shalt  }
0x3f: {  	_ =	shalt  }
0x40: {  	_ =	shalt  }
0x41: {  	_ =	shalt  }
0x42: {  	_ =	shalt  }
0x43: {  	_ =	shalt  }
0x44: {  	_ =	shalt  }
0x45: {  	_ =	shalt  }
0x46: {  	_ =	shalt  }
0x47: {  	_ =	shalt  }
0x48: {  	_ =	shalt  }
0x49: {  	_ =	shalt  }
0x4a: {  	_ =	shalt  }
0x4b: {  	_ =	shalt  }
0x4c: {  	_ =	shalt  }
0x4d: {  	_ =	shalt  }
0x4e: {  	_ =	shalt  }
0x4f: {  	_ =	shalt  }
0x50: {  	_ =	shalt  }
0x51: {  	_ =	shalt  }
0x52: {  	_ =	shalt  }
0x53: {  	_ =	shalt  }
0x54: {  	_ =	shalt  }
0x55: {  	_ =	shalt  }
0x56: {  	_ =	shalt  }
0x57: {  	_ =	shalt  }
0x58: {  	_ =	shalt  }
0x59: {  	_ =	shalt  }
0x5a: {  	_ =	shalt  }
0x5b: {  	_ =	shalt  }
0x5c: {  	_ =	shalt  }
0x5d: {  	_ =	shalt  }
0x5e: {  	_ =	shalt  }
0x5f: {  	_ =	shalt  }
0x60: {  	_ =	shalt  }
0x61: {  	_ =	shalt  }
0x62: {  	_ =	shalt  }
0x63: {  	_ =	shalt  }
0x64: {  	_ =	shalt  }
0x65: {  	_ =	shalt  }
0x66: {  	_ =	shalt  }
0x67: {  	_ =	shalt  }
0x68: {  	_ =	shalt  }
0x69: {  	_ =	shalt  }
0x6a: {  	_ =	shalt  }
0x6b: {  	_ =	shalt  }
0x6c: {  	_ =	shalt  }
0x6d: {  	_ =	shalt  }
0x6e: {  	_ =	shalt  }
0x6f: {  	_ =	shalt  }
0x70: {  	_ =	shalt  }
0x71: {  	_ =	shalt  }
0x72: {  	_ =	shalt  }
0x73: {  	_ =	shalt  }
0x74: {  	_ =	shalt  }
0x75: {  	_ =	shalt  }
0x76: {  	_ =	shalt  }
0x77: {  	_ =	shalt  }
0x78: {  	_ =	shalt  }
0x79: {  	_ =	shalt  }
0x7a: {  	_ =	shalt  }
0x7b: {  	_ =	shalt  }
0x7c: {  	_ =	shalt  }
0x7d: {  	_ =	shalt  }
0x7e: {  	_ =	shalt  }
0x7f: {  	_ =	shalt  }
0x80: {  	_ =	shalt  }
0x81: {  	_ =	shalt  }
0x82: {  	_ =	shalt  }
0x83: {  	_ =	shalt  }
0x84: {  	_ =	shalt  }
0x85: {  	_ =	shalt  }
0x86: {  	_ =	shalt  }
0x87: {  	_ =	shalt  }
.Lfunc_end0:
.L_simem_size_0:
called_computation_lowered:
.L_overlay_start_0:
0x88: {  	s2 =	sld [smem:$0x3FD9]  }
0x89: {  	s3 =	sld [smem:$0x3FFE];
	_ =	sdelay $0x1  }
0x8a: {  	s1 =	srdreg.scid  }
0x8b: {  	s0 =	sand.u32 $0x1, s1  }
0x8c: {  	s18 =	sshll.u32 s0, $0xA;
	s2 =	sadd.s32 s3, s2  }
0x8d: {  	s2 =	sadd.s32 s2, s18  }
0x8e: {  	[smem:$0x3FC6] =	sst s2  }
0x8f: {  	_ = 	snop  }
0x90: {  	s2 =	sld [smem:$0x3FC9]  }
0x91: {  	s19 =	sld [smem:$0x3FD0];
	(tm) =	ssettm $0x1  }
0x92: {  	s4 =	sld [smem:$0x3FFB];
	_ =	sdelay $0x3  }
0x93: {  	_ =	strace s4  }
0x94: {  	s4 =	sld [smem:$0x3FFC];
	_ =	sdelay $0x3  }
0x95: {  	_ =	strace s4  }
0x96: {  	s4 =	sld [smem:$0x3FFD];
	_ =	sdelay $0x3  }
0x97: {  	_ =	strace s4  }
0x98: {  	_ =	strace $0x8FFFFFFF  }
0x99: {  	s20 =	sld [smem:$0x3FDB];
	_ =	sdelay $0x1  }
0x9a: {  	s5 =	simm.s32 $_scs_section_size  }
0x9b: {  	s6 =	simm.s32 $_size__tile_overlayer_lowered;
	s7 =	simm.s32 $_tile_overlayer_lowered  }
0x9c: {  	s23 =	simm.s32 $0x1BFF;
	s22 =	sshll.u32 s7, $0x1;
	s4 =	sadd.s32 s5, s20  }
0x9d: {  	s8 =	simm.s32 $0x0;
	s21 =	sshll.u32 s6, $0x1;
	s6 =	sadd.s32 s22, s4  }
0x9e: {  	[timem:s8], [sflag:s23] =	dma.local [hbm:s6], s21  }
0x9f: {  	_ =	swait.ge [sflag:s23], s21  }
0xa0: {  	s5 =	ssub.s32 $0x0, s21;
	[sflag:s23] =	ssyncset.done $0x0  }
0xa1: {  	[sflag:s23] =	ssyncadd.s32 s5;
	_ =	sdelay $0x1  }
0xa2: {  	s24 =	simm.s32 $0x1B8B  }
0xa3: {  	_ =	swait.ge [sflag:s24], $0x1  }
0xa4: {  	[sflag:s24] =	ssyncset.done $0x0  }
0xa5: {  	s25 =	simm.s32 $0x1B8E;
	[sflag:s24] =	ssyncadd.s32 $0xFFFFFFFF  }
0xa6: {  	s26 =	simm.s32 $execute0_lowered;
	[smem:$0x3FD2] =	sst s25  }
0xa7: {  	s5 =	sshll.u32 s26, $0x1;
	_ =	strace $0x80000046;
	[dreg:$0x1] =	wrdreg $0xFFFFFFFF  }
0xa8: {  	s28 =	simm.s32 $_size_execute0_lowered;
	s4 =	sadd.s32 s4, s5;
	[dreg:$0x0] =	wrdreg $0x0  }
0xa9: {  	s5 =	sshll.u32 s28, $0x1;
	[dreg:$0x2] =	wrdreg s4  }
0xaa: {  	[dreg:$0x3] =	wrdreg s5  }
0xab: {  	[dreg:$0x4] =	wrdreg $0xC0  }
0xac: {  	_ =	task [dreg:s8], $0x5FFFF  }
0xad: {  	[dreg:$0x1] =	wrdreg $0xFFFFFFFF  }
0xae: {  	[dreg:$0x0] =	wrdreg $0x60  }
0xaf: {  	[dreg:$0x2] =	wrdreg s2  }
0xb0: {  	[dreg:$0x3] =	wrdreg s19  }
0xb1: {  	[dreg:$0x4] =	wrdreg $0x9  }
0xb2: {  	_ =	task.clear_ibuf [dreg:s8], $0x5FFFF;
	_ =	strace $0x90000046  }
0xb3: {  	s29 =	simm.s32 $0x9;
	_ =	strace $0x80000048  }
0xb4: {  	_ =	swait.ge [sflag:s29], $0x1  }
0xb5: {  	[sflag:s29] =	ssyncadd.s32 $0xFFFFFFFF  }
0xb6: {  	_ =	strace $0x90000048  }
0xb7: {  	_ =	sfence  }
0xb8: {  	s30 =	sld [smem:$0x0];
	_ =	sdelay $0x2  }
0xb9: {  	s31 =	sshll.u32 s1, $0xD;
	s1 =	sshrl.u32 s1, $0x2  }
0xba: {  	s3 =	sand.u32 $0x4000, s31;
	s1 =	sadd.s32 s1, s30  }
0xbb: {  	s0 =	sor.u32 s3, s0;
	s1 =	sshll.u32 s1, $0x11  }
0xbc: {  	s0 =	sor.u32 s1, s0  }
0xbd: {  	s0 =	sadd.s32 $0x8F2B, s0  }
0xbe: {  	[sflag:s0] =	ssyncadd.remote.s32 $0x1  }
0xbf: {  	_ =	sfence.sel $0xFFFF  }
0xc0: {  	[dreg:$0x0] =	wrdreg $0xFFFFFFFF;
	(pc) =	sbr.abs _section_cstart, $3  }
0xc1: {  	[dreg:$0x1] =	wrdreg $0xFFFFFFFF  }
0xc2: {  	_ =	task.clear_ibuf [dreg:s8], $0x2FFFF;
	_ =	strace $0x9FFFFFFF  }
0xc3: {  	(tm) =	ssettm $0x7FFFFFFF  }
tec
execute0_lowered:
.L_overlay_start_1:
0x0: {  	(tag) =	ssettag $0x1  }
0x1: {  	s3 =	rddreg [dreg:$0x0]  }
0x2: {  	s7 =	rddreg [dreg:$0x1]  }
0x3: {  	s0 =	rddreg [dreg:$0x2];
	s4 =	srdreg.scid;
	s2 =	simm.s32 $0x0  }
0x4: {  	s1 =	stileid.u32;
	s11 =	simm.s32 $0x1;
	s12 =	simm.s32 $0x8000  }
0x5: {  	s13 =	simm.s32 $0x18100;
	s14 =	simm.s32 $0x80000;
	s15 =	simm.s32 $0x2  }
0x6: {  	s16 =	simm.s32 $0x18900;
	s17 =	simm.s32 $0x3;
	s18 =	simm.s32 $0x0  }
0x7: {  	s6 =	sand.u32 $0x1, s4;
	s8 =	sshll.u32 s1, $0xF;
	[smem:$0x7FF] =	sst s2  }
0x8: {  	s10 =	sshll.u32 s1, $0x5;
	s4 =	ssub.s32 $0x2, s6;
	s5 =	sshll.u32 s6, $0x6  }
.Ltmp0:
0x9: {  	_ =	strace $0x80000047;
	s31 =	sshll.u32 s6, $0x4;
	(pc) =	sbr.rel .LBB2_1-.Ltmp0, $4  }
0xa: {  	s9 =	sshrl.u32 s4, $0x1;
	s5 =	sor.u32 s5, s8;
	s7 =	sadd.s32 s7, s31  }
0xb: {  	s30 =	ssub.s32 s4, s9;
	s3 =	sadd.s32 s3, s5;
	s7 =	sadd.s32 s10, s7  }
0xc: {  	v0 =	vimm.s32 $0x0;
	s9 =	simm.s32 $0x80;
	s10 =	simm.s32 $0x400;
	s4 =	sadd.s32 $0x10, s3  }
0xd: {  	v1 =	vimm.s32 $0x1;
	v2 =	vlaneseq.u32;
	v3 =	vimm.s32 $0x7FFFFFFF;
	s5 =	sadd.s32 $0x20, s3;
	s6 =	sadd.s32 $0x30, s3;
	s8 =	smax.u32 s30, $0x1  }
.LBB2_73:
0xe: {  	vm0 =	veq.s32 v2, $0x3;
	s18 =	sadd.s32 $0x1, s18  }
0xf: {  	v4 =	vsel vm0, s23, v4;
	p0 =	sne.s32 s18, s8  }
.Ltmp1:
0x10: {  	[tilespmem:$0x18900] =	vst v4;
	(pc) =	sbr.rel @!p0 .LBB2_74-.Ltmp1, $4  }
0x11: {  	[hbm4b:s7+s2] =	stream.linear.scatter [tilespmem:s16], [sflag:$0x3], $0x80, $0x38;
	[tilespmem:$0x18980] =	vst v63  }
0x12: {  	_ =	swait.ge [sflag:s17], $0x80  }
0x13: {  	[sflag:s17] =	ssyncset.done $0x0  }
0x14: {  	[sflag:s17] =	ssyncadd.s32 $0xFFFFFF80  }
.LBB2_1:
0x15: {  	[tilespmem:s2], [sflag:$0x1] =	stream.strided.gather [hbm4b:s3+s9], $0x8000, s10, s9, $0x38;
	[tilespmem:$0x18980] =	vst v63  }
0x16: {  	_ =	swait.ge [sflag:s11], $0x8000  }
0x17: {  	[sflag:s11] =	ssyncset.done $0x0  }
0x18: {  	s20 =	simm.s32 $0x18140;
	[sflag:s11] =	ssyncadd.s32 $0xFFFF8000  }
0x19: {  	[tilespmem:s12], [sflag:$0x2] =	stream.strided.gather [hbm4b:s4+s9], $0x8000, s10, s9, $0x38;
	[tilespmem:$0x18980] =	vst v63  }
0x1a: {  	[tilespmem:s20+$0xFFFFFFC0] =	vst v0  }
0x1b: {  	[tilespmem:s20+$0x30] =	vst v0  }
0x1c: {  	[tilespmem:s20+$0x20] =	vst v0  }
0x1d: {  	[tilespmem:s20+$0x10] =	vst v0  }
0x1e: {  	[tilespmem:s20+$0x0] =	vst v0  }
0x1f: {  	[tilespmem:s20+$0xFFFFFFF0] =	vst v0  }
0x20: {  	s21 =	simm.s32 $0x0;
	[tilespmem:s20+$0xFFFFFFE0] =	vst v0  }
.LBB2_2:
0x21: {  	s21 =	sadd.s32 $0x8, s21;
	[tilespmem:s20+$0xFFFFFFD0] =	vst v0;
	s20 =	sadd.s32 $0x80, s20  }
0x22: {  	[tilespmem:s20+$0xFFFFFFC0] =	vst v0;
	p0 =	slt.u32 s21, $0x78  }
0x23: {  	[tilespmem:s20+$0x30] =	vst v0  }
.Ltmp2:
0x24: {  	[tilespmem:s20+$0x20] =	vst v0;
	(pc) =	sbr.rel @p0 .LBB2_2-.Ltmp2, $4  }
0x25: {  	[tilespmem:s20+$0x10] =	vst v0  }
0x26: {  	[tilespmem:s20+$0x0] =	vst v0  }
0x27: {  	[tilespmem:s20+$0xFFFFFFF0] =	vst v0  }
0x28: {  	s19 =	simm.s32 $0x80;
	[tilespmem:s20+$0xFFFFFFE0] =	vst v0  }
0x29: {  	[tilespmem:s20+$0xFFFFFFD0] =	vst v0  }
0x2a: {  	v4 =	vld [tilespmem:s19+$0xFFFFFFA0]  }
0x2b: {  	v5 =	vld [tilespmem:s19+$0xFFFFFFB0]  }
0x2c: {  	v6 =	vld [tilespmem:s19+$0xFFFFFFC0]  }
0x2d: {  	v7 =	vld [tilespmem:s19+$0xFFFFFFD0]  }
0x2e: {  	v8 =	vld [tilespmem:s19+$0xFFFFFF80]  }
0x2f: {  	v9 =	vld [tilespmem:s19+$0x70]  }
0x30: {  	v10 =	vld [tilespmem:s19+$0x60]  }
0x31: {  	v11 =	vld [tilespmem:s19+$0x50]  }
0x32: {  	v12 =	vld [tilespmem:s19+$0x40]  }
0x33: {  	v13 =	vld [tilespmem:s19+$0x30]  }
0x34: {  	v14 =	vld [tilespmem:s19+$0x20];
	v8 =	vshrl.u32 v8, $0x14  }
0x35: {  	v15 =	vld [tilespmem:s19+$0x10];
	v9 =	vshrl.u32 v9, $0x14;
	v8 =	vand.u32 $0x7FF, v8  }
0x36: {  	v18 =	vld [tilespmem:s19+$0xFFFFFFE0];
	v10 =	vshrl.u32 v10, $0x14;
	v9 =	vand.u32 $0x7FF, v9  }
0x37: {  	v16 =	vld [tilespmem:s19+$0x0];
	v11 =	vshrl.u32 v11, $0x14;
	v10 =	vand.u32 $0x7FF, v10  }
0x38: {  	v17 =	vld [tilespmem:s19+$0xFFFFFFF0];
	v13 =	vshrl.u32 v13, $0x14;
	v11 =	vand.u32 $0x7FF, v11  }
0x39: {  	v60 =	vld [tilespmem:s19+$0xFFFFFF90];
	v12 =	vshrl.u32 v12, $0x14;
	v56 =	vand.u32 $0x7FF, v13  }
0x3a: {  	v57 =	vshrl.u32 v15, $0x14;
	v12 =	vand.u32 $0x7FF, v12;
	[tilespmem:v8+s13+$0x0] =	vst.idx.add.s32.msk $0xffff, v1  }
0x3b: {  	v61 =	vshrl.u32 v18, $0x14;
	v13 =	vand.u32 $0x7FF, v57;
	[tilespmem:v9+s13+$0x0] =	vst.idx.add.s32.msk $0xffff, v1  }
0x3c: {  	v59 =	vshrl.u32 v14, $0x14;
	v7 =	vshrl.u32 v7, $0x14;
	v14 =	vand.u32 $0x7FF, v61;
	[tilespmem:v10+s13+$0x0] =	vst.idx.add.s32.msk $0xffff, v1  }
0x3d: {  	v5 =	vshrl.u32 v5, $0x14;
	v7 =	vand.u32 $0x7FF, v7;
	[tilespmem:v11+s13+$0x0] =	vst.idx.add.s32.msk $0xffff, v1  }
0x3e: {  	v4 =	vshrl.u32 v4, $0x14;
	v5 =	vand.u32 $0x7FF, v5;
	[tilespmem:v56+s13+$0x0] =	vst.idx.add.s32.msk $0xffff, v1  }
0x3f: {  	v58 =	vshrl.u32 v16, $0x14;
	v63 =	vand.u32 $0x7FF, v4;
	[tilespmem:v12+s13+$0x0] =	vst.idx.add.s32.msk $0xffff, v1  }
0x40: {  	v9 =	vand.u32 $0x7FF, v58;
	[tilespmem:v13+s13+$0x0] =	vst.idx.add.s32.msk $0xffff, v1  }
0x41: {  	v62 =	vshrl.u32 v17, $0x14;
	v10 =	vand.u32 $0x7FF, v59;
	[tilespmem:v14+s13+$0x0] =	vst.idx.add.s32.msk $0xffff, v1  }
0x42: {  	v4 =	vshrl.u32 v6, $0x14;
	v6 =	vshrl.u32 v60, $0x14;
	v8 =	vand.u32 $0x7FF, v62;
	[tilespmem:v7+s13+$0x0] =	vst.idx.add.s32.msk $0xffff, v1  }
0x43: {  	[tilespmem:v5+s13+$0x0] =	vst.idx.add.s32.msk $0xffff, v1;
	v5 =	vand.u32 $0x7FF, v6  }
0x44: {  	v4 =	vand.u32 $0x7FF, v4;
	[tilespmem:v63+s13+$0x0] =	vst.idx.add.s32.msk $0xffff, v1  }
0x45: {  	[tilespmem:v9+s13+$0x0] =	vst.idx.add.s32.msk $0xffff, v1  }
0x46: {  	[tilespmem:v10+s13+$0x0] =	vst.idx.add.s32.msk $0xffff, v1  }
0x47: {  	s20 =	simm.s32 $0x0;
	[tilespmem:v8+s13+$0x0] =	vst.idx.add.s32.msk $0xffff, v1  }
.LBB2_4:
0x48: {  	s20 =	sadd.s32 $0x10, s20;
	[tilespmem:v5+s13+$0x0] =	vst.idx.add.s32.msk $0xffff, v1;
	s19 =	sadd.s32 $0x100, s19  }
0x49: {  	p0 =	slt.u32 s20, $0x7F0;
	[tilespmem:v4+s13+$0x0] =	vst.idx.add.s32.msk $0xffff, v1  }
0x4a: {  	v5 =	vld [tilespmem:s19+$0xFFFFFFA0]  }
0x4b: {  	v4 =	vld [tilespmem:s19+$0xFFFFFFB0]  }
0x4c: {  	v6 =	vld [tilespmem:s19+$0xFFFFFFC0]  }
0x4d: {  	v7 =	vld [tilespmem:s19+$0xFFFFFFD0]  }
0x4e: {  	v8 =	vld [tilespmem:s19+$0xFFFFFF80]  }
0x4f: {  	v9 =	vld [tilespmem:s19+$0x70]  }
0x50: {  	v10 =	vld [tilespmem:s19+$0x60]  }
0x51: {  	v11 =	vld [tilespmem:s19+$0x50]  }
0x52: {  	v12 =	vld [tilespmem:s19+$0x40]  }
0x53: {  	v8 =	vshrl.u32 v8, $0x14;
	v13 =	vld [tilespmem:s19+$0x30]  }
0x54: {  	v8 =	vand.u32 $0x7FF, v8;
	v14 =	vld [tilespmem:s19+$0x20];
	v9 =	vshrl.u32 v9, $0x14  }
0x55: {  	v15 =	vld [tilespmem:s19+$0x10];
	v10 =	vshrl.u32 v10, $0x14;
	v9 =	vand.u32 $0x7FF, v9  }
0x56: {  	v16 =	vld [tilespmem:s19+$0x0];
	v11 =	vshrl.u32 v11, $0x14;
	v10 =	vand.u32 $0x7FF, v10  }
0x57: {  	v17 =	vld [tilespmem:s19+$0xFFFFFFF0];
	v12 =	vshrl.u32 v12, $0x14;
	v11 =	vand.u32 $0x7FF, v11  }
0x58: {  	v18 =	vld [tilespmem:s19+$0xFFFFFFE0];
	v13 =	vshrl.u32 v13, $0x14  }
0x59: {  	[tilespmem:v8+s13+$0x0] =	vst.idx.add.s32.msk $0xffff, v1;
	v8 =	vshrl.u32 v14, $0x14;
	v13 =	vand.u32 $0x7FF, v13  }
0x5a: {  	v12 =	vand.u32 $0x7FF, v12;
	v14 =	vshrl.u32 v15, $0x14;
	v8 =	vand.u32 $0x7FF, v8;
	[tilespmem:v9+s13+$0x0] =	vst.idx.add.s32.msk $0xffff, v1  }
0x5b: {  	v9 =	vshrl.u32 v16, $0x14;
	v14 =	vand.u32 $0x7FF, v14;
	[tilespmem:v10+s13+$0x0] =	vst.idx.add.s32.msk $0xffff, v1  }
0x5c: {  	v10 =	vshrl.u32 v17, $0x14;
	v9 =	vand.u32 $0x7FF, v9;
	[tilespmem:v11+s13+$0x0] =	vst.idx.add.s32.msk $0xffff, v1  }
0x5d: {  	v11 =	vld [tilespmem:s19+$0xFFFFFF90];
	v15 =	vshrl.u32 v18, $0x14;
	v10 =	vand.u32 $0x7FF, v10  }
0x5e: {  	v7 =	vshrl.u32 v7, $0x14;
	v15 =	vand.u32 $0x7FF, v15;
	[tilespmem:v13+s13+$0x0] =	vst.idx.add.s32.msk $0xffff, v1  }
0x5f: {  	v6 =	vshrl.u32 v6, $0x14;
	v7 =	vand.u32 $0x7FF, v7;
	[tilespmem:v12+s13+$0x0] =	vst.idx.add.s32.msk $0xffff, v1  }
0x60: {  	v12 =	vshrl.u32 v4, $0x14;
	v4 =	vand.u32 $0x7FF, v6;
	[tilespmem:v14+s13+$0x0] =	vst.idx.add.s32.msk $0xffff, v1  }
0x61: {  	v5 =	vshrl.u32 v5, $0x14;
	v6 =	vand.u32 $0x7FF, v12;
	[tilespmem:v9+s13+$0x0] =	vst.idx.add.s32.msk $0xffff, v1  }
0x62: {  	v9 =	vshrl.u32 v11, $0x14;
	v11 =	vand.u32 $0x7FF, v5;
	[tilespmem:v8+s13+$0x0] =	vst.idx.add.s32.msk $0xffff, v1  }
.Ltmp3:
0x63: {  	v5 =	vand.u32 $0x7FF, v9;
	[tilespmem:v15+s13+$0x0] =	vst.idx.add.s32.msk $0xffff, v1;
	(pc) =	sbr.rel @p0 .LBB2_4-.Ltmp3, $4  }
0x64: {  	[tilespmem:v7+s13+$0x0] =	vst.idx.add.s32.msk $0xffff, v1  }
0x65: {  	[tilespmem:v10+s13+$0x0] =	vst.idx.add.s32.msk $0xffff, v1  }
0x66: {  	[tilespmem:v6+s13+$0x0] =	vst.idx.add.s32.msk $0xffff, v1  }
0x67: {  	[tilespmem:v11+s13+$0x0] =	vst.idx.add.s32.msk $0xffff, v1  }
0x68: {  	_ =	sdelay $0x3  }
0x69: {  	[tilespmem:v5+s13+$0x0] =	vst.idx.add.s32.msk $0xffff, v1  }
0x6a: {  	[tilespmem:v4+s13+$0x0] =	vst.idx.add.s32.msk $0xffff, v1  }
0x6b: {  	v4 =	vld [tilespmem:$0x18100];
	_ =	sdelay $0x4  }
0x6c: {  	(xrf0) =	vadd.scan.msk.s32 $0xffff, v4;
	_ =	sdelay $0x5  }
0x6d: {  	v4, _, _ =	vpop (xrf0)  }
0x6e: {  	(v2sf) =	vpush v4, $0xF;
	_ =	sdelay $0xe  }
0x6f: {  	s22 =	spop (v2sf)  }
0x70: {  	p0 =	sgt.s32 s22, $0x4000  }
.Ltmp4:
0x71: {  	_ = 	snop;
	(pc) =	sbr.rel @p0 .LBB2_7-.Ltmp4, $3  }
0x72: {  	_ =	sdelay $0x1  }
0x73: {  	s20 =	simm.s32 $0x0  }
0x74: {  	s23 =	simm.s32 $0x18110;
	s21 =	simm.s32 $0x0;
	s19 =	simm.s32 $0x0  }
.LBB2_6:
0x75: {  	v4 =	vld [tilespmem:s23+$0x0];
	_ =	sdelay $0x4  }
0x76: {  	(xrf0) =	vadd.scan.msk.s32 $0xffff, v4;
	_ =	sdelay $0x5  }
0x77: {  	v4, _, _ =	vpop (xrf0)  }
0x78: {  	(v2sf) =	vpush v4, $0xF;
	_ =	sdelay $0xe  }
0x79: {  	s19 =	smov.u32 s22;
	s31 =	spop (v2sf)  }
0x7a: {  	s22 =	sadd.s32 s19, s31  }
0x7b: {  	p0 =	slt.s32 s22, $0x4001  }
.Ltmp5:
0x7c: {  	_ = 	snop;
	(pc) =	sbr.rel @p0 .LBB2_6-.Ltmp5, $2  }
0x7d: {  	_ =	sdelay $0x2  }
0x7e: {  	s21 =	sadd.s32 $0x10, s21;
	s23 =	sadd.s32 $0x10, s23  }
.LBB2_7:
0x7f: {  	v4 =	vld [tilespmem:s21+$0x18100];
	_ =	sdelay $0x4  }
0x80: {  	(xrf0) =	vadd.scan.msk.s32 $0xffff, v4;
	_ =	sdelay $0x4  }
0x81: {  	s22 =	simm.s32 $0x80  }
0x82: {  	v6 =	vld [tilespmem:s22+$0x70];
	v5, _, _ =	vpop (xrf0)  }
0x83: {  	v7 =	vld [tilespmem:s22+$0x60];
	v4 =	vsub.s32 v5, v4  }
0x84: {  	v9 =	vld [tilespmem:s22+$0x50];
	v5 =	vadd.s32 s19, v5;
	v8 =	vadd.s32 s19, v4  }
0x85: {  	v10 =	vld [tilespmem:s22+$0x40];
	vm0 =	vgt.s32 v5, $0x4000;
	vm1 =	vlt.s32 v8, $0x4001  }
0x86: {  	v11 =	vld [tilespmem:s22+$0x30];
	v8 =	vimm.s32 $0x0;
	vm0 =	vmand vm0, vm1  }
0x87: {  	v12 =	vld [tilespmem:s22+$0x20];
	v8 =	vsel vm0, $0xFFFFFFFF, v8  }
0x88: {  	v13 =	vld [tilespmem:s22+$0x10];
	[tilespmem:$0x1FFF0] =	vst v8  }
0x89: {  	v14 =	vld [tilespmem:s22+$0x0]  }
0x8a: {  	v15 =	vld [tilespmem:s22+$0xFFFFFFF0]  }
0x8b: {  	v16 =	vld [tilespmem:s22+$0xFFFFFFE0]  }
0x8c: {  	v17 =	vld [tilespmem:s22+$0xFFFFFFD0]  }
0x8d: {  	v18 =	vld [tilespmem:s22+$0xFFFFFFC0]  }
0x8e: {  	v19 =	vld [tilespmem:s22+$0xFFFFFFB0]  }
0x8f: {  	v20 =	vld [tilespmem:s22+$0xFFFFFFA0]  }
0x90: {  	v5 =	vor.u32 s21, v2;
	v21 =	vld [tilespmem:s22+$0xFFFFFF90]  }
0x91: {  	v7 =	vand.u32 $0x7FFFFFFF, v7;
	v6 =	vand.u32 $0x7FFFFFFF, v6;
	v5 =	vnsel vm0, $0x0, v5;
	v22 =	vld [tilespmem:s22+$0xFFFFFF80]  }
0x92: {  	v10 =	vand.u32 $0x7FFFFFFF, v10;
	v9 =	vand.u32 $0x7FFFFFFF, v9;
	v35 =	vand.u32 $0x7FFFFFFF, v13;
	(xrf0) =	vadd.scan.msk.s32 $0xffff, v5  }
0x93: {  	v12 =	vand.u32 $0x7FFFFFFF, v12;
	v11 =	vand.u32 $0x7FFFFFFF, v11;
	v24 =	vshrl.u32 v35, $0x14  }
0x94: {  	v40 =	vand.u32 $0x7FFFFFFF, v16;
	v38 =	vand.u32 $0x7FFFFFFF, v15;
	v36 =	vand.u32 $0x7FFFFFFF, v14  }
0x95: {  	v28 =	vand.u32 $0x7FFFFFFF, v19;
	v32 =	vand.u32 $0x7FFFFFFF, v18;
	v37 =	vand.u32 $0x7FFFFFFF, v17  }
0x96: {  	v13 =	vand.u32 $0x7FFFFFFF, v22;
	v18 =	vand.u32 $0x7FFFFFFF, v21;
	v22 =	vand.u32 $0x7FFFFFFF, v20  }
0x97: {  	v14 =	vshrl.u32 v9, $0x14;
	v15 =	vshrl.u32 v7, $0x14;
	v16 =	vshrl.u32 v6, $0x14  }
0x98: {  	v5, _, _ =	vpop (xrf0);
	v17 =	vshrl.u32 v12, $0x14;
	v19 =	vshrl.u32 v11, $0x14;
	v20 =	vshrl.u32 v10, $0x14  }
0x99: {  	v8 =	vbroadcast v5, $0xF;
	v21 =	vshrl.u32 v38, $0x14;
	v23 =	vshrl.u32 v36, $0x14  }
0x9a: {  	v25 =	vshrl.u32 v13, $0x14;
	v26 =	vshrl.u32 v37, $0x14;
	v27 =	vshrl.u32 v40, $0x14  }
0x9b: {  	v29 =	vshrl.u32 v32, $0x14;
	vm15 =	veq.s32 v25, v8;
	v25 =	vshrl.u32 v18, $0x14  }
0x9c: {  	v30 =	vmpcnt.ones.xlane vm15;
	vm14 =	veq.s32 v25, v8;
	v25 =	vshrl.u32 v22, $0x14  }
0x9d: {  	v31 =	vmpcnt.ones.xlane vm14;
	vm13 =	veq.s32 v25, v8;
	v25 =	vshrl.u32 v28, $0x14  }
0x9e: {  	v34 =	vmpcnt.ones.xlane vm13;
	vm12 =	veq.s32 v25, v8;
	(v2sf) =	vpush v30, $0x0  }
0x9f: {  	s30 =	simm.s32 $0x180;
	vm11 =	veq.s32 v29, v8;
	v30 =	vmpcnt.ones.xlane vm12;
	(v2sf) =	vpush v31, $0x0  }
0xa0: {  	v33 =	vld [tilespmem:s30+$0x70];
	vm10 =	veq.s32 v26, v8;
	v31 =	vmpcnt.ones.xlane vm11;
	(v2sf) =	vpush v34, $0x0  }
0xa1: {  	v39 =	vld [tilespmem:s30+$0x0];
	vm9 =	veq.s32 v27, v8;
	v59 =	vmpcnt.ones.xlane vm10;
	(v2sf) =	vpush v30, $0x0  }
0xa2: {  	v42 =	vld [tilespmem:s30+$0xFFFFFFC0];
	vm8 =	veq.s32 v21, v8;
	v27 =	vmpcnt.ones.xlane vm9;
	(v2sf) =	vpush v31, $0x0  }
0xa3: {  	v43 =	vld [tilespmem:s30+$0xFFFFFFB0];
	vm1 =	veq.s32 v23, v8;
	v21 =	vmpcnt.ones.xlane vm8;
	(v2sf) =	vpush v59, $0x0  }
0xa4: {  	v45 =	vld [tilespmem:s30+$0xFFFFFF90];
	vm0 =	veq.s32 v24, v8;
	v60 =	vmpcnt.ones.xlane vm1;
	(v2sf) =	vpush v27, $0x0  }
0xa5: {  	v46 =	vld [tilespmem:s30+$0xFFFFFF80];
	vm7 =	veq.s32 v17, v8;
	v24 =	vmpcnt.ones.xlane vm0;
	(v2sf) =	vpush v21, $0x0  }
0xa6: {  	v23 =	vld [tilespmem:s30+$0x10];
	vm6 =	veq.s32 v19, v8;
	v17 =	vmpcnt.ones.xlane vm7;
	(v2sf) =	vpush v60, $0x0  }
0xa7: {  	v19 =	vld [tilespmem:s30+$0xFFFFFFE0];
	vm5 =	veq.s32 v20, v8;
	v21 =	vmpcnt.ones.xlane vm6;
	(v2sf) =	vpush v24, $0x0  }
0xa8: {  	v29 =	vld [tilespmem:s30+$0x50];
	vm4 =	veq.s32 v14, v8;
	v20 =	vmpcnt.ones.xlane vm5;
	(v2sf) =	vpush v17, $0x0  }
0xa9: {  	vm3 =	veq.s32 v15, v8;
	v14 =	vmpcnt.ones.xlane vm4;
	v31 =	vld [tilespmem:s30+$0x20];
	(v2sf) =	vpush v21, $0x0  }
0xaa: {  	v26 =	vld [tilespmem:s30+$0x40];
	vm2 =	veq.s32 v16, v8;
	v15 =	vmpcnt.ones.xlane vm3;
	(v2sf) =	vpush v20, $0x0  }
0xab: {  	v25 =	vld [tilespmem:s30+$0x60];
	(v2sf) =	vpush v14, $0x0;
	v14 =	vmpcnt.ones.xlane vm2  }
0xac: {  	[tilespmem:s20+$0x10000] =	vst.msk vm15, v13;
	v13 =	vand.u32 $0x7FFFFFFF, v23;
	v16 =	vand.u32 $0x7FFFFFFF, v19;
	v30 =	vld [tilespmem:s30+$0x30];
	(v2sf) =	vpush v15, $0x0  }
0xad: {  	v41 =	vld [tilespmem:s30+$0xFFFFFFF0];
	v19 =	vand.u32 $0x7FFFFFFF, v42;
	v23 =	vand.u32 $0x7FFFFFFF, v45;
	(v2sf) =	vpush v14, $0x0;
	s31 =	spop (v2sf)  }
0xae: {  	v61 =	vld [tilespmem:s30+$0xFFFFFFD0];
	v63 =	vshrl.u32 v23, $0x14;
	v24 =	vand.u32 $0x7FFFFFFF, v29;
	v27 =	vand.u32 $0x7FFFFFFF, v31;
	s22 =	sadd.s32 $0x0, s31;
	s23 =	spop (v2sf)  }
0xaf: {  	v44 =	vld [tilespmem:s30+$0xFFFFFFA0];
	v29 =	vand.u32 $0x7FFFFFFF, v46;
	v17 =	vand.u32 $0x7FFFFFFF, v33;
	v31 =	vshrl.u32 v24, $0x14;
	[tilespmem:s22+$0x10000] =	vst.msk vm14, v18;
	s20 =	sadd.s32 s22, s23;
	s24 =	spop (v2sf)  }
0xb0: {  	v34 =	vshrl.u32 v27, $0x14;
	v62 =	vshrl.u32 v29, $0x14;
	v21 =	vand.u32 $0x7FFFFFFF, v25;
	[tilespmem:s20+$0x10000] =	vst.msk vm13, v22;
	s20 =	sadd.s32 s20, s24;
	s25 =	spop (v2sf)  }
0xb1: {  	v25 =	vand.u32 $0x7FFFFFFF, v26;
	v26 =	vand.u32 $0x7FFFFFFF, v30;
	v20 =	vand.u32 $0x7FFFFFFF, v43;
	[tilespmem:s20+$0x10000] =	vst.msk vm12, v28;
	s20 =	sadd.s32 s20, s25;
	s26 =	spop (v2sf)  }
0xb2: {  	v30 =	vshrl.u32 v21, $0x14;
	v33 =	vshrl.u32 v26, $0x14;
	v15 =	vand.u32 $0x7FFFFFFF, v41;
	[tilespmem:s20+$0x10000] =	vst.msk vm11, v32;
	s20 =	sadd.s32 s20, s26;
	s28 =	spop (v2sf)  }
0xb3: {  	v14 =	vand.u32 $0x7FFFFFFF, v39;
	v41 =	vshrl.u32 v15, $0x14;
	v18 =	vand.u32 $0x7FFFFFFF, v61;
	[tilespmem:s20+$0x10000] =	vst.msk vm10, v37;
	s20 =	sadd.s32 s20, s28;
	s29 =	spop (v2sf)  }
0xb4: {  	v39 =	vshrl.u32 v14, $0x14;
	v22 =	vand.u32 $0x7FFFFFFF, v44;
	v42 =	vshrl.u32 v18, $0x14;
	[tilespmem:s20+$0x10000] =	vst.msk vm9, v40;
	s20 =	sadd.s32 s20, s29;
	s30 =	spop (v2sf)  }
0xb5: {  	v28 =	vshrl.u32 v17, $0x14;
	v43 =	vshrl.u32 v22, $0x14;
	v32 =	vshrl.u32 v25, $0x14;
	[tilespmem:s20+$0x10000] =	vst.msk vm8, v38;
	s21 =	sadd.s32 s20, s30;
	s31 =	spop (v2sf)  }
0xb6: {  	v37 =	vshrl.u32 v13, $0x14;
	v40 =	vshrl.u32 v16, $0x14;
	vm9 =	veq.s32 v62, v8;
	s20 =	simm.s32 $0x10;
	[tilespmem:s21+$0x10000] =	vst.msk vm1, v36;
	s22 =	sadd.s32 s21, s31;
	s23 =	spop (v2sf)  }
0xb7: {  	v38 =	vshrl.u32 v19, $0x14;
	vm8 =	veq.s32 v63, v8;
	v36 =	vmpcnt.ones.xlane vm9;
	s21 =	simm.s32 $0x280;
	[tilespmem:s22+$0x10000] =	vst.msk vm0, v35;
	s22 =	sadd.s32 s22, s23;
	s23 =	spop (v2sf)  }
.LBB2_8:
0xb8: {  	v35 =	vld [tilespmem:s21+$0x70];
	v44 =	vmpcnt.ones.xlane vm8;
	vm10 =	veq.s32 v43, v8;
	v43 =	vshrl.u32 v20, $0x14;
	[tilespmem:s22+$0x10000] =	vst.msk vm7, v12;
	s22 =	sadd.s32 s22, s23;
	s23 =	spop (v2sf);
	v12 =	vmovc v27  }
0xb9: {  	v27 =	vld [tilespmem:s21+$0x60];
	v45 =	vmpcnt.ones.xlane vm10;
	vm11 =	veq.s32 v43, v8;
	(v2sf) =	vpush v36, $0x0;
	[tilespmem:s22+$0x10000] =	vst.msk vm6, v11;
	s22 =	sadd.s32 s22, s23;
	s23 =	spop (v2sf);
	v11 =	vmovc v26  }
0xba: {  	vm12 =	veq.s32 v38, v8;
	v26 =	vld [tilespmem:s21+$0x50];
	v36 =	vmpcnt.ones.xlane vm11;
	(v2sf) =	vpush v44, $0x0;
	[tilespmem:s22+$0x10000] =	vst.msk vm5, v10;
	s22 =	sadd.s32 s22, s23;
	s23 =	spop (v2sf);
	v10 =	vmovc v25  }
0xbb: {  	vm14 =	veq.s32 v42, v8;
	v38 =	vmpcnt.ones.xlane vm12;
	v25 =	vld [tilespmem:s21+$0x40];
	(v2sf) =	vpush v45, $0x0;
	[tilespmem:s22+$0x10000] =	vst.msk vm4, v9;
	s22 =	sadd.s32 s22, s23;
	s23 =	spop (v2sf);
	v9 =	vmovc v24  }
0xbc: {  	vm15 =	veq.s32 v40, v8;
	v24 =	vmpcnt.ones.xlane vm14;
	v42 =	vld [tilespmem:s21+$0x30];
	(v2sf) =	vpush v36, $0x0;
	[tilespmem:s22+$0x10000] =	vst.msk vm3, v7;
	s22 =	sadd.s32 s22, s23;
	s23 =	spop (v2sf);
	v7 =	vmovc v21  }
0xbd: {  	vm0 =	veq.s32 v41, v8;
	v21 =	vmpcnt.ones.xlane vm15;
	v36 =	vld [tilespmem:s21+$0x20];
	(v2sf) =	vpush v38, $0x0;
	[tilespmem:s22+$0x10000] =	vst.msk vm2, v6;
	s22 =	sadd.s32 s22, s23;
	v6 =	vmovc v17  }
0xbe: {  	vm1 =	veq.s32 v39, v8;
	v17 =	vmpcnt.ones.xlane vm0;
	v38 =	vld [tilespmem:s21+$0x10];
	[tilespmem:s22+$0x10000] =	vst.msk vm9, v29;
	(v2sf) =	vpush v24, $0x0  }
0xbf: {  	vm13 =	veq.s32 v37, v8;
	v24 =	vmpcnt.ones.xlane vm1;
	v29 =	vld [tilespmem:s21+$0x0];
	(v2sf) =	vpush v21, $0x0  }
0xc0: {  	vm7 =	veq.s32 v34, v8;
	v21 =	vmpcnt.ones.xlane vm13;
	v37 =	vld [tilespmem:s21+$0xFFFFFFF0];
	(v2sf) =	vpush v17, $0x0  }
0xc1: {  	vm6 =	veq.s32 v33, v8;
	v17 =	vmpcnt.ones.xlane vm7;
	v34 =	vld [tilespmem:s21+$0xFFFFFFE0];
	(v2sf) =	vpush v24, $0x0  }
0xc2: {  	vm5 =	veq.s32 v32, v8;
	v24 =	vmpcnt.ones.xlane vm6;
	v33 =	vld [tilespmem:s21+$0xFFFFFFD0];
	(v2sf) =	vpush v21, $0x0  }
0xc3: {  	vm4 =	veq.s32 v31, v8;
	v21 =	vmpcnt.ones.xlane vm5;
	v32 =	vld [tilespmem:s21+$0xFFFFFFC0];
	(v2sf) =	vpush v17, $0x0  }
0xc4: {  	vm3 =	veq.s32 v30, v8;
	v17 =	vmpcnt.ones.xlane vm4;
	v31 =	vld [tilespmem:s21+$0xFFFFFFB0];
	(v2sf) =	vpush v24, $0x0  }
0xc5: {  	vm2 =	veq.s32 v28, v8;
	v24 =	vmpcnt.ones.xlane vm3;
	v30 =	vld [tilespmem:s21+$0xFFFFFFA0];
	(v2sf) =	vpush v21, $0x0  }
0xc6: {  	v39 =	vmpcnt.ones.xlane vm2;
	v28 =	vld [tilespmem:s21+$0xFFFFFF90];
	(v2sf) =	vpush v17, $0x0  }
0xc7: {  	v21 =	vand.u32 $0x7FFFFFFF, v27;
	v17 =	vand.u32 $0x7FFFFFFF, v35;
	v40 =	vld [tilespmem:s21+$0xFFFFFF80];
	(v2sf) =	vpush v24, $0x0  }
0xc8: {  	v25 =	vand.u32 $0x7FFFFFFF, v25;
	v24 =	vand.u32 $0x7FFFFFFF, v26;
	s23 =	spop (v2sf);
	(v2sf) =	vpush v39, $0x0  }
0xc9: {  	v27 =	vand.u32 $0x7FFFFFFF, v36;
	v35 =	vand.u32 $0x7FFFFFFF, v38;
	v26 =	vand.u32 $0x7FFFFFFF, v42;
	s22 =	sadd.s32 s22, s23;
	s23 =	spop (v2sf)  }
0xca: {  	s20 =	sadd.s32 $0x10, s20;
	v43 =	vand.u32 $0x7FFFFFFF, v29;
	v36 =	vand.u32 $0x7FFFFFFF, v34;
	v38 =	vand.u32 $0x7FFFFFFF, v37;
	[tilespmem:s22+$0x10000] =	vst.msk vm8, v23;
	s22 =	sadd.s32 s22, s23;
	s23 =	spop (v2sf)  }
0xcb: {  	p0 =	slt.u32 s20, $0x7F0;
	v37 =	vand.u32 $0x7FFFFFFF, v33;
	v32 =	vand.u32 $0x7FFFFFFF, v32;
	v31 =	vand.u32 $0x7FFFFFFF, v31;
	[tilespmem:s22+$0x10000] =	vst.msk vm10, v22;
	s22 =	sadd.s32 s22, s23;
	s23 =	spop (v2sf)  }
0xcc: {  	v23 =	vand.u32 $0x7FFFFFFF, v28;
	v22 =	vand.u32 $0x7FFFFFFF, v30;
	v29 =	vand.u32 $0x7FFFFFFF, v40;
	[tilespmem:s22+$0x10000] =	vst.msk vm11, v20;
	s22 =	sadd.s32 s22, s23;
	s23 =	spop (v2sf);
	v20 =	vmovc v31  }
0xcd: {  	v30 =	vshrl.u32 v21, $0x14;
	v28 =	vshrl.u32 v17, $0x14;
	v31 =	vshrl.u32 v24, $0x14;
	[tilespmem:s22+$0x10000] =	vst.msk vm12, v19;
	s22 =	sadd.s32 s22, s23;
	s23 =	spop (v2sf);
	v19 =	vmovc v32  }
.Ltmp6:
0xce: {  	v34 =	vshrl.u32 v27, $0x14;
	v33 =	vshrl.u32 v26, $0x14;
	v32 =	vshrl.u32 v25, $0x14;
	[tilespmem:s22+$0x10000] =	vst.msk vm14, v18;
	s22 =	sadd.s32 s22, s23;
	s23 =	spop (v2sf);
	v18 =	vmovc v37;
	(pc) =	sbr.rel @p0 .LBB2_8-.Ltmp6, $4  }
0xcf: {  	v41 =	vshrl.u32 v38, $0x14;
	v39 =	vshrl.u32 v43, $0x14;
	v37 =	vshrl.u32 v35, $0x14;
	[tilespmem:s22+$0x10000] =	vst.msk vm15, v16;
	s22 =	sadd.s32 s22, s23;
	s23 =	spop (v2sf);
	v16 =	vmovc v36  }
0xd0: {  	v36 =	vshrl.u32 v29, $0x14;
	v42 =	vshrl.u32 v18, $0x14;
	v40 =	vshrl.u32 v16, $0x14;
	[tilespmem:s22+$0x10000] =	vst.msk vm0, v15;
	s22 =	sadd.s32 s22, s23;
	s23 =	spop (v2sf);
	v15 =	vmovc v38  }
0xd1: {  	v44 =	vshrl.u32 v23, $0x14;
	vm9 =	veq.s32 v36, v8;
	v38 =	vshrl.u32 v19, $0x14;
	[tilespmem:s22+$0x10000] =	vst.msk vm1, v14;
	s22 =	sadd.s32 s22, s23;
	s23 =	spop (v2sf);
	v14 =	vmovc v43  }
0xd2: {  	s21 =	sadd.s32 $0x100, s21;
	vm8 =	veq.s32 v44, v8;
	v36 =	vmpcnt.ones.xlane vm9;
	v43 =	vshrl.u32 v22, $0x14;
	[tilespmem:s22+$0x10000] =	vst.msk vm13, v13;
	s22 =	sadd.s32 s22, s23;
	s23 =	spop (v2sf);
	v13 =	vmovc v35  }
0xd3: {  	_ = 	snop  }
0xd4: {  	(v2sf) =	vpush v36, $0x0;
	_ =	sdelay $0x1  }
0xd5: {  	v35 =	vmpcnt.ones.xlane vm8;
	vm0 =	veq.s32 v43, v8  }
0xd6: {  	v63 =	vimm.s32 $0x0;
	v45 =	vshrl.u32 v20, $0x14;
	vm10 =	veq.s32 v38, v8  }
0xd7: {  	vm11 =	veq.s32 v42, v8;
	v54 =	vimm.s32 $0x0;
	v56 =	vimm.s32 $0x0  }
0xd8: {  	v43 =	vsel vm0, $0xFFFFFFFF, v63;
	v46 =	vmpcnt.ones.xlane vm0;
	vm1 =	veq.s32 v45, v8  }
0xd9: {  	vm0 =	veq.s32 v34, v8;
	(v2sf) =	vpush v35, $0x0;
	v47 =	vmpcnt.ones.xlane vm1  }
0xda: {  	[tilespmem:$0x1FFC0] =	vst v43;
	v34 =	vsel vm0, $0xFFFFFFFF, v54;
	v55 =	vmpcnt.ones.xlane vm0;
	vm0 =	veq.s32 v33, v8  }
0xdb: {  	v48 =	vmpcnt.ones.xlane vm10;
	(v2sf) =	vpush v46, $0x0;
	[tilespmem:$0x1FFD0] =	vst v34;
	v33 =	vsel vm0, $0xFFFFFFFF, v56  }
0xdc: {  	vm12 =	veq.s32 v40, v8;
	v49 =	vmpcnt.ones.xlane vm11;
	(v2sf) =	vpush v47, $0x0;
	[tilespmem:$0x1FFE0] =	vst v33  }
0xdd: {  	vm13 =	veq.s32 v41, v8;
	s20 =	sadd.s32 s22, s23;
	s21 =	spop (v2sf);
	v50 =	vmpcnt.ones.xlane vm12;
	(v2sf) =	vpush v48, $0x0;
	[tilespmem:s22+$0x10000] =	vst.msk vm7, v12  }
0xde: {  	vm14 =	veq.s32 v39, v8;
	v51 =	vmpcnt.ones.xlane vm13;
	s23 =	spop (v2sf);
	[tilespmem:s20+$0x10000] =	vst.msk vm6, v11;
	s20 =	sadd.s32 s20, s21;
	(v2sf) =	vpush v49, $0x0  }
0xdf: {  	v52 =	vmpcnt.ones.xlane vm14;
	s24 =	spop (v2sf);
	[tilespmem:s20+$0x10000] =	vst.msk vm5, v10;
	s20 =	sadd.s32 s20, s23;
	(v2sf) =	vpush v50, $0x0  }
0xe0: {  	s25 =	spop (v2sf);
	[tilespmem:s20+$0x10000] =	vst.msk vm4, v9;
	s20 =	sadd.s32 s20, s24;
	(v2sf) =	vpush v51, $0x0  }
0xe1: {  	s26 =	spop (v2sf);
	[tilespmem:s20+$0x10000] =	vst.msk vm3, v7;
	s20 =	sadd.s32 s20, s25;
	(v2sf) =	vpush v52, $0x0  }
0xe2: {  	[tilespmem:s20+$0x10000] =	vst.msk vm2, v6;
	s20 =	sadd.s32 s20, s26;
	s28 =	spop (v2sf)  }
0xe3: {  	[tilespmem:s20+$0x10000] =	vst.msk vm9, v29;
	s20 =	sadd.s32 s20, s28  }
0xe4: {  	[tilespmem:s20+$0x10000] =	vst.msk vm8, v23  }
0xe5: {  	vm15 =	veq.s32 v37, v8;
	v6 =	vld [tilespmem:$0x1FFC0]  }
0xe6: {  	v53 =	vmpcnt.ones.xlane vm15;
	_ =	sdelay $0x1  }
0xe7: {  	(v2sf) =	vpush v53, $0x0  }
0xe8: {  	s29 =	spop (v2sf)  }
0xe9: {  	s20 =	sadd.s32 s20, s29;
	s30 =	spop (v2sf);
	vm9 =	vnez.u8 v6  }
0xea: {  	s31 =	spop (v2sf);
	[tilespmem:s20+$0x10000] =	vst.msk vm9, v22;
	s20 =	sadd.s32 s20, s30  }
0xeb: {  	s22 =	spop (v2sf);
	[tilespmem:s20+$0x10000] =	vst.msk vm1, v20;
	s20 =	sadd.s32 s20, s31  }
0xec: {  	s23 =	spop (v2sf);
	[tilespmem:s20+$0x10000] =	vst.msk vm10, v19;
	s20 =	sadd.s32 s20, s22  }
0xed: {  	v57 =	vmpcnt.ones.xlane vm0;
	vm0 =	veq.s32 v32, v8;
	s24 =	spop (v2sf);
	[tilespmem:s20+$0x10000] =	vst.msk vm11, v18;
	s20 =	sadd.s32 s20, s23  }
0xee: {  	v58 =	vmpcnt.ones.xlane vm0;
	vm7 =	veq.s32 v31, v8;
	(v2sf) =	vpush v55, $0x0;
	s25 =	spop (v2sf);
	[tilespmem:s20+$0x10000] =	vst.msk vm12, v16;
	s20 =	sadd.s32 s20, s24  }
0xef: {  	vm6 =	veq.s32 v30, v8;
	v59 =	vmpcnt.ones.xlane vm7;
	(v2sf) =	vpush v57, $0x0;
	s26 =	spop (v2sf);
	[tilespmem:s20+$0x10000] =	vst.msk vm13, v15;
	s20 =	sadd.s32 s20, s25  }
0xf0: {  	v60 =	vmpcnt.ones.xlane vm6;
	vm5 =	veq.s32 v28, v8;
	(v2sf) =	vpush v58, $0x0;
	[tilespmem:s20+$0x10000] =	vst.msk vm14, v14;
	s20 =	sadd.s32 s20, s26  }
0xf1: {  	v8 =	vmpcnt.ones.xlane vm5;
	(v2sf) =	vpush v59, $0x0;
	[tilespmem:s20+$0x10000] =	vst.msk vm15, v13  }
0xf2: {  	(v2sf) =	vpush v60, $0x0;
	v61 =	vld [tilespmem:$0x1FFD0]  }
0xf3: {  	(v2sf) =	vpush v8, $0x0;
	_ =	sdelay $0x2  }
0xf4: {  	s28 =	spop (v2sf)  }
0xf5: {  	s20 =	sadd.s32 s20, s28;
	vm13 =	vnez.u8 v61  }
0xf6: {  	[tilespmem:s20+$0x10000] =	vst.msk vm13, v27  }
0xf7: {  	v62 =	vld [tilespmem:$0x1FFE0];
	_ =	sdelay $0x3  }
0xf8: {  	s29 =	spop (v2sf)  }
0xf9: {  	s30 =	spop (v2sf);
	s20 =	sadd.s32 s20, s29;
	vm14 =	vnez.u8 v62  }
0xfa: {  	s31 =	spop (v2sf);
	[tilespmem:s20+$0x10000] =	vst.msk vm14, v26;
	s20 =	sadd.s32 s20, s30  }
0xfb: {  	s22 =	spop (v2sf);
	[tilespmem:s20+$0x10000] =	vst.msk vm0, v25;
	s20 =	sadd.s32 s20, s31  }
0xfc: {  	s23 =	spop (v2sf);
	[tilespmem:s20+$0x10000] =	vst.msk vm7, v24;
	s20 =	sadd.s32 s20, s22  }
0xfd: {  	s24 =	spop (v2sf);
	[tilespmem:s20+$0x10000] =	vst.msk vm6, v21;
	s20 =	sadd.s32 s20, s23  }
0xfe: {  	[tilespmem:s20+$0x10000] =	vst.msk vm5, v17;
	s25 =	sadd.s32 s20, s24  }
0xff: {  	[tilespmem:s25+$0x10000] =	vst v3  }
0x100: {  	[tilespmem:s25+$0x10010] =	vst v3  }
0x101: {  	[tilespmem:s25+$0x10020] =	vst v3;
	v63 =	vld [tilespmem:$0x1FFF0]  }
0x102: {  	[tilespmem:s25+$0x10030] =	vst v3  }
0x103: {  	[tilespmem:s25+$0x10040] =	vst v3  }
0x104: {  	[tilespmem:s25+$0x10050] =	vst v3  }
0x105: {  	s19 =	ssub.s32 $0x4000, s19;
	[tilespmem:s25+$0x10060] =	vst v3  }
0x106: {  	v4 =	vsub.s32 s19, v4;
	[tilespmem:s25+$0x10070] =	vst v3;
	vm15 =	vnez.u8 v63  }
0x107: {  	[tilespmem:s25+$0x10080] =	vst v3;
	v4 =	vnsel vm15, $0x0, v4  }
0x108: {  	[tilespmem:s25+$0x10090] =	vst v3;
	(xrf0) =	vadd.scan.msk.s32 $0xffff, v4  }
0x109: {  	[tilespmem:s25+$0x100A0] =	vst v3  }
0x10a: {  	[tilespmem:s25+$0x100B0] =	vst v3  }
0x10b: {  	[tilespmem:s25+$0x100C0] =	vst v3  }
0x10c: {  	[tilespmem:s25+$0x100D0] =	vst v3  }
0x10d: {  	[tilespmem:s25+$0x100E0] =	vst v3  }
0x10e: {  	(v2sf) =	vpush v5, $0xF;
	[tilespmem:s25+$0x100F0] =	vst v3;
	v4, _, _ =	vpop (xrf0)  }
0x10f: {  	[tilespmem:s25+$0x10100] =	vst v3;
	(v2sf) =	vpush v4, $0xF  }
0x110: {  	[tilespmem:s25+$0x10110] =	vst v3  }
0x111: {  	[tilespmem:s25+$0x10120] =	vst v3  }
0x112: {  	[tilespmem:s25+$0x10130] =	vst v3  }
0x113: {  	[tilespmem:s25+$0x10140] =	vst v3  }
0x114: {  	[tilespmem:s25+$0x10150] =	vst v3  }
0x115: {  	[tilespmem:s25+$0x10160] =	vst v3  }
0x116: {  	[tilespmem:s25+$0x10170] =	vst v3  }
0x117: {  	[tilespmem:s25+$0x10180] =	vst v3;
	s26 =	sadd.s32 $0xFF, s25  }
0x118: {  	[tilespmem:s25+$0x10190] =	vst v3;
	s28 =	sand.u32 $0xFF, s26  }
0x119: {  	[tilespmem:s25+$0x101A0] =	vst v3;
	s29 =	sshra.s32 s26, $0x1F;
	p0 =	slt.s32 s26, $0x1;
	p1 =	sne.s32 s28, $0x0  }
.Ltmp7:
0x11a: {  	[tilespmem:s25+$0x101B0] =	vst v3;
	s30 =	sshrl.u32 s29, $0x18;
	p0 =	por !p0, !p1;
	(pc) =	sbr.rel .LBB2_10-.Ltmp7, $4  }
0x11b: {  	s20 =	simm.s32 $0x1;
	[tilespmem:s25+$0x101C0] =	vst v3;
	s19 =	sadd.s32 s30, s26;
	p0 =	por !p0, !p0  }
0x11c: {  	[tilespmem:s25+$0x101D0] =	vst v3;
	s19 =	sshra.s32 s19, $0x8;
	s20 =	simm.s32 @!p0 $0x0  }
0x11d: {  	s31 =	spop (v2sf);
	s22 =	simm.s32 $0x0;
	[tilespmem:s25+$0x101E0] =	vst v3;
	s20 =	ssub.s32 s19, s20  }
0x11e: {  	s23 =	sshll.u32 s31, $0x14;
	[tilespmem:s25+$0x101F0] =	vst v3;
	p0 =	slt.s32 s20, $0x1;
	s21 =	spop (v2sf)  }
.LBB2_11:
0x11f: {  	v4 =	vimm.s32 $0x0  }
.LBB2_18:
0x120: {  	(xrf0) =	vadd.scan.msk.s32 $0xffff, v4;
	_ =	sdelay $0x5  }
0x121: {  	v4, _, _ =	vpop (xrf0)  }
0x122: {  	(v2sf) =	vpush v4, $0xF;
	_ =	sdelay $0xe  }
0x123: {  	s24 =	spop (v2sf)  }
0x124: {  	s22 =	sadd.s32 $0x1, s22;
	p1 =	sgt.s32 s24, s21  }
0x125: {  	s19 =	smov.u32 @p1 s23;
	p1 =	sne.s32 s22, $0x14  }
.Ltmp8:
0x126: {  	_ = 	snop;
	(pc) =	sbr.rel @!p1 .LBB2_19-.Ltmp8, $2  }
0x127: {  	_ =	sdelay $0x2  }
0x128: {  	s23 =	smov.u32 s19  }
.LBB2_10:
.Ltmp9:
0x129: {  	(pc) =	sbr.rel @p0 .LBB2_11-.Ltmp9, $3  }
0x12a: {  	_ =	sdelay $0x1  }
0x12b: {  	s19 =	sshrl.u32 s14, s22  }
0x12c: {  	s19 =	sor.u32 s19, s23  }
0x12d: {  	p2 =	sne.s32 s20, $0x1  }
.Ltmp10:
0x12e: {  	_ = 	snop;
	(pc) =	sbr.rel @!p2 .LBB2_13-.Ltmp10, $3  }
0x12f: {  	_ =	sdelay $0x1  }
0x130: {  	s24 =	simm.s32 $0x10080  }
0x131: {  	v4 =	vmov s19;
	v5 =	vimm.s32 $0x0;
	s25 =	sadd.s32 $0xFFFFFFFF, s20;
	p1 =	por $0x0, $0x0;
	v22 =	vld [tilespmem:s24+$0x70]  }
0x132: {  	v6 =	vld [tilespmem:s24+$0xFFFFFF90]  }
0x133: {  	v7 =	vld [tilespmem:s24+$0xFFFFFFA0]  }
0x134: {  	v8 =	vld [tilespmem:s24+$0xFFFFFFB0]  }
0x135: {  	v9 =	vld [tilespmem:s24+$0xFFFFFFC0]  }
0x136: {  	v10 =	vld [tilespmem:s24+$0xFFFFFFD0];
	v19 =	vimm.s32 $0x0;
	v20 =	vimm.s32 $0x0;
	vm0 =	vlt.s32 v22, v4  }
0x137: {  	v11 =	vld [tilespmem:s24+$0xFFFFFFE0];
	v21 =	vimm.s32 $0x0;
	vm1 =	vlt.s32 v6, v4;
	v6 =	vsel vm0, $0x1, v0  }
0x138: {  	v13 =	vld [tilespmem:s24+$0xFFFFFFF0];
	vm0 =	vlt.s32 v7, v4;
	v12 =	vsel vm1, $0x1, v0;
	v6 =	vadd.s32 v6, v5  }
0x139: {  	v14 =	vld [tilespmem:s24+$0x0];
	v15 =	vsel vm0, $0x1, v0;
	vm0 =	vlt.s32 v8, v4;
	v7 =	vadd.s32 v12, v5  }
0x13a: {  	v16 =	vld [tilespmem:s24+$0x10];
	v8 =	vsel vm0, $0x1, v0;
	vm0 =	vlt.s32 v9, v4;
	v12 =	vadd.s32 v15, v5  }
0x13b: {  	v17 =	vld [tilespmem:s24+$0x20];
	v15 =	vsel vm0, $0x1, v0;
	vm0 =	vlt.s32 v10, v4;
	v9 =	vadd.s32 v8, v5  }
0x13c: {  	v18 =	vld [tilespmem:s24+$0x30];
	v8 =	vsel vm0, $0x1, v0;
	vm0 =	vlt.s32 v11, v4;
	v10 =	vadd.s32 v15, v5  }
0x13d: {  	p2 =	sne.s32 s25, $0x1;
	v15 =	vsel vm0, $0x1, v0;
	vm0 =	vlt.s32 v13, v4;
	v11 =	vadd.s32 v8, v5  }
.Ltmp11:
0x13e: {  	v23 =	vld [tilespmem:s24+$0x40];
	v13 =	vsel vm0, $0x1, v0;
	vm0 =	vlt.s32 v14, v4;
	v8 =	vadd.s32 v15, v5;
	(pc) =	sbr.rel @!p2 .LBB2_15-.Ltmp11, $4  }
0x13f: {  	v24 =	vld [tilespmem:s24+$0x50];
	v14 =	vsel vm0, $0x1, v0;
	vm0 =	vlt.s32 v16, v4;
	v15 =	vadd.s32 v13, v5  }
0x140: {  	v25 =	vld [tilespmem:s24+$0x60];
	v16 =	vsel vm0, $0x1, v0;
	vm0 =	vlt.s32 v17, v4;
	v13 =	vadd.s32 v14, v5  }
0x141: {  	v26 =	vld [tilespmem:s24+$0xFFFFFF80];
	s24 =	simm.s32 $0x10180;
	v17 =	vimm.s32 $0x0;
	v27 =	vsel vm0, $0x1, v0;
	vm0 =	vlt.s32 v18, v4  }
0x142: {  	s25 =	sadd.s32 $0xFFFFFFFF, s25;
	p1 =	por $0x1, $0x1;
	v22 =	vld [tilespmem:s24+$0x70];
	v14 =	vadd.s32 v16, v5;
	v18 =	vimm.s32 $0x0;
	v16 =	vimm.s32 $0x0  }
.LBB2_16:
0x143: {  	p2 =	sne.s32 s25, $0x1;
	v28 =	vld [tilespmem:s24+$0xFFFFFF90];
	v29 =	vsel vm0, $0x1, v0;
	vm0 =	vlt.s32 v23, v4;
	v18 =	vadd.s32 v27, v18  }
0x144: {  	v23 =	vld [tilespmem:s24+$0xFFFFFFA0];
	v27 =	vsel vm0, $0x1, v0;
	vm0 =	vlt.s32 v24, v4;
	v17 =	vadd.s32 v29, v17  }
0x145: {  	v24 =	vld [tilespmem:s24+$0xFFFFFFB0];
	v29 =	vsel vm0, $0x1, v0;
	vm0 =	vlt.s32 v25, v4;
	v16 =	vadd.s32 v27, v16  }
0x146: {  	v25 =	vld [tilespmem:s24+$0xFFFFFFC0];
	vm1 =	vlt.s32 v26, v4;
	v26 =	vsel vm0, $0x1, v0;
	v19 =	vadd.s32 v29, v19  }
0x147: {  	v27 =	vld [tilespmem:s24+$0xFFFFFFD0];
	vm0 =	vlt.s32 v22, v4;
	v22 =	vsel vm1, $0x1, v0;
	v20 =	vadd.s32 v26, v20  }
0x148: {  	v26 =	vld [tilespmem:s24+$0xFFFFFFE0];
	vm1 =	vlt.s32 v28, v4;
	v28 =	vsel vm0, $0x1, v0;
	v21 =	vadd.s32 v22, v21  }
0x149: {  	v22 =	vld [tilespmem:s24+$0xFFFFFFF0];
	v29 =	vsel vm1, $0x1, v0;
	vm0 =	vlt.s32 v23, v4;
	v6 =	vadd.s32 v28, v6  }
0x14a: {  	v28 =	vld [tilespmem:s24+$0x0];
	v23 =	vsel vm0, $0x1, v0;
	vm0 =	vlt.s32 v24, v4;
	v7 =	vadd.s32 v29, v7  }
0x14b: {  	v29 =	vld [tilespmem:s24+$0x10];
	v24 =	vsel vm0, $0x1, v0;
	vm0 =	vlt.s32 v25, v4;
	v12 =	vadd.s32 v23, v12  }
0x14c: {  	v30 =	vld [tilespmem:s24+$0x20];
	v23 =	vsel vm0, $0x1, v0;
	vm0 =	vlt.s32 v27, v4;
	v9 =	vadd.s32 v24, v9  }
0x14d: {  	v31 =	vld [tilespmem:s24+$0x30];
	v24 =	vsel vm0, $0x1, v0;
	vm0 =	vlt.s32 v26, v4;
	v10 =	vadd.s32 v23, v10  }
.Ltmp12:
0x14e: {  	v23 =	vld [tilespmem:s24+$0x40];
	v25 =	vsel vm0, $0x1, v0;
	vm0 =	vlt.s32 v22, v4;
	v11 =	vadd.s32 v24, v11;
	(pc) =	sbr.rel @p2 .LBB2_16-.Ltmp12, $4  }
0x14f: {  	v24 =	vld [tilespmem:s24+$0x50];
	v22 =	vsel vm0, $0x1, v0;
	vm0 =	vlt.s32 v28, v4;
	v8 =	vadd.s32 v25, v8  }
0x150: {  	v25 =	vld [tilespmem:s24+$0x60];
	v27 =	vsel vm0, $0x1, v0;
	vm0 =	vlt.s32 v29, v4;
	v15 =	vadd.s32 v22, v15  }
0x151: {  	v26 =	vld [tilespmem:s24+$0xFFFFFF80];
	v28 =	vsel vm0, $0x1, v0;
	vm0 =	vlt.s32 v30, v4;
	v13 =	vadd.s32 v27, v13;
	s24 =	sadd.s32 $0x100, s24  }
0x152: {  	s25 =	sadd.s32 $0xFFFFFFFF, s25;
	v22 =	vld [tilespmem:s24+$0x70];
	v27 =	vsel vm0, $0x1, v0;
	vm0 =	vlt.s32 v31, v4;
	v14 =	vadd.s32 v28, v14  }
.LBB2_17:
0x153: {  	v28 =	vld [tilespmem:s24+$0xFFFFFF90]  }
0x154: {  	v40 =	vld [tilespmem:s24+$0xFFFFFFA0]  }
0x155: {  	v41 =	vld [tilespmem:s24+$0xFFFFFFB0]  }
0x156: {  	v42 =	vld [tilespmem:s24+$0xFFFFFFC0]  }
0x157: {  	v43 =	vld [tilespmem:s24+$0xFFFFFFD0]  }
0x158: {  	v29 =	vsel @p1 vm0, $0x1, v0;
	vm0 =	vlt.s32 @p1 v23, v4;
	v18 =	vadd.s32 @p1 v27, v18;
	v44 =	vld [tilespmem:s24+$0xFFFFFFE0]  }
0x159: {  	v45 =	vld [tilespmem:s24+$0xFFFFFFF0];
	v27 =	vsel @p1 vm0, $0x1, v0;
	vm0 =	vlt.s32 @p1 v24, v4;
	v17 =	vadd.s32 @p1 v29, v17  }
0x15a: {  	v47 =	vld [tilespmem:s24+$0xFFFFFF80];
	v59 =	vpsel p1, v18, v5;
	v29 =	vsel @p1 vm0, $0x1, v0;
	vm0 =	vlt.s32 @p1 v25, v4  }
0x15b: {  	v48 =	vld [tilespmem:s24+$0x0];
	v16 =	vadd.s32 @p1 v27, v16;
	v17 =	vpsel p1, v17, v5;
	vm1 =	vlt.s32 @p1 v26, v4  }
0x15c: {  	v51 =	vld [tilespmem:s24+$0x10];
	v26 =	vsel @p1 vm0, $0x1, v0;
	v19 =	vadd.s32 @p1 v29, v19;
	v16 =	vpsel p1, v16, v5  }
0x15d: {  	v52 =	vld [tilespmem:s24+$0x20];
	v29 =	vsel @p1 vm1, $0x1, v0;
	v20 =	vadd.s32 @p1 v26, v20;
	vm4 =	vlt.s32 v22, v4  }
0x15e: {  	v61 =	vpsel p1, v19, v5;
	vm12 =	vlt.s32 v28, v4;
	v21 =	vadd.s32 @p1 v29, v21  }
0x15f: {  	vm13 =	vlt.s32 v40, v4;
	vm14 =	vlt.s32 v41, v4;
	vm15 =	vlt.s32 v42, v4  }
0x160: {  	vm5 =	vlt.s32 v43, v4;
	vm6 =	vlt.s32 v44, v4;
	vm7 =	vlt.s32 v45, v4  }
0x161: {  	vm8 =	vlt.s32 v47, v4;
	vm9 =	vlt.s32 v48, v4;
	vm10 =	vlt.s32 v51, v4  }
0x162: {  	vm11 =	vlt.s32 v52, v4;
	v46 =	vsel vm12, $0x1, v0;
	v23 =	vsel vm13, $0x1, v0  }
0x163: {  	v54 =	vld [tilespmem:s24+$0x30];
	v49 =	vsel vm14, $0x1, v0;
	v50 =	vsel vm15, $0x1, v0;
	v27 =	vsel vm5, $0x1, v0  }
0x164: {  	v26 =	vsel vm6, $0x1, v0;
	v55 =	vsel vm8, $0x1, v0;
	v21 =	vpsel p1, v21, v5  }
0x165: {  	v57 =	vld [tilespmem:s24+$0x40];
	v53 =	vsel vm7, $0x1, v0;
	v7 =	vadd.s32 v46, v7;
	v21 =	vadd.s32 v55, v21  }
0x166: {  	v56 =	vsel vm10, $0x1, v0;
	v12 =	vadd.s32 v23, v12;
	v7 =	vadd.s32 v21, v7  }
0x167: {  	v58 =	vld [tilespmem:s24+$0x50];
	v22 =	vsel vm11, $0x1, v0;
	v9 =	vadd.s32 v49, v9;
	v7 =	vadd.s32 v12, v7  }
0x168: {  	v60 =	vld [tilespmem:s24+$0x60];
	vm12 =	vlt.s32 v54, v4;
	v10 =	vadd.s32 v50, v10;
	v7 =	vadd.s32 v9, v7  }
0x169: {  	v5 =	vpsel p1, v20, v5;
	v11 =	vadd.s32 v27, v11;
	v7 =	vadd.s32 v10, v7  }
0x16a: {  	vm13 =	vlt.s32 v57, v4;
	v8 =	vadd.s32 v26, v8;
	v7 =	vadd.s32 v11, v7  }
0x16b: {  	v23 =	vsel vm9, $0x1, v0;
	v15 =	vadd.s32 v53, v15;
	v7 =	vadd.s32 v8, v7  }
0x16c: {  	vm14 =	vlt.s32 v58, v4;
	v13 =	vadd.s32 v23, v13;
	v7 =	vadd.s32 v15, v7  }
0x16d: {  	vm15 =	vlt.s32 v60, v4;
	v14 =	vadd.s32 v56, v14;
	v7 =	vadd.s32 v13, v7  }
0x16e: {  	v62 =	vsel vm12, $0x1, v0;
	v10 =	vadd.s32 v22, v59;
	v7 =	vadd.s32 v14, v7  }
0x16f: {  	v12 =	vsel vm13, $0x1, v0;
	v8 =	vadd.s32 v62, v17;
	v7 =	vadd.s32 v10, v7  }
.Ltmp13:
0x170: {  	v9 =	vsel vm14, $0x1, v0;
	v4 =	vadd.s32 v12, v16;
	v7 =	vadd.s32 v8, v7;
	(pc) =	sbr.rel .LBB2_18-.Ltmp13, $4  }
0x171: {  	v63 =	vsel vm15, $0x1, v0;
	v9 =	vadd.s32 v9, v61;
	v4 =	vadd.s32 v4, v7  }
0x172: {  	v5 =	vadd.s32 v63, v5;
	v7 =	vsel vm4, $0x1, v0;
	v4 =	vadd.s32 v9, v4  }
0x173: {  	v6 =	vadd.s32 v7, v6;
	v4 =	vadd.s32 v5, v4  }
0x174: {  	v4 =	vadd.s32 v6, v4  }
.LBB2_13:
0x175: {  	v18 =	vimm.s32 $0x0  }
.Ltmp14:
0x176: {  	v17 =	vimm.s32 $0x0;
	v16 =	vimm.s32 $0x0;
	v19 =	vimm.s32 $0x0;
	(pc) =	sbr.rel .LBB2_17-.Ltmp14, $4  }
0x177: {  	v20 =	vimm.s32 $0x0;
	v21 =	vimm.s32 $0x0;
	v6 =	vimm.s32 $0x0  }
0x178: {  	v7 =	vimm.s32 $0x0;
	v12 =	vimm.s32 $0x0;
	v9 =	vimm.s32 $0x0  }
0x179: {  	v10 =	vimm.s32 $0x0;
	v11 =	vimm.s32 $0x0;
	v8 =	vimm.s32 $0x0  }
0x17a: {  	v15 =	vimm.s32 $0x0;
	v13 =	vimm.s32 $0x0;
	v14 =	vimm.s32 $0x0  }
.LBB2_15:
.Ltmp15:
0x17b: {  	(pc) =	sbr.rel .LBB2_17-.Ltmp15, $3  }
0x17c: {  	_ =	sdelay $0x1  }
0x17d: {  	v18 =	vimm.s32 $0x0;
	v17 =	vimm.s32 $0x0;
	v16 =	vimm.s32 $0x0  }
0x17e: {  	v19 =	vimm.s32 $0x0;
	v20 =	vimm.s32 $0x0;
	v21 =	vimm.s32 $0x0  }
.LBB2_19:
0x17f: {  	_ =	swait.ge [sflag:s15], $0x8000  }
0x180: {  	[sflag:s15] =	ssyncset.done $0x0  }
0x181: {  	s21 =	simm.s32 $0x18140;
	[sflag:s15] =	ssyncadd.s32 $0xFFFF8000  }
0x182: {  	[tilespmem:s2], [sflag:$0x1] =	stream.strided.gather [hbm4b:s5+s9], $0x8000, s10, s9, $0x38;
	[tilespmem:$0x18980] =	vst v63  }
0x183: {  	[tilespmem:s21+$0xFFFFFFC0] =	vst v0  }
0x184: {  	[tilespmem:s21+$0x30] =	vst v0  }
0x185: {  	[tilespmem:s21+$0x20] =	vst v0  }
0x186: {  	[tilespmem:s21+$0x10] =	vst v0  }
0x187: {  	[tilespmem:s21+$0x0] =	vst v0  }
0x188: {  	[tilespmem:s21+$0xFFFFFFF0] =	vst v0  }
0x189: {  	s22 =	simm.s32 $0x0;
	s20 =	simm.s32 $0x8080;
	[tilespmem:s21+$0xFFFFFFE0] =	vst v0  }
.LBB2_20:
0x18a: {  	s22 =	sadd.s32 $0x8, s22;
	[tilespmem:s21+$0xFFFFFFD0] =	vst v0;
	s21 =	sadd.s32 $0x80, s21  }
0x18b: {  	[tilespmem:s21+$0xFFFFFFC0] =	vst v0;
	p0 =	slt.u32 s22, $0x78  }
0x18c: {  	[tilespmem:s21+$0x30] =	vst v0  }
.Ltmp16:
0x18d: {  	[tilespmem:s21+$0x20] =	vst v0;
	(pc) =	sbr.rel @p0 .LBB2_20-.Ltmp16, $4  }
0x18e: {  	[tilespmem:s21+$0x10] =	vst v0  }
0x18f: {  	[tilespmem:s21+$0x0] =	vst v0  }
0x190: {  	[tilespmem:s21+$0xFFFFFFF0] =	vst v0  }
0x191: {  	[tilespmem:s21+$0xFFFFFFE0] =	vst v0  }
0x192: {  	[tilespmem:s21+$0xFFFFFFD0] =	vst v0  }
0x193: {  	v4 =	vld [tilespmem:s20+$0xFFFFFFA0]  }
0x194: {  	v5 =	vld [tilespmem:s20+$0xFFFFFFB0]  }
0x195: {  	v6 =	vld [tilespmem:s20+$0xFFFFFFC0]  }
0x196: {  	v7 =	vld [tilespmem:s20+$0xFFFFFFD0]  }
0x197: {  	v8 =	vld [tilespmem:s20+$0xFFFFFF80]  }
0x198: {  	v9 =	vld [tilespmem:s20+$0x70]  }
0x199: {  	v10 =	vld [tilespmem:s20+$0x60]  }
0x19a: {  	v11 =	vld [tilespmem:s20+$0x50]  }
0x19b: {  	v12 =	vld [tilespmem:s20+$0x40]  }
0x19c: {  	v13 =	vld [tilespmem:s20+$0x30]  }
0x19d: {  	v14 =	vld [tilespmem:s20+$0x20];
	v8 =	vshrl.u32 v8, $0x14  }
0x19e: {  	v15 =	vld [tilespmem:s20+$0x10];
	v9 =	vshrl.u32 v9, $0x14;
	v8 =	vand.u32 $0x7FF, v8  }
0x19f: {  	v18 =	vld [tilespmem:s20+$0xFFFFFFE0];
	v10 =	vshrl.u32 v10, $0x14;
	v9 =	vand.u32 $0x7FF, v9  }
0x1a0: {  	v16 =	vld [tilespmem:s20+$0x0];
	v11 =	vshrl.u32 v11, $0x14;
	v10 =	vand.u32 $0x7FF, v10  }
0x1a1: {  	v17 =	vld [tilespmem:s20+$0xFFFFFFF0];
	v13 =	vshrl.u32 v13, $0x14;
	v11 =	vand.u32 $0x7FF, v11  }
0x1a2: {  	v60 =	vld [tilespmem:s20+$0xFFFFFF90];
	v12 =	vshrl.u32 v12, $0x14;
	v56 =	vand.u32 $0x7FF, v13  }
0x1a3: {  	v57 =	vshrl.u32 v15, $0x14;
	v12 =	vand.u32 $0x7FF, v12;
	[tilespmem:v8+s13+$0x0] =	vst.idx.add.s32.msk $0xffff, v1  }
0x1a4: {  	v61 =	vshrl.u32 v18, $0x14;
	v13 =	vand.u32 $0x7FF, v57;
	[tilespmem:v9+s13+$0x0] =	vst.idx.add.s32.msk $0xffff, v1  }
0x1a5: {  	v59 =	vshrl.u32 v14, $0x14;
	v7 =	vshrl.u32 v7, $0x14;
	v14 =	vand.u32 $0x7FF, v61;
	[tilespmem:v10+s13+$0x0] =	vst.idx.add.s32.msk $0xffff, v1  }
0x1a6: {  	v5 =	vshrl.u32 v5, $0x14;
	v7 =	vand.u32 $0x7FF, v7;
	[tilespmem:v11+s13+$0x0] =	vst.idx.add.s32.msk $0xffff, v1  }
0x1a7: {  	v4 =	vshrl.u32 v4, $0x14;
	v5 =	vand.u32 $0x7FF, v5;
	[tilespmem:v56+s13+$0x0] =	vst.idx.add.s32.msk $0xffff, v1  }
0x1a8: {  	v58 =	vshrl.u32 v16, $0x14;
	v63 =	vand.u32 $0x7FF, v4;
	[tilespmem:v12+s13+$0x0] =	vst.idx.add.s32.msk $0xffff, v1  }
0x1a9: {  	v9 =	vand.u32 $0x7FF, v58;
	[tilespmem:v13+s13+$0x0] =	vst.idx.add.s32.msk $0xffff, v1  }
0x1aa: {  	v62 =	vshrl.u32 v17, $0x14;
	v10 =	vand.u32 $0x7FF, v59;
	[tilespmem:v14+s13+$0x0] =	vst.idx.add.s32.msk $0xffff, v1  }
0x1ab: {  	v4 =	vshrl.u32 v6, $0x14;
	v6 =	vshrl.u32 v60, $0x14;
	v8 =	vand.u32 $0x7FF, v62;
	[tilespmem:v7+s13+$0x0] =	vst.idx.add.s32.msk $0xffff, v1  }
0x1ac: {  	[tilespmem:v5+s13+$0x0] =	vst.idx.add.s32.msk $0xffff, v1;
	v5 =	vand.u32 $0x7FF, v6  }
0x1ad: {  	v4 =	vand.u32 $0x7FF, v4;
	[tilespmem:v63+s13+$0x0] =	vst.idx.add.s32.msk $0xffff, v1  }
0x1ae: {  	[tilespmem:v9+s13+$0x0] =	vst.idx.add.s32.msk $0xffff, v1  }
0x1af: {  	[tilespmem:v10+s13+$0x0] =	vst.idx.add.s32.msk $0xffff, v1  }
0x1b0: {  	s21 =	simm.s32 $0x0;
	[tilespmem:v8+s13+$0x0] =	vst.idx.add.s32.msk $0xffff, v1  }
.LBB2_22:
0x1b1: {  	s21 =	sadd.s32 $0x10, s21;
	[tilespmem:v5+s13+$0x0] =	vst.idx.add.s32.msk $0xffff, v1;
	s20 =	sadd.s32 $0x100, s20  }
0x1b2: {  	p0 =	slt.u32 s21, $0x7F0;
	[tilespmem:v4+s13+$0x0] =	vst.idx.add.s32.msk $0xffff, v1  }
0x1b3: {  	v5 =	vld [tilespmem:s20+$0xFFFFFFA0]  }
0x1b4: {  	v4 =	vld [tilespmem:s20+$0xFFFFFFB0]  }
0x1b5: {  	v6 =	vld [tilespmem:s20+$0xFFFFFFC0]  }
0x1b6: {  	v7 =	vld [tilespmem:s20+$0xFFFFFFD0]  }
0x1b7: {  	v8 =	vld [tilespmem:s20+$0xFFFFFF80]  }
0x1b8: {  	v9 =	vld [tilespmem:s20+$0x70]  }
0x1b9: {  	v10 =	vld [tilespmem:s20+$0x60]  }
0x1ba: {  	v11 =	vld [tilespmem:s20+$0x50]  }
0x1bb: {  	v12 =	vld [tilespmem:s20+$0x40]  }
0x1bc: {  	v8 =	vshrl.u32 v8, $0x14;
	v13 =	vld [tilespmem:s20+$0x30]  }
0x1bd: {  	v8 =	vand.u32 $0x7FF, v8;
	v14 =	vld [tilespmem:s20+$0x20];
	v9 =	vshrl.u32 v9, $0x14  }
0x1be: {  	v15 =	vld [tilespmem:s20+$0x10];
	v10 =	vshrl.u32 v10, $0x14;
	v9 =	vand.u32 $0x7FF, v9  }
0x1bf: {  	v16 =	vld [tilespmem:s20+$0x0];
	v11 =	vshrl.u32 v11, $0x14;
	v10 =	vand.u32 $0x7FF, v10  }
0x1c0: {  	v17 =	vld [tilespmem:s20+$0xFFFFFFF0];
	v12 =	vshrl.u32 v12, $0x14;
	v11 =	vand.u32 $0x7FF, v11  }
0x1c1: {  	v18 =	vld [tilespmem:s20+$0xFFFFFFE0];
	v13 =	vshrl.u32 v13, $0x14  }
0x1c2: {  	[tilespmem:v8+s13+$0x0] =	vst.idx.add.s32.msk $0xffff, v1;
	v8 =	vshrl.u32 v14, $0x14;
	v13 =	vand.u32 $0x7FF, v13  }
0x1c3: {  	v12 =	vand.u32 $0x7FF, v12;
	v14 =	vshrl.u32 v15, $0x14;
	v8 =	vand.u32 $0x7FF, v8;
	[tilespmem:v9+s13+$0x0] =	vst.idx.add.s32.msk $0xffff, v1  }
0x1c4: {  	v9 =	vshrl.u32 v16, $0x14;
	v14 =	vand.u32 $0x7FF, v14;
	[tilespmem:v10+s13+$0x0] =	vst.idx.add.s32.msk $0xffff, v1  }
0x1c5: {  	v10 =	vshrl.u32 v17, $0x14;
	v9 =	vand.u32 $0x7FF, v9;
	[tilespmem:v11+s13+$0x0] =	vst.idx.add.s32.msk $0xffff, v1  }
0x1c6: {  	v11 =	vld [tilespmem:s20+$0xFFFFFF90];
	v15 =	vshrl.u32 v18, $0x14;
	v10 =	vand.u32 $0x7FF, v10  }
0x1c7: {  	v7 =	vshrl.u32 v7, $0x14;
	v15 =	vand.u32 $0x7FF, v15;
	[tilespmem:v13+s13+$0x0] =	vst.idx.add.s32.msk $0xffff, v1  }
0x1c8: {  	v6 =	vshrl.u32 v6, $0x14;
	v7 =	vand.u32 $0x7FF, v7;
	[tilespmem:v12+s13+$0x0] =	vst.idx.add.s32.msk $0xffff, v1  }
0x1c9: {  	v12 =	vshrl.u32 v4, $0x14;
	v4 =	vand.u32 $0x7FF, v6;
	[tilespmem:v14+s13+$0x0] =	vst.idx.add.s32.msk $0xffff, v1  }
0x1ca: {  	v5 =	vshrl.u32 v5, $0x14;
	v6 =	vand.u32 $0x7FF, v12;
	[tilespmem:v9+s13+$0x0] =	vst.idx.add.s32.msk $0xffff, v1  }
0x1cb: {  	v9 =	vshrl.u32 v11, $0x14;
	v11 =	vand.u32 $0x7FF, v5;
	[tilespmem:v8+s13+$0x0] =	vst.idx.add.s32.msk $0xffff, v1  }
.Ltmp17:
0x1cc: {  	v5 =	vand.u32 $0x7FF, v9;
	[tilespmem:v15+s13+$0x0] =	vst.idx.add.s32.msk $0xffff, v1;
	(pc) =	sbr.rel @p0 .LBB2_22-.Ltmp17, $4  }
0x1cd: {  	[tilespmem:v7+s13+$0x0] =	vst.idx.add.s32.msk $0xffff, v1  }
0x1ce: {  	[tilespmem:v10+s13+$0x0] =	vst.idx.add.s32.msk $0xffff, v1  }
0x1cf: {  	[tilespmem:v6+s13+$0x0] =	vst.idx.add.s32.msk $0xffff, v1  }
0x1d0: {  	[tilespmem:v11+s13+$0x0] =	vst.idx.add.s32.msk $0xffff, v1  }
0x1d1: {  	_ =	sdelay $0x3  }
0x1d2: {  	[tilespmem:v5+s13+$0x0] =	vst.idx.add.s32.msk $0xffff, v1  }
0x1d3: {  	[tilespmem:v4+s13+$0x0] =	vst.idx.add.s32.msk $0xffff, v1  }
0x1d4: {  	v4 =	vld [tilespmem:$0x18100];
	_ =	sdelay $0x4  }
0x1d5: {  	(xrf0) =	vadd.scan.msk.s32 $0xffff, v4;
	_ =	sdelay $0x5  }
0x1d6: {  	v4, _, _ =	vpop (xrf0)  }
0x1d7: {  	(v2sf) =	vpush v4, $0xF;
	_ =	sdelay $0xe  }
0x1d8: {  	s23 =	spop (v2sf)  }
0x1d9: {  	p0 =	sgt.s32 s23, $0x4000  }
.Ltmp18:
0x1da: {  	_ = 	snop;
	(pc) =	sbr.rel @p0 .LBB2_25-.Ltmp18, $3  }
0x1db: {  	_ =	sdelay $0x1  }
0x1dc: {  	s21 =	simm.s32 $0x0  }
0x1dd: {  	s24 =	simm.s32 $0x18110;
	s22 =	simm.s32 $0x0;
	s20 =	simm.s32 $0x0  }
.LBB2_24:
0x1de: {  	v4 =	vld [tilespmem:s24+$0x0];
	_ =	sdelay $0x4  }
0x1df: {  	(xrf0) =	vadd.scan.msk.s32 $0xffff, v4;
	_ =	sdelay $0x5  }
0x1e0: {  	v4, _, _ =	vpop (xrf0)  }
0x1e1: {  	(v2sf) =	vpush v4, $0xF;
	_ =	sdelay $0xe  }
0x1e2: {  	s20 =	smov.u32 s23;
	s31 =	spop (v2sf)  }
0x1e3: {  	s23 =	sadd.s32 s20, s31  }
0x1e4: {  	p0 =	slt.s32 s23, $0x4001  }
.Ltmp19:
0x1e5: {  	_ = 	snop;
	(pc) =	sbr.rel @p0 .LBB2_24-.Ltmp19, $2  }
0x1e6: {  	_ =	sdelay $0x2  }
0x1e7: {  	s22 =	sadd.s32 $0x10, s22;
	s24 =	sadd.s32 $0x10, s24  }
.LBB2_25:
0x1e8: {  	v4 =	vld [tilespmem:s22+$0x18100];
	_ =	sdelay $0x4  }
0x1e9: {  	(xrf0) =	vadd.scan.msk.s32 $0xffff, v4;
	_ =	sdelay $0x4  }
0x1ea: {  	s23 =	simm.s32 $0x8080  }
0x1eb: {  	v7 =	vld [tilespmem:s23+$0x70];
	v6, _, _ =	vpop (xrf0)  }
0x1ec: {  	v8 =	vld [tilespmem:s23+$0x60];
	v5 =	vsub.s32 v6, v4  }
0x1ed: {  	v10 =	vld [tilespmem:s23+$0x50];
	v6 =	vadd.s32 s20, v6;
	v9 =	vadd.s32 s20, v5  }
0x1ee: {  	v12 =	vld [tilespmem:s23+$0x30];
	vm0 =	vgt.s32 v6, $0x4000;
	vm1 =	vlt.s32 v9, $0x4001  }
0x1ef: {  	v13 =	vld [tilespmem:s23+$0x20];
	v9 =	vimm.s32 $0x0;
	vm0 =	vmand vm0, vm1  }
0x1f0: {  	v14 =	vld [tilespmem:s23+$0x10];
	v9 =	vsel vm0, $0xFFFFFFFF, v9  }
0x1f1: {  	v4 =	vld [tilespmem:s23+$0x40];
	[tilespmem:$0x1FFA0] =	vst v9  }
0x1f2: {  	v15 =	vld [tilespmem:s23+$0x0]  }
0x1f3: {  	v16 =	vld [tilespmem:s23+$0xFFFFFFF0]  }
0x1f4: {  	v17 =	vld [tilespmem:s23+$0xFFFFFFE0]  }
0x1f5: {  	v18 =	vld [tilespmem:s23+$0xFFFFFFD0]  }
0x1f6: {  	v6 =	vor.u32 s22, v2;
	v19 =	vld [tilespmem:s23+$0xFFFFFFC0]  }
0x1f7: {  	v6 =	vnsel vm0, $0x0, v6;
	v20 =	vld [tilespmem:s23+$0xFFFFFFB0]  }
0x1f8: {  	(xrf0) =	vadd.scan.msk.s32 $0xffff, v6;
	v22 =	vld [tilespmem:s23+$0xFFFFFF90]  }
0x1f9: {  	v23 =	vld [tilespmem:s23+$0xFFFFFF80]  }
0x1fa: {  	v21 =	vld [tilespmem:s23+$0xFFFFFFA0]  }
0x1fb: {  	v10 =	vand.u32 $0x7FFFFFFF, v10;
	v36 =	vand.u32 $0x7FFFFFFF, v14;
	v13 =	vand.u32 $0x7FFFFFFF, v13  }
0x1fc: {  	v12 =	vand.u32 $0x7FFFFFFF, v12;
	v38 =	vand.u32 $0x7FFFFFFF, v17;
	v39 =	vand.u32 $0x7FFFFFFF, v16  }
0x1fd: {  	v37 =	vand.u32 $0x7FFFFFFF, v15;
	v25 =	vand.u32 $0x7FFFFFFF, v20;
	v29 =	vand.u32 $0x7FFFFFFF, v19  }
0x1fe: {  	v6, _, _ =	vpop (xrf0);
	v33 =	vand.u32 $0x7FFFFFFF, v18;
	v14 =	vand.u32 $0x7FFFFFFF, v23;
	v15 =	vand.u32 $0x7FFFFFFF, v22  }
0x1ff: {  	v19 =	vand.u32 $0x7FFFFFFF, v21;
	v9 =	vbroadcast v6, $0xF;
	v22 =	vshrl.u32 v39, $0x14  }
0x200: {  	v26 =	vshrl.u32 v14, $0x14;
	v27 =	vshrl.u32 v33, $0x14;
	v28 =	vshrl.u32 v38, $0x14  }
0x201: {  	v30 =	vshrl.u32 v29, $0x14;
	vm15 =	veq.s32 v26, v9;
	v26 =	vshrl.u32 v15, $0x14  }
0x202: {  	v31 =	vmpcnt.ones.xlane vm15;
	vm14 =	veq.s32 v26, v9;
	v26 =	vshrl.u32 v19, $0x14  }
0x203: {  	v32 =	vmpcnt.ones.xlane vm14;
	vm13 =	veq.s32 v26, v9;
	v26 =	vshrl.u32 v25, $0x14  }
0x204: {  	v35 =	vmpcnt.ones.xlane vm13;
	vm12 =	veq.s32 v26, v9;
	(v2sf) =	vpush v31, $0x0  }
0x205: {  	vm11 =	veq.s32 v30, v9;
	v31 =	vmpcnt.ones.xlane vm12;
	(v2sf) =	vpush v32, $0x0  }
0x206: {  	vm10 =	veq.s32 v27, v9;
	v56 =	vmpcnt.ones.xlane vm11;
	(v2sf) =	vpush v35, $0x0  }
0x207: {  	s30 =	simm.s32 $0x8180;
	vm9 =	veq.s32 v28, v9;
	v57 =	vmpcnt.ones.xlane vm10;
	(v2sf) =	vpush v31, $0x0  }
0x208: {  	v34 =	vld [tilespmem:s30+$0x70];
	vm8 =	veq.s32 v22, v9;
	v28 =	vmpcnt.ones.xlane vm9;
	(v2sf) =	vpush v56, $0x0  }
0x209: {  	v24 =	vshrl.u32 v36, $0x14;
	v58 =	vld [tilespmem:s30+$0x20];
	v22 =	vmpcnt.ones.xlane vm8;
	(v2sf) =	vpush v57, $0x0  }
0x20a: {  	v11 =	vand.u32 $0x7FFFFFFF, v4;
	v4 =	vshrl.u32 v10, $0x14;
	v30 =	vld [tilespmem:s30+$0x50];
	(v2sf) =	vpush v28, $0x0  }
0x20b: {  	v18 =	vshrl.u32 v13, $0x14;
	v23 =	vshrl.u32 v37, $0x14;
	v27 =	vld [tilespmem:s30+$0x40];
	(v2sf) =	vpush v22, $0x0  }
0x20c: {  	vm1 =	veq.s32 v23, v9;
	v23 =	vld [tilespmem:s30+$0x10];
	vm0 =	veq.s32 v24, v9;
	v24 =	vimm.s32 $0x0  }
0x20d: {  	v20 =	vshrl.u32 v12, $0x14;
	v59 =	vmpcnt.ones.xlane vm1;
	v24 =	vsel vm0, $0xFFFFFFFF, v24;
	v26 =	vld [tilespmem:s30+$0x60]  }
0x20e: {  	v21 =	vshrl.u32 v11, $0x14;
	vm7 =	veq.s32 v18, v9;
	v31 =	vld [tilespmem:s30+$0x30];
	[tilespmem:$0x1FFB0] =	vst v24;
	v24 =	vmpcnt.ones.xlane vm0  }
0x20f: {  	vm6 =	veq.s32 v20, v9;
	v18 =	vmpcnt.ones.xlane vm7;
	(v2sf) =	vpush v59, $0x0  }
0x210: {  	vm5 =	veq.s32 v21, v9;
	v22 =	vmpcnt.ones.xlane vm6;
	(v2sf) =	vpush v24, $0x0  }
0x211: {  	vm4 =	veq.s32 v4, v9;
	v21 =	vmpcnt.ones.xlane vm5;
	(v2sf) =	vpush v18, $0x0  }
0x212: {  	v8 =	vand.u32 $0x7FFFFFFF, v8;
	v4 =	vmpcnt.ones.xlane vm4;
	v40 =	vld [tilespmem:s30+$0x0];
	(v2sf) =	vpush v22, $0x0  }
0x213: {  	v7 =	vand.u32 $0x7FFFFFFF, v7;
	v16 =	vshrl.u32 v8, $0x14;
	v44 =	vld [tilespmem:s30+$0xFFFFFFA0];
	(v2sf) =	vpush v21, $0x0;
	s31 =	spop (v2sf)  }
0x214: {  	v17 =	vshrl.u32 v7, $0x14;
	v46 =	vld [tilespmem:s30+$0xFFFFFF80];
	[tilespmem:s21+$0x10000] =	vst.msk vm15, v14;
	(v2sf) =	vpush v4, $0x0;
	v4 =	vmov s19;
	s19 =	sadd.s32 $0x0, s31;
	s22 =	spop (v2sf)  }
0x215: {  	vm3 =	veq.s32 v16, v9;
	vm2 =	veq.s32 v17, v9;
	v41 =	vld [tilespmem:s30+$0xFFFFFFF0];
	[tilespmem:s19+$0x10000] =	vst.msk vm14, v15;
	s19 =	sadd.s32 s19, s22;
	s23 =	spop (v2sf)  }
0x216: {  	v16 =	vmpcnt.ones.xlane vm3;
	v17 =	vmpcnt.ones.xlane vm2;
	v20 =	vld [tilespmem:s30+$0xFFFFFFE0];
	[tilespmem:s19+$0x10000] =	vst.msk vm13, v19;
	s19 =	sadd.s32 s19, s23;
	s24 =	spop (v2sf)  }
0x217: {  	vm0 =	vcmask $0x300;
	v43 =	vld [tilespmem:s30+$0xFFFFFFB0];
	v14 =	vand.u32 $0x7FFFFFFF, v23;
	v28 =	vand.u32 $0x7FFFFFFF, v58;
	[tilespmem:s19+$0x10000] =	vst.msk vm12, v25;
	s19 =	sadd.s32 s19, s24;
	s25 =	spop (v2sf)  }
0x218: {  	v60 =	vld [tilespmem:s30+$0xFFFFFFD0];
	v35 =	vshrl.u32 v28, $0x14;
	v24 =	vand.u32 $0x7FFFFFFF, v30;
	(v2sf) =	vpush v16, $0x0;
	[tilespmem:s19+$0x10000] =	vst.msk vm11, v29;
	s19 =	sadd.s32 s19, s25;
	s26 =	spop (v2sf)  }
0x219: {  	v42 =	vld [tilespmem:s30+$0xFFFFFFC0];
	v30 =	vand.u32 $0x7FFFFFFF, v46;
	v23 =	vand.u32 $0x7FFFFFFF, v44;
	(v2sf) =	vpush v17, $0x0;
	[tilespmem:s19+$0x10000] =	vst.msk vm10, v33;
	s19 =	sadd.s32 s19, s26;
	s28 =	spop (v2sf)  }
0x21a: {  	v45 =	vld [tilespmem:s30+$0xFFFFFF90];
	v18 =	vand.u32 $0x7FFFFFFF, v34;
	v32 =	vshrl.u32 v24, $0x14;
	v61 =	vshrl.u32 v30, $0x14;
	[tilespmem:s19+$0x10000] =	vst.msk vm9, v38;
	s19 =	sadd.s32 s19, s28;
	s29 =	spop (v2sf)  }
0x21b: {  	v22 =	vand.u32 $0x7FFFFFFF, v26;
	v26 =	vand.u32 $0x7FFFFFFF, v27;
	v27 =	vand.u32 $0x7FFFFFFF, v31;
	[tilespmem:s19+$0x10000] =	vst.msk vm8, v39;
	s21 =	sadd.s32 s19, s29  }
0x21c: {  	v21 =	vand.u32 $0x7FFFFFFF, v43;
	v31 =	vshrl.u32 v22, $0x14;
	v34 =	vshrl.u32 v27, $0x14;
	[tilespmem:s21+$0x10000] =	vst.msk vm1, v37  }
0x21d: {  	v4 =	vnsel vm0, $0x0, v4;
	v16 =	vand.u32 $0x7FFFFFFF, v41;
	v17 =	vand.u32 $0x7FFFFFFF, v20;
	v63 =	vld [tilespmem:$0x1FFB0]  }
0x21e: {  	v20 =	vand.u32 $0x7FFFFFFF, v42;
	v41 =	vshrl.u32 v16, $0x14;
	v15 =	vand.u32 $0x7FFFFFFF, v40  }
0x21f: {  	v19 =	vand.u32 $0x7FFFFFFF, v60;
	v40 =	vshrl.u32 v15, $0x14;
	v25 =	vand.u32 $0x7FFFFFFF, v45  }
0x220: {  	v42 =	vshrl.u32 v19, $0x14;
	v29 =	vshrl.u32 v18, $0x14;
	v62 =	vshrl.u32 v25, $0x14  }
0x221: {  	v33 =	vshrl.u32 v26, $0x14;
	v38 =	vshrl.u32 v14, $0x14;
	vm9 =	veq.s32 v61, v9;
	s30 =	spop (v2sf)  }
0x222: {  	v39 =	vshrl.u32 v17, $0x14;
	s19 =	simm.s32 $0x10;
	v43 =	vmpcnt.ones.xlane vm9;
	s22 =	sadd.s32 s21, s30;
	s31 =	spop (v2sf);
	vm0 =	vnez.u8 v63  }
0x223: {  	vm8 =	veq.s32 v62, v9;
	v37 =	vshrl.u32 v20, $0x14;
	s21 =	simm.s32 $0x8280;
	s23 =	spop (v2sf);
	[tilespmem:s22+$0x10000] =	vst.msk vm0, v36;
	v36 =	vshrl.u32 v23, $0x14;
	s22 =	sadd.s32 s22, s31  }
.LBB2_26:
0x224: {  	v44 =	vld [tilespmem:s21+$0x70];
	v45 =	vmpcnt.ones.xlane vm8;
	vm10 =	veq.s32 v36, v9;
	v36 =	vshrl.u32 v21, $0x14;
	[tilespmem:s22+$0x10000] =	vst.msk vm7, v13;
	s22 =	sadd.s32 s22, s23;
	s23 =	spop (v2sf);
	v13 =	vmovc v28  }
0x225: {  	v28 =	vld [tilespmem:s21+$0x60];
	v46 =	vmpcnt.ones.xlane vm10;
	vm11 =	veq.s32 v36, v9;
	(v2sf) =	vpush v43, $0x0;
	[tilespmem:s22+$0x10000] =	vst.msk vm6, v12;
	s22 =	sadd.s32 s22, s23;
	s23 =	spop (v2sf);
	v12 =	vmovc v27  }
0x226: {  	vm12 =	veq.s32 v37, v9;
	v27 =	vld [tilespmem:s21+$0x50];
	v36 =	vmpcnt.ones.xlane vm11;
	(v2sf) =	vpush v45, $0x0;
	[tilespmem:s22+$0x10000] =	vst.msk vm5, v11;
	s22 =	sadd.s32 s22, s23;
	s23 =	spop (v2sf);
	v11 =	vmovc v26  }
0x227: {  	vm14 =	veq.s32 v42, v9;
	v37 =	vmpcnt.ones.xlane vm12;
	v26 =	vld [tilespmem:s21+$0x40];
	(v2sf) =	vpush v46, $0x0;
	[tilespmem:s22+$0x10000] =	vst.msk vm4, v10;
	s22 =	sadd.s32 s22, s23;
	s23 =	spop (v2sf);
	v10 =	vmovc v24  }
0x228: {  	vm15 =	veq.s32 v39, v9;
	v24 =	vmpcnt.ones.xlane vm14;
	v42 =	vld [tilespmem:s21+$0x30];
	(v2sf) =	vpush v36, $0x0;
	[tilespmem:s22+$0x10000] =	vst.msk vm3, v8;
	s22 =	sadd.s32 s22, s23;
	s23 =	spop (v2sf);
	v8 =	vmovc v22  }
0x229: {  	vm0 =	veq.s32 v41, v9;
	v22 =	vmpcnt.ones.xlane vm15;
	v36 =	vld [tilespmem:s21+$0x20];
	(v2sf) =	vpush v37, $0x0;
	[tilespmem:s22+$0x10000] =	vst.msk vm2, v7;
	s22 =	sadd.s32 s22, s23;
	v7 =	vmovc v18  }
0x22a: {  	vm1 =	veq.s32 v40, v9;
	v18 =	vmpcnt.ones.xlane vm0;
	v37 =	vld [tilespmem:s21+$0x10];
	[tilespmem:s22+$0x10000] =	vst.msk vm9, v30;
	(v2sf) =	vpush v24, $0x0  }
0x22b: {  	vm13 =	veq.s32 v38, v9;
	v24 =	vmpcnt.ones.xlane vm1;
	v30 =	vld [tilespmem:s21+$0x0];
	(v2sf) =	vpush v22, $0x0  }
0x22c: {  	vm7 =	veq.s32 v35, v9;
	v22 =	vmpcnt.ones.xlane vm13;
	v38 =	vld [tilespmem:s21+$0xFFFFFFF0];
	(v2sf) =	vpush v18, $0x0  }
0x22d: {  	vm6 =	veq.s32 v34, v9;
	v18 =	vmpcnt.ones.xlane vm7;
	v35 =	vld [tilespmem:s21+$0xFFFFFFE0];
	(v2sf) =	vpush v24, $0x0  }
0x22e: {  	vm5 =	veq.s32 v33, v9;
	v24 =	vmpcnt.ones.xlane vm6;
	v34 =	vld [tilespmem:s21+$0xFFFFFFD0];
	(v2sf) =	vpush v22, $0x0  }
0x22f: {  	vm4 =	veq.s32 v32, v9;
	v22 =	vmpcnt.ones.xlane vm5;
	v33 =	vld [tilespmem:s21+$0xFFFFFFC0];
	(v2sf) =	vpush v18, $0x0  }
0x230: {  	vm3 =	veq.s32 v31, v9;
	v18 =	vmpcnt.ones.xlane vm4;
	v32 =	vld [tilespmem:s21+$0xFFFFFFB0];
	(v2sf) =	vpush v24, $0x0  }
0x231: {  	vm2 =	veq.s32 v29, v9;
	v24 =	vmpcnt.ones.xlane vm3;
	v31 =	vld [tilespmem:s21+$0xFFFFFFA0];
	(v2sf) =	vpush v22, $0x0  }
0x232: {  	v39 =	vmpcnt.ones.xlane vm2;
	v29 =	vld [tilespmem:s21+$0xFFFFFF90];
	(v2sf) =	vpush v18, $0x0  }
0x233: {  	v22 =	vand.u32 $0x7FFFFFFF, v28;
	v18 =	vand.u32 $0x7FFFFFFF, v44;
	v40 =	vld [tilespmem:s21+$0xFFFFFF80];
	(v2sf) =	vpush v24, $0x0  }
0x234: {  	v26 =	vand.u32 $0x7FFFFFFF, v26;
	v24 =	vand.u32 $0x7FFFFFFF, v27;
	s23 =	spop (v2sf);
	(v2sf) =	vpush v39, $0x0  }
0x235: {  	v28 =	vand.u32 $0x7FFFFFFF, v36;
	v44 =	vand.u32 $0x7FFFFFFF, v37;
	v27 =	vand.u32 $0x7FFFFFFF, v42;
	s22 =	sadd.s32 s22, s23;
	s23 =	spop (v2sf)  }
0x236: {  	s19 =	sadd.s32 $0x10, s19;
	v43 =	vand.u32 $0x7FFFFFFF, v30;
	v36 =	vand.u32 $0x7FFFFFFF, v35;
	v37 =	vand.u32 $0x7FFFFFFF, v38;
	[tilespmem:s22+$0x10000] =	vst.msk vm8, v25;
	s22 =	sadd.s32 s22, s23;
	s23 =	spop (v2sf)  }
0x237: {  	p0 =	slt.u32 s19, $0x7F0;
	v38 =	vand.u32 $0x7FFFFFFF, v34;
	v33 =	vand.u32 $0x7FFFFFFF, v33;
	v32 =	vand.u32 $0x7FFFFFFF, v32;
	[tilespmem:s22+$0x10000] =	vst.msk vm10, v23;
	s22 =	sadd.s32 s22, s23;
	s23 =	spop (v2sf)  }
0x238: {  	v25 =	vand.u32 $0x7FFFFFFF, v29;
	v23 =	vand.u32 $0x7FFFFFFF, v31;
	v30 =	vand.u32 $0x7FFFFFFF, v40;
	[tilespmem:s22+$0x10000] =	vst.msk vm11, v21;
	s22 =	sadd.s32 s22, s23;
	s23 =	spop (v2sf);
	v21 =	vmovc v32  }
0x239: {  	v31 =	vshrl.u32 v22, $0x14;
	v29 =	vshrl.u32 v18, $0x14;
	v32 =	vshrl.u32 v24, $0x14;
	[tilespmem:s22+$0x10000] =	vst.msk vm12, v20;
	s22 =	sadd.s32 s22, s23;
	s23 =	spop (v2sf);
	v20 =	vmovc v33  }
.Ltmp20:
0x23a: {  	v35 =	vshrl.u32 v28, $0x14;
	v34 =	vshrl.u32 v27, $0x14;
	v33 =	vshrl.u32 v26, $0x14;
	[tilespmem:s22+$0x10000] =	vst.msk vm14, v19;
	s22 =	sadd.s32 s22, s23;
	s23 =	spop (v2sf);
	v19 =	vmovc v38;
	(pc) =	sbr.rel @p0 .LBB2_26-.Ltmp20, $4  }
0x23b: {  	v41 =	vshrl.u32 v37, $0x14;
	v40 =	vshrl.u32 v43, $0x14;
	v38 =	vshrl.u32 v44, $0x14;
	[tilespmem:s22+$0x10000] =	vst.msk vm15, v17;
	s22 =	sadd.s32 s22, s23;
	s23 =	spop (v2sf);
	v17 =	vmovc v36  }
0x23c: {  	v36 =	vshrl.u32 v30, $0x14;
	v42 =	vshrl.u32 v19, $0x14;
	v39 =	vshrl.u32 v17, $0x14;
	[tilespmem:s22+$0x10000] =	vst.msk vm0, v16;
	s22 =	sadd.s32 s22, s23;
	s23 =	spop (v2sf);
	v16 =	vmovc v37  }
0x23d: {  	vm9 =	veq.s32 v36, v9;
	v36 =	vshrl.u32 v25, $0x14;
	v37 =	vshrl.u32 v20, $0x14;
	[tilespmem:s22+$0x10000] =	vst.msk vm1, v15;
	s22 =	sadd.s32 s22, s23;
	s23 =	spop (v2sf);
	v15 =	vmovc v43  }
0x23e: {  	s21 =	sadd.s32 $0x100, s21;
	v43 =	vmpcnt.ones.xlane vm9;
	vm8 =	veq.s32 v36, v9;
	v36 =	vshrl.u32 v23, $0x14;
	[tilespmem:s22+$0x10000] =	vst.msk vm13, v14;
	s22 =	sadd.s32 s22, s23;
	s23 =	spop (v2sf);
	v14 =	vmovc v44  }
0x23f: {  	_ = 	snop  }
0x240: {  	(v2sf) =	vpush v43, $0x0;
	_ =	sdelay $0x1  }
0x241: {  	v44 =	vmpcnt.ones.xlane vm8;
	vm0 =	veq.s32 v36, v9  }
0x242: {  	v49 =	vimm.s32 $0x0;
	v50 =	vshrl.u32 v21, $0x14;
	vm10 =	veq.s32 v37, v9  }
0x243: {  	vm11 =	veq.s32 v42, v9;
	v57 =	vimm.s32 $0x0;
	v59 =	vimm.s32 $0x0  }
0x244: {  	v36 =	vsel vm0, $0xFFFFFFFF, v49;
	v51 =	vmpcnt.ones.xlane vm0;
	vm1 =	veq.s32 v50, v9  }
0x245: {  	vm0 =	veq.s32 v35, v9;
	[tilespmem:$0x1FF70] =	vst v36;
	(v2sf) =	vpush v44, $0x0;
	v36 =	vmpcnt.ones.xlane vm1  }
0x246: {  	v35 =	vsel vm0, $0xFFFFFFFF, v57;
	v58 =	vmpcnt.ones.xlane vm0;
	vm0 =	veq.s32 v34, v9  }
0x247: {  	v37 =	vmpcnt.ones.xlane vm10;
	(v2sf) =	vpush v51, $0x0;
	[tilespmem:$0x1FF80] =	vst v35;
	v34 =	vsel vm0, $0xFFFFFFFF, v59  }
0x248: {  	vm12 =	veq.s32 v39, v9;
	v52 =	vmpcnt.ones.xlane vm11;
	(v2sf) =	vpush v36, $0x0;
	[tilespmem:$0x1FF90] =	vst v34  }
0x249: {  	vm13 =	veq.s32 v41, v9;
	s19 =	sadd.s32 s22, s23;
	s21 =	spop (v2sf);
	v53 =	vmpcnt.ones.xlane vm12;
	(v2sf) =	vpush v37, $0x0;
	[tilespmem:s22+$0x10000] =	vst.msk vm7, v13  }
0x24a: {  	vm14 =	veq.s32 v40, v9;
	v54 =	vmpcnt.ones.xlane vm13;
	s24 =	spop (v2sf);
	[tilespmem:s19+$0x10000] =	vst.msk vm6, v12;
	s19 =	sadd.s32 s19, s21;
	(v2sf) =	vpush v52, $0x0  }
0x24b: {  	v55 =	vmpcnt.ones.xlane vm14;
	s25 =	spop (v2sf);
	[tilespmem:s19+$0x10000] =	vst.msk vm5, v11;
	s19 =	sadd.s32 s19, s24;
	(v2sf) =	vpush v53, $0x0  }
0x24c: {  	s26 =	spop (v2sf);
	[tilespmem:s19+$0x10000] =	vst.msk vm4, v10;
	s19 =	sadd.s32 s19, s25;
	(v2sf) =	vpush v54, $0x0  }
0x24d: {  	s28 =	spop (v2sf);
	[tilespmem:s19+$0x10000] =	vst.msk vm3, v8;
	s19 =	sadd.s32 s19, s26;
	(v2sf) =	vpush v55, $0x0  }
0x24e: {  	[tilespmem:s19+$0x10000] =	vst.msk vm2, v7;
	s19 =	sadd.s32 s19, s28;
	s29 =	spop (v2sf)  }
0x24f: {  	[tilespmem:s19+$0x10000] =	vst.msk vm9, v30;
	s19 =	sadd.s32 s19, s29  }
0x250: {  	[tilespmem:s19+$0x10000] =	vst.msk vm8, v25  }
0x251: {  	vm15 =	veq.s32 v38, v9;
	v7 =	vld [tilespmem:$0x1FF70]  }
0x252: {  	v56 =	vmpcnt.ones.xlane vm15;
	_ =	sdelay $0x1  }
0x253: {  	(v2sf) =	vpush v56, $0x0  }
0x254: {  	s30 =	spop (v2sf)  }
0x255: {  	s19 =	sadd.s32 s19, s30;
	s31 =	spop (v2sf);
	vm9 =	vnez.u8 v7  }
0x256: {  	s22 =	spop (v2sf);
	[tilespmem:s19+$0x10000] =	vst.msk vm9, v23;
	s19 =	sadd.s32 s19, s31  }
0x257: {  	s23 =	spop (v2sf);
	[tilespmem:s19+$0x10000] =	vst.msk vm1, v21;
	s19 =	sadd.s32 s19, s22  }
0x258: {  	s24 =	spop (v2sf);
	[tilespmem:s19+$0x10000] =	vst.msk vm10, v20;
	s19 =	sadd.s32 s19, s23  }
0x259: {  	v60 =	vmpcnt.ones.xlane vm0;
	vm0 =	veq.s32 v33, v9;
	s25 =	spop (v2sf);
	[tilespmem:s19+$0x10000] =	vst.msk vm11, v19;
	s19 =	sadd.s32 s19, s24  }
0x25a: {  	v61 =	vmpcnt.ones.xlane vm0;
	vm7 =	veq.s32 v32, v9;
	(v2sf) =	vpush v58, $0x0;
	s26 =	spop (v2sf);
	[tilespmem:s19+$0x10000] =	vst.msk vm12, v17;
	s19 =	sadd.s32 s19, s25  }
0x25b: {  	vm6 =	veq.s32 v31, v9;
	v62 =	vmpcnt.ones.xlane vm7;
	(v2sf) =	vpush v60, $0x0;
	s28 =	spop (v2sf);
	[tilespmem:s19+$0x10000] =	vst.msk vm13, v16;
	s19 =	sadd.s32 s19, s26  }
0x25c: {  	v63 =	vmpcnt.ones.xlane vm6;
	vm5 =	veq.s32 v29, v9;
	(v2sf) =	vpush v61, $0x0;
	[tilespmem:s19+$0x10000] =	vst.msk vm14, v15;
	s19 =	sadd.s32 s19, s28  }
0x25d: {  	v9 =	vmpcnt.ones.xlane vm5;
	(v2sf) =	vpush v62, $0x0;
	[tilespmem:s19+$0x10000] =	vst.msk vm15, v14  }
0x25e: {  	(v2sf) =	vpush v63, $0x0;
	v7 =	vld [tilespmem:$0x1FF80]  }
0x25f: {  	(v2sf) =	vpush v9, $0x0;
	_ =	sdelay $0x2  }
0x260: {  	s29 =	spop (v2sf)  }
0x261: {  	s19 =	sadd.s32 s19, s29;
	vm13 =	vnez.u8 v7  }
0x262: {  	[tilespmem:s19+$0x10000] =	vst.msk vm13, v28  }
0x263: {  	v7 =	vld [tilespmem:$0x1FF90];
	_ =	sdelay $0x3  }
0x264: {  	s30 =	spop (v2sf)  }
0x265: {  	s31 =	spop (v2sf);
	s19 =	sadd.s32 s19, s30;
	vm14 =	vnez.u8 v7  }
0x266: {  	s22 =	spop (v2sf);
	[tilespmem:s19+$0x10000] =	vst.msk vm14, v27;
	s19 =	sadd.s32 s19, s31  }
0x267: {  	s23 =	spop (v2sf);
	[tilespmem:s19+$0x10000] =	vst.msk vm0, v26;
	s19 =	sadd.s32 s19, s22  }
0x268: {  	s24 =	spop (v2sf);
	[tilespmem:s19+$0x10000] =	vst.msk vm7, v24;
	s19 =	sadd.s32 s19, s23  }
0x269: {  	s25 =	spop (v2sf);
	[tilespmem:s19+$0x10000] =	vst.msk vm6, v22;
	s19 =	sadd.s32 s19, s24  }
0x26a: {  	[tilespmem:s19+$0x10000] =	vst.msk vm5, v18;
	s19 =	sadd.s32 s19, s25  }
0x26b: {  	[tilespmem:s19+$0x10000] =	vst v3  }
0x26c: {  	[tilespmem:s19+$0x10010] =	vst v3  }
0x26d: {  	[tilespmem:s19+$0x10020] =	vst v3;
	v7 =	vld [tilespmem:$0x1FFA0]  }
0x26e: {  	[tilespmem:s19+$0x10030] =	vst v3  }
0x26f: {  	[tilespmem:s19+$0x10040] =	vst v3  }
0x270: {  	[tilespmem:s19+$0x10050] =	vst v3  }
0x271: {  	s20 =	ssub.s32 $0x4000, s20;
	[tilespmem:s19+$0x10060] =	vst v3  }
0x272: {  	v5 =	vsub.s32 s20, v5;
	[tilespmem:s19+$0x10070] =	vst v3;
	vm15 =	vnez.u8 v7  }
0x273: {  	[tilespmem:s19+$0x10080] =	vst v3;
	v5 =	vnsel vm15, $0x0, v5  }
0x274: {  	[tilespmem:s19+$0x10090] =	vst v3;
	(xrf0) =	vadd.scan.msk.s32 $0xffff, v5  }
0x275: {  	[tilespmem:s19+$0x100A0] =	vst v3  }
0x276: {  	[tilespmem:s19+$0x100B0] =	vst v3  }
0x277: {  	[tilespmem:s19+$0x100C0] =	vst v3  }
0x278: {  	[tilespmem:s19+$0x100D0] =	vst v3  }
0x279: {  	[tilespmem:s19+$0x100E0] =	vst v3  }
0x27a: {  	(v2sf) =	vpush v6, $0xF;
	[tilespmem:s19+$0x100F0] =	vst v3;
	v5, _, _ =	vpop (xrf0)  }
0x27b: {  	[tilespmem:s19+$0x10100] =	vst v3;
	(v2sf) =	vpush v5, $0xF  }
0x27c: {  	[tilespmem:s19+$0x10110] =	vst v3  }
0x27d: {  	[tilespmem:s19+$0x10120] =	vst v3  }
0x27e: {  	[tilespmem:s19+$0x10130] =	vst v3  }
0x27f: {  	[tilespmem:s19+$0x10140] =	vst v3  }
0x280: {  	[tilespmem:s19+$0x10150] =	vst v3  }
0x281: {  	[tilespmem:s19+$0x10160] =	vst v3  }
0x282: {  	[tilespmem:s19+$0x10170] =	vst v3  }
0x283: {  	[tilespmem:s19+$0x10180] =	vst v3;
	s26 =	sadd.s32 $0xFF, s19  }
0x284: {  	[tilespmem:s19+$0x10190] =	vst v3;
	s28 =	sand.u32 $0xFF, s26  }
0x285: {  	[tilespmem:s19+$0x101A0] =	vst v3;
	s29 =	sshra.s32 s26, $0x1F;
	p0 =	slt.s32 s26, $0x1;
	p1 =	sne.s32 s28, $0x0  }
.Ltmp21:
0x286: {  	[tilespmem:s19+$0x101B0] =	vst v3;
	s30 =	sshrl.u32 s29, $0x18;
	p0 =	por !p0, !p1;
	(pc) =	sbr.rel .LBB2_28-.Ltmp21, $4  }
0x287: {  	s21 =	simm.s32 $0x1;
	[tilespmem:s19+$0x101C0] =	vst v3;
	s20 =	sadd.s32 s30, s26;
	p0 =	por !p0, !p0  }
0x288: {  	[tilespmem:s19+$0x101D0] =	vst v3;
	s20 =	sshra.s32 s20, $0x8;
	s21 =	simm.s32 @!p0 $0x0  }
0x289: {  	s31 =	spop (v2sf);
	s22 =	simm.s32 $0x0;
	[tilespmem:s19+$0x101E0] =	vst v3;
	s20 =	ssub.s32 s20, s21  }
0x28a: {  	s23 =	sshll.u32 s31, $0x14;
	[tilespmem:s19+$0x101F0] =	vst v3;
	p0 =	slt.s32 s20, $0x1;
	s21 =	spop (v2sf)  }
.LBB2_29:
0x28b: {  	v5 =	vimm.s32 $0x0  }
.LBB2_36:
0x28c: {  	(xrf0) =	vadd.scan.msk.s32 $0xffff, v5;
	_ =	sdelay $0x5  }
0x28d: {  	v5, _, _ =	vpop (xrf0)  }
0x28e: {  	(v2sf) =	vpush v5, $0xF;
	_ =	sdelay $0xe  }
0x28f: {  	s24 =	spop (v2sf)  }
0x290: {  	s22 =	sadd.s32 $0x1, s22;
	p1 =	sgt.s32 s24, s21  }
0x291: {  	s19 =	smov.u32 @p1 s23;
	p1 =	sne.s32 s22, $0x14  }
.Ltmp22:
0x292: {  	_ = 	snop;
	(pc) =	sbr.rel @!p1 .LBB2_37-.Ltmp22, $2  }
0x293: {  	_ =	sdelay $0x2  }
0x294: {  	s23 =	smov.u32 s19  }
.LBB2_28:
.Ltmp23:
0x295: {  	(pc) =	sbr.rel @p0 .LBB2_29-.Ltmp23, $3  }
0x296: {  	_ =	sdelay $0x1  }
0x297: {  	s19 =	sshrl.u32 s14, s22  }
0x298: {  	s19 =	sor.u32 s19, s23  }
0x299: {  	p2 =	sne.s32 s20, $0x1  }
.Ltmp24:
0x29a: {  	_ = 	snop;
	(pc) =	sbr.rel @!p2 .LBB2_31-.Ltmp24, $3  }
0x29b: {  	_ =	sdelay $0x1  }
0x29c: {  	s24 =	simm.s32 $0x10080  }
0x29d: {  	v5 =	vmov s19;
	v6 =	vimm.s32 $0x0;
	s25 =	sadd.s32 $0xFFFFFFFF, s20;
	p1 =	por $0x0, $0x0;
	v23 =	vld [tilespmem:s24+$0x70]  }
0x29e: {  	v7 =	vld [tilespmem:s24+$0xFFFFFF90]  }
0x29f: {  	v8 =	vld [tilespmem:s24+$0xFFFFFFA0]  }
0x2a0: {  	v9 =	vld [tilespmem:s24+$0xFFFFFFB0]  }
0x2a1: {  	v10 =	vld [tilespmem:s24+$0xFFFFFFC0]  }
0x2a2: {  	v11 =	vld [tilespmem:s24+$0xFFFFFFD0];
	v20 =	vimm.s32 $0x0;
	v21 =	vimm.s32 $0x0;
	vm0 =	vlt.s32 v23, v5  }
0x2a3: {  	v12 =	vld [tilespmem:s24+$0xFFFFFFE0];
	v22 =	vimm.s32 $0x0;
	vm1 =	vlt.s32 v7, v5;
	v7 =	vsel vm0, $0x1, v0  }
0x2a4: {  	v14 =	vld [tilespmem:s24+$0xFFFFFFF0];
	vm0 =	vlt.s32 v8, v5;
	v13 =	vsel vm1, $0x1, v0;
	v7 =	vadd.s32 v7, v6  }
0x2a5: {  	v15 =	vld [tilespmem:s24+$0x0];
	v16 =	vsel vm0, $0x1, v0;
	vm0 =	vlt.s32 v9, v5;
	v8 =	vadd.s32 v13, v6  }
0x2a6: {  	v17 =	vld [tilespmem:s24+$0x10];
	v9 =	vsel vm0, $0x1, v0;
	vm0 =	vlt.s32 v10, v5;
	v13 =	vadd.s32 v16, v6  }
0x2a7: {  	v18 =	vld [tilespmem:s24+$0x20];
	v16 =	vsel vm0, $0x1, v0;
	vm0 =	vlt.s32 v11, v5;
	v10 =	vadd.s32 v9, v6  }
0x2a8: {  	v19 =	vld [tilespmem:s24+$0x30];
	v9 =	vsel vm0, $0x1, v0;
	vm0 =	vlt.s32 v12, v5;
	v11 =	vadd.s32 v16, v6  }
0x2a9: {  	p2 =	sne.s32 s25, $0x1;
	v16 =	vsel vm0, $0x1, v0;
	vm0 =	vlt.s32 v14, v5;
	v12 =	vadd.s32 v9, v6  }
.Ltmp25:
0x2aa: {  	v24 =	vld [tilespmem:s24+$0x40];
	v14 =	vsel vm0, $0x1, v0;
	vm0 =	vlt.s32 v15, v5;
	v9 =	vadd.s32 v16, v6;
	(pc) =	sbr.rel @!p2 .LBB2_33-.Ltmp25, $4  }
0x2ab: {  	v25 =	vld [tilespmem:s24+$0x50];
	v15 =	vsel vm0, $0x1, v0;
	vm0 =	vlt.s32 v17, v5;
	v16 =	vadd.s32 v14, v6  }
0x2ac: {  	v26 =	vld [tilespmem:s24+$0x60];
	v17 =	vsel vm0, $0x1, v0;
	vm0 =	vlt.s32 v18, v5;
	v14 =	vadd.s32 v15, v6  }
0x2ad: {  	v27 =	vld [tilespmem:s24+$0xFFFFFF80];
	s24 =	simm.s32 $0x10180;
	v18 =	vimm.s32 $0x0;
	v28 =	vsel vm0, $0x1, v0;
	vm0 =	vlt.s32 v19, v5  }
0x2ae: {  	s25 =	sadd.s32 $0xFFFFFFFF, s25;
	p1 =	por $0x1, $0x1;
	v23 =	vld [tilespmem:s24+$0x70];
	v15 =	vadd.s32 v17, v6;
	v19 =	vimm.s32 $0x0;
	v17 =	vimm.s32 $0x0  }
.LBB2_34:
0x2af: {  	p2 =	sne.s32 s25, $0x1;
	v29 =	vld [tilespmem:s24+$0xFFFFFF90];
	v30 =	vsel vm0, $0x1, v0;
	vm0 =	vlt.s32 v24, v5;
	v19 =	vadd.s32 v28, v19  }
0x2b0: {  	v24 =	vld [tilespmem:s24+$0xFFFFFFA0];
	v28 =	vsel vm0, $0x1, v0;
	vm0 =	vlt.s32 v25, v5;
	v18 =	vadd.s32 v30, v18  }
0x2b1: {  	v25 =	vld [tilespmem:s24+$0xFFFFFFB0];
	v30 =	vsel vm0, $0x1, v0;
	vm0 =	vlt.s32 v26, v5;
	v17 =	vadd.s32 v28, v17  }
0x2b2: {  	v26 =	vld [tilespmem:s24+$0xFFFFFFC0];
	vm1 =	vlt.s32 v27, v5;
	v27 =	vsel vm0, $0x1, v0;
	v20 =	vadd.s32 v30, v20  }
0x2b3: {  	v28 =	vld [tilespmem:s24+$0xFFFFFFD0];
	vm0 =	vlt.s32 v23, v5;
	v23 =	vsel vm1, $0x1, v0;
	v21 =	vadd.s32 v27, v21  }
0x2b4: {  	v27 =	vld [tilespmem:s24+$0xFFFFFFE0];
	vm1 =	vlt.s32 v29, v5;
	v29 =	vsel vm0, $0x1, v0;
	v22 =	vadd.s32 v23, v22  }
0x2b5: {  	v23 =	vld [tilespmem:s24+$0xFFFFFFF0];
	v30 =	vsel vm1, $0x1, v0;
	vm0 =	vlt.s32 v24, v5;
	v7 =	vadd.s32 v29, v7  }
0x2b6: {  	v29 =	vld [tilespmem:s24+$0x0];
	v24 =	vsel vm0, $0x1, v0;
	vm0 =	vlt.s32 v25, v5;
	v8 =	vadd.s32 v30, v8  }
0x2b7: {  	v30 =	vld [tilespmem:s24+$0x10];
	v25 =	vsel vm0, $0x1, v0;
	vm0 =	vlt.s32 v26, v5;
	v13 =	vadd.s32 v24, v13  }
0x2b8: {  	v31 =	vld [tilespmem:s24+$0x20];
	v24 =	vsel vm0, $0x1, v0;
	vm0 =	vlt.s32 v28, v5;
	v10 =	vadd.s32 v25, v10  }
0x2b9: {  	v32 =	vld [tilespmem:s24+$0x30];
	v25 =	vsel vm0, $0x1, v0;
	vm0 =	vlt.s32 v27, v5;
	v11 =	vadd.s32 v24, v11  }
.Ltmp26:
0x2ba: {  	v24 =	vld [tilespmem:s24+$0x40];
	v26 =	vsel vm0, $0x1, v0;
	vm0 =	vlt.s32 v23, v5;
	v12 =	vadd.s32 v25, v12;
	(pc) =	sbr.rel @p2 .LBB2_34-.Ltmp26, $4  }
0x2bb: {  	v25 =	vld [tilespmem:s24+$0x50];
	v23 =	vsel vm0, $0x1, v0;
	vm0 =	vlt.s32 v29, v5;
	v9 =	vadd.s32 v26, v9  }
0x2bc: {  	v26 =	vld [tilespmem:s24+$0x60];
	v28 =	vsel vm0, $0x1, v0;
	vm0 =	vlt.s32 v30, v5;
	v16 =	vadd.s32 v23, v16  }
0x2bd: {  	v27 =	vld [tilespmem:s24+$0xFFFFFF80];
	v29 =	vsel vm0, $0x1, v0;
	vm0 =	vlt.s32 v31, v5;
	v14 =	vadd.s32 v28, v14;
	s24 =	sadd.s32 $0x100, s24  }
0x2be: {  	s25 =	sadd.s32 $0xFFFFFFFF, s25;
	v23 =	vld [tilespmem:s24+$0x70];
	v28 =	vsel vm0, $0x1, v0;
	vm0 =	vlt.s32 v32, v5;
	v15 =	vadd.s32 v29, v15  }
.LBB2_35:
0x2bf: {  	v29 =	vld [tilespmem:s24+$0xFFFFFF90]  }
0x2c0: {  	v39 =	vld [tilespmem:s24+$0xFFFFFFA0]  }
0x2c1: {  	v40 =	vld [tilespmem:s24+$0xFFFFFFB0]  }
0x2c2: {  	v41 =	vld [tilespmem:s24+$0xFFFFFFC0]  }
0x2c3: {  	v42 =	vld [tilespmem:s24+$0xFFFFFFD0]  }
0x2c4: {  	v30 =	vsel @p1 vm0, $0x1, v0;
	vm0 =	vlt.s32 @p1 v24, v5;
	v19 =	vadd.s32 @p1 v28, v19;
	v43 =	vld [tilespmem:s24+$0xFFFFFFE0]  }
0x2c5: {  	v44 =	vld [tilespmem:s24+$0xFFFFFFF0];
	v28 =	vsel @p1 vm0, $0x1, v0;
	vm0 =	vlt.s32 @p1 v25, v5;
	v18 =	vadd.s32 @p1 v30, v18  }
0x2c6: {  	v46 =	vld [tilespmem:s24+$0xFFFFFF80];
	v58 =	vpsel p1, v19, v6;
	v30 =	vsel @p1 vm0, $0x1, v0;
	vm0 =	vlt.s32 @p1 v26, v5  }
0x2c7: {  	v47 =	vld [tilespmem:s24+$0x0];
	v17 =	vadd.s32 @p1 v28, v17;
	v18 =	vpsel p1, v18, v6;
	vm1 =	vlt.s32 @p1 v27, v5  }
0x2c8: {  	v50 =	vld [tilespmem:s24+$0x10];
	v27 =	vsel @p1 vm0, $0x1, v0;
	v20 =	vadd.s32 @p1 v30, v20;
	v17 =	vpsel p1, v17, v6  }
0x2c9: {  	v51 =	vld [tilespmem:s24+$0x20];
	v30 =	vsel @p1 vm1, $0x1, v0;
	v21 =	vadd.s32 @p1 v27, v21;
	vm4 =	vlt.s32 v23, v5  }
0x2ca: {  	v60 =	vpsel p1, v20, v6;
	vm12 =	vlt.s32 v29, v5;
	v22 =	vadd.s32 @p1 v30, v22  }
0x2cb: {  	vm13 =	vlt.s32 v39, v5;
	vm14 =	vlt.s32 v40, v5;
	vm15 =	vlt.s32 v41, v5  }
0x2cc: {  	vm5 =	vlt.s32 v42, v5;
	vm6 =	vlt.s32 v43, v5;
	vm7 =	vlt.s32 v44, v5  }
0x2cd: {  	vm8 =	vlt.s32 v46, v5;
	vm9 =	vlt.s32 v47, v5;
	vm10 =	vlt.s32 v50, v5  }
0x2ce: {  	vm11 =	vlt.s32 v51, v5;
	v45 =	vsel vm12, $0x1, v0;
	v24 =	vsel vm13, $0x1, v0  }
0x2cf: {  	v53 =	vld [tilespmem:s24+$0x30];
	v48 =	vsel vm14, $0x1, v0;
	v49 =	vsel vm15, $0x1, v0;
	v28 =	vsel vm5, $0x1, v0  }
0x2d0: {  	v27 =	vsel vm6, $0x1, v0;
	v54 =	vsel vm8, $0x1, v0;
	v22 =	vpsel p1, v22, v6  }
0x2d1: {  	v56 =	vld [tilespmem:s24+$0x40];
	v52 =	vsel vm7, $0x1, v0;
	v8 =	vadd.s32 v45, v8;
	v22 =	vadd.s32 v54, v22  }
0x2d2: {  	v55 =	vsel vm10, $0x1, v0;
	v13 =	vadd.s32 v24, v13;
	v8 =	vadd.s32 v22, v8  }
0x2d3: {  	v57 =	vld [tilespmem:s24+$0x50];
	v23 =	vsel vm11, $0x1, v0;
	v10 =	vadd.s32 v48, v10;
	v8 =	vadd.s32 v13, v8  }
0x2d4: {  	v59 =	vld [tilespmem:s24+$0x60];
	vm12 =	vlt.s32 v53, v5;
	v11 =	vadd.s32 v49, v11;
	v8 =	vadd.s32 v10, v8  }
0x2d5: {  	v6 =	vpsel p1, v21, v6;
	v12 =	vadd.s32 v28, v12;
	v8 =	vadd.s32 v11, v8  }
0x2d6: {  	vm13 =	vlt.s32 v56, v5;
	v9 =	vadd.s32 v27, v9;
	v8 =	vadd.s32 v12, v8  }
0x2d7: {  	v24 =	vsel vm9, $0x1, v0;
	v16 =	vadd.s32 v52, v16;
	v8 =	vadd.s32 v9, v8  }
0x2d8: {  	vm14 =	vlt.s32 v57, v5;
	v14 =	vadd.s32 v24, v14;
	v8 =	vadd.s32 v16, v8  }
0x2d9: {  	vm15 =	vlt.s32 v59, v5;
	v15 =	vadd.s32 v55, v15;
	v8 =	vadd.s32 v14, v8  }
0x2da: {  	v61 =	vsel vm12, $0x1, v0;
	v11 =	vadd.s32 v23, v58;
	v8 =	vadd.s32 v15, v8  }
0x2db: {  	v13 =	vsel vm13, $0x1, v0;
	v9 =	vadd.s32 v61, v18;
	v8 =	vadd.s32 v11, v8  }
.Ltmp27:
0x2dc: {  	v10 =	vsel vm14, $0x1, v0;
	v5 =	vadd.s32 v13, v17;
	v8 =	vadd.s32 v9, v8;
	(pc) =	sbr.rel .LBB2_36-.Ltmp27, $4  }
0x2dd: {  	v62 =	vsel vm15, $0x1, v0;
	v10 =	vadd.s32 v10, v60;
	v5 =	vadd.s32 v5, v8  }
0x2de: {  	v63 =	vsel vm4, $0x1, v0;
	v6 =	vadd.s32 v62, v6;
	v5 =	vadd.s32 v10, v5  }
0x2df: {  	v7 =	vadd.s32 v63, v7;
	v5 =	vadd.s32 v6, v5  }
0x2e0: {  	v5 =	vadd.s32 v7, v5  }
.LBB2_31:
0x2e1: {  	v19 =	vimm.s32 $0x0  }
.Ltmp28:
0x2e2: {  	v18 =	vimm.s32 $0x0;
	v17 =	vimm.s32 $0x0;
	v20 =	vimm.s32 $0x0;
	(pc) =	sbr.rel .LBB2_35-.Ltmp28, $4  }
0x2e3: {  	v21 =	vimm.s32 $0x0;
	v22 =	vimm.s32 $0x0;
	v7 =	vimm.s32 $0x0  }
0x2e4: {  	v8 =	vimm.s32 $0x0;
	v13 =	vimm.s32 $0x0;
	v10 =	vimm.s32 $0x0  }
0x2e5: {  	v11 =	vimm.s32 $0x0;
	v12 =	vimm.s32 $0x0;
	v9 =	vimm.s32 $0x0  }
0x2e6: {  	v16 =	vimm.s32 $0x0;
	v14 =	vimm.s32 $0x0;
	v15 =	vimm.s32 $0x0  }
.LBB2_33:
.Ltmp29:
0x2e7: {  	(pc) =	sbr.rel .LBB2_35-.Ltmp29, $3  }
0x2e8: {  	_ =	sdelay $0x1  }
0x2e9: {  	v19 =	vimm.s32 $0x0;
	v18 =	vimm.s32 $0x0;
	v17 =	vimm.s32 $0x0  }
0x2ea: {  	v20 =	vimm.s32 $0x0;
	v21 =	vimm.s32 $0x0;
	v22 =	vimm.s32 $0x0  }
.LBB2_37:
0x2eb: {  	_ =	swait.ge [sflag:s11], $0x8000  }
0x2ec: {  	[sflag:s11] =	ssyncset.done $0x0  }
0x2ed: {  	s21 =	simm.s32 $0x18140;
	[sflag:s11] =	ssyncadd.s32 $0xFFFF8000  }
0x2ee: {  	[tilespmem:s12], [sflag:$0x2] =	stream.strided.gather [hbm4b:s6+s9], $0x8000, s10, s9, $0x38;
	[tilespmem:$0x18980] =	vst v63  }
0x2ef: {  	[tilespmem:s21+$0xFFFFFFC0] =	vst v0  }
0x2f0: {  	[tilespmem:s21+$0x30] =	vst v0  }
0x2f1: {  	[tilespmem:s21+$0x20] =	vst v0  }
0x2f2: {  	[tilespmem:s21+$0x10] =	vst v0  }
0x2f3: {  	[tilespmem:s21+$0x0] =	vst v0  }
0x2f4: {  	[tilespmem:s21+$0xFFFFFFF0] =	vst v0  }
0x2f5: {  	s22 =	simm.s32 $0x0;
	[tilespmem:s21+$0xFFFFFFE0] =	vst v0  }
.LBB2_38:
0x2f6: {  	s22 =	sadd.s32 $0x8, s22;
	[tilespmem:s21+$0xFFFFFFD0] =	vst v0;
	s21 =	sadd.s32 $0x80, s21  }
0x2f7: {  	[tilespmem:s21+$0xFFFFFFC0] =	vst v0;
	p0 =	slt.u32 s22, $0x78  }
0x2f8: {  	[tilespmem:s21+$0x30] =	vst v0  }
.Ltmp30:
0x2f9: {  	[tilespmem:s21+$0x20] =	vst v0;
	(pc) =	sbr.rel @p0 .LBB2_38-.Ltmp30, $4  }
0x2fa: {  	[tilespmem:s21+$0x10] =	vst v0  }
0x2fb: {  	[tilespmem:s21+$0x0] =	vst v0  }
0x2fc: {  	[tilespmem:s21+$0xFFFFFFF0] =	vst v0  }
0x2fd: {  	s20 =	simm.s32 $0x80;
	[tilespmem:s21+$0xFFFFFFE0] =	vst v0  }
0x2fe: {  	[tilespmem:s21+$0xFFFFFFD0] =	vst v0  }
0x2ff: {  	v5 =	vld [tilespmem:s20+$0xFFFFFFA0]  }
0x300: {  	v6 =	vld [tilespmem:s20+$0xFFFFFFB0]  }
0x301: {  	v7 =	vld [tilespmem:s20+$0xFFFFFFC0]  }
0x302: {  	v8 =	vld [tilespmem:s20+$0xFFFFFFD0]  }
0x303: {  	v9 =	vld [tilespmem:s20+$0xFFFFFF80]  }
0x304: {  	v10 =	vld [tilespmem:s20+$0x70]  }
0x305: {  	v11 =	vld [tilespmem:s20+$0x60]  }
0x306: {  	v12 =	vld [tilespmem:s20+$0x50]  }
0x307: {  	v13 =	vld [tilespmem:s20+$0x40]  }
0x308: {  	v14 =	vld [tilespmem:s20+$0x30]  }
0x309: {  	v15 =	vld [tilespmem:s20+$0x20];
	v9 =	vshrl.u32 v9, $0x14  }
0x30a: {  	v16 =	vld [tilespmem:s20+$0x10];
	v10 =	vshrl.u32 v10, $0x14;
	v9 =	vand.u32 $0x7FF, v9  }
0x30b: {  	v19 =	vld [tilespmem:s20+$0xFFFFFFE0];
	v11 =	vshrl.u32 v11, $0x14;
	v10 =	vand.u32 $0x7FF, v10  }
0x30c: {  	v17 =	vld [tilespmem:s20+$0x0];
	v12 =	vshrl.u32 v12, $0x14;
	v11 =	vand.u32 $0x7FF, v11  }
0x30d: {  	v18 =	vld [tilespmem:s20+$0xFFFFFFF0];
	v14 =	vshrl.u32 v14, $0x14;
	v12 =	vand.u32 $0x7FF, v12  }
0x30e: {  	v60 =	vld [tilespmem:s20+$0xFFFFFF90];
	v13 =	vshrl.u32 v13, $0x14;
	v56 =	vand.u32 $0x7FF, v14  }
0x30f: {  	v57 =	vshrl.u32 v16, $0x14;
	v13 =	vand.u32 $0x7FF, v13;
	[tilespmem:v9+s13+$0x0] =	vst.idx.add.s32.msk $0xffff, v1  }
0x310: {  	v61 =	vshrl.u32 v19, $0x14;
	v14 =	vand.u32 $0x7FF, v57;
	[tilespmem:v10+s13+$0x0] =	vst.idx.add.s32.msk $0xffff, v1  }
0x311: {  	v59 =	vshrl.u32 v15, $0x14;
	v8 =	vshrl.u32 v8, $0x14;
	v15 =	vand.u32 $0x7FF, v61;
	[tilespmem:v11+s13+$0x0] =	vst.idx.add.s32.msk $0xffff, v1  }
0x312: {  	v6 =	vshrl.u32 v6, $0x14;
	v8 =	vand.u32 $0x7FF, v8;
	[tilespmem:v12+s13+$0x0] =	vst.idx.add.s32.msk $0xffff, v1  }
0x313: {  	v5 =	vshrl.u32 v5, $0x14;
	v6 =	vand.u32 $0x7FF, v6;
	[tilespmem:v56+s13+$0x0] =	vst.idx.add.s32.msk $0xffff, v1  }
0x314: {  	v58 =	vshrl.u32 v17, $0x14;
	v63 =	vand.u32 $0x7FF, v5;
	[tilespmem:v13+s13+$0x0] =	vst.idx.add.s32.msk $0xffff, v1  }
0x315: {  	v10 =	vand.u32 $0x7FF, v58;
	[tilespmem:v14+s13+$0x0] =	vst.idx.add.s32.msk $0xffff, v1  }
0x316: {  	v62 =	vshrl.u32 v18, $0x14;
	v11 =	vand.u32 $0x7FF, v59;
	[tilespmem:v15+s13+$0x0] =	vst.idx.add.s32.msk $0xffff, v1  }
0x317: {  	v5 =	vshrl.u32 v7, $0x14;
	v7 =	vshrl.u32 v60, $0x14;
	v9 =	vand.u32 $0x7FF, v62;
	[tilespmem:v8+s13+$0x0] =	vst.idx.add.s32.msk $0xffff, v1  }
0x318: {  	[tilespmem:v6+s13+$0x0] =	vst.idx.add.s32.msk $0xffff, v1;
	v6 =	vand.u32 $0x7FF, v7  }
0x319: {  	v5 =	vand.u32 $0x7FF, v5;
	[tilespmem:v63+s13+$0x0] =	vst.idx.add.s32.msk $0xffff, v1  }
0x31a: {  	[tilespmem:v10+s13+$0x0] =	vst.idx.add.s32.msk $0xffff, v1  }
0x31b: {  	[tilespmem:v11+s13+$0x0] =	vst.idx.add.s32.msk $0xffff, v1  }
0x31c: {  	s21 =	simm.s32 $0x0;
	[tilespmem:v9+s13+$0x0] =	vst.idx.add.s32.msk $0xffff, v1  }
.LBB2_40:
0x31d: {  	s21 =	sadd.s32 $0x10, s21;
	[tilespmem:v6+s13+$0x0] =	vst.idx.add.s32.msk $0xffff, v1;
	s20 =	sadd.s32 $0x100, s20  }
0x31e: {  	p0 =	slt.u32 s21, $0x7F0;
	[tilespmem:v5+s13+$0x0] =	vst.idx.add.s32.msk $0xffff, v1  }
0x31f: {  	v6 =	vld [tilespmem:s20+$0xFFFFFFA0]  }
0x320: {  	v5 =	vld [tilespmem:s20+$0xFFFFFFB0]  }
0x321: {  	v7 =	vld [tilespmem:s20+$0xFFFFFFC0]  }
0x322: {  	v8 =	vld [tilespmem:s20+$0xFFFFFFD0]  }
0x323: {  	v9 =	vld [tilespmem:s20+$0xFFFFFF80]  }
0x324: {  	v10 =	vld [tilespmem:s20+$0x70]  }
0x325: {  	v11 =	vld [tilespmem:s20+$0x60]  }
0x326: {  	v12 =	vld [tilespmem:s20+$0x50]  }
0x327: {  	v13 =	vld [tilespmem:s20+$0x40]  }
0x328: {  	v9 =	vshrl.u32 v9, $0x14;
	v14 =	vld [tilespmem:s20+$0x30]  }
0x329: {  	v9 =	vand.u32 $0x7FF, v9;
	v15 =	vld [tilespmem:s20+$0x20];
	v10 =	vshrl.u32 v10, $0x14  }
0x32a: {  	v16 =	vld [tilespmem:s20+$0x10];
	v11 =	vshrl.u32 v11, $0x14;
	v10 =	vand.u32 $0x7FF, v10  }
0x32b: {  	v17 =	vld [tilespmem:s20+$0x0];
	v12 =	vshrl.u32 v12, $0x14;
	v11 =	vand.u32 $0x7FF, v11  }
0x32c: {  	v18 =	vld [tilespmem:s20+$0xFFFFFFF0];
	v13 =	vshrl.u32 v13, $0x14;
	v12 =	vand.u32 $0x7FF, v12  }
0x32d: {  	v19 =	vld [tilespmem:s20+$0xFFFFFFE0];
	v14 =	vshrl.u32 v14, $0x14  }
0x32e: {  	[tilespmem:v9+s13+$0x0] =	vst.idx.add.s32.msk $0xffff, v1;
	v9 =	vshrl.u32 v15, $0x14;
	v14 =	vand.u32 $0x7FF, v14  }
0x32f: {  	v13 =	vand.u32 $0x7FF, v13;
	v15 =	vshrl.u32 v16, $0x14;
	v9 =	vand.u32 $0x7FF, v9;
	[tilespmem:v10+s13+$0x0] =	vst.idx.add.s32.msk $0xffff, v1  }
0x330: {  	v10 =	vshrl.u32 v17, $0x14;
	v15 =	vand.u32 $0x7FF, v15;
	[tilespmem:v11+s13+$0x0] =	vst.idx.add.s32.msk $0xffff, v1  }
0x331: {  	v11 =	vshrl.u32 v18, $0x14;
	v10 =	vand.u32 $0x7FF, v10;
	[tilespmem:v12+s13+$0x0] =	vst.idx.add.s32.msk $0xffff, v1  }
0x332: {  	v12 =	vld [tilespmem:s20+$0xFFFFFF90];
	v16 =	vshrl.u32 v19, $0x14;
	v11 =	vand.u32 $0x7FF, v11  }
0x333: {  	v8 =	vshrl.u32 v8, $0x14;
	v16 =	vand.u32 $0x7FF, v16;
	[tilespmem:v14+s13+$0x0] =	vst.idx.add.s32.msk $0xffff, v1  }
0x334: {  	v7 =	vshrl.u32 v7, $0x14;
	v8 =	vand.u32 $0x7FF, v8;
	[tilespmem:v13+s13+$0x0] =	vst.idx.add.s32.msk $0xffff, v1  }
0x335: {  	v13 =	vshrl.u32 v5, $0x14;
	v5 =	vand.u32 $0x7FF, v7;
	[tilespmem:v15+s13+$0x0] =	vst.idx.add.s32.msk $0xffff, v1  }
0x336: {  	v6 =	vshrl.u32 v6, $0x14;
	v7 =	vand.u32 $0x7FF, v13;
	[tilespmem:v10+s13+$0x0] =	vst.idx.add.s32.msk $0xffff, v1  }
0x337: {  	v10 =	vshrl.u32 v12, $0x14;
	v12 =	vand.u32 $0x7FF, v6;
	[tilespmem:v9+s13+$0x0] =	vst.idx.add.s32.msk $0xffff, v1  }
.Ltmp31:
0x338: {  	v6 =	vand.u32 $0x7FF, v10;
	[tilespmem:v16+s13+$0x0] =	vst.idx.add.s32.msk $0xffff, v1;
	(pc) =	sbr.rel @p0 .LBB2_40-.Ltmp31, $4  }
0x339: {  	[tilespmem:v8+s13+$0x0] =	vst.idx.add.s32.msk $0xffff, v1  }
0x33a: {  	[tilespmem:v11+s13+$0x0] =	vst.idx.add.s32.msk $0xffff, v1  }
0x33b: {  	[tilespmem:v7+s13+$0x0] =	vst.idx.add.s32.msk $0xffff, v1  }
0x33c: {  	[tilespmem:v12+s13+$0x0] =	vst.idx.add.s32.msk $0xffff, v1  }
0x33d: {  	_ =	sdelay $0x3  }
0x33e: {  	[tilespmem:v6+s13+$0x0] =	vst.idx.add.s32.msk $0xffff, v1  }
0x33f: {  	[tilespmem:v5+s13+$0x0] =	vst.idx.add.s32.msk $0xffff, v1  }
0x340: {  	v5 =	vld [tilespmem:$0x18100];
	_ =	sdelay $0x4  }
0x341: {  	(xrf0) =	vadd.scan.msk.s32 $0xffff, v5;
	_ =	sdelay $0x5  }
0x342: {  	v5, _, _ =	vpop (xrf0)  }
0x343: {  	(v2sf) =	vpush v5, $0xF;
	_ =	sdelay $0xe  }
0x344: {  	s23 =	spop (v2sf)  }
0x345: {  	p0 =	sgt.s32 s23, $0x4000  }
.Ltmp32:
0x346: {  	_ = 	snop;
	(pc) =	sbr.rel @p0 .LBB2_43-.Ltmp32, $3  }
0x347: {  	_ =	sdelay $0x1  }
0x348: {  	s21 =	simm.s32 $0x0  }
0x349: {  	s24 =	simm.s32 $0x18110;
	s22 =	simm.s32 $0x0;
	s20 =	simm.s32 $0x0  }
.LBB2_42:
0x34a: {  	v5 =	vld [tilespmem:s24+$0x0];
	_ =	sdelay $0x4  }
0x34b: {  	(xrf0) =	vadd.scan.msk.s32 $0xffff, v5;
	_ =	sdelay $0x5  }
0x34c: {  	v5, _, _ =	vpop (xrf0)  }
0x34d: {  	(v2sf) =	vpush v5, $0xF;
	_ =	sdelay $0xe  }
0x34e: {  	s20 =	smov.u32 s23;
	s31 =	spop (v2sf)  }
0x34f: {  	s23 =	sadd.s32 s20, s31  }
0x350: {  	p0 =	slt.s32 s23, $0x4001  }
.Ltmp33:
0x351: {  	_ = 	snop;
	(pc) =	sbr.rel @p0 .LBB2_42-.Ltmp33, $2  }
0x352: {  	_ =	sdelay $0x2  }
0x353: {  	s22 =	sadd.s32 $0x10, s22;
	s24 =	sadd.s32 $0x10, s24  }
.LBB2_43:
0x354: {  	v5 =	vld [tilespmem:s22+$0x18100];
	_ =	sdelay $0x4  }
0x355: {  	(xrf0) =	vadd.scan.msk.s32 $0xffff, v5;
	_ =	sdelay $0x4  }
0x356: {  	s23 =	simm.s32 $0x80  }
0x357: {  	v7 =	vld [tilespmem:s23+$0x70];
	v6, _, _ =	vpop (xrf0)  }
0x358: {  	v8 =	vld [tilespmem:s23+$0x60];
	v5 =	vsub.s32 v6, v5  }
0x359: {  	v10 =	vld [tilespmem:s23+$0x50];
	v6 =	vadd.s32 s20, v6;
	v9 =	vadd.s32 s20, v5  }
0x35a: {  	v11 =	vld [tilespmem:s23+$0x40];
	vm0 =	vgt.s32 v6, $0x4000;
	vm1 =	vlt.s32 v9, $0x4001  }
0x35b: {  	v12 =	vld [tilespmem:s23+$0x30];
	v9 =	vimm.s32 $0x0;
	vm0 =	vmand vm0, vm1  }
0x35c: {  	v13 =	vld [tilespmem:s23+$0x20];
	v9 =	vsel vm0, $0xFFFFFFFF, v9  }
0x35d: {  	v14 =	vld [tilespmem:s23+$0x10];
	[tilespmem:$0x1FF50] =	vst v9  }
0x35e: {  	v16 =	vld [tilespmem:s23+$0xFFFFFFF0]  }
0x35f: {  	v17 =	vld [tilespmem:s23+$0xFFFFFFE0]  }
0x360: {  	v18 =	vld [tilespmem:s23+$0xFFFFFFD0]  }
0x361: {  	v6 =	vor.u32 s22, v2;
	v19 =	vld [tilespmem:s23+$0xFFFFFFC0]  }
0x362: {  	v6 =	vnsel vm0, $0x0, v6;
	v20 =	vld [tilespmem:s23+$0xFFFFFFB0]  }
0x363: {  	(xrf0) =	vadd.scan.msk.s32 $0xffff, v6;
	v22 =	vld [tilespmem:s23+$0xFFFFFF90]  }
0x364: {  	v23 =	vld [tilespmem:s23+$0xFFFFFF80]  }
0x365: {  	v21 =	vld [tilespmem:s23+$0xFFFFFFA0];
	_ =	sdelay $0x1  }
0x366: {  	v8 =	vand.u32 $0x7FFFFFFF, v8;
	v36 =	vand.u32 $0x7FFFFFFF, v14;
	v41 =	vand.u32 $0x7FFFFFFF, v17  }
0x367: {  	v39 =	vand.u32 $0x7FFFFFFF, v16;
	v29 =	vand.u32 $0x7FFFFFFF, v20;
	v33 =	vand.u32 $0x7FFFFFFF, v19  }
0x368: {  	v6, _, _ =	vpop (xrf0);
	v38 =	vand.u32 $0x7FFFFFFF, v18;
	v14 =	vand.u32 $0x7FFFFFFF, v23;
	v19 =	vand.u32 $0x7FFFFFFF, v22  }
0x369: {  	v23 =	vand.u32 $0x7FFFFFFF, v21;
	v9 =	vbroadcast v6, $0xF;
	v22 =	vshrl.u32 v39, $0x14  }
0x36a: {  	v26 =	vshrl.u32 v14, $0x14;
	v27 =	vshrl.u32 v38, $0x14;
	v28 =	vshrl.u32 v41, $0x14  }
0x36b: {  	v30 =	vshrl.u32 v33, $0x14;
	vm15 =	veq.s32 v26, v9;
	v26 =	vshrl.u32 v19, $0x14  }
0x36c: {  	v31 =	vmpcnt.ones.xlane vm15;
	vm14 =	veq.s32 v26, v9;
	v26 =	vshrl.u32 v23, $0x14  }
0x36d: {  	v32 =	vmpcnt.ones.xlane vm14;
	vm13 =	veq.s32 v26, v9;
	v26 =	vshrl.u32 v29, $0x14  }
0x36e: {  	v35 =	vmpcnt.ones.xlane vm13;
	vm12 =	veq.s32 v26, v9;
	(v2sf) =	vpush v31, $0x0  }
0x36f: {  	vm11 =	veq.s32 v30, v9;
	v31 =	vmpcnt.ones.xlane vm12;
	(v2sf) =	vpush v32, $0x0  }
0x370: {  	vm10 =	veq.s32 v27, v9;
	v56 =	vmpcnt.ones.xlane vm11;
	(v2sf) =	vpush v35, $0x0  }
0x371: {  	v15 =	vld [tilespmem:s23+$0x0];
	vm9 =	veq.s32 v28, v9;
	v57 =	vmpcnt.ones.xlane vm10;
	(v2sf) =	vpush v31, $0x0  }
0x372: {  	vm8 =	veq.s32 v22, v9;
	v28 =	vmpcnt.ones.xlane vm9;
	(v2sf) =	vpush v56, $0x0  }
0x373: {  	v7 =	vand.u32 $0x7FFFFFFF, v7;
	v22 =	vmpcnt.ones.xlane vm8;
	(v2sf) =	vpush v57, $0x0  }
0x374: {  	s30 =	simm.s32 $0x180;
	v11 =	vand.u32 $0x7FFFFFFF, v11;
	v10 =	vand.u32 $0x7FFFFFFF, v10;
	(v2sf) =	vpush v28, $0x0  }
0x375: {  	v13 =	vand.u32 $0x7FFFFFFF, v13;
	v12 =	vand.u32 $0x7FFFFFFF, v12;
	v34 =	vld [tilespmem:s30+$0x70];
	(v2sf) =	vpush v22, $0x0  }
0x376: {  	v25 =	vshrl.u32 v36, $0x14;
	v58 =	vld [tilespmem:s30+$0x20];
	v37 =	vand.u32 $0x7FFFFFFF, v15;
	v15 =	vshrl.u32 v10, $0x14  }
0x377: {  	v16 =	vshrl.u32 v8, $0x14;
	v17 =	vshrl.u32 v7, $0x14;
	v18 =	vshrl.u32 v13, $0x14;
	v30 =	vld [tilespmem:s30+$0x50]  }
0x378: {  	v20 =	vshrl.u32 v12, $0x14;
	v21 =	vshrl.u32 v11, $0x14;
	v24 =	vshrl.u32 v37, $0x14;
	v27 =	vld [tilespmem:s30+$0x40]  }
0x379: {  	vm1 =	veq.s32 v24, v9;
	v24 =	vld [tilespmem:s30+$0x10];
	vm0 =	veq.s32 v25, v9;
	v25 =	vimm.s32 $0x0  }
0x37a: {  	vm7 =	veq.s32 v18, v9;
	v59 =	vmpcnt.ones.xlane vm1;
	v25 =	vsel vm0, $0xFFFFFFFF, v25;
	v26 =	vld [tilespmem:s30+$0x60]  }
0x37b: {  	vm6 =	veq.s32 v20, v9;
	vm5 =	veq.s32 v21, v9;
	v31 =	vld [tilespmem:s30+$0x30];
	[tilespmem:$0x1FF60] =	vst v25;
	v25 =	vmpcnt.ones.xlane vm0  }
0x37c: {  	vm4 =	veq.s32 v15, v9;
	v18 =	vmpcnt.ones.xlane vm7;
	(v2sf) =	vpush v59, $0x0  }
0x37d: {  	vm0 =	veq.s32 v2, $0x1;
	v40 =	vld [tilespmem:s30+$0x0];
	v22 =	vmpcnt.ones.xlane vm6;
	(v2sf) =	vpush v25, $0x0;
	s31 =	spop (v2sf)  }
0x37e: {  	v21 =	vmpcnt.ones.xlane vm5;
	v4 =	vsel vm0, s19, v4;
	v47 =	vld [tilespmem:s30+$0xFFFFFF80];
	[tilespmem:s21+$0x10000] =	vst.msk vm15, v14;
	(v2sf) =	vpush v18, $0x0;
	s19 =	sadd.s32 $0x0, s31;
	s22 =	spop (v2sf)  }
0x37f: {  	vm3 =	veq.s32 v16, v9;
	v15 =	vmpcnt.ones.xlane vm4;
	v46 =	vld [tilespmem:s30+$0xFFFFFF90];
	(v2sf) =	vpush v22, $0x0;
	[tilespmem:s19+$0x10000] =	vst.msk vm14, v19;
	s19 =	sadd.s32 s19, s22;
	s23 =	spop (v2sf)  }
0x380: {  	vm2 =	veq.s32 v17, v9;
	v16 =	vmpcnt.ones.xlane vm3;
	v42 =	vld [tilespmem:s30+$0xFFFFFFF0];
	(v2sf) =	vpush v21, $0x0;
	[tilespmem:s19+$0x10000] =	vst.msk vm13, v23;
	s19 =	sadd.s32 s19, s23;
	s24 =	spop (v2sf)  }
0x381: {  	v17 =	vmpcnt.ones.xlane vm2;
	v44 =	vld [tilespmem:s30+$0xFFFFFFB0];
	v28 =	vand.u32 $0x7FFFFFFF, v58;
	(v2sf) =	vpush v15, $0x0;
	[tilespmem:s19+$0x10000] =	vst.msk vm12, v29;
	s19 =	sadd.s32 s19, s24;
	s25 =	spop (v2sf)  }
0x382: {  	v20 =	vld [tilespmem:s30+$0xFFFFFFE0];
	v14 =	vand.u32 $0x7FFFFFFF, v24;
	v35 =	vshrl.u32 v28, $0x14;
	(v2sf) =	vpush v16, $0x0;
	[tilespmem:s19+$0x10000] =	vst.msk vm11, v33;
	s19 =	sadd.s32 s19, s25;
	s26 =	spop (v2sf)  }
0x383: {  	v60 =	vld [tilespmem:s30+$0xFFFFFFD0];
	v25 =	vand.u32 $0x7FFFFFFF, v30;
	v30 =	vand.u32 $0x7FFFFFFF, v47;
	(v2sf) =	vpush v17, $0x0;
	[tilespmem:s19+$0x10000] =	vst.msk vm10, v38;
	s19 =	sadd.s32 s19, s26;
	s28 =	spop (v2sf)  }
0x384: {  	v43 =	vld [tilespmem:s30+$0xFFFFFFC0];
	v24 =	vand.u32 $0x7FFFFFFF, v46;
	v18 =	vand.u32 $0x7FFFFFFF, v34;
	v32 =	vshrl.u32 v25, $0x14;
	[tilespmem:s19+$0x10000] =	vst.msk vm9, v41;
	s19 =	sadd.s32 s19, s28;
	s29 =	spop (v2sf)  }
0x385: {  	v45 =	vld [tilespmem:s30+$0xFFFFFFA0];
	v61 =	vshrl.u32 v30, $0x14;
	v62 =	vshrl.u32 v24, $0x14;
	v22 =	vand.u32 $0x7FFFFFFF, v26;
	[tilespmem:s19+$0x10000] =	vst.msk vm8, v39;
	s21 =	sadd.s32 s19, s29  }
0x386: {  	v26 =	vand.u32 $0x7FFFFFFF, v27;
	v27 =	vand.u32 $0x7FFFFFFF, v31;
	v21 =	vand.u32 $0x7FFFFFFF, v44;
	[tilespmem:s21+$0x10000] =	vst.msk vm1, v37  }
0x387: {  	v31 =	vshrl.u32 v22, $0x14;
	v34 =	vshrl.u32 v27, $0x14;
	v15 =	vand.u32 $0x7FFFFFFF, v40;
	v63 =	vld [tilespmem:$0x1FF60]  }
0x388: {  	v16 =	vand.u32 $0x7FFFFFFF, v42;
	v40 =	vshrl.u32 v15, $0x14;
	v17 =	vand.u32 $0x7FFFFFFF, v20  }
0x389: {  	v20 =	vand.u32 $0x7FFFFFFF, v43;
	v42 =	vshrl.u32 v16, $0x14;
	v19 =	vand.u32 $0x7FFFFFFF, v60  }
0x38a: {  	v23 =	vand.u32 $0x7FFFFFFF, v45;
	v43 =	vshrl.u32 v19, $0x14;
	v29 =	vshrl.u32 v18, $0x14  }
0x38b: {  	v44 =	vshrl.u32 v23, $0x14;
	v33 =	vshrl.u32 v26, $0x14;
	v38 =	vshrl.u32 v14, $0x14;
	s30 =	spop (v2sf)  }
0x38c: {  	v41 =	vshrl.u32 v17, $0x14;
	vm9 =	veq.s32 v61, v9;
	s19 =	simm.s32 $0x10;
	s22 =	sadd.s32 s21, s30;
	s31 =	spop (v2sf);
	vm0 =	vnez.u8 v63  }
0x38d: {  	v39 =	vshrl.u32 v20, $0x14;
	vm8 =	veq.s32 v62, v9;
	v37 =	vmpcnt.ones.xlane vm9;
	s21 =	simm.s32 $0x280;
	s23 =	spop (v2sf);
	[tilespmem:s22+$0x10000] =	vst.msk vm0, v36;
	s22 =	sadd.s32 s22, s31  }
.LBB2_44:
0x38e: {  	v36 =	vld [tilespmem:s21+$0x70];
	v45 =	vmpcnt.ones.xlane vm8;
	vm10 =	veq.s32 v44, v9;
	v44 =	vshrl.u32 v21, $0x14;
	[tilespmem:s22+$0x10000] =	vst.msk vm7, v13;
	s22 =	sadd.s32 s22, s23;
	s23 =	spop (v2sf);
	v13 =	vmovc v28  }
0x38f: {  	v28 =	vld [tilespmem:s21+$0x60];
	v46 =	vmpcnt.ones.xlane vm10;
	vm11 =	veq.s32 v44, v9;
	(v2sf) =	vpush v37, $0x0;
	[tilespmem:s22+$0x10000] =	vst.msk vm6, v12;
	s22 =	sadd.s32 s22, s23;
	s23 =	spop (v2sf);
	v12 =	vmovc v27  }
0x390: {  	vm12 =	veq.s32 v39, v9;
	v27 =	vld [tilespmem:s21+$0x50];
	v37 =	vmpcnt.ones.xlane vm11;
	(v2sf) =	vpush v45, $0x0;
	[tilespmem:s22+$0x10000] =	vst.msk vm5, v11;
	s22 =	sadd.s32 s22, s23;
	s23 =	spop (v2sf);
	v11 =	vmovc v26  }
0x391: {  	vm14 =	veq.s32 v43, v9;
	v39 =	vmpcnt.ones.xlane vm12;
	v26 =	vld [tilespmem:s21+$0x40];
	(v2sf) =	vpush v46, $0x0;
	[tilespmem:s22+$0x10000] =	vst.msk vm4, v10;
	s22 =	sadd.s32 s22, s23;
	s23 =	spop (v2sf);
	v10 =	vmovc v25  }
0x392: {  	vm15 =	veq.s32 v41, v9;
	v25 =	vmpcnt.ones.xlane vm14;
	v43 =	vld [tilespmem:s21+$0x30];
	(v2sf) =	vpush v37, $0x0;
	[tilespmem:s22+$0x10000] =	vst.msk vm3, v8;
	s22 =	sadd.s32 s22, s23;
	s23 =	spop (v2sf);
	v8 =	vmovc v22  }
0x393: {  	vm0 =	veq.s32 v42, v9;
	v22 =	vmpcnt.ones.xlane vm15;
	v37 =	vld [tilespmem:s21+$0x20];
	(v2sf) =	vpush v39, $0x0;
	[tilespmem:s22+$0x10000] =	vst.msk vm2, v7;
	s22 =	sadd.s32 s22, s23;
	v7 =	vmovc v18  }
0x394: {  	vm1 =	veq.s32 v40, v9;
	v18 =	vmpcnt.ones.xlane vm0;
	v39 =	vld [tilespmem:s21+$0x10];
	[tilespmem:s22+$0x10000] =	vst.msk vm9, v30;
	(v2sf) =	vpush v25, $0x0  }
0x395: {  	vm13 =	veq.s32 v38, v9;
	v25 =	vmpcnt.ones.xlane vm1;
	v30 =	vld [tilespmem:s21+$0x0];
	(v2sf) =	vpush v22, $0x0  }
0x396: {  	vm7 =	veq.s32 v35, v9;
	v22 =	vmpcnt.ones.xlane vm13;
	v38 =	vld [tilespmem:s21+$0xFFFFFFF0];
	(v2sf) =	vpush v18, $0x0  }
0x397: {  	vm6 =	veq.s32 v34, v9;
	v18 =	vmpcnt.ones.xlane vm7;
	v35 =	vld [tilespmem:s21+$0xFFFFFFE0];
	(v2sf) =	vpush v25, $0x0  }
0x398: {  	vm5 =	veq.s32 v33, v9;
	v25 =	vmpcnt.ones.xlane vm6;
	v34 =	vld [tilespmem:s21+$0xFFFFFFD0];
	(v2sf) =	vpush v22, $0x0  }
0x399: {  	vm4 =	veq.s32 v32, v9;
	v22 =	vmpcnt.ones.xlane vm5;
	v33 =	vld [tilespmem:s21+$0xFFFFFFC0];
	(v2sf) =	vpush v18, $0x0  }
0x39a: {  	vm3 =	veq.s32 v31, v9;
	v18 =	vmpcnt.ones.xlane vm4;
	v32 =	vld [tilespmem:s21+$0xFFFFFFB0];
	(v2sf) =	vpush v25, $0x0  }
0x39b: {  	vm2 =	veq.s32 v29, v9;
	v25 =	vmpcnt.ones.xlane vm3;
	v31 =	vld [tilespmem:s21+$0xFFFFFFA0];
	(v2sf) =	vpush v22, $0x0  }
0x39c: {  	v40 =	vmpcnt.ones.xlane vm2;
	v29 =	vld [tilespmem:s21+$0xFFFFFF90];
	(v2sf) =	vpush v18, $0x0  }
0x39d: {  	v22 =	vand.u32 $0x7FFFFFFF, v28;
	v18 =	vand.u32 $0x7FFFFFFF, v36;
	v41 =	vld [tilespmem:s21+$0xFFFFFF80];
	(v2sf) =	vpush v25, $0x0  }
0x39e: {  	v26 =	vand.u32 $0x7FFFFFFF, v26;
	v25 =	vand.u32 $0x7FFFFFFF, v27;
	s23 =	spop (v2sf);
	(v2sf) =	vpush v40, $0x0  }
0x39f: {  	v28 =	vand.u32 $0x7FFFFFFF, v37;
	v36 =	vand.u32 $0x7FFFFFFF, v39;
	v27 =	vand.u32 $0x7FFFFFFF, v43;
	s22 =	sadd.s32 s22, s23;
	s23 =	spop (v2sf)  }
0x3a0: {  	s19 =	sadd.s32 $0x10, s19;
	v44 =	vand.u32 $0x7FFFFFFF, v30;
	v37 =	vand.u32 $0x7FFFFFFF, v35;
	v39 =	vand.u32 $0x7FFFFFFF, v38;
	[tilespmem:s22+$0x10000] =	vst.msk vm8, v24;
	s22 =	sadd.s32 s22, s23;
	s23 =	spop (v2sf)  }
0x3a1: {  	p0 =	slt.u32 s19, $0x7F0;
	v38 =	vand.u32 $0x7FFFFFFF, v34;
	v33 =	vand.u32 $0x7FFFFFFF, v33;
	v32 =	vand.u32 $0x7FFFFFFF, v32;
	[tilespmem:s22+$0x10000] =	vst.msk vm10, v23;
	s22 =	sadd.s32 s22, s23;
	s23 =	spop (v2sf)  }
0x3a2: {  	v24 =	vand.u32 $0x7FFFFFFF, v29;
	v23 =	vand.u32 $0x7FFFFFFF, v31;
	v30 =	vand.u32 $0x7FFFFFFF, v41;
	[tilespmem:s22+$0x10000] =	vst.msk vm11, v21;
	s22 =	sadd.s32 s22, s23;
	s23 =	spop (v2sf);
	v21 =	vmovc v32  }
0x3a3: {  	v31 =	vshrl.u32 v22, $0x14;
	v29 =	vshrl.u32 v18, $0x14;
	v32 =	vshrl.u32 v25, $0x14;
	[tilespmem:s22+$0x10000] =	vst.msk vm12, v20;
	s22 =	sadd.s32 s22, s23;
	s23 =	spop (v2sf);
	v20 =	vmovc v33  }
.Ltmp34:
0x3a4: {  	v35 =	vshrl.u32 v28, $0x14;
	v34 =	vshrl.u32 v27, $0x14;
	v33 =	vshrl.u32 v26, $0x14;
	[tilespmem:s22+$0x10000] =	vst.msk vm14, v19;
	s22 =	sadd.s32 s22, s23;
	s23 =	spop (v2sf);
	v19 =	vmovc v38;
	(pc) =	sbr.rel @p0 .LBB2_44-.Ltmp34, $4  }
0x3a5: {  	v42 =	vshrl.u32 v39, $0x14;
	v40 =	vshrl.u32 v44, $0x14;
	v38 =	vshrl.u32 v36, $0x14;
	[tilespmem:s22+$0x10000] =	vst.msk vm15, v17;
	s22 =	sadd.s32 s22, s23;
	s23 =	spop (v2sf);
	v17 =	vmovc v37  }
0x3a6: {  	v37 =	vshrl.u32 v30, $0x14;
	v43 =	vshrl.u32 v19, $0x14;
	v41 =	vshrl.u32 v17, $0x14;
	[tilespmem:s22+$0x10000] =	vst.msk vm0, v16;
	s22 =	sadd.s32 s22, s23;
	s23 =	spop (v2sf);
	v16 =	vmovc v39  }
0x3a7: {  	v45 =	vshrl.u32 v24, $0x14;
	vm9 =	veq.s32 v37, v9;
	v39 =	vshrl.u32 v20, $0x14;
	[tilespmem:s22+$0x10000] =	vst.msk vm1, v15;
	s22 =	sadd.s32 s22, s23;
	s23 =	spop (v2sf);
	v15 =	vmovc v44  }
0x3a8: {  	s21 =	sadd.s32 $0x100, s21;
	vm8 =	veq.s32 v45, v9;
	v37 =	vmpcnt.ones.xlane vm9;
	v44 =	vshrl.u32 v23, $0x14;
	[tilespmem:s22+$0x10000] =	vst.msk vm13, v14;
	s22 =	sadd.s32 s22, s23;
	s23 =	spop (v2sf);
	v14 =	vmovc v36  }
0x3a9: {  	_ = 	snop  }
0x3aa: {  	(v2sf) =	vpush v37, $0x0;
	_ =	sdelay $0x1  }
0x3ab: {  	v36 =	vmpcnt.ones.xlane vm8;
	vm0 =	veq.s32 v44, v9  }
0x3ac: {  	v63 =	vimm.s32 $0x0;
	v48 =	vshrl.u32 v21, $0x14;
	vm10 =	veq.s32 v39, v9  }
0x3ad: {  	vm11 =	veq.s32 v43, v9;
	v57 =	vimm.s32 $0x0;
	v59 =	vimm.s32 $0x0  }
0x3ae: {  	v44 =	vsel vm0, $0xFFFFFFFF, v63;
	v49 =	vmpcnt.ones.xlane vm0;
	vm1 =	veq.s32 v48, v9  }
0x3af: {  	vm0 =	veq.s32 v35, v9;
	(v2sf) =	vpush v36, $0x0;
	v50 =	vmpcnt.ones.xlane vm1  }
0x3b0: {  	[tilespmem:$0x1FF20] =	vst v44;
	v35 =	vsel vm0, $0xFFFFFFFF, v57;
	v58 =	vmpcnt.ones.xlane vm0;
	vm0 =	veq.s32 v34, v9  }
0x3b1: {  	v51 =	vmpcnt.ones.xlane vm10;
	(v2sf) =	vpush v49, $0x0;
	[tilespmem:$0x1FF30] =	vst v35;
	v34 =	vsel vm0, $0xFFFFFFFF, v59  }
0x3b2: {  	vm12 =	veq.s32 v41, v9;
	v52 =	vmpcnt.ones.xlane vm11;
	(v2sf) =	vpush v50, $0x0;
	[tilespmem:$0x1FF40] =	vst v34  }
0x3b3: {  	vm13 =	veq.s32 v42, v9;
	s19 =	sadd.s32 s22, s23;
	s21 =	spop (v2sf);
	v53 =	vmpcnt.ones.xlane vm12;
	(v2sf) =	vpush v51, $0x0;
	[tilespmem:s22+$0x10000] =	vst.msk vm7, v13  }
0x3b4: {  	vm14 =	veq.s32 v40, v9;
	v54 =	vmpcnt.ones.xlane vm13;
	s24 =	spop (v2sf);
	[tilespmem:s19+$0x10000] =	vst.msk vm6, v12;
	s19 =	sadd.s32 s19, s21;
	(v2sf) =	vpush v52, $0x0  }
0x3b5: {  	v55 =	vmpcnt.ones.xlane vm14;
	s25 =	spop (v2sf);
	[tilespmem:s19+$0x10000] =	vst.msk vm5, v11;
	s19 =	sadd.s32 s19, s24;
	(v2sf) =	vpush v53, $0x0  }
0x3b6: {  	s26 =	spop (v2sf);
	[tilespmem:s19+$0x10000] =	vst.msk vm4, v10;
	s19 =	sadd.s32 s19, s25;
	(v2sf) =	vpush v54, $0x0  }
0x3b7: {  	s28 =	spop (v2sf);
	[tilespmem:s19+$0x10000] =	vst.msk vm3, v8;
	s19 =	sadd.s32 s19, s26;
	(v2sf) =	vpush v55, $0x0  }
0x3b8: {  	[tilespmem:s19+$0x10000] =	vst.msk vm2, v7;
	s19 =	sadd.s32 s19, s28;
	s29 =	spop (v2sf)  }
0x3b9: {  	[tilespmem:s19+$0x10000] =	vst.msk vm9, v30;
	s19 =	sadd.s32 s19, s29  }
0x3ba: {  	[tilespmem:s19+$0x10000] =	vst.msk vm8, v24  }
0x3bb: {  	vm15 =	veq.s32 v38, v9;
	v7 =	vld [tilespmem:$0x1FF20]  }
0x3bc: {  	v56 =	vmpcnt.ones.xlane vm15;
	_ =	sdelay $0x1  }
0x3bd: {  	(v2sf) =	vpush v56, $0x0  }
0x3be: {  	s30 =	spop (v2sf)  }
0x3bf: {  	s19 =	sadd.s32 s19, s30;
	s31 =	spop (v2sf);
	vm9 =	vnez.u8 v7  }
0x3c0: {  	s22 =	spop (v2sf);
	[tilespmem:s19+$0x10000] =	vst.msk vm9, v23;
	s19 =	sadd.s32 s19, s31  }
0x3c1: {  	s23 =	spop (v2sf);
	[tilespmem:s19+$0x10000] =	vst.msk vm1, v21;
	s19 =	sadd.s32 s19, s22  }
0x3c2: {  	s24 =	spop (v2sf);
	[tilespmem:s19+$0x10000] =	vst.msk vm10, v20;
	s19 =	sadd.s32 s19, s23  }
0x3c3: {  	v60 =	vmpcnt.ones.xlane vm0;
	vm0 =	veq.s32 v33, v9;
	s25 =	spop (v2sf);
	[tilespmem:s19+$0x10000] =	vst.msk vm11, v19;
	s19 =	sadd.s32 s19, s24  }
0x3c4: {  	v61 =	vmpcnt.ones.xlane vm0;
	vm7 =	veq.s32 v32, v9;
	(v2sf) =	vpush v58, $0x0;
	s26 =	spop (v2sf);
	[tilespmem:s19+$0x10000] =	vst.msk vm12, v17;
	s19 =	sadd.s32 s19, s25  }
0x3c5: {  	vm6 =	veq.s32 v31, v9;
	v62 =	vmpcnt.ones.xlane vm7;
	(v2sf) =	vpush v60, $0x0;
	s28 =	spop (v2sf);
	[tilespmem:s19+$0x10000] =	vst.msk vm13, v16;
	s19 =	sadd.s32 s19, s26  }
0x3c6: {  	v63 =	vmpcnt.ones.xlane vm6;
	vm5 =	veq.s32 v29, v9;
	(v2sf) =	vpush v61, $0x0;
	[tilespmem:s19+$0x10000] =	vst.msk vm14, v15;
	s19 =	sadd.s32 s19, s28  }
0x3c7: {  	v9 =	vmpcnt.ones.xlane vm5;
	(v2sf) =	vpush v62, $0x0;
	[tilespmem:s19+$0x10000] =	vst.msk vm15, v14  }
0x3c8: {  	(v2sf) =	vpush v63, $0x0;
	v7 =	vld [tilespmem:$0x1FF30]  }
0x3c9: {  	(v2sf) =	vpush v9, $0x0;
	_ =	sdelay $0x2  }
0x3ca: {  	s29 =	spop (v2sf)  }
0x3cb: {  	s19 =	sadd.s32 s19, s29;
	vm13 =	vnez.u8 v7  }
0x3cc: {  	[tilespmem:s19+$0x10000] =	vst.msk vm13, v28  }
0x3cd: {  	v7 =	vld [tilespmem:$0x1FF40];
	_ =	sdelay $0x3  }
0x3ce: {  	s30 =	spop (v2sf)  }
0x3cf: {  	s31 =	spop (v2sf);
	s19 =	sadd.s32 s19, s30;
	vm14 =	vnez.u8 v7  }
0x3d0: {  	s22 =	spop (v2sf);
	[tilespmem:s19+$0x10000] =	vst.msk vm14, v27;
	s19 =	sadd.s32 s19, s31  }
0x3d1: {  	s23 =	spop (v2sf);
	[tilespmem:s19+$0x10000] =	vst.msk vm0, v26;
	s19 =	sadd.s32 s19, s22  }
0x3d2: {  	s24 =	spop (v2sf);
	[tilespmem:s19+$0x10000] =	vst.msk vm7, v25;
	s19 =	sadd.s32 s19, s23  }
0x3d3: {  	s25 =	spop (v2sf);
	[tilespmem:s19+$0x10000] =	vst.msk vm6, v22;
	s19 =	sadd.s32 s19, s24  }
0x3d4: {  	[tilespmem:s19+$0x10000] =	vst.msk vm5, v18;
	s19 =	sadd.s32 s19, s25  }
0x3d5: {  	[tilespmem:s19+$0x10000] =	vst v3  }
0x3d6: {  	[tilespmem:s19+$0x10010] =	vst v3  }
0x3d7: {  	[tilespmem:s19+$0x10020] =	vst v3;
	v7 =	vld [tilespmem:$0x1FF50]  }
0x3d8: {  	[tilespmem:s19+$0x10030] =	vst v3  }
0x3d9: {  	[tilespmem:s19+$0x10040] =	vst v3  }
0x3da: {  	[tilespmem:s19+$0x10050] =	vst v3  }
0x3db: {  	s20 =	ssub.s32 $0x4000, s20;
	[tilespmem:s19+$0x10060] =	vst v3  }
0x3dc: {  	v5 =	vsub.s32 s20, v5;
	[tilespmem:s19+$0x10070] =	vst v3;
	vm15 =	vnez.u8 v7  }
0x3dd: {  	[tilespmem:s19+$0x10080] =	vst v3;
	v5 =	vnsel vm15, $0x0, v5  }
0x3de: {  	[tilespmem:s19+$0x10090] =	vst v3;
	(xrf0) =	vadd.scan.msk.s32 $0xffff, v5  }
0x3df: {  	[tilespmem:s19+$0x100A0] =	vst v3  }
0x3e0: {  	[tilespmem:s19+$0x100B0] =	vst v3  }
0x3e1: {  	[tilespmem:s19+$0x100C0] =	vst v3  }
0x3e2: {  	[tilespmem:s19+$0x100D0] =	vst v3  }
0x3e3: {  	[tilespmem:s19+$0x100E0] =	vst v3  }
0x3e4: {  	(v2sf) =	vpush v6, $0xF;
	[tilespmem:s19+$0x100F0] =	vst v3;
	v5, _, _ =	vpop (xrf0)  }
0x3e5: {  	[tilespmem:s19+$0x10100] =	vst v3;
	(v2sf) =	vpush v5, $0xF  }
0x3e6: {  	[tilespmem:s19+$0x10110] =	vst v3  }
0x3e7: {  	[tilespmem:s19+$0x10120] =	vst v3  }
0x3e8: {  	[tilespmem:s19+$0x10130] =	vst v3  }
0x3e9: {  	[tilespmem:s19+$0x10140] =	vst v3  }
0x3ea: {  	[tilespmem:s19+$0x10150] =	vst v3  }
0x3eb: {  	[tilespmem:s19+$0x10160] =	vst v3  }
0x3ec: {  	[tilespmem:s19+$0x10170] =	vst v3  }
0x3ed: {  	[tilespmem:s19+$0x10180] =	vst v3;
	s26 =	sadd.s32 $0xFF, s19  }
0x3ee: {  	[tilespmem:s19+$0x10190] =	vst v3;
	s28 =	sand.u32 $0xFF, s26  }
0x3ef: {  	[tilespmem:s19+$0x101A0] =	vst v3;
	s29 =	sshra.s32 s26, $0x1F;
	p0 =	slt.s32 s26, $0x1;
	p1 =	sne.s32 s28, $0x0  }
.Ltmp35:
0x3f0: {  	[tilespmem:s19+$0x101B0] =	vst v3;
	s30 =	sshrl.u32 s29, $0x18;
	p0 =	por !p0, !p1;
	(pc) =	sbr.rel .LBB2_46-.Ltmp35, $4  }
0x3f1: {  	s21 =	simm.s32 $0x1;
	[tilespmem:s19+$0x101C0] =	vst v3;
	s20 =	sadd.s32 s30, s26;
	p0 =	por !p0, !p0  }
0x3f2: {  	[tilespmem:s19+$0x101D0] =	vst v3;
	s20 =	sshra.s32 s20, $0x8;
	s21 =	simm.s32 @!p0 $0x0  }
0x3f3: {  	s31 =	spop (v2sf);
	s22 =	simm.s32 $0x0;
	[tilespmem:s19+$0x101E0] =	vst v3;
	s20 =	ssub.s32 s20, s21  }
0x3f4: {  	s23 =	sshll.u32 s31, $0x14;
	[tilespmem:s19+$0x101F0] =	vst v3;
	p0 =	slt.s32 s20, $0x1;
	s21 =	spop (v2sf)  }
.LBB2_47:
0x3f5: {  	v5 =	vimm.s32 $0x0  }
.LBB2_54:
0x3f6: {  	(xrf0) =	vadd.scan.msk.s32 $0xffff, v5;
	_ =	sdelay $0x5  }
0x3f7: {  	v5, _, _ =	vpop (xrf0)  }
0x3f8: {  	(v2sf) =	vpush v5, $0xF;
	_ =	sdelay $0xe  }
0x3f9: {  	s24 =	spop (v2sf)  }
0x3fa: {  	s22 =	sadd.s32 $0x1, s22;
	p1 =	sgt.s32 s24, s21  }
0x3fb: {  	s19 =	smov.u32 @p1 s23;
	p1 =	sne.s32 s22, $0x14  }
.Ltmp36:
0x3fc: {  	_ = 	snop;
	(pc) =	sbr.rel @!p1 .LBB2_55-.Ltmp36, $2  }
0x3fd: {  	_ =	sdelay $0x2  }
0x3fe: {  	s23 =	smov.u32 s19  }
.LBB2_46:
.Ltmp37:
0x3ff: {  	(pc) =	sbr.rel @p0 .LBB2_47-.Ltmp37, $3  }
0x400: {  	_ =	sdelay $0x1  }
0x401: {  	s19 =	sshrl.u32 s14, s22  }
0x402: {  	s19 =	sor.u32 s19, s23  }
0x403: {  	p2 =	sne.s32 s20, $0x1  }
.Ltmp38:
0x404: {  	_ = 	snop;
	(pc) =	sbr.rel @!p2 .LBB2_49-.Ltmp38, $3  }
0x405: {  	_ =	sdelay $0x1  }
0x406: {  	s24 =	simm.s32 $0x10080  }
0x407: {  	v5 =	vmov s19;
	v6 =	vimm.s32 $0x0;
	s25 =	sadd.s32 $0xFFFFFFFF, s20;
	p1 =	por $0x0, $0x0;
	v23 =	vld [tilespmem:s24+$0x70]  }
0x408: {  	v7 =	vld [tilespmem:s24+$0xFFFFFF90]  }
0x409: {  	v8 =	vld [tilespmem:s24+$0xFFFFFFA0]  }
0x40a: {  	v9 =	vld [tilespmem:s24+$0xFFFFFFB0]  }
0x40b: {  	v10 =	vld [tilespmem:s24+$0xFFFFFFC0]  }
0x40c: {  	v11 =	vld [tilespmem:s24+$0xFFFFFFD0];
	v20 =	vimm.s32 $0x0;
	v21 =	vimm.s32 $0x0;
	vm0 =	vlt.s32 v23, v5  }
0x40d: {  	v12 =	vld [tilespmem:s24+$0xFFFFFFE0];
	v22 =	vimm.s32 $0x0;
	vm1 =	vlt.s32 v7, v5;
	v7 =	vsel vm0, $0x1, v0  }
0x40e: {  	v14 =	vld [tilespmem:s24+$0xFFFFFFF0];
	vm0 =	vlt.s32 v8, v5;
	v13 =	vsel vm1, $0x1, v0;
	v7 =	vadd.s32 v7, v6  }
0x40f: {  	v15 =	vld [tilespmem:s24+$0x0];
	v16 =	vsel vm0, $0x1, v0;
	vm0 =	vlt.s32 v9, v5;
	v8 =	vadd.s32 v13, v6  }
0x410: {  	v17 =	vld [tilespmem:s24+$0x10];
	v9 =	vsel vm0, $0x1, v0;
	vm0 =	vlt.s32 v10, v5;
	v13 =	vadd.s32 v16, v6  }
0x411: {  	v18 =	vld [tilespmem:s24+$0x20];
	v16 =	vsel vm0, $0x1, v0;
	vm0 =	vlt.s32 v11, v5;
	v10 =	vadd.s32 v9, v6  }
0x412: {  	v19 =	vld [tilespmem:s24+$0x30];
	v9 =	vsel vm0, $0x1, v0;
	vm0 =	vlt.s32 v12, v5;
	v11 =	vadd.s32 v16, v6  }
0x413: {  	p2 =	sne.s32 s25, $0x1;
	v16 =	vsel vm0, $0x1, v0;
	vm0 =	vlt.s32 v14, v5;
	v12 =	vadd.s32 v9, v6  }
.Ltmp39:
0x414: {  	v24 =	vld [tilespmem:s24+$0x40];
	v14 =	vsel vm0, $0x1, v0;
	vm0 =	vlt.s32 v15, v5;
	v9 =	vadd.s32 v16, v6;
	(pc) =	sbr.rel @!p2 .LBB2_51-.Ltmp39, $4  }
0x415: {  	v25 =	vld [tilespmem:s24+$0x50];
	v15 =	vsel vm0, $0x1, v0;
	vm0 =	vlt.s32 v17, v5;
	v16 =	vadd.s32 v14, v6  }
0x416: {  	v26 =	vld [tilespmem:s24+$0x60];
	v17 =	vsel vm0, $0x1, v0;
	vm0 =	vlt.s32 v18, v5;
	v14 =	vadd.s32 v15, v6  }
0x417: {  	v27 =	vld [tilespmem:s24+$0xFFFFFF80];
	s24 =	simm.s32 $0x10180;
	v18 =	vimm.s32 $0x0;
	v28 =	vsel vm0, $0x1, v0;
	vm0 =	vlt.s32 v19, v5  }
0x418: {  	s25 =	sadd.s32 $0xFFFFFFFF, s25;
	p1 =	por $0x1, $0x1;
	v23 =	vld [tilespmem:s24+$0x70];
	v15 =	vadd.s32 v17, v6;
	v19 =	vimm.s32 $0x0;
	v17 =	vimm.s32 $0x0  }
.LBB2_52:
0x419: {  	p2 =	sne.s32 s25, $0x1;
	v29 =	vld [tilespmem:s24+$0xFFFFFF90];
	v30 =	vsel vm0, $0x1, v0;
	vm0 =	vlt.s32 v24, v5;
	v19 =	vadd.s32 v28, v19  }
0x41a: {  	v24 =	vld [tilespmem:s24+$0xFFFFFFA0];
	v28 =	vsel vm0, $0x1, v0;
	vm0 =	vlt.s32 v25, v5;
	v18 =	vadd.s32 v30, v18  }
0x41b: {  	v25 =	vld [tilespmem:s24+$0xFFFFFFB0];
	v30 =	vsel vm0, $0x1, v0;
	vm0 =	vlt.s32 v26, v5;
	v17 =	vadd.s32 v28, v17  }
0x41c: {  	v26 =	vld [tilespmem:s24+$0xFFFFFFC0];
	vm1 =	vlt.s32 v27, v5;
	v27 =	vsel vm0, $0x1, v0;
	v20 =	vadd.s32 v30, v20  }
0x41d: {  	v28 =	vld [tilespmem:s24+$0xFFFFFFD0];
	vm0 =	vlt.s32 v23, v5;
	v23 =	vsel vm1, $0x1, v0;
	v21 =	vadd.s32 v27, v21  }
0x41e: {  	v27 =	vld [tilespmem:s24+$0xFFFFFFE0];
	vm1 =	vlt.s32 v29, v5;
	v29 =	vsel vm0, $0x1, v0;
	v22 =	vadd.s32 v23, v22  }
0x41f: {  	v23 =	vld [tilespmem:s24+$0xFFFFFFF0];
	v30 =	vsel vm1, $0x1, v0;
	vm0 =	vlt.s32 v24, v5;
	v7 =	vadd.s32 v29, v7  }
0x420: {  	v29 =	vld [tilespmem:s24+$0x0];
	v24 =	vsel vm0, $0x1, v0;
	vm0 =	vlt.s32 v25, v5;
	v8 =	vadd.s32 v30, v8  }
0x421: {  	v30 =	vld [tilespmem:s24+$0x10];
	v25 =	vsel vm0, $0x1, v0;
	vm0 =	vlt.s32 v26, v5;
	v13 =	vadd.s32 v24, v13  }
0x422: {  	v31 =	vld [tilespmem:s24+$0x20];
	v24 =	vsel vm0, $0x1, v0;
	vm0 =	vlt.s32 v28, v5;
	v10 =	vadd.s32 v25, v10  }
0x423: {  	v32 =	vld [tilespmem:s24+$0x30];
	v25 =	vsel vm0, $0x1, v0;
	vm0 =	vlt.s32 v27, v5;
	v11 =	vadd.s32 v24, v11  }
.Ltmp40:
0x424: {  	v24 =	vld [tilespmem:s24+$0x40];
	v26 =	vsel vm0, $0x1, v0;
	vm0 =	vlt.s32 v23, v5;
	v12 =	vadd.s32 v25, v12;
	(pc) =	sbr.rel @p2 .LBB2_52-.Ltmp40, $4  }
0x425: {  	v25 =	vld [tilespmem:s24+$0x50];
	v23 =	vsel vm0, $0x1, v0;
	vm0 =	vlt.s32 v29, v5;
	v9 =	vadd.s32 v26, v9  }
0x426: {  	v26 =	vld [tilespmem:s24+$0x60];
	v28 =	vsel vm0, $0x1, v0;
	vm0 =	vlt.s32 v30, v5;
	v16 =	vadd.s32 v23, v16  }
0x427: {  	v27 =	vld [tilespmem:s24+$0xFFFFFF80];
	v29 =	vsel vm0, $0x1, v0;
	vm0 =	vlt.s32 v31, v5;
	v14 =	vadd.s32 v28, v14;
	s24 =	sadd.s32 $0x100, s24  }
0x428: {  	s25 =	sadd.s32 $0xFFFFFFFF, s25;
	v23 =	vld [tilespmem:s24+$0x70];
	v28 =	vsel vm0, $0x1, v0;
	vm0 =	vlt.s32 v32, v5;
	v15 =	vadd.s32 v29, v15  }
.LBB2_53:
0x429: {  	v29 =	vld [tilespmem:s24+$0xFFFFFF90]  }
0x42a: {  	v39 =	vld [tilespmem:s24+$0xFFFFFFA0]  }
0x42b: {  	v40 =	vld [tilespmem:s24+$0xFFFFFFB0]  }
0x42c: {  	v41 =	vld [tilespmem:s24+$0xFFFFFFC0]  }
0x42d: {  	v42 =	vld [tilespmem:s24+$0xFFFFFFD0]  }
0x42e: {  	v30 =	vsel @p1 vm0, $0x1, v0;
	vm0 =	vlt.s32 @p1 v24, v5;
	v19 =	vadd.s32 @p1 v28, v19;
	v43 =	vld [tilespmem:s24+$0xFFFFFFE0]  }
0x42f: {  	v44 =	vld [tilespmem:s24+$0xFFFFFFF0];
	v28 =	vsel @p1 vm0, $0x1, v0;
	vm0 =	vlt.s32 @p1 v25, v5;
	v18 =	vadd.s32 @p1 v30, v18  }
0x430: {  	v46 =	vld [tilespmem:s24+$0xFFFFFF80];
	v58 =	vpsel p1, v19, v6;
	v30 =	vsel @p1 vm0, $0x1, v0;
	vm0 =	vlt.s32 @p1 v26, v5  }
0x431: {  	v47 =	vld [tilespmem:s24+$0x0];
	v17 =	vadd.s32 @p1 v28, v17;
	v18 =	vpsel p1, v18, v6;
	vm1 =	vlt.s32 @p1 v27, v5  }
0x432: {  	v50 =	vld [tilespmem:s24+$0x10];
	v27 =	vsel @p1 vm0, $0x1, v0;
	v20 =	vadd.s32 @p1 v30, v20;
	v17 =	vpsel p1, v17, v6  }
0x433: {  	v51 =	vld [tilespmem:s24+$0x20];
	v30 =	vsel @p1 vm1, $0x1, v0;
	v21 =	vadd.s32 @p1 v27, v21;
	vm4 =	vlt.s32 v23, v5  }
0x434: {  	v60 =	vpsel p1, v20, v6;
	vm12 =	vlt.s32 v29, v5;
	v22 =	vadd.s32 @p1 v30, v22  }
0x435: {  	vm13 =	vlt.s32 v39, v5;
	vm14 =	vlt.s32 v40, v5;
	vm15 =	vlt.s32 v41, v5  }
0x436: {  	vm5 =	vlt.s32 v42, v5;
	vm6 =	vlt.s32 v43, v5;
	vm7 =	vlt.s32 v44, v5  }
0x437: {  	vm8 =	vlt.s32 v46, v5;
	vm9 =	vlt.s32 v47, v5;
	vm10 =	vlt.s32 v50, v5  }
0x438: {  	vm11 =	vlt.s32 v51, v5;
	v45 =	vsel vm12, $0x1, v0;
	v24 =	vsel vm13, $0x1, v0  }
0x439: {  	v53 =	vld [tilespmem:s24+$0x30];
	v48 =	vsel vm14, $0x1, v0;
	v49 =	vsel vm15, $0x1, v0;
	v28 =	vsel vm5, $0x1, v0  }
0x43a: {  	v27 =	vsel vm6, $0x1, v0;
	v54 =	vsel vm8, $0x1, v0;
	v22 =	vpsel p1, v22, v6  }
0x43b: {  	v56 =	vld [tilespmem:s24+$0x40];
	v52 =	vsel vm7, $0x1, v0;
	v8 =	vadd.s32 v45, v8;
	v22 =	vadd.s32 v54, v22  }
0x43c: {  	v55 =	vsel vm10, $0x1, v0;
	v13 =	vadd.s32 v24, v13;
	v8 =	vadd.s32 v22, v8  }
0x43d: {  	v57 =	vld [tilespmem:s24+$0x50];
	v23 =	vsel vm11, $0x1, v0;
	v10 =	vadd.s32 v48, v10;
	v8 =	vadd.s32 v13, v8  }
0x43e: {  	v59 =	vld [tilespmem:s24+$0x60];
	vm12 =	vlt.s32 v53, v5;
	v11 =	vadd.s32 v49, v11;
	v8 =	vadd.s32 v10, v8  }
0x43f: {  	v6 =	vpsel p1, v21, v6;
	v12 =	vadd.s32 v28, v12;
	v8 =	vadd.s32 v11, v8  }
0x440: {  	vm13 =	vlt.s32 v56, v5;
	v9 =	vadd.s32 v27, v9;
	v8 =	vadd.s32 v12, v8  }
0x441: {  	v24 =	vsel vm9, $0x1, v0;
	v16 =	vadd.s32 v52, v16;
	v8 =	vadd.s32 v9, v8  }
0x442: {  	vm14 =	vlt.s32 v57, v5;
	v14 =	vadd.s32 v24, v14;
	v8 =	vadd.s32 v16, v8  }
0x443: {  	vm15 =	vlt.s32 v59, v5;
	v15 =	vadd.s32 v55, v15;
	v8 =	vadd.s32 v14, v8  }
0x444: {  	v61 =	vsel vm12, $0x1, v0;
	v11 =	vadd.s32 v23, v58;
	v8 =	vadd.s32 v15, v8  }
0x445: {  	v13 =	vsel vm13, $0x1, v0;
	v9 =	vadd.s32 v61, v18;
	v8 =	vadd.s32 v11, v8  }
.Ltmp41:
0x446: {  	v10 =	vsel vm14, $0x1, v0;
	v5 =	vadd.s32 v13, v17;
	v8 =	vadd.s32 v9, v8;
	(pc) =	sbr.rel .LBB2_54-.Ltmp41, $4  }
0x447: {  	v62 =	vsel vm15, $0x1, v0;
	v10 =	vadd.s32 v10, v60;
	v5 =	vadd.s32 v5, v8  }
0x448: {  	v63 =	vsel vm4, $0x1, v0;
	v6 =	vadd.s32 v62, v6;
	v5 =	vadd.s32 v10, v5  }
0x449: {  	v7 =	vadd.s32 v63, v7;
	v5 =	vadd.s32 v6, v5  }
0x44a: {  	v5 =	vadd.s32 v7, v5  }
.LBB2_49:
0x44b: {  	v19 =	vimm.s32 $0x0  }
.Ltmp42:
0x44c: {  	v18 =	vimm.s32 $0x0;
	v17 =	vimm.s32 $0x0;
	v20 =	vimm.s32 $0x0;
	(pc) =	sbr.rel .LBB2_53-.Ltmp42, $4  }
0x44d: {  	v21 =	vimm.s32 $0x0;
	v22 =	vimm.s32 $0x0;
	v7 =	vimm.s32 $0x0  }
0x44e: {  	v8 =	vimm.s32 $0x0;
	v13 =	vimm.s32 $0x0;
	v10 =	vimm.s32 $0x0  }
0x44f: {  	v11 =	vimm.s32 $0x0;
	v12 =	vimm.s32 $0x0;
	v9 =	vimm.s32 $0x0  }
0x450: {  	v16 =	vimm.s32 $0x0;
	v14 =	vimm.s32 $0x0;
	v15 =	vimm.s32 $0x0  }
.LBB2_51:
.Ltmp43:
0x451: {  	(pc) =	sbr.rel .LBB2_53-.Ltmp43, $3  }
0x452: {  	_ =	sdelay $0x1  }
0x453: {  	v19 =	vimm.s32 $0x0;
	v18 =	vimm.s32 $0x0;
	v17 =	vimm.s32 $0x0  }
0x454: {  	v20 =	vimm.s32 $0x0;
	v21 =	vimm.s32 $0x0;
	v22 =	vimm.s32 $0x0  }
.LBB2_55:
0x455: {  	_ =	swait.ge [sflag:s15], $0x8000  }
0x456: {  	[sflag:s15] =	ssyncset.done $0x0  }
0x457: {  	s21 =	simm.s32 $0x18140;
	[sflag:s15] =	ssyncadd.s32 $0xFFFF8000  }
0x458: {  	[tilespmem:s21+$0xFFFFFFC0] =	vst v0  }
0x459: {  	[tilespmem:s21+$0x30] =	vst v0  }
0x45a: {  	[tilespmem:s21+$0x20] =	vst v0  }
0x45b: {  	[tilespmem:s21+$0x10] =	vst v0  }
0x45c: {  	[tilespmem:s21+$0x0] =	vst v0  }
0x45d: {  	[tilespmem:s21+$0xFFFFFFF0] =	vst v0  }
0x45e: {  	s22 =	simm.s32 $0x0;
	[tilespmem:s21+$0xFFFFFFE0] =	vst v0  }
.LBB2_56:
0x45f: {  	s22 =	sadd.s32 $0x8, s22;
	[tilespmem:s21+$0xFFFFFFD0] =	vst v0;
	s21 =	sadd.s32 $0x80, s21  }
0x460: {  	[tilespmem:s21+$0xFFFFFFC0] =	vst v0;
	p0 =	slt.u32 s22, $0x78  }
0x461: {  	[tilespmem:s21+$0x30] =	vst v0  }
.Ltmp44:
0x462: {  	[tilespmem:s21+$0x20] =	vst v0;
	(pc) =	sbr.rel @p0 .LBB2_56-.Ltmp44, $4  }
0x463: {  	[tilespmem:s21+$0x10] =	vst v0  }
0x464: {  	[tilespmem:s21+$0x0] =	vst v0  }
0x465: {  	[tilespmem:s21+$0xFFFFFFF0] =	vst v0  }
0x466: {  	s20 =	simm.s32 $0x8080;
	[tilespmem:s21+$0xFFFFFFE0] =	vst v0  }
0x467: {  	[tilespmem:s21+$0xFFFFFFD0] =	vst v0  }
0x468: {  	v5 =	vld [tilespmem:s20+$0xFFFFFFA0]  }
0x469: {  	v6 =	vld [tilespmem:s20+$0xFFFFFFB0]  }
0x46a: {  	v7 =	vld [tilespmem:s20+$0xFFFFFFC0]  }
0x46b: {  	v8 =	vld [tilespmem:s20+$0xFFFFFFD0]  }
0x46c: {  	v9 =	vld [tilespmem:s20+$0xFFFFFF80]  }
0x46d: {  	v10 =	vld [tilespmem:s20+$0x70]  }
0x46e: {  	v11 =	vld [tilespmem:s20+$0x60]  }
0x46f: {  	v12 =	vld [tilespmem:s20+$0x50]  }
0x470: {  	v13 =	vld [tilespmem:s20+$0x40]  }
0x471: {  	v14 =	vld [tilespmem:s20+$0x30]  }
0x472: {  	v15 =	vld [tilespmem:s20+$0x20];
	v9 =	vshrl.u32 v9, $0x14  }
0x473: {  	v16 =	vld [tilespmem:s20+$0x10];
	v10 =	vshrl.u32 v10, $0x14;
	v9 =	vand.u32 $0x7FF, v9  }
0x474: {  	v19 =	vld [tilespmem:s20+$0xFFFFFFE0];
	v11 =	vshrl.u32 v11, $0x14;
	v10 =	vand.u32 $0x7FF, v10  }
0x475: {  	v17 =	vld [tilespmem:s20+$0x0];
	v12 =	vshrl.u32 v12, $0x14;
	v11 =	vand.u32 $0x7FF, v11  }
0x476: {  	v18 =	vld [tilespmem:s20+$0xFFFFFFF0];
	v14 =	vshrl.u32 v14, $0x14;
	v12 =	vand.u32 $0x7FF, v12  }
0x477: {  	v60 =	vld [tilespmem:s20+$0xFFFFFF90];
	v13 =	vshrl.u32 v13, $0x14;
	v56 =	vand.u32 $0x7FF, v14  }
0x478: {  	v57 =	vshrl.u32 v16, $0x14;
	v13 =	vand.u32 $0x7FF, v13;
	[tilespmem:v9+s13+$0x0] =	vst.idx.add.s32.msk $0xffff, v1  }
0x479: {  	v61 =	vshrl.u32 v19, $0x14;
	v14 =	vand.u32 $0x7FF, v57;
	[tilespmem:v10+s13+$0x0] =	vst.idx.add.s32.msk $0xffff, v1  }
0x47a: {  	v59 =	vshrl.u32 v15, $0x14;
	v8 =	vshrl.u32 v8, $0x14;
	v15 =	vand.u32 $0x7FF, v61;
	[tilespmem:v11+s13+$0x0] =	vst.idx.add.s32.msk $0xffff, v1  }
0x47b: {  	v6 =	vshrl.u32 v6, $0x14;
	v8 =	vand.u32 $0x7FF, v8;
	[tilespmem:v12+s13+$0x0] =	vst.idx.add.s32.msk $0xffff, v1  }
0x47c: {  	v5 =	vshrl.u32 v5, $0x14;
	v6 =	vand.u32 $0x7FF, v6;
	[tilespmem:v56+s13+$0x0] =	vst.idx.add.s32.msk $0xffff, v1  }
0x47d: {  	v58 =	vshrl.u32 v17, $0x14;
	v63 =	vand.u32 $0x7FF, v5;
	[tilespmem:v13+s13+$0x0] =	vst.idx.add.s32.msk $0xffff, v1  }
0x47e: {  	v10 =	vand.u32 $0x7FF, v58;
	[tilespmem:v14+s13+$0x0] =	vst.idx.add.s32.msk $0xffff, v1  }
0x47f: {  	v62 =	vshrl.u32 v18, $0x14;
	v11 =	vand.u32 $0x7FF, v59;
	[tilespmem:v15+s13+$0x0] =	vst.idx.add.s32.msk $0xffff, v1  }
0x480: {  	v5 =	vshrl.u32 v7, $0x14;
	v7 =	vshrl.u32 v60, $0x14;
	v9 =	vand.u32 $0x7FF, v62;
	[tilespmem:v8+s13+$0x0] =	vst.idx.add.s32.msk $0xffff, v1  }
0x481: {  	[tilespmem:v6+s13+$0x0] =	vst.idx.add.s32.msk $0xffff, v1;
	v6 =	vand.u32 $0x7FF, v7  }
0x482: {  	v5 =	vand.u32 $0x7FF, v5;
	[tilespmem:v63+s13+$0x0] =	vst.idx.add.s32.msk $0xffff, v1  }
0x483: {  	[tilespmem:v10+s13+$0x0] =	vst.idx.add.s32.msk $0xffff, v1  }
0x484: {  	[tilespmem:v11+s13+$0x0] =	vst.idx.add.s32.msk $0xffff, v1  }
0x485: {  	s21 =	simm.s32 $0x0;
	[tilespmem:v9+s13+$0x0] =	vst.idx.add.s32.msk $0xffff, v1  }
.LBB2_58:
0x486: {  	s21 =	sadd.s32 $0x10, s21;
	[tilespmem:v6+s13+$0x0] =	vst.idx.add.s32.msk $0xffff, v1;
	s20 =	sadd.s32 $0x100, s20  }
0x487: {  	p0 =	slt.u32 s21, $0x7F0;
	[tilespmem:v5+s13+$0x0] =	vst.idx.add.s32.msk $0xffff, v1  }
0x488: {  	v6 =	vld [tilespmem:s20+$0xFFFFFFA0]  }
0x489: {  	v5 =	vld [tilespmem:s20+$0xFFFFFFB0]  }
0x48a: {  	v7 =	vld [tilespmem:s20+$0xFFFFFFC0]  }
0x48b: {  	v8 =	vld [tilespmem:s20+$0xFFFFFFD0]  }
0x48c: {  	v9 =	vld [tilespmem:s20+$0xFFFFFF80]  }
0x48d: {  	v10 =	vld [tilespmem:s20+$0x70]  }
0x48e: {  	v11 =	vld [tilespmem:s20+$0x60]  }
0x48f: {  	v12 =	vld [tilespmem:s20+$0x50]  }
0x490: {  	v13 =	vld [tilespmem:s20+$0x40]  }
0x491: {  	v9 =	vshrl.u32 v9, $0x14;
	v14 =	vld [tilespmem:s20+$0x30]  }
0x492: {  	v9 =	vand.u32 $0x7FF, v9;
	v15 =	vld [tilespmem:s20+$0x20];
	v10 =	vshrl.u32 v10, $0x14  }
0x493: {  	v16 =	vld [tilespmem:s20+$0x10];
	v11 =	vshrl.u32 v11, $0x14;
	v10 =	vand.u32 $0x7FF, v10  }
0x494: {  	v17 =	vld [tilespmem:s20+$0x0];
	v12 =	vshrl.u32 v12, $0x14;
	v11 =	vand.u32 $0x7FF, v11  }
0x495: {  	v18 =	vld [tilespmem:s20+$0xFFFFFFF0];
	v13 =	vshrl.u32 v13, $0x14;
	v12 =	vand.u32 $0x7FF, v12  }
0x496: {  	v19 =	vld [tilespmem:s20+$0xFFFFFFE0];
	v14 =	vshrl.u32 v14, $0x14  }
0x497: {  	[tilespmem:v9+s13+$0x0] =	vst.idx.add.s32.msk $0xffff, v1;
	v9 =	vshrl.u32 v15, $0x14;
	v14 =	vand.u32 $0x7FF, v14  }
0x498: {  	v13 =	vand.u32 $0x7FF, v13;
	v15 =	vshrl.u32 v16, $0x14;
	v9 =	vand.u32 $0x7FF, v9;
	[tilespmem:v10+s13+$0x0] =	vst.idx.add.s32.msk $0xffff, v1  }
0x499: {  	v10 =	vshrl.u32 v17, $0x14;
	v15 =	vand.u32 $0x7FF, v15;
	[tilespmem:v11+s13+$0x0] =	vst.idx.add.s32.msk $0xffff, v1  }
0x49a: {  	v11 =	vshrl.u32 v18, $0x14;
	v10 =	vand.u32 $0x7FF, v10;
	[tilespmem:v12+s13+$0x0] =	vst.idx.add.s32.msk $0xffff, v1  }
0x49b: {  	v12 =	vld [tilespmem:s20+$0xFFFFFF90];
	v16 =	vshrl.u32 v19, $0x14;
	v11 =	vand.u32 $0x7FF, v11  }
0x49c: {  	v8 =	vshrl.u32 v8, $0x14;
	v16 =	vand.u32 $0x7FF, v16;
	[tilespmem:v14+s13+$0x0] =	vst.idx.add.s32.msk $0xffff, v1  }
0x49d: {  	v7 =	vshrl.u32 v7, $0x14;
	v8 =	vand.u32 $0x7FF, v8;
	[tilespmem:v13+s13+$0x0] =	vst.idx.add.s32.msk $0xffff, v1  }
0x49e: {  	v13 =	vshrl.u32 v5, $0x14;
	v5 =	vand.u32 $0x7FF, v7;
	[tilespmem:v15+s13+$0x0] =	vst.idx.add.s32.msk $0xffff, v1  }
0x49f: {  	v6 =	vshrl.u32 v6, $0x14;
	v7 =	vand.u32 $0x7FF, v13;
	[tilespmem:v10+s13+$0x0] =	vst.idx.add.s32.msk $0xffff, v1  }
0x4a0: {  	v10 =	vshrl.u32 v12, $0x14;
	v12 =	vand.u32 $0x7FF, v6;
	[tilespmem:v9+s13+$0x0] =	vst.idx.add.s32.msk $0xffff, v1  }
.Ltmp45:
0x4a1: {  	v6 =	vand.u32 $0x7FF, v10;
	[tilespmem:v16+s13+$0x0] =	vst.idx.add.s32.msk $0xffff, v1;
	(pc) =	sbr.rel @p0 .LBB2_58-.Ltmp45, $4  }
0x4a2: {  	[tilespmem:v8+s13+$0x0] =	vst.idx.add.s32.msk $0xffff, v1  }
0x4a3: {  	[tilespmem:v11+s13+$0x0] =	vst.idx.add.s32.msk $0xffff, v1  }
0x4a4: {  	[tilespmem:v7+s13+$0x0] =	vst.idx.add.s32.msk $0xffff, v1  }
0x4a5: {  	[tilespmem:v12+s13+$0x0] =	vst.idx.add.s32.msk $0xffff, v1  }
0x4a6: {  	_ =	sdelay $0x3  }
0x4a7: {  	[tilespmem:v6+s13+$0x0] =	vst.idx.add.s32.msk $0xffff, v1  }
0x4a8: {  	[tilespmem:v5+s13+$0x0] =	vst.idx.add.s32.msk $0xffff, v1  }
0x4a9: {  	v5 =	vld [tilespmem:$0x18100];
	_ =	sdelay $0x4  }
0x4aa: {  	(xrf0) =	vadd.scan.msk.s32 $0xffff, v5;
	_ =	sdelay $0x5  }
0x4ab: {  	v5, _, _ =	vpop (xrf0)  }
0x4ac: {  	(v2sf) =	vpush v5, $0xF;
	_ =	sdelay $0xe  }
0x4ad: {  	s23 =	spop (v2sf)  }
0x4ae: {  	p0 =	sgt.s32 s23, $0x4000  }
.Ltmp46:
0x4af: {  	_ = 	snop;
	(pc) =	sbr.rel @p0 .LBB2_61-.Ltmp46, $3  }
0x4b0: {  	_ =	sdelay $0x1  }
0x4b1: {  	s21 =	simm.s32 $0x0  }
0x4b2: {  	s24 =	simm.s32 $0x18110;
	s22 =	simm.s32 $0x0;
	s20 =	simm.s32 $0x0  }
.LBB2_60:
0x4b3: {  	v5 =	vld [tilespmem:s24+$0x0];
	_ =	sdelay $0x4  }
0x4b4: {  	(xrf0) =	vadd.scan.msk.s32 $0xffff, v5;
	_ =	sdelay $0x5  }
0x4b5: {  	v5, _, _ =	vpop (xrf0)  }
0x4b6: {  	(v2sf) =	vpush v5, $0xF;
	_ =	sdelay $0xe  }
0x4b7: {  	s20 =	smov.u32 s23;
	s31 =	spop (v2sf)  }
0x4b8: {  	s23 =	sadd.s32 s20, s31  }
0x4b9: {  	p0 =	slt.s32 s23, $0x4001  }
.Ltmp47:
0x4ba: {  	_ = 	snop;
	(pc) =	sbr.rel @p0 .LBB2_60-.Ltmp47, $2  }
0x4bb: {  	_ =	sdelay $0x2  }
0x4bc: {  	s22 =	sadd.s32 $0x10, s22;
	s24 =	sadd.s32 $0x10, s24  }
.LBB2_61:
0x4bd: {  	v5 =	vld [tilespmem:s22+$0x18100];
	_ =	sdelay $0x4  }
0x4be: {  	(xrf0) =	vadd.scan.msk.s32 $0xffff, v5;
	_ =	sdelay $0x4  }
0x4bf: {  	s23 =	simm.s32 $0x8080  }
0x4c0: {  	v7 =	vld [tilespmem:s23+$0x70];
	v6, _, _ =	vpop (xrf0)  }
0x4c1: {  	v8 =	vld [tilespmem:s23+$0x60];
	v5 =	vsub.s32 v6, v5  }
0x4c2: {  	v10 =	vld [tilespmem:s23+$0x50];
	v6 =	vadd.s32 s20, v6;
	v9 =	vadd.s32 s20, v5  }
0x4c3: {  	v11 =	vld [tilespmem:s23+$0x40];
	vm0 =	vgt.s32 v6, $0x4000;
	vm1 =	vlt.s32 v9, $0x4001  }
0x4c4: {  	v12 =	vld [tilespmem:s23+$0x30];
	v9 =	vimm.s32 $0x0;
	vm0 =	vmand vm0, vm1  }
0x4c5: {  	v13 =	vld [tilespmem:s23+$0x20];
	v9 =	vsel vm0, $0xFFFFFFFF, v9  }
0x4c6: {  	v14 =	vld [tilespmem:s23+$0x10];
	[tilespmem:$0x1FF00] =	vst v9  }
0x4c7: {  	v16 =	vld [tilespmem:s23+$0xFFFFFFF0]  }
0x4c8: {  	v17 =	vld [tilespmem:s23+$0xFFFFFFE0]  }
0x4c9: {  	v18 =	vld [tilespmem:s23+$0xFFFFFFD0]  }
0x4ca: {  	v6 =	vor.u32 s22, v2;
	v19 =	vld [tilespmem:s23+$0xFFFFFFC0]  }
0x4cb: {  	v6 =	vnsel vm0, $0x0, v6;
	v20 =	vld [tilespmem:s23+$0xFFFFFFB0]  }
0x4cc: {  	(xrf0) =	vadd.scan.msk.s32 $0xffff, v6;
	v22 =	vld [tilespmem:s23+$0xFFFFFF90]  }
0x4cd: {  	v23 =	vld [tilespmem:s23+$0xFFFFFF80]  }
0x4ce: {  	v21 =	vld [tilespmem:s23+$0xFFFFFFA0];
	_ =	sdelay $0x1  }
0x4cf: {  	v8 =	vand.u32 $0x7FFFFFFF, v8;
	v36 =	vand.u32 $0x7FFFFFFF, v14;
	v41 =	vand.u32 $0x7FFFFFFF, v17  }
0x4d0: {  	v39 =	vand.u32 $0x7FFFFFFF, v16;
	v29 =	vand.u32 $0x7FFFFFFF, v20;
	v33 =	vand.u32 $0x7FFFFFFF, v19  }
0x4d1: {  	v6, _, _ =	vpop (xrf0);
	v38 =	vand.u32 $0x7FFFFFFF, v18;
	v14 =	vand.u32 $0x7FFFFFFF, v23;
	v19 =	vand.u32 $0x7FFFFFFF, v22  }
0x4d2: {  	v23 =	vand.u32 $0x7FFFFFFF, v21;
	v9 =	vbroadcast v6, $0xF;
	v22 =	vshrl.u32 v39, $0x14  }
0x4d3: {  	v26 =	vshrl.u32 v14, $0x14;
	v27 =	vshrl.u32 v38, $0x14;
	v28 =	vshrl.u32 v41, $0x14  }
0x4d4: {  	v30 =	vshrl.u32 v33, $0x14;
	vm15 =	veq.s32 v26, v9;
	v26 =	vshrl.u32 v19, $0x14  }
0x4d5: {  	v31 =	vmpcnt.ones.xlane vm15;
	vm14 =	veq.s32 v26, v9;
	v26 =	vshrl.u32 v23, $0x14  }
0x4d6: {  	v32 =	vmpcnt.ones.xlane vm14;
	vm13 =	veq.s32 v26, v9;
	v26 =	vshrl.u32 v29, $0x14  }
0x4d7: {  	v35 =	vmpcnt.ones.xlane vm13;
	vm12 =	veq.s32 v26, v9;
	(v2sf) =	vpush v31, $0x0  }
0x4d8: {  	vm11 =	veq.s32 v30, v9;
	v31 =	vmpcnt.ones.xlane vm12;
	(v2sf) =	vpush v32, $0x0  }
0x4d9: {  	vm10 =	veq.s32 v27, v9;
	v56 =	vmpcnt.ones.xlane vm11;
	(v2sf) =	vpush v35, $0x0  }
0x4da: {  	v15 =	vld [tilespmem:s23+$0x0];
	vm9 =	veq.s32 v28, v9;
	v57 =	vmpcnt.ones.xlane vm10;
	(v2sf) =	vpush v31, $0x0  }
0x4db: {  	vm8 =	veq.s32 v22, v9;
	v28 =	vmpcnt.ones.xlane vm9;
	(v2sf) =	vpush v56, $0x0  }
0x4dc: {  	v7 =	vand.u32 $0x7FFFFFFF, v7;
	v22 =	vmpcnt.ones.xlane vm8;
	(v2sf) =	vpush v57, $0x0  }
0x4dd: {  	s30 =	simm.s32 $0x8180;
	v11 =	vand.u32 $0x7FFFFFFF, v11;
	v10 =	vand.u32 $0x7FFFFFFF, v10;
	(v2sf) =	vpush v28, $0x0  }
0x4de: {  	v13 =	vand.u32 $0x7FFFFFFF, v13;
	v12 =	vand.u32 $0x7FFFFFFF, v12;
	v34 =	vld [tilespmem:s30+$0x70];
	(v2sf) =	vpush v22, $0x0  }
0x4df: {  	v25 =	vshrl.u32 v36, $0x14;
	v58 =	vld [tilespmem:s30+$0x20];
	v37 =	vand.u32 $0x7FFFFFFF, v15;
	v15 =	vshrl.u32 v10, $0x14  }
0x4e0: {  	v16 =	vshrl.u32 v8, $0x14;
	v17 =	vshrl.u32 v7, $0x14;
	v18 =	vshrl.u32 v13, $0x14;
	v30 =	vld [tilespmem:s30+$0x50]  }
0x4e1: {  	v20 =	vshrl.u32 v12, $0x14;
	v21 =	vshrl.u32 v11, $0x14;
	v24 =	vshrl.u32 v37, $0x14;
	v27 =	vld [tilespmem:s30+$0x40]  }
0x4e2: {  	vm1 =	veq.s32 v24, v9;
	v24 =	vld [tilespmem:s30+$0x10];
	vm0 =	veq.s32 v25, v9;
	v25 =	vimm.s32 $0x0  }
0x4e3: {  	vm7 =	veq.s32 v18, v9;
	v59 =	vmpcnt.ones.xlane vm1;
	v25 =	vsel vm0, $0xFFFFFFFF, v25;
	v26 =	vld [tilespmem:s30+$0x60]  }
0x4e4: {  	vm6 =	veq.s32 v20, v9;
	vm5 =	veq.s32 v21, v9;
	v31 =	vld [tilespmem:s30+$0x30];
	[tilespmem:$0x1FF10] =	vst v25;
	v25 =	vmpcnt.ones.xlane vm0  }
0x4e5: {  	vm4 =	veq.s32 v15, v9;
	v18 =	vmpcnt.ones.xlane vm7;
	(v2sf) =	vpush v59, $0x0  }
0x4e6: {  	vm0 =	veq.s32 v2, $0x2;
	v40 =	vld [tilespmem:s30+$0x0];
	v22 =	vmpcnt.ones.xlane vm6;
	(v2sf) =	vpush v25, $0x0;
	s31 =	spop (v2sf)  }
0x4e7: {  	v21 =	vmpcnt.ones.xlane vm5;
	v4 =	vsel vm0, s19, v4;
	v47 =	vld [tilespmem:s30+$0xFFFFFF80];
	[tilespmem:s21+$0x10000] =	vst.msk vm15, v14;
	(v2sf) =	vpush v18, $0x0;
	s19 =	sadd.s32 $0x0, s31;
	s22 =	spop (v2sf)  }
0x4e8: {  	vm3 =	veq.s32 v16, v9;
	v15 =	vmpcnt.ones.xlane vm4;
	v46 =	vld [tilespmem:s30+$0xFFFFFF90];
	(v2sf) =	vpush v22, $0x0;
	[tilespmem:s19+$0x10000] =	vst.msk vm14, v19;
	s19 =	sadd.s32 s19, s22;
	s23 =	spop (v2sf)  }
0x4e9: {  	vm2 =	veq.s32 v17, v9;
	v16 =	vmpcnt.ones.xlane vm3;
	v42 =	vld [tilespmem:s30+$0xFFFFFFF0];
	(v2sf) =	vpush v21, $0x0;
	[tilespmem:s19+$0x10000] =	vst.msk vm13, v23;
	s19 =	sadd.s32 s19, s23;
	s24 =	spop (v2sf)  }
0x4ea: {  	v17 =	vmpcnt.ones.xlane vm2;
	v44 =	vld [tilespmem:s30+$0xFFFFFFB0];
	v28 =	vand.u32 $0x7FFFFFFF, v58;
	(v2sf) =	vpush v15, $0x0;
	[tilespmem:s19+$0x10000] =	vst.msk vm12, v29;
	s19 =	sadd.s32 s19, s24;
	s25 =	spop (v2sf)  }
0x4eb: {  	v20 =	vld [tilespmem:s30+$0xFFFFFFE0];
	v14 =	vand.u32 $0x7FFFFFFF, v24;
	v35 =	vshrl.u32 v28, $0x14;
	(v2sf) =	vpush v16, $0x0;
	[tilespmem:s19+$0x10000] =	vst.msk vm11, v33;
	s19 =	sadd.s32 s19, s25;
	s26 =	spop (v2sf)  }
0x4ec: {  	v60 =	vld [tilespmem:s30+$0xFFFFFFD0];
	v25 =	vand.u32 $0x7FFFFFFF, v30;
	v30 =	vand.u32 $0x7FFFFFFF, v47;
	(v2sf) =	vpush v17, $0x0;
	[tilespmem:s19+$0x10000] =	vst.msk vm10, v38;
	s19 =	sadd.s32 s19, s26;
	s28 =	spop (v2sf)  }
0x4ed: {  	v43 =	vld [tilespmem:s30+$0xFFFFFFC0];
	v24 =	vand.u32 $0x7FFFFFFF, v46;
	v18 =	vand.u32 $0x7FFFFFFF, v34;
	v32 =	vshrl.u32 v25, $0x14;
	[tilespmem:s19+$0x10000] =	vst.msk vm9, v41;
	s19 =	sadd.s32 s19, s28;
	s29 =	spop (v2sf)  }
0x4ee: {  	v45 =	vld [tilespmem:s30+$0xFFFFFFA0];
	v61 =	vshrl.u32 v30, $0x14;
	v62 =	vshrl.u32 v24, $0x14;
	v22 =	vand.u32 $0x7FFFFFFF, v26;
	[tilespmem:s19+$0x10000] =	vst.msk vm8, v39;
	s21 =	sadd.s32 s19, s29  }
0x4ef: {  	v26 =	vand.u32 $0x7FFFFFFF, v27;
	v27 =	vand.u32 $0x7FFFFFFF, v31;
	v21 =	vand.u32 $0x7FFFFFFF, v44;
	[tilespmem:s21+$0x10000] =	vst.msk vm1, v37  }
0x4f0: {  	v31 =	vshrl.u32 v22, $0x14;
	v34 =	vshrl.u32 v27, $0x14;
	v15 =	vand.u32 $0x7FFFFFFF, v40;
	v63 =	vld [tilespmem:$0x1FF10]  }
0x4f1: {  	v16 =	vand.u32 $0x7FFFFFFF, v42;
	v40 =	vshrl.u32 v15, $0x14;
	v17 =	vand.u32 $0x7FFFFFFF, v20  }
0x4f2: {  	v20 =	vand.u32 $0x7FFFFFFF, v43;
	v42 =	vshrl.u32 v16, $0x14;
	v19 =	vand.u32 $0x7FFFFFFF, v60  }
0x4f3: {  	v23 =	vand.u32 $0x7FFFFFFF, v45;
	v43 =	vshrl.u32 v19, $0x14;
	v29 =	vshrl.u32 v18, $0x14  }
0x4f4: {  	v44 =	vshrl.u32 v23, $0x14;
	v33 =	vshrl.u32 v26, $0x14;
	v38 =	vshrl.u32 v14, $0x14;
	s30 =	spop (v2sf)  }
0x4f5: {  	v41 =	vshrl.u32 v17, $0x14;
	vm9 =	veq.s32 v61, v9;
	s19 =	simm.s32 $0x10;
	s22 =	sadd.s32 s21, s30;
	s31 =	spop (v2sf);
	vm0 =	vnez.u8 v63  }
0x4f6: {  	v39 =	vshrl.u32 v20, $0x14;
	vm8 =	veq.s32 v62, v9;
	v37 =	vmpcnt.ones.xlane vm9;
	s21 =	simm.s32 $0x8280;
	s23 =	spop (v2sf);
	[tilespmem:s22+$0x10000] =	vst.msk vm0, v36;
	s22 =	sadd.s32 s22, s31  }
.LBB2_62:
0x4f7: {  	v36 =	vld [tilespmem:s21+$0x70];
	v45 =	vmpcnt.ones.xlane vm8;
	vm10 =	veq.s32 v44, v9;
	v44 =	vshrl.u32 v21, $0x14;
	[tilespmem:s22+$0x10000] =	vst.msk vm7, v13;
	s22 =	sadd.s32 s22, s23;
	s23 =	spop (v2sf);
	v13 =	vmovc v28  }
0x4f8: {  	v28 =	vld [tilespmem:s21+$0x60];
	v46 =	vmpcnt.ones.xlane vm10;
	vm11 =	veq.s32 v44, v9;
	(v2sf) =	vpush v37, $0x0;
	[tilespmem:s22+$0x10000] =	vst.msk vm6, v12;
	s22 =	sadd.s32 s22, s23;
	s23 =	spop (v2sf);
	v12 =	vmovc v27  }
0x4f9: {  	vm12 =	veq.s32 v39, v9;
	v27 =	vld [tilespmem:s21+$0x50];
	v37 =	vmpcnt.ones.xlane vm11;
	(v2sf) =	vpush v45, $0x0;
	[tilespmem:s22+$0x10000] =	vst.msk vm5, v11;
	s22 =	sadd.s32 s22, s23;
	s23 =	spop (v2sf);
	v11 =	vmovc v26  }
0x4fa: {  	vm14 =	veq.s32 v43, v9;
	v39 =	vmpcnt.ones.xlane vm12;
	v26 =	vld [tilespmem:s21+$0x40];
	(v2sf) =	vpush v46, $0x0;
	[tilespmem:s22+$0x10000] =	vst.msk vm4, v10;
	s22 =	sadd.s32 s22, s23;
	s23 =	spop (v2sf);
	v10 =	vmovc v25  }
0x4fb: {  	vm15 =	veq.s32 v41, v9;
	v25 =	vmpcnt.ones.xlane vm14;
	v43 =	vld [tilespmem:s21+$0x30];
	(v2sf) =	vpush v37, $0x0;
	[tilespmem:s22+$0x10000] =	vst.msk vm3, v8;
	s22 =	sadd.s32 s22, s23;
	s23 =	spop (v2sf);
	v8 =	vmovc v22  }
0x4fc: {  	vm0 =	veq.s32 v42, v9;
	v22 =	vmpcnt.ones.xlane vm15;
	v37 =	vld [tilespmem:s21+$0x20];
	(v2sf) =	vpush v39, $0x0;
	[tilespmem:s22+$0x10000] =	vst.msk vm2, v7;
	s22 =	sadd.s32 s22, s23;
	v7 =	vmovc v18  }
0x4fd: {  	vm1 =	veq.s32 v40, v9;
	v18 =	vmpcnt.ones.xlane vm0;
	v39 =	vld [tilespmem:s21+$0x10];
	[tilespmem:s22+$0x10000] =	vst.msk vm9, v30;
	(v2sf) =	vpush v25, $0x0  }
0x4fe: {  	vm13 =	veq.s32 v38, v9;
	v25 =	vmpcnt.ones.xlane vm1;
	v30 =	vld [tilespmem:s21+$0x0];
	(v2sf) =	vpush v22, $0x0  }
0x4ff: {  	vm7 =	veq.s32 v35, v9;
	v22 =	vmpcnt.ones.xlane vm13;
	v38 =	vld [tilespmem:s21+$0xFFFFFFF0];
	(v2sf) =	vpush v18, $0x0  }
0x500: {  	vm6 =	veq.s32 v34, v9;
	v18 =	vmpcnt.ones.xlane vm7;
	v35 =	vld [tilespmem:s21+$0xFFFFFFE0];
	(v2sf) =	vpush v25, $0x0  }
0x501: {  	vm5 =	veq.s32 v33, v9;
	v25 =	vmpcnt.ones.xlane vm6;
	v34 =	vld [tilespmem:s21+$0xFFFFFFD0];
	(v2sf) =	vpush v22, $0x0  }
0x502: {  	vm4 =	veq.s32 v32, v9;
	v22 =	vmpcnt.ones.xlane vm5;
	v33 =	vld [tilespmem:s21+$0xFFFFFFC0];
	(v2sf) =	vpush v18, $0x0  }
0x503: {  	vm3 =	veq.s32 v31, v9;
	v18 =	vmpcnt.ones.xlane vm4;
	v32 =	vld [tilespmem:s21+$0xFFFFFFB0];
	(v2sf) =	vpush v25, $0x0  }
0x504: {  	vm2 =	veq.s32 v29, v9;
	v25 =	vmpcnt.ones.xlane vm3;
	v31 =	vld [tilespmem:s21+$0xFFFFFFA0];
	(v2sf) =	vpush v22, $0x0  }
0x505: {  	v40 =	vmpcnt.ones.xlane vm2;
	v29 =	vld [tilespmem:s21+$0xFFFFFF90];
	(v2sf) =	vpush v18, $0x0  }
0x506: {  	v22 =	vand.u32 $0x7FFFFFFF, v28;
	v18 =	vand.u32 $0x7FFFFFFF, v36;
	v41 =	vld [tilespmem:s21+$0xFFFFFF80];
	(v2sf) =	vpush v25, $0x0  }
0x507: {  	v26 =	vand.u32 $0x7FFFFFFF, v26;
	v25 =	vand.u32 $0x7FFFFFFF, v27;
	s23 =	spop (v2sf);
	(v2sf) =	vpush v40, $0x0  }
0x508: {  	v28 =	vand.u32 $0x7FFFFFFF, v37;
	v36 =	vand.u32 $0x7FFFFFFF, v39;
	v27 =	vand.u32 $0x7FFFFFFF, v43;
	s22 =	sadd.s32 s22, s23;
	s23 =	spop (v2sf)  }
0x509: {  	s19 =	sadd.s32 $0x10, s19;
	v44 =	vand.u32 $0x7FFFFFFF, v30;
	v37 =	vand.u32 $0x7FFFFFFF, v35;
	v39 =	vand.u32 $0x7FFFFFFF, v38;
	[tilespmem:s22+$0x10000] =	vst.msk vm8, v24;
	s22 =	sadd.s32 s22, s23;
	s23 =	spop (v2sf)  }
0x50a: {  	p0 =	slt.u32 s19, $0x7F0;
	v38 =	vand.u32 $0x7FFFFFFF, v34;
	v33 =	vand.u32 $0x7FFFFFFF, v33;
	v32 =	vand.u32 $0x7FFFFFFF, v32;
	[tilespmem:s22+$0x10000] =	vst.msk vm10, v23;
	s22 =	sadd.s32 s22, s23;
	s23 =	spop (v2sf)  }
0x50b: {  	v24 =	vand.u32 $0x7FFFFFFF, v29;
	v23 =	vand.u32 $0x7FFFFFFF, v31;
	v30 =	vand.u32 $0x7FFFFFFF, v41;
	[tilespmem:s22+$0x10000] =	vst.msk vm11, v21;
	s22 =	sadd.s32 s22, s23;
	s23 =	spop (v2sf);
	v21 =	vmovc v32  }
0x50c: {  	v31 =	vshrl.u32 v22, $0x14;
	v29 =	vshrl.u32 v18, $0x14;
	v32 =	vshrl.u32 v25, $0x14;
	[tilespmem:s22+$0x10000] =	vst.msk vm12, v20;
	s22 =	sadd.s32 s22, s23;
	s23 =	spop (v2sf);
	v20 =	vmovc v33  }
.Ltmp48:
0x50d: {  	v35 =	vshrl.u32 v28, $0x14;
	v34 =	vshrl.u32 v27, $0x14;
	v33 =	vshrl.u32 v26, $0x14;
	[tilespmem:s22+$0x10000] =	vst.msk vm14, v19;
	s22 =	sadd.s32 s22, s23;
	s23 =	spop (v2sf);
	v19 =	vmovc v38;
	(pc) =	sbr.rel @p0 .LBB2_62-.Ltmp48, $4  }
0x50e: {  	v42 =	vshrl.u32 v39, $0x14;
	v40 =	vshrl.u32 v44, $0x14;
	v38 =	vshrl.u32 v36, $0x14;
	[tilespmem:s22+$0x10000] =	vst.msk vm15, v17;
	s22 =	sadd.s32 s22, s23;
	s23 =	spop (v2sf);
	v17 =	vmovc v37  }
0x50f: {  	v37 =	vshrl.u32 v30, $0x14;
	v43 =	vshrl.u32 v19, $0x14;
	v41 =	vshrl.u32 v17, $0x14;
	[tilespmem:s22+$0x10000] =	vst.msk vm0, v16;
	s22 =	sadd.s32 s22, s23;
	s23 =	spop (v2sf);
	v16 =	vmovc v39  }
0x510: {  	v45 =	vshrl.u32 v24, $0x14;
	vm9 =	veq.s32 v37, v9;
	v39 =	vshrl.u32 v20, $0x14;
	[tilespmem:s22+$0x10000] =	vst.msk vm1, v15;
	s22 =	sadd.s32 s22, s23;
	s23 =	spop (v2sf);
	v15 =	vmovc v44  }
0x511: {  	s21 =	sadd.s32 $0x100, s21;
	vm8 =	veq.s32 v45, v9;
	v37 =	vmpcnt.ones.xlane vm9;
	v44 =	vshrl.u32 v23, $0x14;
	[tilespmem:s22+$0x10000] =	vst.msk vm13, v14;
	s22 =	sadd.s32 s22, s23;
	s23 =	spop (v2sf);
	v14 =	vmovc v36  }
0x512: {  	_ = 	snop  }
0x513: {  	(v2sf) =	vpush v37, $0x0;
	_ =	sdelay $0x1  }
0x514: {  	v36 =	vmpcnt.ones.xlane vm8;
	vm0 =	veq.s32 v44, v9  }
0x515: {  	v63 =	vimm.s32 $0x0;
	v48 =	vshrl.u32 v21, $0x14;
	vm10 =	veq.s32 v39, v9  }
0x516: {  	vm11 =	veq.s32 v43, v9;
	v57 =	vimm.s32 $0x0;
	v59 =	vimm.s32 $0x0  }
0x517: {  	v44 =	vsel vm0, $0xFFFFFFFF, v63;
	v49 =	vmpcnt.ones.xlane vm0;
	vm1 =	veq.s32 v48, v9  }
0x518: {  	vm0 =	veq.s32 v35, v9;
	(v2sf) =	vpush v36, $0x0;
	v50 =	vmpcnt.ones.xlane vm1  }
0x519: {  	[tilespmem:$0x1FED0] =	vst v44;
	v35 =	vsel vm0, $0xFFFFFFFF, v57;
	v58 =	vmpcnt.ones.xlane vm0;
	vm0 =	veq.s32 v34, v9  }
0x51a: {  	v51 =	vmpcnt.ones.xlane vm10;
	(v2sf) =	vpush v49, $0x0;
	[tilespmem:$0x1FEE0] =	vst v35;
	v34 =	vsel vm0, $0xFFFFFFFF, v59  }
0x51b: {  	vm12 =	veq.s32 v41, v9;
	v52 =	vmpcnt.ones.xlane vm11;
	(v2sf) =	vpush v50, $0x0;
	[tilespmem:$0x1FEF0] =	vst v34  }
0x51c: {  	vm13 =	veq.s32 v42, v9;
	s19 =	sadd.s32 s22, s23;
	s21 =	spop (v2sf);
	v53 =	vmpcnt.ones.xlane vm12;
	(v2sf) =	vpush v51, $0x0;
	[tilespmem:s22+$0x10000] =	vst.msk vm7, v13  }
0x51d: {  	vm14 =	veq.s32 v40, v9;
	v54 =	vmpcnt.ones.xlane vm13;
	s23 =	spop (v2sf);
	[tilespmem:s19+$0x10000] =	vst.msk vm6, v12;
	s19 =	sadd.s32 s19, s21;
	(v2sf) =	vpush v52, $0x0  }
0x51e: {  	v55 =	vmpcnt.ones.xlane vm14;
	s24 =	spop (v2sf);
	[tilespmem:s19+$0x10000] =	vst.msk vm5, v11;
	s19 =	sadd.s32 s19, s23;
	(v2sf) =	vpush v53, $0x0  }
0x51f: {  	s25 =	spop (v2sf);
	[tilespmem:s19+$0x10000] =	vst.msk vm4, v10;
	s19 =	sadd.s32 s19, s24;
	(v2sf) =	vpush v54, $0x0  }
0x520: {  	s26 =	spop (v2sf);
	[tilespmem:s19+$0x10000] =	vst.msk vm3, v8;
	s19 =	sadd.s32 s19, s25;
	(v2sf) =	vpush v55, $0x0  }
0x521: {  	[tilespmem:s19+$0x10000] =	vst.msk vm2, v7;
	s19 =	sadd.s32 s19, s26;
	s28 =	spop (v2sf)  }
0x522: {  	[tilespmem:s19+$0x10000] =	vst.msk vm9, v30;
	s19 =	sadd.s32 s19, s28  }
0x523: {  	[tilespmem:s19+$0x10000] =	vst.msk vm8, v24  }
0x524: {  	vm15 =	veq.s32 v38, v9;
	v7 =	vld [tilespmem:$0x1FED0]  }
0x525: {  	v56 =	vmpcnt.ones.xlane vm15;
	_ =	sdelay $0x1  }
0x526: {  	(v2sf) =	vpush v56, $0x0  }
0x527: {  	s29 =	spop (v2sf)  }
0x528: {  	s19 =	sadd.s32 s19, s29;
	s30 =	spop (v2sf);
	vm9 =	vnez.u8 v7  }
0x529: {  	s31 =	spop (v2sf);
	[tilespmem:s19+$0x10000] =	vst.msk vm9, v23;
	s19 =	sadd.s32 s19, s30  }
0x52a: {  	s22 =	spop (v2sf);
	[tilespmem:s19+$0x10000] =	vst.msk vm1, v21;
	s19 =	sadd.s32 s19, s31  }
0x52b: {  	s23 =	spop (v2sf);
	[tilespmem:s19+$0x10000] =	vst.msk vm10, v20;
	s19 =	sadd.s32 s19, s22  }
0x52c: {  	v60 =	vmpcnt.ones.xlane vm0;
	vm0 =	veq.s32 v33, v9;
	s24 =	spop (v2sf);
	[tilespmem:s19+$0x10000] =	vst.msk vm11, v19;
	s19 =	sadd.s32 s19, s23  }
0x52d: {  	v61 =	vmpcnt.ones.xlane vm0;
	vm7 =	veq.s32 v32, v9;
	(v2sf) =	vpush v58, $0x0;
	s25 =	spop (v2sf);
	[tilespmem:s19+$0x10000] =	vst.msk vm12, v17;
	s19 =	sadd.s32 s19, s24  }
0x52e: {  	vm6 =	veq.s32 v31, v9;
	v62 =	vmpcnt.ones.xlane vm7;
	(v2sf) =	vpush v60, $0x0;
	s26 =	spop (v2sf);
	[tilespmem:s19+$0x10000] =	vst.msk vm13, v16;
	s19 =	sadd.s32 s19, s25  }
0x52f: {  	v63 =	vmpcnt.ones.xlane vm6;
	vm5 =	veq.s32 v29, v9;
	(v2sf) =	vpush v61, $0x0;
	[tilespmem:s19+$0x10000] =	vst.msk vm14, v15;
	s19 =	sadd.s32 s19, s26  }
0x530: {  	v9 =	vmpcnt.ones.xlane vm5;
	(v2sf) =	vpush v62, $0x0;
	[tilespmem:s19+$0x10000] =	vst.msk vm15, v14  }
0x531: {  	(v2sf) =	vpush v63, $0x0;
	v7 =	vld [tilespmem:$0x1FEE0]  }
0x532: {  	(v2sf) =	vpush v9, $0x0;
	_ =	sdelay $0x2  }
0x533: {  	s28 =	spop (v2sf)  }
0x534: {  	s19 =	sadd.s32 s19, s28;
	vm13 =	vnez.u8 v7  }
0x535: {  	[tilespmem:s19+$0x10000] =	vst.msk vm13, v28  }
0x536: {  	v7 =	vld [tilespmem:$0x1FEF0];
	_ =	sdelay $0x3  }
0x537: {  	s29 =	spop (v2sf)  }
0x538: {  	s30 =	spop (v2sf);
	s19 =	sadd.s32 s19, s29;
	vm14 =	vnez.u8 v7  }
0x539: {  	s31 =	spop (v2sf);
	[tilespmem:s19+$0x10000] =	vst.msk vm14, v27;
	s19 =	sadd.s32 s19, s30  }
0x53a: {  	s22 =	spop (v2sf);
	[tilespmem:s19+$0x10000] =	vst.msk vm0, v26;
	s19 =	sadd.s32 s19, s31  }
0x53b: {  	s23 =	spop (v2sf);
	[tilespmem:s19+$0x10000] =	vst.msk vm7, v25;
	s19 =	sadd.s32 s19, s22  }
0x53c: {  	s24 =	spop (v2sf);
	[tilespmem:s19+$0x10000] =	vst.msk vm6, v22;
	s19 =	sadd.s32 s19, s23  }
0x53d: {  	[tilespmem:s19+$0x10000] =	vst.msk vm5, v18;
	s21 =	sadd.s32 s19, s24  }
0x53e: {  	[tilespmem:s21+$0x10000] =	vst v3  }
0x53f: {  	[tilespmem:s21+$0x10010] =	vst v3  }
0x540: {  	[tilespmem:s21+$0x10020] =	vst v3;
	v7 =	vld [tilespmem:$0x1FF00]  }
0x541: {  	[tilespmem:s21+$0x10030] =	vst v3  }
0x542: {  	[tilespmem:s21+$0x10040] =	vst v3  }
0x543: {  	[tilespmem:s21+$0x10050] =	vst v3  }
0x544: {  	s25 =	ssub.s32 $0x4000, s20;
	[tilespmem:s21+$0x10060] =	vst v3  }
0x545: {  	v5 =	vsub.s32 s25, v5;
	[tilespmem:s21+$0x10070] =	vst v3;
	vm15 =	vnez.u8 v7  }
0x546: {  	[tilespmem:s21+$0x10080] =	vst v3;
	v5 =	vnsel vm15, $0x0, v5  }
0x547: {  	[tilespmem:s21+$0x10090] =	vst v3;
	(xrf0) =	vadd.scan.msk.s32 $0xffff, v5  }
0x548: {  	[tilespmem:s21+$0x100A0] =	vst v3  }
0x549: {  	[tilespmem:s21+$0x100B0] =	vst v3  }
0x54a: {  	[tilespmem:s21+$0x100C0] =	vst v3  }
0x54b: {  	[tilespmem:s21+$0x100D0] =	vst v3  }
0x54c: {  	(v2sf) =	vpush v6, $0xF;
	[tilespmem:s21+$0x100E0] =	vst v3  }
0x54d: {  	[tilespmem:s21+$0x100F0] =	vst v3;
	v5, _, _ =	vpop (xrf0)  }
0x54e: {  	[tilespmem:s21+$0x10100] =	vst v3;
	(v2sf) =	vpush v5, $0xF  }
0x54f: {  	[tilespmem:s21+$0x10110] =	vst v3  }
0x550: {  	[tilespmem:s21+$0x10120] =	vst v3  }
0x551: {  	[tilespmem:s21+$0x10130] =	vst v3  }
0x552: {  	[tilespmem:s21+$0x10140] =	vst v3  }
0x553: {  	[tilespmem:s21+$0x10150] =	vst v3  }
0x554: {  	[tilespmem:s21+$0x10160] =	vst v3  }
0x555: {  	[tilespmem:s21+$0x10170] =	vst v3  }
0x556: {  	[tilespmem:s21+$0x10180] =	vst v3;
	s26 =	sadd.s32 $0xFF, s21  }
0x557: {  	[tilespmem:s21+$0x10190] =	vst v3;
	s28 =	sand.u32 $0xFF, s26  }
0x558: {  	[tilespmem:s21+$0x101A0] =	vst v3;
	s29 =	sshra.s32 s26, $0x1F;
	p0 =	slt.s32 s26, $0x1;
	p1 =	sne.s32 s28, $0x0  }
.Ltmp49:
0x559: {  	[tilespmem:s21+$0x101B0] =	vst v3;
	s30 =	sshrl.u32 s29, $0x18;
	p0 =	por !p0, !p1;
	(pc) =	sbr.rel .LBB2_64-.Ltmp49, $4  }
0x55a: {  	s20 =	simm.s32 $0x1;
	[tilespmem:s21+$0x101C0] =	vst v3;
	s19 =	sadd.s32 s30, s26;
	p0 =	por !p0, !p0  }
0x55b: {  	s31 =	spop (v2sf);
	[tilespmem:s21+$0x101D0] =	vst v3;
	s19 =	sshra.s32 s19, $0x8;
	s20 =	simm.s32 @!p0 $0x0  }
0x55c: {  	s22 =	sshll.u32 s31, $0x14;
	[tilespmem:s21+$0x101E0] =	vst v3;
	s19 =	ssub.s32 s19, s20  }
0x55d: {  	[tilespmem:s21+$0x101F0] =	vst v3;
	s21 =	simm.s32 $0x0;
	p0 =	slt.s32 s19, $0x1;
	s20 =	spop (v2sf)  }
.LBB2_65:
0x55e: {  	v5 =	vimm.s32 $0x0  }
.LBB2_72:
0x55f: {  	(xrf0) =	vadd.scan.msk.s32 $0xffff, v5;
	_ =	sdelay $0x5  }
0x560: {  	v5, _, _ =	vpop (xrf0)  }
0x561: {  	(v2sf) =	vpush v5, $0xF;
	_ =	sdelay $0xe  }
0x562: {  	s24 =	spop (v2sf)  }
0x563: {  	s21 =	sadd.s32 $0x1, s21;
	p1 =	sgt.s32 s24, s20  }
0x564: {  	s23 =	smov.u32 @p1 s22;
	p1 =	sne.s32 s21, $0x14  }
.Ltmp50:
0x565: {  	_ = 	snop;
	(pc) =	sbr.rel @!p1 .LBB2_73-.Ltmp50, $2  }
0x566: {  	_ =	sdelay $0x2  }
0x567: {  	s22 =	smov.u32 s23  }
.LBB2_64:
.Ltmp51:
0x568: {  	(pc) =	sbr.rel @p0 .LBB2_65-.Ltmp51, $3  }
0x569: {  	_ =	sdelay $0x1  }
0x56a: {  	s23 =	sshrl.u32 s14, s21  }
0x56b: {  	s23 =	sor.u32 s23, s22  }
0x56c: {  	p2 =	sne.s32 s19, $0x1  }
.Ltmp52:
0x56d: {  	_ = 	snop;
	(pc) =	sbr.rel @!p2 .LBB2_67-.Ltmp52, $3  }
0x56e: {  	_ =	sdelay $0x1  }
0x56f: {  	s24 =	simm.s32 $0x10080  }
0x570: {  	v5 =	vmov s23;
	v6 =	vimm.s32 $0x0;
	s25 =	sadd.s32 $0xFFFFFFFF, s19;
	p1 =	por $0x0, $0x0;
	v23 =	vld [tilespmem:s24+$0x70]  }
0x571: {  	v7 =	vld [tilespmem:s24+$0xFFFFFF90]  }
0x572: {  	v8 =	vld [tilespmem:s24+$0xFFFFFFA0]  }
0x573: {  	v9 =	vld [tilespmem:s24+$0xFFFFFFB0]  }
0x574: {  	v10 =	vld [tilespmem:s24+$0xFFFFFFC0]  }
0x575: {  	v11 =	vld [tilespmem:s24+$0xFFFFFFD0];
	v20 =	vimm.s32 $0x0;
	v21 =	vimm.s32 $0x0;
	vm0 =	vlt.s32 v23, v5  }
0x576: {  	v12 =	vld [tilespmem:s24+$0xFFFFFFE0];
	v22 =	vimm.s32 $0x0;
	vm1 =	vlt.s32 v7, v5;
	v7 =	vsel vm0, $0x1, v0  }
0x577: {  	v14 =	vld [tilespmem:s24+$0xFFFFFFF0];
	vm0 =	vlt.s32 v8, v5;
	v13 =	vsel vm1, $0x1, v0;
	v7 =	vadd.s32 v7, v6  }
0x578: {  	v15 =	vld [tilespmem:s24+$0x0];
	v16 =	vsel vm0, $0x1, v0;
	vm0 =	vlt.s32 v9, v5;
	v8 =	vadd.s32 v13, v6  }
0x579: {  	v17 =	vld [tilespmem:s24+$0x10];
	v9 =	vsel vm0, $0x1, v0;
	vm0 =	vlt.s32 v10, v5;
	v13 =	vadd.s32 v16, v6  }
0x57a: {  	v18 =	vld [tilespmem:s24+$0x20];
	v16 =	vsel vm0, $0x1, v0;
	vm0 =	vlt.s32 v11, v5;
	v10 =	vadd.s32 v9, v6  }
0x57b: {  	v19 =	vld [tilespmem:s24+$0x30];
	v9 =	vsel vm0, $0x1, v0;
	vm0 =	vlt.s32 v12, v5;
	v11 =	vadd.s32 v16, v6  }
0x57c: {  	p2 =	sne.s32 s25, $0x1;
	v16 =	vsel vm0, $0x1, v0;
	vm0 =	vlt.s32 v14, v5;
	v12 =	vadd.s32 v9, v6  }
.Ltmp53:
0x57d: {  	v24 =	vld [tilespmem:s24+$0x40];
	v14 =	vsel vm0, $0x1, v0;
	vm0 =	vlt.s32 v15, v5;
	v9 =	vadd.s32 v16, v6;
	(pc) =	sbr.rel @!p2 .LBB2_69-.Ltmp53, $4  }
0x57e: {  	v25 =	vld [tilespmem:s24+$0x50];
	v15 =	vsel vm0, $0x1, v0;
	vm0 =	vlt.s32 v17, v5;
	v16 =	vadd.s32 v14, v6  }
0x57f: {  	v26 =	vld [tilespmem:s24+$0x60];
	v17 =	vsel vm0, $0x1, v0;
	vm0 =	vlt.s32 v18, v5;
	v14 =	vadd.s32 v15, v6  }
0x580: {  	v27 =	vld [tilespmem:s24+$0xFFFFFF80];
	s24 =	simm.s32 $0x10180;
	v18 =	vimm.s32 $0x0;
	v28 =	vsel vm0, $0x1, v0;
	vm0 =	vlt.s32 v19, v5  }
0x581: {  	s25 =	sadd.s32 $0xFFFFFFFF, s25;
	p1 =	por $0x1, $0x1;
	v23 =	vld [tilespmem:s24+$0x70];
	v15 =	vadd.s32 v17, v6;
	v19 =	vimm.s32 $0x0;
	v17 =	vimm.s32 $0x0  }
.LBB2_70:
0x582: {  	p2 =	sne.s32 s25, $0x1;
	v29 =	vld [tilespmem:s24+$0xFFFFFF90];
	v30 =	vsel vm0, $0x1, v0;
	vm0 =	vlt.s32 v24, v5;
	v19 =	vadd.s32 v28, v19  }
0x583: {  	v24 =	vld [tilespmem:s24+$0xFFFFFFA0];
	v28 =	vsel vm0, $0x1, v0;
	vm0 =	vlt.s32 v25, v5;
	v18 =	vadd.s32 v30, v18  }
0x584: {  	v25 =	vld [tilespmem:s24+$0xFFFFFFB0];
	v30 =	vsel vm0, $0x1, v0;
	vm0 =	vlt.s32 v26, v5;
	v17 =	vadd.s32 v28, v17  }
0x585: {  	v26 =	vld [tilespmem:s24+$0xFFFFFFC0];
	vm1 =	vlt.s32 v27, v5;
	v27 =	vsel vm0, $0x1, v0;
	v20 =	vadd.s32 v30, v20  }
0x586: {  	v28 =	vld [tilespmem:s24+$0xFFFFFFD0];
	vm0 =	vlt.s32 v23, v5;
	v23 =	vsel vm1, $0x1, v0;
	v21 =	vadd.s32 v27, v21  }
0x587: {  	v27 =	vld [tilespmem:s24+$0xFFFFFFE0];
	vm1 =	vlt.s32 v29, v5;
	v29 =	vsel vm0, $0x1, v0;
	v22 =	vadd.s32 v23, v22  }
0x588: {  	v23 =	vld [tilespmem:s24+$0xFFFFFFF0];
	v30 =	vsel vm1, $0x1, v0;
	vm0 =	vlt.s32 v24, v5;
	v7 =	vadd.s32 v29, v7  }
0x589: {  	v29 =	vld [tilespmem:s24+$0x0];
	v24 =	vsel vm0, $0x1, v0;
	vm0 =	vlt.s32 v25, v5;
	v8 =	vadd.s32 v30, v8  }
0x58a: {  	v30 =	vld [tilespmem:s24+$0x10];
	v25 =	vsel vm0, $0x1, v0;
	vm0 =	vlt.s32 v26, v5;
	v13 =	vadd.s32 v24, v13  }
0x58b: {  	v31 =	vld [tilespmem:s24+$0x20];
	v24 =	vsel vm0, $0x1, v0;
	vm0 =	vlt.s32 v28, v5;
	v10 =	vadd.s32 v25, v10  }
0x58c: {  	v32 =	vld [tilespmem:s24+$0x30];
	v25 =	vsel vm0, $0x1, v0;
	vm0 =	vlt.s32 v27, v5;
	v11 =	vadd.s32 v24, v11  }
.Ltmp54:
0x58d: {  	v24 =	vld [tilespmem:s24+$0x40];
	v26 =	vsel vm0, $0x1, v0;
	vm0 =	vlt.s32 v23, v5;
	v12 =	vadd.s32 v25, v12;
	(pc) =	sbr.rel @p2 .LBB2_70-.Ltmp54, $4  }
0x58e: {  	v25 =	vld [tilespmem:s24+$0x50];
	v23 =	vsel vm0, $0x1, v0;
	vm0 =	vlt.s32 v29, v5;
	v9 =	vadd.s32 v26, v9  }
0x58f: {  	v26 =	vld [tilespmem:s24+$0x60];
	v28 =	vsel vm0, $0x1, v0;
	vm0 =	vlt.s32 v30, v5;
	v16 =	vadd.s32 v23, v16  }
0x590: {  	v27 =	vld [tilespmem:s24+$0xFFFFFF80];
	v29 =	vsel vm0, $0x1, v0;
	vm0 =	vlt.s32 v31, v5;
	v14 =	vadd.s32 v28, v14;
	s24 =	sadd.s32 $0x100, s24  }
0x591: {  	s25 =	sadd.s32 $0xFFFFFFFF, s25;
	v23 =	vld [tilespmem:s24+$0x70];
	v28 =	vsel vm0, $0x1, v0;
	vm0 =	vlt.s32 v32, v5;
	v15 =	vadd.s32 v29, v15  }
.LBB2_71:
0x592: {  	v29 =	vld [tilespmem:s24+$0xFFFFFF90]  }
0x593: {  	v39 =	vld [tilespmem:s24+$0xFFFFFFA0]  }
0x594: {  	v40 =	vld [tilespmem:s24+$0xFFFFFFB0]  }
0x595: {  	v41 =	vld [tilespmem:s24+$0xFFFFFFC0]  }
0x596: {  	v42 =	vld [tilespmem:s24+$0xFFFFFFD0]  }
0x597: {  	v30 =	vsel @p1 vm0, $0x1, v0;
	vm0 =	vlt.s32 @p1 v24, v5;
	v19 =	vadd.s32 @p1 v28, v19;
	v43 =	vld [tilespmem:s24+$0xFFFFFFE0]  }
0x598: {  	v44 =	vld [tilespmem:s24+$0xFFFFFFF0];
	v28 =	vsel @p1 vm0, $0x1, v0;
	vm0 =	vlt.s32 @p1 v25, v5;
	v18 =	vadd.s32 @p1 v30, v18  }
0x599: {  	v46 =	vld [tilespmem:s24+$0xFFFFFF80];
	v58 =	vpsel p1, v19, v6;
	v30 =	vsel @p1 vm0, $0x1, v0;
	vm0 =	vlt.s32 @p1 v26, v5  }
0x59a: {  	v47 =	vld [tilespmem:s24+$0x0];
	v17 =	vadd.s32 @p1 v28, v17;
	v18 =	vpsel p1, v18, v6;
	vm1 =	vlt.s32 @p1 v27, v5  }
0x59b: {  	v50 =	vld [tilespmem:s24+$0x10];
	v27 =	vsel @p1 vm0, $0x1, v0;
	v20 =	vadd.s32 @p1 v30, v20;
	v17 =	vpsel p1, v17, v6  }
0x59c: {  	v51 =	vld [tilespmem:s24+$0x20];
	v30 =	vsel @p1 vm1, $0x1, v0;
	v21 =	vadd.s32 @p1 v27, v21;
	vm4 =	vlt.s32 v23, v5  }
0x59d: {  	v60 =	vpsel p1, v20, v6;
	vm12 =	vlt.s32 v29, v5;
	v22 =	vadd.s32 @p1 v30, v22  }
0x59e: {  	vm13 =	vlt.s32 v39, v5;
	vm14 =	vlt.s32 v40, v5;
	vm15 =	vlt.s32 v41, v5  }
0x59f: {  	vm5 =	vlt.s32 v42, v5;
	vm6 =	vlt.s32 v43, v5;
	vm7 =	vlt.s32 v44, v5  }
0x5a0: {  	vm8 =	vlt.s32 v46, v5;
	vm9 =	vlt.s32 v47, v5;
	vm10 =	vlt.s32 v50, v5  }
0x5a1: {  	vm11 =	vlt.s32 v51, v5;
	v45 =	vsel vm12, $0x1, v0;
	v24 =	vsel vm13, $0x1, v0  }
0x5a2: {  	v53 =	vld [tilespmem:s24+$0x30];
	v48 =	vsel vm14, $0x1, v0;
	v49 =	vsel vm15, $0x1, v0;
	v28 =	vsel vm5, $0x1, v0  }
0x5a3: {  	v27 =	vsel vm6, $0x1, v0;
	v54 =	vsel vm8, $0x1, v0;
	v22 =	vpsel p1, v22, v6  }
0x5a4: {  	v56 =	vld [tilespmem:s24+$0x40];
	v52 =	vsel vm7, $0x1, v0;
	v8 =	vadd.s32 v45, v8;
	v22 =	vadd.s32 v54, v22  }
0x5a5: {  	v55 =	vsel vm10, $0x1, v0;
	v13 =	vadd.s32 v24, v13;
	v8 =	vadd.s32 v22, v8  }
0x5a6: {  	v57 =	vld [tilespmem:s24+$0x50];
	v23 =	vsel vm11, $0x1, v0;
	v10 =	vadd.s32 v48, v10;
	v8 =	vadd.s32 v13, v8  }
0x5a7: {  	v59 =	vld [tilespmem:s24+$0x60];
	vm12 =	vlt.s32 v53, v5;
	v11 =	vadd.s32 v49, v11;
	v8 =	vadd.s32 v10, v8  }
0x5a8: {  	v6 =	vpsel p1, v21, v6;
	v12 =	vadd.s32 v28, v12;
	v8 =	vadd.s32 v11, v8  }
0x5a9: {  	vm13 =	vlt.s32 v56, v5;
	v9 =	vadd.s32 v27, v9;
	v8 =	vadd.s32 v12, v8  }
0x5aa: {  	v24 =	vsel vm9, $0x1, v0;
	v16 =	vadd.s32 v52, v16;
	v8 =	vadd.s32 v9, v8  }
0x5ab: {  	vm14 =	vlt.s32 v57, v5;
	v14 =	vadd.s32 v24, v14;
	v8 =	vadd.s32 v16, v8  }
0x5ac: {  	vm15 =	vlt.s32 v59, v5;
	v15 =	vadd.s32 v55, v15;
	v8 =	vadd.s32 v14, v8  }
0x5ad: {  	v61 =	vsel vm12, $0x1, v0;
	v11 =	vadd.s32 v23, v58;
	v8 =	vadd.s32 v15, v8  }
0x5ae: {  	v13 =	vsel vm13, $0x1, v0;
	v9 =	vadd.s32 v61, v18;
	v8 =	vadd.s32 v11, v8  }
.Ltmp55:
0x5af: {  	v10 =	vsel vm14, $0x1, v0;
	v5 =	vadd.s32 v13, v17;
	v8 =	vadd.s32 v9, v8;
	(pc) =	sbr.rel .LBB2_72-.Ltmp55, $4  }
0x5b0: {  	v62 =	vsel vm15, $0x1, v0;
	v10 =	vadd.s32 v10, v60;
	v5 =	vadd.s32 v5, v8  }
0x5b1: {  	v63 =	vsel vm4, $0x1, v0;
	v6 =	vadd.s32 v62, v6;
	v5 =	vadd.s32 v10, v5  }
0x5b2: {  	v7 =	vadd.s32 v63, v7;
	v5 =	vadd.s32 v6, v5  }
0x5b3: {  	v5 =	vadd.s32 v7, v5  }
.LBB2_67:
0x5b4: {  	v19 =	vimm.s32 $0x0  }
.Ltmp56:
0x5b5: {  	v18 =	vimm.s32 $0x0;
	v17 =	vimm.s32 $0x0;
	v20 =	vimm.s32 $0x0;
	(pc) =	sbr.rel .LBB2_71-.Ltmp56, $4  }
0x5b6: {  	v21 =	vimm.s32 $0x0;
	v22 =	vimm.s32 $0x0;
	v7 =	vimm.s32 $0x0  }
0x5b7: {  	v8 =	vimm.s32 $0x0;
	v13 =	vimm.s32 $0x0;
	v10 =	vimm.s32 $0x0  }
0x5b8: {  	v11 =	vimm.s32 $0x0;
	v12 =	vimm.s32 $0x0;
	v9 =	vimm.s32 $0x0  }
0x5b9: {  	v16 =	vimm.s32 $0x0;
	v14 =	vimm.s32 $0x0;
	v15 =	vimm.s32 $0x0  }
.LBB2_69:
.Ltmp57:
0x5ba: {  	(pc) =	sbr.rel .LBB2_71-.Ltmp57, $3  }
0x5bb: {  	_ =	sdelay $0x1  }
0x5bc: {  	v19 =	vimm.s32 $0x0;
	v18 =	vimm.s32 $0x0;
	v17 =	vimm.s32 $0x0  }
0x5bd: {  	v20 =	vimm.s32 $0x0;
	v21 =	vimm.s32 $0x0;
	v22 =	vimm.s32 $0x0  }
.LBB2_74:
0x5be: {  	_ =	sfence.sel $0x180000  }
0x5bf: {  	[bflag:$0x0] =	sbarrier.arrive $0xFFFF  }
0x5c0: {  	p0 =	sne.s32 s1, $0x0;
	_ =	strace $0x90000047  }
0x5c1: {  	s0 =	sadd.s32 @!p0 $0x100000, s0;
	[bflag:$0x2] =	sbarrier.arrive $0xFFFF  }
0x5c2: {  	[sflag:s0] =	ssyncadd.tile.s32 @!p0 $0x1;
	_ =	shalt  }
.Lfunc_end2:
_tile_overlayer_lowered:
.L_overlay_start_2:
0x5c3: {  	(tag) =	ssettag $0x2  }
0x5c4: {  	s0 =	rddreg [dreg:$0x0];
	s2 =	stileid.u32  }
0x5c5: {  	s1 =	rddreg [dreg:$0x1];
	p0 =	sne.s32 s2, $0x0  }
0x5c6: {  	s3 =	rddreg [dreg:$0x2];
	[bflag:$0x3] =	sbarrier.arrive $0xFFFF;
	s2 =	simm.s32 @!p0 $0x1C03  }
0x5c7: {  	[timem:s3], [sflag:s2] =	dma.local @!p0 [hbm:s0], s1  }
0x5c8: {  	s0 =	simm.s32 @!p0 $0x3  }
0x5c9: {  	_ =	swait.ge @!p0 [sflag:s0], s1  }
0x5ca: {  	s1 =	ssub.s32 @!p0 $0x0, s1;
	[sflag:s0] =	ssyncset.done @!p0 $0x0  }
0x5cb: {  	[sflag:s0] =	ssyncadd.s32 @!p0 s1  }
0x5cc: {  	[bflag:$0x3] =	sbarrier.arrive $0xFFFF  }
0x5cd: {  	_ =	shalt  }

</sc_bundles>
